<compile_context>
chip_gen: v7x
topology: tpu7x:2x2x1
jax: 0.10.2.dev20260603
libtpu: 0.0.44.dev20260713+nightly
codegen_flags: <defaults>
</compile_context>

<pallas_src>
import functools

import jax
import jax.numpy as jnp
from jax import lax
from jax.experimental import pallas as pl
from jax.experimental.pallas import tpu as pltpu
from jax.experimental.pallas import tpu_sc as plsc

E = 320000
NN = 10000
D = 128
C = 64
NC = 2
NS = 16
NW = NC * NS
L = 16
CPW = 160
EPW = CPW * C
E_PAD = NW * EPW


def _body(z_hbm, ei_hbm, out_hbm,
          zsp, ib0, ib1, srows0, srows1, drows0, drows1, outv, pscr,
          sem_i0, sem_i1, sem_s0, sem_s1, sem_d0, sem_d1):
    cid = lax.axis_index("c")
    sid = lax.axis_index("s")
    wid = sid * NC + cid
    wbase = wid * EPW

    rpt = 640

    @pl.when(sid < NS - 1)
    def _copy_main():
        pltpu.sync_copy(z_hbm.at[pl.ds(sid * rpt, rpt)],
                        zsp.at[pl.ds(sid * rpt, rpt)])

    @pl.when(sid == NS - 1)
    def _copy_tail():
        pltpu.sync_copy(z_hbm.at[pl.ds((NS - 1) * rpt, NN - (NS - 1) * rpt)],
                        zsp.at[pl.ds((NS - 1) * rpt, NN - (NS - 1) * rpt)])

    plsc.subcore_barrier()

    ibufs = (ib0, ib1)
    isems = (sem_i0, sem_i1)

    def idx_slice(p):
        return ei_hbm.at[:, pl.ds(wbase + p * 2 * C, 2 * C)]

    def issue_idx(p, b):
        pltpu.async_copy(idx_slice(p), ibufs[b], isems[b])

    def wait_idx(p, b):
        pltpu.make_async_copy(idx_slice(p), ibufs[b], isems[b]).wait()

    def issue_rows(b, h, sem_s, sem_d, srows, drows):
        pltpu.async_copy(
            zsp.at[ibufs[b].at[0, pl.ds(h * C, C)]], srows, sem_s)
        pltpu.async_copy(
            zsp.at[ibufs[b].at[1, pl.ds(h * C, C)]], drows, sem_d)

    def wait_rows(b, h, sem_s, sem_d, srows, drows):
        pltpu.make_async_copy(
            zsp.at[ibufs[b].at[0, pl.ds(h * C, C)]], srows, sem_s).wait()
        pltpu.make_async_copy(
            zsp.at[ibufs[b].at[1, pl.ds(h * C, C)]], drows, sem_d).wait()

    lane = lax.iota(jnp.int32, L)

    W = D // 2

    def compute(j, srows, drows):
        def group_body(g, _):
            for e16 in range(L):
                e = g * L + e16
                p = jnp.zeros((L,), jnp.float32)
                for w in range(W // L):
                    su = srows[e, pl.ds(w * L, L)]
                    du = drows[e, pl.ds(w * L, L)]
                    sb = plsc.bitcast(su, jnp.bfloat16)
                    db = plsc.bitcast(du, jnp.bfloat16)
                    q0, q1 = plsc.unpack(
                        sb * db, format=plsc.PackFormat.INTERLEAVED)
                    p = p + (q0 + q1)
                pscr[e16, :] = p
            out16 = jnp.zeros((L,), jnp.float32)
            for m in range(L):
                cols = (lane + m) & (L - 1)
                out16 = out16 + plsc.load_gather(pscr, [lane, cols])
            outv[pl.ds(j * C + g * L, L)] = out16
            return 0

        lax.fori_loop(0, C // L, group_body, 0)

    bufA = (sem_s0, sem_d0, srows0, drows0)
    bufB = (sem_s1, sem_d1, srows1, drows1)
    NP = CPW // 2

    issue_idx(0, 0)
    wait_idx(0, 0)
    issue_rows(0, 0, *bufA)
    issue_rows(0, 1, *bufB)
    issue_idx(1, 1)

    def pair_body(t, _):
        jb = lax.rem(t, 2)
        j0 = 2 * t

        tn = lax.rem(t + 1, NP)

        @pl.when(jb == 0)
        def _w0():
            wait_idx(tn, 1)

        @pl.when(jb == 1)
        def _w1():
            wait_idx(tn, 0)

        wait_rows_dyn(jb, 0, bufA)
        compute(j0, srows0, drows0)

        @pl.when(jb == 0)
        def _i0():
            issue_rows(1, 0, *bufA)

        @pl.when(jb == 1)
        def _i1():
            issue_rows(0, 0, *bufA)

        wait_rows_dyn(jb, 1, bufB)
        compute(j0 + 1, srows1, drows1)

        @pl.when(jb == 0)
        def _x0():
            issue_idx(lax.rem(t + 2, NP), 0)
            issue_rows(1, 1, *bufB)

        @pl.when(jb == 1)
        def _x1():
            issue_idx(lax.rem(t + 2, NP), 1)
            issue_rows(0, 1, *bufB)
        return 0

    def wait_rows_dyn(jb, h, bufs):
        @pl.when(jb == 0)
        def _a():
            wait_rows(0, h, *bufs)

        @pl.when(jb == 1)
        def _b():
            wait_rows(1, h, *bufs)

    lax.fori_loop(0, NP, pair_body, 0)
    wait_rows(0, 0, *bufA)
    wait_rows(0, 1, *bufB)
    wait_idx(1, 1)
    pltpu.sync_copy(outv, out_hbm.at[pl.ds(wbase, EPW)])


@jax.jit
def _dot_decoder(z, ei_pad):
    mesh = plsc.VectorSubcoreMesh(
        core_axis_name="c", subcore_axis_name="s", num_cores=NC, num_subcores=NS
    )
    return pl.kernel(
        _body,
        out_type=jax.ShapeDtypeStruct((E_PAD,), jnp.float32),
        mesh=mesh,
        compiler_params=pltpu.CompilerParams(needs_layout_passes=False),
        scratch_types=[
            pltpu.VMEM_SHARED((NN, D), jnp.int32),
            pltpu.VMEM((2, 2 * C), jnp.int32),
            pltpu.VMEM((2, 2 * C), jnp.int32),
            pltpu.VMEM((C, D), jnp.int32),
            pltpu.VMEM((C, D), jnp.int32),
            pltpu.VMEM((C, D), jnp.int32),
            pltpu.VMEM((C, D), jnp.int32),
            pltpu.VMEM((EPW,), jnp.float32),
            pltpu.VMEM((L, L), jnp.float32),
            pltpu.SemaphoreType.DMA,
            pltpu.SemaphoreType.DMA,
            pltpu.SemaphoreType.DMA,
            pltpu.SemaphoreType.DMA,
            pltpu.SemaphoreType.DMA,
            pltpu.SemaphoreType.DMA,
        ],
    )(z, ei_pad)


def kernel(z, edge_index):
    zb = z.astype(jnp.bfloat16)
    z32 = lax.bitcast_convert_type(zb.reshape(NN, D // 2, 2), jnp.int32)
    zpad = jnp.pad(z32, ((0, 0), (0, D - D // 2)))
    ei = edge_index.astype(jnp.int32)
    ei_pad = jnp.pad(ei, ((0, 0), (0, E_PAD - E)))
    return _dot_decoder(zpad, ei_pad)[:E]

# --- scband reference (transcript-rebuilt; emitter-appended) ---
"""Pipeline reference for scband-dot-decoder-60808146977391 (READ-ONLY COPY).

The authoritative reference and input builder live on the scoring server;
editing this copy changes nothing except your own understanding.
"""

import jax, jax.numpy as jnp
import numpy as np


def setup_inputs(seed: int = 0) -> dict:
    key = jax.random.key(seed)
    k1, k2 = jax.random.split(key)
    z = jax.random.normal(k1, (10000, 128), dtype=jnp.float32)
    edge_index = jax.random.randint(k2, (2, 320000), 0, 10000, dtype=jnp.int64)
    return {"z": z, "edge_index": edge_index}


def reference(z, edge_index):
    src = edge_index[0]
    dst = edge_index[1]
    zs = jnp.take(z, src, axis=0)
    zd = jnp.take(z, dst, axis=0)
    return (zs * zd).sum(axis=-1)

if __name__ == "__main__":
    import jax
    _d = setup_inputs()
    print(jax.jit(kernel)(*tuple(_d.values())))

</pallas_src>

<mosaic_0001>
#map = affine_map<(d0, d1) -> (0, 0)>
#map1 = affine_map<(d0, d1) -> (0)>
module attributes {stable_mosaic.version = 14 : i64} {
  func.func @_body(%arg0: i32, %arg1: i32, %arg2: memref<10000x128xi32, #tpu.memory_space<hbm>>, %arg3: memref<2x327680xi32, #tpu.memory_space<hbm>>, %arg4: memref<327680xf32, #tpu.memory_space<hbm>>, %arg5: memref<10000x128xi32, #tpu.memory_space<vmem_shared>>, %arg6: memref<2x128xi32, #tpu.memory_space<vmem>>, %arg7: memref<2x128xi32, #tpu.memory_space<vmem>>, %arg8: memref<64x128xi32, #tpu.memory_space<vmem>>, %arg9: memref<64x128xi32, #tpu.memory_space<vmem>>, %arg10: memref<64x128xi32, #tpu.memory_space<vmem>>, %arg11: memref<64x128xi32, #tpu.memory_space<vmem>>, %arg12: memref<10240xf32, #tpu.memory_space<vmem>>, %arg13: memref<16x16xf32, #tpu.memory_space<vmem>>, %arg14: memref<!tpu.dma_semaphore, #tpu.memory_space<semaphore_mem>>, %arg15: memref<!tpu.dma_semaphore, #tpu.memory_space<semaphore_mem>>, %arg16: memref<!tpu.dma_semaphore, #tpu.memory_space<semaphore_mem>>, %arg17: memref<!tpu.dma_semaphore, #tpu.memory_space<semaphore_mem>>, %arg18: memref<!tpu.dma_semaphore, #tpu.memory_space<semaphore_mem>>, %arg19: memref<!tpu.dma_semaphore, #tpu.memory_space<semaphore_mem>>) attributes {dimension_semantics = [#tpu.dimension_semantics<core_parallel>, #tpu.dimension_semantics<subcore_parallel>], iteration_bounds = array<i64: 2, 16>, scalar_prefetch = 0 : i64, scratch_operands = 15 : i64, tpu.core_type = #tpu.core_type<sc_vector_subcore>, window_params = [{transform_indices = #map}, {transform_indices = #map}, {transform_indices = #map1}]} {
    %mul3A = arith.constant 2 : i32
    %mul3A_0 = arith.muli %arg1, %mul3A : i32
    %add3A = arith.addi %mul3A_0, %arg0 : i32
    %mul3A_1 = arith.constant 10240 : i32
    %mul3A_2 = arith.muli %add3A, %mul3A_1 : i32
    %lt3A = arith.constant 15 : i32
    %lt3A_3 = arith.cmpi slt, %arg1, %lt3A : i32
    %convert_element_type3A = arith.extui %lt3A_3 : i1 to i32
    %cond3A = arith.constant 0 : i32
    %cond3A_4 = arith.cmpi ne, %convert_element_type3A, %cond3A : i32
    scf.if %cond3A_4 {
      %mul3A_93 = arith.constant 640 : i32
      %mul3A_94 = arith.muli %arg1, %mul3A_93 : i32
      %mul3A_95 = arith.constant 640 : i32
      %mul3A_96 = arith.muli %arg1, %mul3A_95 : i32
      "tpu.region"() ({
        %run_scoped3A = tpu.sem_alloc : memref<!tpu.dma_semaphore, #tpu.memory_space<semaphore_mem>>
        %dma_start3A_97 = arith.constant 0 : i32
        %dma_start3A_98 = tpu.memref_slice %arg5[%mul3A_96, %dma_start3A_97] : memref<10000x128xi32, #tpu.memory_space<vmem_shared>> -> memref<640x128xi32, #tpu.memory_space<vmem_shared>>
        %dma_start3A_99 = arith.constant 0 : i32
        %dma_start3A_100 = tpu.memref_slice %arg2[%mul3A_94, %dma_start3A_99] : memref<10000x128xi32, #tpu.memory_space<hbm>> -> memref<640x128xi32, #tpu.memory_space<hbm>>
        tpu.enqueue_dma source(%dma_start3A_100 : memref<640x128xi32, #tpu.memory_space<hbm>>) target(%dma_start3A_98 : memref<640x128xi32, #tpu.memory_space<vmem_shared>>) target_semaphore(%run_scoped3A : memref<!tpu.dma_semaphore, #tpu.memory_space<semaphore_mem>>)
        %dma_wait3A_101 = arith.constant 0 : i32
        %dma_wait3A_102 = tpu.memref_slice %arg5[%mul3A_96, %dma_wait3A_101] : memref<10000x128xi32, #tpu.memory_space<vmem_shared>> -> memref<640x128xi32, #tpu.memory_space<vmem_shared>>
        %dma_wait3A_103 = arith.constant 0 : i32
        %dma_wait3A_104 = tpu.memref_slice %arg2[%mul3A_94, %dma_wait3A_103] : memref<10000x128xi32, #tpu.memory_space<hbm>> -> memref<640x128xi32, #tpu.memory_space<hbm>>
        tpu.wait_dma2 semaphore(%run_scoped3A : memref<!tpu.dma_semaphore, #tpu.memory_space<semaphore_mem>>) src(%dma_wait3A_104 : memref<640x128xi32, #tpu.memory_space<hbm>>) dst(%dma_wait3A_102 : memref<640x128xi32, #tpu.memory_space<vmem_shared>>)
        tpu.yield
      }) : () -> ()
    } else {
    }
    %eq3A = arith.constant 15 : i32
    %eq3A_5 = arith.cmpi eq, %arg1, %eq3A : i32
    %convert_element_type3A_6 = arith.extui %eq3A_5 : i1 to i32
    %cond3A_7 = arith.constant 0 : i32
    %cond3A_8 = arith.cmpi ne, %convert_element_type3A_6, %cond3A_7 : i32
    scf.if %cond3A_8 {
      "tpu.region"() ({
        %run_scoped3A = tpu.sem_alloc : memref<!tpu.dma_semaphore, #tpu.memory_space<semaphore_mem>>
        %dma_start3A_93 = arith.constant 9600 : i32
        %dma_start3A_94 = arith.constant 0 : i32
        %dma_start3A_95 = tpu.memref_slice %arg5[%dma_start3A_93, %dma_start3A_94] : memref<10000x128xi32, #tpu.memory_space<vmem_shared>> -> memref<400x128xi32, #tpu.memory_space<vmem_shared>>
        %dma_start3A_96 = arith.constant 9600 : i32
        %dma_start3A_97 = arith.constant 0 : i32
        %dma_start3A_98 = tpu.memref_slice %arg2[%dma_start3A_96, %dma_start3A_97] : memref<10000x128xi32, #tpu.memory_space<hbm>> -> memref<400x128xi32, #tpu.memory_space<hbm>>
        tpu.enqueue_dma source(%dma_start3A_98 : memref<400x128xi32, #tpu.memory_space<hbm>>) target(%dma_start3A_95 : memref<400x128xi32, #tpu.memory_space<vmem_shared>>) target_semaphore(%run_scoped3A : memref<!tpu.dma_semaphore, #tpu.memory_space<semaphore_mem>>)
        %dma_wait3A_99 = arith.constant 9600 : i32
        %dma_wait3A_100 = arith.constant 0 : i32
        %dma_wait3A_101 = tpu.memref_slice %arg5[%dma_wait3A_99, %dma_wait3A_100] : memref<10000x128xi32, #tpu.memory_space<vmem_shared>> -> memref<400x128xi32, #tpu.memory_space<vmem_shared>>
        %dma_wait3A_102 = arith.constant 9600 : i32
        %dma_wait3A_103 = arith.constant 0 : i32
        %dma_wait3A_104 = tpu.memref_slice %arg2[%dma_wait3A_102, %dma_wait3A_103] : memref<10000x128xi32, #tpu.memory_space<hbm>> -> memref<400x128xi32, #tpu.memory_space<hbm>>
        tpu.wait_dma2 semaphore(%run_scoped3A : memref<!tpu.dma_semaphore, #tpu.memory_space<semaphore_mem>>) src(%dma_wait3A_104 : memref<400x128xi32, #tpu.memory_space<hbm>>) dst(%dma_wait3A_101 : memref<400x128xi32, #tpu.memory_space<vmem_shared>>)
        tpu.yield
      }) : () -> ()
    } else {
    }
    %barrier3A = arith.constant 0 : index
    tpu.barrier barrier_id(%barrier3A)
    %iota3A = tpu.iota {dimensions = array<i32: 0>} : vector<16xi32>
    %add3A_9 = arith.constant 0 : i32
    %add3A_10 = arith.addi %mul3A_2, %add3A_9 : i32
    %dma_start3A = arith.constant 0 : i32
    %dma_start3A_11 = tpu.memref_slice %arg3[%dma_start3A, %add3A_10] : memref<2x327680xi32, #tpu.memory_space<hbm>> -> memref<2x128xi32, #tpu.memory_space<hbm>>
    %dma_start3A_12 = arith.constant 0 : i32
    %dma_start3A_13 = tpu.memref_slice %arg3[%dma_start3A_12, %add3A_10] : memref<2x327680xi32, #tpu.memory_space<hbm>> -> memref<2x128xi32, #tpu.memory_space<hbm>>
    tpu.enqueue_dma source(%dma_start3A_13 : memref<2x128xi32, #tpu.memory_space<hbm>>) target(%arg6 : memref<2x128xi32, #tpu.memory_space<vmem>>) target_semaphore(%arg14 : memref<!tpu.dma_semaphore, #tpu.memory_space<semaphore_mem>>)
    %add3A_14 = arith.constant 0 : i32
    %add3A_15 = arith.addi %mul3A_2, %add3A_14 : i32
    %dma_wait3A = arith.constant 0 : i32
    %dma_wait3A_16 = tpu.memref_slice %arg3[%dma_wait3A, %add3A_15] : memref<2x327680xi32, #tpu.memory_space<hbm>> -> memref<2x128xi32, #tpu.memory_space<hbm>>
    %dma_wait3A_17 = arith.constant 0 : i32
    %dma_wait3A_18 = tpu.memref_slice %arg3[%dma_wait3A_17, %add3A_15] : memref<2x327680xi32, #tpu.memory_space<hbm>> -> memref<2x128xi32, #tpu.memory_space<hbm>>
    tpu.wait_dma2 semaphore(%arg14 : memref<!tpu.dma_semaphore, #tpu.memory_space<semaphore_mem>>) src(%dma_wait3A_18 : memref<2x128xi32, #tpu.memory_space<hbm>>) dst(%arg6 : memref<2x128xi32, #tpu.memory_space<vmem>>)
    %dma_start3A_19 = arith.constant 0 : i32
    %dma_start3A_20 = arith.constant 0 : i32
    %dma_start3A_21 = tpu.memref_slice %arg6[%dma_start3A_19, %dma_start3A_20] : memref<2x128xi32, #tpu.memory_space<vmem>> -> memref<1x64xi32, #tpu.memory_space<vmem>>
    %dma_start3A_22 = tpu.memref_squeeze %dma_start3A_21 : memref<1x64xi32, #tpu.memory_space<vmem>> -> memref<64xi32, #tpu.memory_space<vmem>>
    %dma_start3A_23 = arith.constant 0 : i32
    %dma_start3A_24 = arith.constant 0 : i32
    %dma_start3A_25 = tpu.memref_slice %arg5[%dma_start3A_23, %dma_start3A_24] : memref<10000x128xi32, #tpu.memory_space<vmem_shared>> -> memref<10000x128xi32, #tpu.memory_space<vmem_shared>>
    tpu.enqueue_indirect_dma source(%dma_start3A_25 : memref<10000x128xi32, #tpu.memory_space<vmem_shared>>) target(%arg8 : memref<64x128xi32, #tpu.memory_space<vmem>>) offsets(%dma_start3A_22 : memref<64xi32, #tpu.memory_space<vmem>>) semaphore(%arg16 : memref<!tpu.dma_semaphore, #tpu.memory_space<semaphore_mem>>)
    %dma_start3A_26 = arith.constant 1 : i32
    %dma_start3A_27 = arith.constant 0 : i32
    %dma_start3A_28 = tpu.memref_slice %arg6[%dma_start3A_26, %dma_start3A_27] : memref<2x128xi32, #tpu.memory_space<vmem>> -> memref<1x64xi32, #tpu.memory_space<vmem>>
    %dma_start3A_29 = tpu.memref_squeeze %dma_start3A_28 : memref<1x64xi32, #tpu.memory_space<vmem>> -> memref<64xi32, #tpu.memory_space<vmem>>
    %dma_start3A_30 = arith.constant 0 : i32
    %dma_start3A_31 = arith.constant 0 : i32
    %dma_start3A_32 = tpu.memref_slice %arg5[%dma_start3A_30, %dma_start3A_31] : memref<10000x128xi32, #tpu.memory_space<vmem_shared>> -> memref<10000x128xi32, #tpu.memory_space<vmem_shared>>
    tpu.enqueue_indirect_dma source(%dma_start3A_32 : memref<10000x128xi32, #tpu.memory_space<vmem_shared>>) target(%arg10 : memref<64x128xi32, #tpu.memory_space<vmem>>) offsets(%dma_start3A_29 : memref<64xi32, #tpu.memory_space<vmem>>) semaphore(%arg18 : memref<!tpu.dma_semaphore, #tpu.memory_space<semaphore_mem>>)
    %dma_start3A_33 = arith.constant 0 : i32
    %dma_start3A_34 = arith.constant 64 : i32
    %dma_start3A_35 = tpu.memref_slice %arg6[%dma_start3A_33, %dma_start3A_34] : memref<2x128xi32, #tpu.memory_space<vmem>> -> memref<1x64xi32, #tpu.memory_space<vmem>>
    %dma_start3A_36 = tpu.memref_squeeze %dma_start3A_35 : memref<1x64xi32, #tpu.memory_space<vmem>> -> memref<64xi32, #tpu.memory_space<vmem>>
    %dma_start3A_37 = arith.constant 0 : i32
    %dma_start3A_38 = arith.constant 0 : i32
    %dma_start3A_39 = tpu.memref_slice %arg5[%dma_start3A_37, %dma_start3A_38] : memref<10000x128xi32, #tpu.memory_space<vmem_shared>> -> memref<10000x128xi32, #tpu.memory_space<vmem_shared>>
    tpu.enqueue_indirect_dma source(%dma_start3A_39 : memref<10000x128xi32, #tpu.memory_space<vmem_shared>>) target(%arg9 : memref<64x128xi32, #tpu.memory_space<vmem>>) offsets(%dma_start3A_36 : memref<64xi32, #tpu.memory_space<vmem>>) semaphore(%arg17 : memref<!tpu.dma_semaphore, #tpu.memory_space<semaphore_mem>>)
    %dma_start3A_40 = arith.constant 1 : i32
    %dma_start3A_41 = arith.constant 64 : i32
    %dma_start3A_42 = tpu.memref_slice %arg6[%dma_start3A_40, %dma_start3A_41] : memref<2x128xi32, #tpu.memory_space<vmem>> -> memref<1x64xi32, #tpu.memory_space<vmem>>
    %dma_start3A_43 = tpu.memref_squeeze %dma_start3A_42 : memref<1x64xi32, #tpu.memory_space<vmem>> -> memref<64xi32, #tpu.memory_space<vmem>>
    %dma_start3A_44 = arith.constant 0 : i32
    %dma_start3A_45 = arith.constant 0 : i32
    %dma_start3A_46 = tpu.memref_slice %arg5[%dma_start3A_44, %dma_start3A_45] : memref<10000x128xi32, #tpu.memory_space<vmem_shared>> -> memref<10000x128xi32, #tpu.memory_space<vmem_shared>>
    tpu.enqueue_indirect_dma source(%dma_start3A_46 : memref<10000x128xi32, #tpu.memory_space<vmem_shared>>) target(%arg11 : memref<64x128xi32, #tpu.memory_space<vmem>>) offsets(%dma_start3A_43 : memref<64xi32, #tpu.memory_space<vmem>>) semaphore(%arg19 : memref<!tpu.dma_semaphore, #tpu.memory_space<semaphore_mem>>)
    %add3A_47 = arith.constant 128 : i32
    %add3A_48 = arith.addi %mul3A_2, %add3A_47 : i32
    %dma_start3A_49 = arith.constant 0 : i32
    %dma_start3A_50 = tpu.memref_slice %arg3[%dma_start3A_49, %add3A_48] : memref<2x327680xi32, #tpu.memory_space<hbm>> -> memref<2x128xi32, #tpu.memory_space<hbm>>
    %dma_start3A_51 = arith.constant 0 : i32
    %dma_start3A_52 = tpu.memref_slice %arg3[%dma_start3A_51, %add3A_48] : memref<2x327680xi32, #tpu.memory_space<hbm>> -> memref<2x128xi32, #tpu.memory_space<hbm>>
    tpu.enqueue_dma source(%dma_start3A_52 : memref<2x128xi32, #tpu.memory_space<hbm>>) target(%arg7 : memref<2x128xi32, #tpu.memory_space<vmem>>) target_semaphore(%arg15 : memref<!tpu.dma_semaphore, #tpu.memory_space<semaphore_mem>>)
    %scan3A = arith.constant 0 : i32
    %scan3A_53 = arith.constant 0 : i32
    %scan3A_54 = arith.constant 80 : i32
    %scan3A_55 = arith.addi %scan3A_53, %scan3A_54 : i32
    %scan3A_56 = arith.constant 1 : i32
    %scan3A_57 = scf.for %scan3A_93 = %scan3A_53 to %scan3A_55 step %scan3A_56 iter_args(%scan3A_94 = %scan3A) -> (i32)  : i32 {
      %rem3A = arith.constant 2 : i32
      %rem3A_95 = arith.remsi %scan3A_93, %rem3A : i32
      %mul3A_96 = arith.constant 2 : i32
      %mul3A_97 = arith.muli %mul3A_96, %scan3A_93 : i32
      %add3A_98 = arith.constant 1 : i32
      %add3A_99 = arith.addi %scan3A_93, %add3A_98 : i32
      %rem3A_100 = arith.constant 80 : i32
      %rem3A_101 = arith.remsi %add3A_99, %rem3A_100 : i32
      %eq3A_102 = arith.constant 0 : i32
      %eq3A_103 = arith.cmpi eq, %rem3A_95, %eq3A_102 : i32
      %convert_element_type3A_104 = arith.extui %eq3A_103 : i1 to i32
      %cond3A_105 = arith.constant 0 : i32
      %cond3A_106 = arith.cmpi ne, %convert_element_type3A_104, %cond3A_105 : i32
      scf.if %cond3A_106 {
        %mul3A_169 = arith.constant 2 : i32
        %mul3A_170 = arith.muli %rem3A_101, %mul3A_169 : i32
        %mul3A_171 = arith.constant 64 : i32
        %mul3A_172 = arith.muli %mul3A_170, %mul3A_171 : i32
        %add3A_173 = arith.addi %mul3A_2, %mul3A_172 : i32
        %dma_wait3A_174 = arith.constant 0 : i32
        %dma_wait3A_175 = tpu.memref_slice %arg3[%dma_wait3A_174, %add3A_173] : memref<2x327680xi32, #tpu.memory_space<hbm>> -> memref<2x128xi32, #tpu.memory_space<hbm>>
        %dma_wait3A_176 = arith.constant 0 : i32
        %dma_wait3A_177 = tpu.memref_slice %arg3[%dma_wait3A_176, %add3A_173] : memref<2x327680xi32, #tpu.memory_space<hbm>> -> memref<2x128xi32, #tpu.memory_space<hbm>>
        tpu.wait_dma2 semaphore(%arg15 : memref<!tpu.dma_semaphore, #tpu.memory_space<semaphore_mem>>) src(%dma_wait3A_177 : memref<2x128xi32, #tpu.memory_space<hbm>>) dst(%arg7 : memref<2x128xi32, #tpu.memory_space<vmem>>)
      } else {
      }
      %eq3A_107 = arith.constant 1 : i32
      %eq3A_108 = arith.cmpi eq, %rem3A_95, %eq3A_107 : i32
      %convert_element_type3A_109 = arith.extui %eq3A_108 : i1 to i32
      %cond3A_110 = arith.constant 0 : i32
      %cond3A_111 = arith.cmpi ne, %convert_element_type3A_109, %cond3A_110 : i32
      scf.if %cond3A_111 {
        %mul3A_169 = arith.constant 2 : i32
        %mul3A_170 = arith.muli %rem3A_101, %mul3A_169 : i32
        %mul3A_171 = arith.constant 64 : i32
        %mul3A_172 = arith.muli %mul3A_170, %mul3A_171 : i32
        %add3A_173 = arith.addi %mul3A_2, %mul3A_172 : i32
        %dma_wait3A_174 = arith.constant 0 : i32
        %dma_wait3A_175 = tpu.memref_slice %arg3[%dma_wait3A_174, %add3A_173] : memref<2x327680xi32, #tpu.memory_space<hbm>> -> memref<2x128xi32, #tpu.memory_space<hbm>>
        %dma_wait3A_176 = arith.constant 0 : i32
        %dma_wait3A_177 = tpu.memref_slice %arg3[%dma_wait3A_176, %add3A_173] : memref<2x327680xi32, #tpu.memory_space<hbm>> -> memref<2x128xi32, #tpu.memory_space<hbm>>
        tpu.wait_dma2 semaphore(%arg14 : memref<!tpu.dma_semaphore, #tpu.memory_space<semaphore_mem>>) src(%dma_wait3A_177 : memref<2x128xi32, #tpu.memory_space<hbm>>) dst(%arg6 : memref<2x128xi32, #tpu.memory_space<vmem>>)
      } else {
      }
      %eq3A_112 = arith.constant 0 : i32
      %eq3A_113 = arith.cmpi eq, %rem3A_95, %eq3A_112 : i32
      %convert_element_type3A_114 = arith.extui %eq3A_113 : i1 to i32
      %cond3A_115 = arith.constant 0 : i32
      %cond3A_116 = arith.cmpi ne, %convert_element_type3A_114, %cond3A_115 : i32
      scf.if %cond3A_116 {
        %dma_wait3A_169 = arith.constant 0 : i32
        %dma_wait3A_170 = arith.constant 0 : i32
        %dma_wait3A_171 = tpu.memref_slice %arg6[%dma_wait3A_169, %dma_wait3A_170] : memref<2x128xi32, #tpu.memory_space<vmem>> -> memref<1x64xi32, #tpu.memory_space<vmem>>
        %dma_wait3A_172 = tpu.memref_squeeze %dma_wait3A_171 : memref<1x64xi32, #tpu.memory_space<vmem>> -> memref<64xi32, #tpu.memory_space<vmem>>
        %dma_wait3A_173 = arith.constant 0 : i32
        %dma_wait3A_174 = arith.constant 0 : i32
        %dma_wait3A_175 = tpu.memref_slice %arg5[%dma_wait3A_173, %dma_wait3A_174] : memref<10000x128xi32, #tpu.memory_space<vmem_shared>> -> memref<10000x128xi32, #tpu.memory_space<vmem_shared>>
        tpu.wait_indirect_dma semaphore(%arg16 : memref<!tpu.dma_semaphore, #tpu.memory_space<semaphore_mem>>) src(%dma_wait3A_175 : memref<10000x128xi32, #tpu.memory_space<vmem_shared>>) dst(%arg8 : memref<64x128xi32, #tpu.memory_space<vmem>>)
        %dma_wait3A_176 = arith.constant 1 : i32
        %dma_wait3A_177 = arith.constant 0 : i32
        %dma_wait3A_178 = tpu.memref_slice %arg6[%dma_wait3A_176, %dma_wait3A_177] : memref<2x128xi32, #tpu.memory_space<vmem>> -> memref<1x64xi32, #tpu.memory_space<vmem>>
        %dma_wait3A_179 = tpu.memref_squeeze %dma_wait3A_178 : memref<1x64xi32, #tpu.memory_space<vmem>> -> memref<64xi32, #tpu.memory_space<vmem>>
        %dma_wait3A_180 = arith.constant 0 : i32
        %dma_wait3A_181 = arith.constant 0 : i32
        %dma_wait3A_182 = tpu.memref_slice %arg5[%dma_wait3A_180, %dma_wait3A_181] : memref<10000x128xi32, #tpu.memory_space<vmem_shared>> -> memref<10000x128xi32, #tpu.memory_space<vmem_shared>>
        tpu.wait_indirect_dma semaphore(%arg18 : memref<!tpu.dma_semaphore, #tpu.memory_space<semaphore_mem>>) src(%dma_wait3A_182 : memref<10000x128xi32, #tpu.memory_space<vmem_shared>>) dst(%arg10 : memref<64x128xi32, #tpu.memory_space<vmem>>)
      } else {
      }
      %eq3A_117 = arith.constant 1 : i32
      %eq3A_118 = arith.cmpi eq, %rem3A_95, %eq3A_117 : i32
      %convert_element_type3A_119 = arith.extui %eq3A_118 : i1 to i32
      %cond3A_120 = arith.constant 0 : i32
      %cond3A_121 = arith.cmpi ne, %convert_element_type3A_119, %cond3A_120 : i32
      scf.if %cond3A_121 {
        %dma_wait3A_169 = arith.constant 0 : i32
        %dma_wait3A_170 = arith.constant 0 : i32
        %dma_wait3A_171 = tpu.memref_slice %arg7[%dma_wait3A_169, %dma_wait3A_170] : memref<2x128xi32, #tpu.memory_space<vmem>> -> memref<1x64xi32, #tpu.memory_space<vmem>>
        %dma_wait3A_172 = tpu.memref_squeeze %dma_wait3A_171 : memref<1x64xi32, #tpu.memory_space<vmem>> -> memref<64xi32, #tpu.memory_space<vmem>>
        %dma_wait3A_173 = arith.constant 0 : i32
        %dma_wait3A_174 = arith.constant 0 : i32
        %dma_wait3A_175 = tpu.memref_slice %arg5[%dma_wait3A_173, %dma_wait3A_174] : memref<10000x128xi32, #tpu.memory_space<vmem_shared>> -> memref<10000x128xi32, #tpu.memory_space<vmem_shared>>
        tpu.wait_indirect_dma semaphore(%arg16 : memref<!tpu.dma_semaphore, #tpu.memory_space<semaphore_mem>>) src(%dma_wait3A_175 : memref<10000x128xi32, #tpu.memory_space<vmem_shared>>) dst(%arg8 : memref<64x128xi32, #tpu.memory_space<vmem>>)
        %dma_wait3A_176 = arith.constant 1 : i32
        %dma_wait3A_177 = arith.constant 0 : i32
        %dma_wait3A_178 = tpu.memref_slice %arg7[%dma_wait3A_176, %dma_wait3A_177] : memref<2x128xi32, #tpu.memory_space<vmem>> -> memref<1x64xi32, #tpu.memory_space<vmem>>
        %dma_wait3A_179 = tpu.memref_squeeze %dma_wait3A_178 : memref<1x64xi32, #tpu.memory_space<vmem>> -> memref<64xi32, #tpu.memory_space<vmem>>
        %dma_wait3A_180 = arith.constant 0 : i32
        %dma_wait3A_181 = arith.constant 0 : i32
        %dma_wait3A_182 = tpu.memref_slice %arg5[%dma_wait3A_180, %dma_wait3A_181] : memref<10000x128xi32, #tpu.memory_space<vmem_shared>> -> memref<10000x128xi32, #tpu.memory_space<vmem_shared>>
        tpu.wait_indirect_dma semaphore(%arg18 : memref<!tpu.dma_semaphore, #tpu.memory_space<semaphore_mem>>) src(%dma_wait3A_182 : memref<10000x128xi32, #tpu.memory_space<vmem_shared>>) dst(%arg10 : memref<64x128xi32, #tpu.memory_space<vmem>>)
      } else {
      }
      %scan3A_122 = arith.constant 0 : i32
      %scan3A_123 = arith.constant 0 : i32
      %scan3A_124 = arith.constant 4 : i32
      %scan3A_125 = arith.addi %scan3A_123, %scan3A_124 : i32
      %scan3A_126 = arith.constant 1 : i32
      %scan3A_127 = scf.for %scan3A_169 = %scan3A_123 to %scan3A_125 step %scan3A_126 iter_args(%scan3A_170 = %scan3A_122) -> (i32)  : i32 {
        %mul3A_171 = arith.constant 16 : i32
        %mul3A_172 = arith.muli %scan3A_169, %mul3A_171 : i32
        %add3A_173 = arith.constant 0 : i32
        %add3A_174 = arith.addi %mul3A_172, %add3A_173 : i32
        %broadcast_in_dim3A = arith.constant 0.000000e+00 : f32
        %broadcast_in_dim3A_175 = vector.broadcast %broadcast_in_dim3A : f32 to vector<16xf32>
        %get3A = arith.index_cast %add3A_174 : i32 to index
        %get3A_176 = arith.constant 0 : index
        %get3A_177 = tpu.vector_load %arg8[%get3A, %get3A_176] {strides = array<i32>} : memref<64x128xi32, #tpu.memory_space<vmem>>, vector<16xi32>,
        %get3A_178 = arith.index_cast %add3A_174 : i32 to index
        %get3A_179 = arith.constant 0 : index
        %get3A_180 = tpu.vector_load %arg10[%get3A_178, %get3A_179] {strides = array<i32>} : memref<64x128xi32, #tpu.memory_space<vmem>>, vector<16xi32>,
        %bitcast3A = vector.bitcast %get3A_177 : vector<16xi32> to vector<32xbf16>
        %bitcast3A_181 = vector.bitcast %get3A_180 : vector<16xi32> to vector<32xbf16>
        %mul3A_182 = arith.mulf %bitcast3A, %bitcast3A_181 : vector<32xbf16>
        %unpack3A = tpu.unpack_subelements %mul3A_182, 0 {pack_format = #tpu.pack_format<interleaved>} : vector<32xbf16> -> vector<16xf32>
        %unpack3A_183 = tpu.unpack_subelements %mul3A_182, 1 {pack_format = #tpu.pack_format<interleaved>} : vector<32xbf16> -> vector<16xf32>
        %add3A_184 = arith.addf %unpack3A, %unpack3A_183 : vector<16xf32>
        %add3A_185 = arith.addf %broadcast_in_dim3A_175, %add3A_184 : vector<16xf32>
        %get3A_186 = arith.index_cast %add3A_174 : i32 to index
        %get3A_187 = arith.constant 16 : index
        %get3A_188 = tpu.vector_load %arg8[%get3A_186, %get3A_187] {strides = array<i32>} : memref<64x128xi32, #tpu.memory_space<vmem>>, vector<16xi32>,
        %get3A_189 = arith.index_cast %add3A_174 : i32 to index
        %get3A_190 = arith.constant 16 : index
        %get3A_191 = tpu.vector_load %arg10[%get3A_189, %get3A_190] {strides = array<i32>} : memref<64x128xi32, #tpu.memory_space<vmem>>, vector<16xi32>,
        %bitcast3A_192 = vector.bitcast %get3A_188 : vector<16xi32> to vector<32xbf16>
        %bitcast3A_193 = vector.bitcast %get3A_191 : vector<16xi32> to vector<32xbf16>
        %mul3A_194 = arith.mulf %bitcast3A_192, %bitcast3A_193 : vector<32xbf16>
        %unpack3A_195 = tpu.unpack_subelements %mul3A_194, 0 {pack_format = #tpu.pack_format<interleaved>} : vector<32xbf16> -> vector<16xf32>
        %unpack3A_196 = tpu.unpack_subelements %mul3A_194, 1 {pack_format = #tpu.pack_format<interleaved>} : vector<32xbf16> -> vector<16xf32>
        %add3A_197 = arith.addf %unpack3A_195, %unpack3A_196 : vector<16xf32>
        %add3A_198 = arith.addf %add3A_185, %add3A_197 : vector<16xf32>
        %get3A_199 = arith.index_cast %add3A_174 : i32 to index
        %get3A_200 = arith.constant 32 : index
        %get3A_201 = tpu.vector_load %arg8[%get3A_199, %get3A_200] {strides = array<i32>} : memref<64x128xi32, #tpu.memory_space<vmem>>, vector<16xi32>,
        %get3A_202 = arith.index_cast %add3A_174 : i32 to index
        %get3A_203 = arith.constant 32 : index
        %get3A_204 = tpu.vector_load %arg10[%get3A_202, %get3A_203] {strides = array<i32>} : memref<64x128xi32, #tpu.memory_space<vmem>>, vector<16xi32>,
        %bitcast3A_205 = vector.bitcast %get3A_201 : vector<16xi32> to vector<32xbf16>
        %bitcast3A_206 = vector.bitcast %get3A_204 : vector<16xi32> to vector<32xbf16>
        %mul3A_207 = arith.mulf %bitcast3A_205, %bitcast3A_206 : vector<32xbf16>
        %unpack3A_208 = tpu.unpack_subelements %mul3A_207, 0 {pack_format = #tpu.pack_format<interleaved>} : vector<32xbf16> -> vector<16xf32>
        %unpack3A_209 = tpu.unpack_subelements %mul3A_207, 1 {pack_format = #tpu.pack_format<interleaved>} : vector<32xbf16> -> vector<16xf32>
        %add3A_210 = arith.addf %unpack3A_208, %unpack3A_209 : vector<16xf32>
        %add3A_211 = arith.addf %add3A_198, %add3A_210 : vector<16xf32>
        %get3A_212 = arith.index_cast %add3A_174 : i32 to index
        %get3A_213 = arith.constant 48 : index
        %get3A_214 = tpu.vector_load %arg8[%get3A_212, %get3A_213] {strides = array<i32>} : memref<64x128xi32, #tpu.memory_space<vmem>>, vector<16xi32>,
        %get3A_215 = arith.index_cast %add3A_174 : i32 to index
        %get3A_216 = arith.constant 48 : index
        %get3A_217 = tpu.vector_load %arg10[%get3A_215, %get3A_216] {strides = array<i32>} : memref<64x128xi32, #tpu.memory_space<vmem>>, vector<16xi32>,
        %bitcast3A_218 = vector.bitcast %get3A_214 : vector<16xi32> to vector<32xbf16>
        %bitcast3A_219 = vector.bitcast %get3A_217 : vector<16xi32> to vector<32xbf16>
        %mul3A_220 = arith.mulf %bitcast3A_218, %bitcast3A_219 : vector<32xbf16>
        %unpack3A_221 = tpu.unpack_subelements %mul3A_220, 0 {pack_format = #tpu.pack_format<interleaved>} : vector<32xbf16> -> vector<16xf32>
        %unpack3A_222 = tpu.unpack_subelements %mul3A_220, 1 {pack_format = #tpu.pack_format<interleaved>} : vector<32xbf16> -> vector<16xf32>
        %add3A_223 = arith.addf %unpack3A_221, %unpack3A_222 : vector<16xf32>
        %add3A_224 = arith.addf %add3A_211, %add3A_223 : vector<16xf32>
        %swap3A = arith.constant 0 : i32
        %swap3A_225 = arith.index_cast %swap3A : i32 to index
        %swap3A_226 = arith.constant 0 : index
        %swap3A_227 = tpu.vector_load %arg13[%swap3A_225, %swap3A_226] {strides = array<i32>} : memref<16x16xf32, #tpu.memory_space<vmem>>, vector<16xf32>,
        tpu.vector_store %arg13[%swap3A_225, %swap3A_226], %add3A_224 {strides = array<i32>} : memref<16x16xf32, #tpu.memory_space<vmem>>, vector<16xf32>,
        %mul3A_228 = arith.constant 16 : i32
        %mul3A_229 = arith.muli %scan3A_169, %mul3A_228 : i32
        %add3A_230 = arith.constant 1 : i32
        %add3A_231 = arith.addi %mul3A_229, %add3A_230 : i32
        %broadcast_in_dim3A_232 = arith.constant 0.000000e+00 : f32
        %broadcast_in_dim3A_233 = vector.broadcast %broadcast_in_dim3A_232 : f32 to vector<16xf32>
        %get3A_234 = arith.index_cast %add3A_231 : i32 to index
        %get3A_235 = arith.constant 0 : index
        %get3A_236 = tpu.vector_load %arg8[%get3A_234, %get3A_235] {strides = array<i32>} : memref<64x128xi32, #tpu.memory_space<vmem>>, vector<16xi32>,
        %get3A_237 = arith.index_cast %add3A_231 : i32 to index
        %get3A_238 = arith.constant 0 : index
        %get3A_239 = tpu.vector_load %arg10[%get3A_237, %get3A_238] {strides = array<i32>} : memref<64x128xi32, #tpu.memory_space<vmem>>, vector<16xi32>,
        %bitcast3A_240 = vector.bitcast %get3A_236 : vector<16xi32> to vector<32xbf16>
        %bitcast3A_241 = vector.bitcast %get3A_239 : vector<16xi32> to vector<32xbf16>
        %mul3A_242 = arith.mulf %bitcast3A_240, %bitcast3A_241 : vector<32xbf16>
        %unpack3A_243 = tpu.unpack_subelements %mul3A_242, 0 {pack_format = #tpu.pack_format<interleaved>} : vector<32xbf16> -> vector<16xf32>
        %unpack3A_244 = tpu.unpack_subelements %mul3A_242, 1 {pack_format = #tpu.pack_format<interleaved>} : vector<32xbf16> -> vector<16xf32>
        %add3A_245 = arith.addf %unpack3A_243, %unpack3A_244 : vector<16xf32>
        %add3A_246 = arith.addf %broadcast_in_dim3A_233, %add3A_245 : vector<16xf32>
        %get3A_247 = arith.index_cast %add3A_231 : i32 to index
        %get3A_248 = arith.constant 16 : index
        %get3A_249 = tpu.vector_load %arg8[%get3A_247, %get3A_248] {strides = array<i32>} : memref<64x128xi32, #tpu.memory_space<vmem>>, vector<16xi32>,
        %get3A_250 = arith.index_cast %add3A_231 : i32 to index
        %get3A_251 = arith.constant 16 : index
        %get3A_252 = tpu.vector_load %arg10[%get3A_250, %get3A_251] {strides = array<i32>} : memref<64x128xi32, #tpu.memory_space<vmem>>, vector<16xi32>,
        %bitcast3A_253 = vector.bitcast %get3A_249 : vector<16xi32> to vector<32xbf16>
        %bitcast3A_254 = vector.bitcast %get3A_252 : vector<16xi32> to vector<32xbf16>
        %mul3A_255 = arith.mulf %bitcast3A_253, %bitcast3A_254 : vector<32xbf16>
        %unpack3A_256 = tpu.unpack_subelements %mul3A_255, 0 {pack_format = #tpu.pack_format<interleaved>} : vector<32xbf16> -> vector<16xf32>
        %unpack3A_257 = tpu.unpack_subelements %mul3A_255, 1 {pack_format = #tpu.pack_format<interleaved>} : vector<32xbf16> -> vector<16xf32>
        %add3A_258 = arith.addf %unpack3A_256, %unpack3A_257 : vector<16xf32>
        %add3A_259 = arith.addf %add3A_246, %add3A_258 : vector<16xf32>
        %get3A_260 = arith.index_cast %add3A_231 : i32 to index
        %get3A_261 = arith.constant 32 : index
        %get3A_262 = tpu.vector_load %arg8[%get3A_260, %get3A_261] {strides = array<i32>} : memref<64x128xi32, #tpu.memory_space<vmem>>, vector<16xi32>,
        %get3A_263 = arith.index_cast %add3A_231 : i32 to index
        %get3A_264 = arith.constant 32 : index
        %get3A_265 = tpu.vector_load %arg10[%get3A_263, %get3A_264] {strides = array<i32>} : memref<64x128xi32, #tpu.memory_space<vmem>>, vector<16xi32>,
        %bitcast3A_266 = vector.bitcast %get3A_262 : vector<16xi32> to vector<32xbf16>
        %bitcast3A_267 = vector.bitcast %get3A_265 : vector<16xi32> to vector<32xbf16>
        %mul3A_268 = arith.mulf %bitcast3A_266, %bitcast3A_267 : vector<32xbf16>
        %unpack3A_269 = tpu.unpack_subelements %mul3A_268, 0 {pack_format = #tpu.pack_format<interleaved>} : vector<32xbf16> -> vector<16xf32>
        %unpack3A_270 = tpu.unpack_subelements %mul3A_268, 1 {pack_format = #tpu.pack_format<interleaved>} : vector<32xbf16> -> vector<16xf32>
        %add3A_271 = arith.addf %unpack3A_269, %unpack3A_270 : vector<16xf32>
        %add3A_272 = arith.addf %add3A_259, %add3A_271 : vector<16xf32>
        %get3A_273 = arith.index_cast %add3A_231 : i32 to index
        %get3A_274 = arith.constant 48 : index
        %get3A_275 = tpu.vector_load %arg8[%get3A_273, %get3A_274] {strides = array<i32>} : memref<64x128xi32, #tpu.memory_space<vmem>>, vector<16xi32>,
        %get3A_276 = arith.index_cast %add3A_231 : i32 to index
        %get3A_277 = arith.constant 48 : index
        %get3A_278 = tpu.vector_load %arg10[%get3A_276, %get3A_277] {strides = array<i32>} : memref<64x128xi32, #tpu.memory_space<vmem>>, vector<16xi32>,
        %bitcast3A_279 = vector.bitcast %get3A_275 : vector<16xi32> to vector<32xbf16>
        %bitcast3A_280 = vector.bitcast %get3A_278 : vector<16xi32> to vector<32xbf16>
        %mul3A_281 = arith.mulf %bitcast3A_279, %bitcast3A_280 : vector<32xbf16>
        %unpack3A_282 = tpu.unpack_subelements %mul3A_281, 0 {pack_format = #tpu.pack_format<interleaved>} : vector<32xbf16> -> vector<16xf32>
        %unpack3A_283 = tpu.unpack_subelements %mul3A_281, 1 {pack_format = #tpu.pack_format<interleaved>} : vector<32xbf16> -> vector<16xf32>
        %add3A_284 = arith.addf %unpack3A_282, %unpack3A_283 : vector<16xf32>
        %add3A_285 = arith.addf %add3A_272, %add3A_284 : vector<16xf32>
        %swap3A_286 = arith.constant 1 : i32
        %swap3A_287 = arith.index_cast %swap3A_286 : i32 to index
        %swap3A_288 = arith.constant 0 : index
        %swap3A_289 = tpu.vector_load %arg13[%swap3A_287, %swap3A_288] {strides = array<i32>} : memref<16x16xf32, #tpu.memory_space<vmem>>, vector<16xf32>,
        tpu.vector_store %arg13[%swap3A_287, %swap3A_288], %add3A_285 {strides = array<i32>} : memref<16x16xf32, #tpu.memory_space<vmem>>, vector<16xf32>,
        %mul3A_290 = arith.constant 16 : i32
        %mul3A_291 = arith.muli %scan3A_169, %mul3A_290 : i32
        %add3A_292 = arith.constant 2 : i32
        %add3A_293 = arith.addi %mul3A_291, %add3A_292 : i32
        %broadcast_in_dim3A_294 = arith.constant 0.000000e+00 : f32
        %broadcast_in_dim3A_295 = vector.broadcast %broadcast_in_dim3A_294 : f32 to vector<16xf32>
        %get3A_296 = arith.index_cast %add3A_293 : i32 to index
        %get3A_297 = arith.constant 0 : index
        %get3A_298 = tpu.vector_load %arg8[%get3A_296, %get3A_297] {strides = array<i32>} : memref<64x128xi32, #tpu.memory_space<vmem>>, vector<16xi32>,
        %get3A_299 = arith.index_cast %add3A_293 : i32 to index
        %get3A_300 = arith.constant 0 : index
        %get3A_301 = tpu.vector_load %arg10[%get3A_299, %get3A_300] {strides = array<i32>} : memref<64x128xi32, #tpu.memory_space<vmem>>, vector<16xi32>,
        %bitcast3A_302 = vector.bitcast %get3A_298 : vector<16xi32> to vector<32xbf16>
        %bitcast3A_303 = vector.bitcast %get3A_301 : vector<16xi32> to vector<32xbf16>
        %mul3A_304 = arith.mulf %bitcast3A_302, %bitcast3A_303 : vector<32xbf16>
        %unpack3A_305 = tpu.unpack_subelements %mul3A_304, 0 {pack_format = #tpu.pack_format<interleaved>} : vector<32xbf16> -> vector<16xf32>
        %unpack3A_306 = tpu.unpack_subelements %mul3A_304, 1 {pack_format = #tpu.pack_format<interleaved>} : vector<32xbf16> -> vector<16xf32>
        %add3A_307 = arith.addf %unpack3A_305, %unpack3A_306 : vector<16xf32>
        %add3A_308 = arith.addf %broadcast_in_dim3A_295, %add3A_307 : vector<16xf32>
        %get3A_309 = arith.index_cast %add3A_293 : i32 to index
        %get3A_310 = arith.constant 16 : index
        %get3A_311 = tpu.vector_load %arg8[%get3A_309, %get3A_310] {strides = array<i32>} : memref<64x128xi32, #tpu.memory_space<vmem>>, vector<16xi32>,
        %get3A_312 = arith.index_cast %add3A_293 : i32 to index
        %get3A_313 = arith.constant 16 : index
        %get3A_314 = tpu.vector_load %arg10[%get3A_312, %get3A_313] {strides = array<i32>} : memref<64x128xi32, #tpu.memory_space<vmem>>, vector<16xi32>,
        %bitcast3A_315 = vector.bitcast %get3A_311 : vector<16xi32> to vector<32xbf16>
        %bitcast3A_316 = vector.bitcast %get3A_314 : vector<16xi32> to vector<32xbf16>
        %mul3A_317 = arith.mulf %bitcast3A_315, %bitcast3A_316 : vector<32xbf16>
        %unpack3A_318 = tpu.unpack_subelements %mul3A_317, 0 {pack_format = #tpu.pack_format<interleaved>} : vector<32xbf16> -> vector<16xf32>
        %unpack3A_319 = tpu.unpack_subelements %mul3A_317, 1 {pack_format = #tpu.pack_format<interleaved>} : vector<32xbf16> -> vector<16xf32>
        %add3A_320 = arith.addf %unpack3A_318, %unpack3A_319 : vector<16xf32>
        %add3A_321 = arith.addf %add3A_308, %add3A_320 : vector<16xf32>
        %get3A_322 = arith.index_cast %add3A_293 : i32 to index
        %get3A_323 = arith.constant 32 : index
        %get3A_324 = tpu.vector_load %arg8[%get3A_322, %get3A_323] {strides = array<i32>} : memref<64x128xi32, #tpu.memory_space<vmem>>, vector<16xi32>,
        %get3A_325 = arith.index_cast %add3A_293 : i32 to index
        %get3A_326 = arith.constant 32 : index
        %get3A_327 = tpu.vector_load %arg10[%get3A_325, %get3A_326] {strides = array<i32>} : memref<64x128xi32, #tpu.memory_space<vmem>>, vector<16xi32>,
        %bitcast3A_328 = vector.bitcast %get3A_324 : vector<16xi32> to vector<32xbf16>
        %bitcast3A_329 = vector.bitcast %get3A_327 : vector<16xi32> to vector<32xbf16>
        %mul3A_330 = arith.mulf %bitcast3A_328, %bitcast3A_329 : vector<32xbf16>
        %unpack3A_331 = tpu.unpack_subelements %mul3A_330, 0 {pack_format = #tpu.pack_format<interleaved>} : vector<32xbf16> -> vector<16xf32>
        %unpack3A_332 = tpu.unpack_subelements %mul3A_330, 1 {pack_format = #tpu.pack_format<interleaved>} : vector<32xbf16> -> vector<16xf32>
        %add3A_333 = arith.addf %unpack3A_331, %unpack3A_332 : vector<16xf32>
        %add3A_334 = arith.addf %add3A_321, %add3A_333 : vector<16xf32>
        %get3A_335 = arith.index_cast %add3A_293 : i32 to index
        %get3A_336 = arith.constant 48 : index
        %get3A_337 = tpu.vector_load %arg8[%get3A_335, %get3A_336] {strides = array<i32>} : memref<64x128xi32, #tpu.memory_space<vmem>>, vector<16xi32>,
        %get3A_338 = arith.index_cast %add3A_293 : i32 to index
        %get3A_339 = arith.constant 48 : index
        %get3A_340 = tpu.vector_load %arg10[%get3A_338, %get3A_339] {strides = array<i32>} : memref<64x128xi32, #tpu.memory_space<vmem>>, vector<16xi32>,
        %bitcast3A_341 = vector.bitcast %get3A_337 : vector<16xi32> to vector<32xbf16>
        %bitcast3A_342 = vector.bitcast %get3A_340 : vector<16xi32> to vector<32xbf16>
        %mul3A_343 = arith.mulf %bitcast3A_341, %bitcast3A_342 : vector<32xbf16>
        %unpack3A_344 = tpu.unpack_subelements %mul3A_343, 0 {pack_format = #tpu.pack_format<interleaved>} : vector<32xbf16> -> vector<16xf32>
        %unpack3A_345 = tpu.unpack_subelements %mul3A_343, 1 {pack_format = #tpu.pack_format<interleaved>} : vector<32xbf16> -> vector<16xf32>
        %add3A_346 = arith.addf %unpack3A_344, %unpack3A_345 : vector<16xf32>
        %add3A_347 = arith.addf %add3A_334, %add3A_346 : vector<16xf32>
        %swap3A_348 = arith.constant 2 : i32
        %swap3A_349 = arith.index_cast %swap3A_348 : i32 to index
        %swap3A_350 = arith.constant 0 : index
        %swap3A_351 = tpu.vector_load %arg13[%swap3A_349, %swap3A_350] {strides = array<i32>} : memref<16x16xf32, #tpu.memory_space<vmem>>, vector<16xf32>,
        tpu.vector_store %arg13[%swap3A_349, %swap3A_350], %add3A_347 {strides = array<i32>} : memref<16x16xf32, #tpu.memory_space<vmem>>, vector<16xf32>,
        %mul3A_352 = arith.constant 16 : i32
        %mul3A_353 = arith.muli %scan3A_169, %mul3A_352 : i32
        %add3A_354 = arith.constant 3 : i32
        %add3A_355 = arith.addi %mul3A_353, %add3A_354 : i32
        %broadcast_in_dim3A_356 = arith.constant 0.000000e+00 : f32
        %broadcast_in_dim3A_357 = vector.broadcast %broadcast_in_dim3A_356 : f32 to vector<16xf32>
        %get3A_358 = arith.index_cast %add3A_355 : i32 to index
        %get3A_359 = arith.constant 0 : index
        %get3A_360 = tpu.vector_load %arg8[%get3A_358, %get3A_359] {strides = array<i32>} : memref<64x128xi32, #tpu.memory_space<vmem>>, vector<16xi32>,
        %get3A_361 = arith.index_cast %add3A_355 : i32 to index
        %get3A_362 = arith.constant 0 : index
        %get3A_363 = tpu.vector_load %arg10[%get3A_361, %get3A_362] {strides = array<i32>} : memref<64x128xi32, #tpu.memory_space<vmem>>, vector<16xi32>,
        %bitcast3A_364 = vector.bitcast %get3A_360 : vector<16xi32> to vector<32xbf16>
        %bitcast3A_365 = vector.bitcast %get3A_363 : vector<16xi32> to vector<32xbf16>
        %mul3A_366 = arith.mulf %bitcast3A_364, %bitcast3A_365 : vector<32xbf16>
        %unpack3A_367 = tpu.unpack_subelements %mul3A_366, 0 {pack_format = #tpu.pack_format<interleaved>} : vector<32xbf16> -> vector<16xf32>
        %unpack3A_368 = tpu.unpack_subelements %mul3A_366, 1 {pack_format = #tpu.pack_format<interleaved>} : vector<32xbf16> -> vector<16xf32>
        %add3A_369 = arith.addf %unpack3A_367, %unpack3A_368 : vector<16xf32>
        %add3A_370 = arith.addf %broadcast_in_dim3A_357, %add3A_369 : vector<16xf32>
        %get3A_371 = arith.index_cast %add3A_355 : i32 to index
        %get3A_372 = arith.constant 16 : index
        %get3A_373 = tpu.vector_load %arg8[%get3A_371, %get3A_372] {strides = array<i32>} : memref<64x128xi32, #tpu.memory_space<vmem>>, vector<16xi32>,
        %get3A_374 = arith.index_cast %add3A_355 : i32 to index
        %get3A_375 = arith.constant 16 : index
        %get3A_376 = tpu.vector_load %arg10[%get3A_374, %get3A_375] {strides = array<i32>} : memref<64x128xi32, #tpu.memory_space<vmem>>, vector<16xi32>,
        %bitcast3A_377 = vector.bitcast %get3A_373 : vector<16xi32> to vector<32xbf16>
        %bitcast3A_378 = vector.bitcast %get3A_376 : vector<16xi32> to vector<32xbf16>
        %mul3A_379 = arith.mulf %bitcast3A_377, %bitcast3A_378 : vector<32xbf16>
        %unpack3A_380 = tpu.unpack_subelements %mul3A_379, 0 {pack_format = #tpu.pack_format<interleaved>} : vector<32xbf16> -> vector<16xf32>
        %unpack3A_381 = tpu.unpack_subelements %mul3A_379, 1 {pack_format = #tpu.pack_format<interleaved>} : vector<32xbf16> -> vector<16xf32>
        %add3A_382 = arith.addf %unpack3A_380, %unpack3A_381 : vector<16xf32>
        %add3A_383 = arith.addf %add3A_370, %add3A_382 : vector<16xf32>
        %get3A_384 = arith.index_cast %add3A_355 : i32 to index
        %get3A_385 = arith.constant 32 : index
        %get3A_386 = tpu.vector_load %arg8[%get3A_384, %get3A_385] {strides = array<i32>} : memref<64x128xi32, #tpu.memory_space<vmem>>, vector<16xi32>,
        %get3A_387 = arith.index_cast %add3A_355 : i32 to index
        %get3A_388 = arith.constant 32 : index
        %get3A_389 = tpu.vector_load %arg10[%get3A_387, %get3A_388] {strides = array<i32>} : memref<64x128xi32, #tpu.memory_space<vmem>>, vector<16xi32>,
        %bitcast3A_390 = vector.bitcast %get3A_386 : vector<16xi32> to vector<32xbf16>
        %bitcast3A_391 = vector.bitcast %get3A_389 : vector<16xi32> to vector<32xbf16>
        %mul3A_392 = arith.mulf %bitcast3A_390, %bitcast3A_391 : vector<32xbf16>
        %unpack3A_393 = tpu.unpack_subelements %mul3A_392, 0 {pack_format = #tpu.pack_format<interleaved>} : vector<32xbf16> -> vector<16xf32>
        %unpack3A_394 = tpu.unpack_subelements %mul3A_392, 1 {pack_format = #tpu.pack_format<interleaved>} : vector<32xbf16> -> vector<16xf32>
        %add3A_395 = arith.addf %unpack3A_393, %unpack3A_394 : vector<16xf32>
        %add3A_396 = arith.addf %add3A_383, %add3A_395 : vector<16xf32>
        %get3A_397 = arith.index_cast %add3A_355 : i32 to index
        %get3A_398 = arith.constant 48 : index
        %get3A_399 = tpu.vector_load %arg8[%get3A_397, %get3A_398] {strides = array<i32>} : memref<64x128xi32, #tpu.memory_space<vmem>>, vector<16xi32>,
        %get3A_400 = arith.index_cast %add3A_355 : i32 to index
        %get3A_401 = arith.constant 48 : index
        %get3A_402 = tpu.vector_load %arg10[%get3A_400, %get3A_401] {strides = array<i32>} : memref<64x128xi32, #tpu.memory_space<vmem>>, vector<16xi32>,
        %bitcast3A_403 = vector.bitcast %get3A_399 : vector<16xi32> to vector<32xbf16>
        %bitcast3A_404 = vector.bitcast %get3A_402 : vector<16xi32> to vector<32xbf16>
        %mul3A_405 = arith.mulf %bitcast3A_403, %bitcast3A_404 : vector<32xbf16>
        %unpack3A_406 = tpu.unpack_subelements %mul3A_405, 0 {pack_format = #tpu.pack_format<interleaved>} : vector<32xbf16> -> vector<16xf32>
        %unpack3A_407 = tpu.unpack_subelements %mul3A_405, 1 {pack_format = #tpu.pack_format<interleaved>} : vector<32xbf16> -> vector<16xf32>
        %add3A_408 = arith.addf %unpack3A_406, %unpack3A_407 : vector<16xf32>
        %add3A_409 = arith.addf %add3A_396, %add3A_408 : vector<16xf32>
        %swap3A_410 = arith.constant 3 : i32
        %swap3A_411 = arith.index_cast %swap3A_410 : i32 to index
        %swap3A_412 = arith.constant 0 : index
        %swap3A_413 = tpu.vector_load %arg13[%swap3A_411, %swap3A_412] {strides = array<i32>} : memref<16x16xf32, #tpu.memory_space<vmem>>, vector<16xf32>,
        tpu.vector_store %arg13[%swap3A_411, %swap3A_412], %add3A_409 {strides = array<i32>} : memref<16x16xf32, #tpu.memory_space<vmem>>, vector<16xf32>,
        %mul3A_414 = arith.constant 16 : i32
        %mul3A_415 = arith.muli %scan3A_169, %mul3A_414 : i32
        %add3A_416 = arith.constant 4 : i32
        %add3A_417 = arith.addi %mul3A_415, %add3A_416 : i32
        %broadcast_in_dim3A_418 = arith.constant 0.000000e+00 : f32
        %broadcast_in_dim3A_419 = vector.broadcast %broadcast_in_dim3A_418 : f32 to vector<16xf32>
        %get3A_420 = arith.index_cast %add3A_417 : i32 to index
        %get3A_421 = arith.constant 0 : index
        %get3A_422 = tpu.vector_load %arg8[%get3A_420, %get3A_421] {strides = array<i32>} : memref<64x128xi32, #tpu.memory_space<vmem>>, vector<16xi32>,
        %get3A_423 = arith.index_cast %add3A_417 : i32 to index
        %get3A_424 = arith.constant 0 : index
        %get3A_425 = tpu.vector_load %arg10[%get3A_423, %get3A_424] {strides = array<i32>} : memref<64x128xi32, #tpu.memory_space<vmem>>, vector<16xi32>,
        %bitcast3A_426 = vector.bitcast %get3A_422 : vector<16xi32> to vector<32xbf16>
        %bitcast3A_427 = vector.bitcast %get3A_425 : vector<16xi32> to vector<32xbf16>
        %mul3A_428 = arith.mulf %bitcast3A_426, %bitcast3A_427 : vector<32xbf16>
        %unpack3A_429 = tpu.unpack_subelements %mul3A_428, 0 {pack_format = #tpu.pack_format<interleaved>} : vector<32xbf16> -> vector<16xf32>
        %unpack3A_430 = tpu.unpack_subelements %mul3A_428, 1 {pack_format = #tpu.pack_format<interleaved>} : vector<32xbf16> -> vector<16xf32>
        %add3A_431 = arith.addf %unpack3A_429, %unpack3A_430 : vector<16xf32>
        %add3A_432 = arith.addf %broadcast_in_dim3A_419, %add3A_431 : vector<16xf32>
        %get3A_433 = arith.index_cast %add3A_417 : i32 to index
        %get3A_434 = arith.constant 16 : index
        %get3A_435 = tpu.vector_load %arg8[%get3A_433, %get3A_434] {strides = array<i32>} : memref<64x128xi32, #tpu.memory_space<vmem>>, vector<16xi32>,
        %get3A_436 = arith.index_cast %add3A_417 : i32 to index
        %get3A_437 = arith.constant 16 : index
        %get3A_438 = tpu.vector_load %arg10[%get3A_436, %get3A_437] {strides = array<i32>} : memref<64x128xi32, #tpu.memory_space<vmem>>, vector<16xi32>,
        %bitcast3A_439 = vector.bitcast %get3A_435 : vector<16xi32> to vector<32xbf16>
        %bitcast3A_440 = vector.bitcast %get3A_438 : vector<16xi32> to vector<32xbf16>
        %mul3A_441 = arith.mulf %bitcast3A_439, %bitcast3A_440 : vector<32xbf16>
        %unpack3A_442 = tpu.unpack_subelements %mul3A_441, 0 {pack_format = #tpu.pack_format<interleaved>} : vector<32xbf16> -> vector<16xf32>
        %unpack3A_443 = tpu.unpack_subelements %mul3A_441, 1 {pack_format = #tpu.pack_format<interleaved>} : vector<32xbf16> -> vector<16xf32>
        %add3A_444 = arith.addf %unpack3A_442, %unpack3A_443 : vector<16xf32>
        %add3A_445 = arith.addf %add3A_432, %add3A_444 : vector<16xf32>
        %get3A_446 = arith.index_cast %add3A_417 : i32 to index
        %get3A_447 = arith.constant 32 : index
        %get3A_448 = tpu.vector_load %arg8[%get3A_446, %get3A_447] {strides = array<i32>} : memref<64x128xi32, #tpu.memory_space<vmem>>, vector<16xi32>,
        %get3A_449 = arith.index_cast %add3A_417 : i32 to index
        %get3A_450 = arith.constant 32 : index
        %get3A_451 = tpu.vector_load %arg10[%get3A_449, %get3A_450] {strides = array<i32>} : memref<64x128xi32, #tpu.memory_space<vmem>>, vector<16xi32>,
        %bitcast3A_452 = vector.bitcast %get3A_448 : vector<16xi32> to vector<32xbf16>
        %bitcast3A_453 = vector.bitcast %get3A_451 : vector<16xi32> to vector<32xbf16>
        %mul3A_454 = arith.mulf %bitcast3A_452, %bitcast3A_453 : vector<32xbf16>
        %unpack3A_455 = tpu.unpack_subelements %mul3A_454, 0 {pack_format = #tpu.pack_format<interleaved>} : vector<32xbf16> -> vector<16xf32>
        %unpack3A_456 = tpu.unpack_subelements %mul3A_454, 1 {pack_format = #tpu.pack_format<interleaved>} : vector<32xbf16> -> vector<16xf32>
        %add3A_457 = arith.addf %unpack3A_455, %unpack3A_456 : vector<16xf32>
        %add3A_458 = arith.addf %add3A_445, %add3A_457 : vector<16xf32>
        %get3A_459 = arith.index_cast %add3A_417 : i32 to index
        %get3A_460 = arith.constant 48 : index
        %get3A_461 = tpu.vector_load %arg8[%get3A_459, %get3A_460] {strides = array<i32>} : memref<64x128xi32, #tpu.memory_space<vmem>>, vector<16xi32>,
        %get3A_462 = arith.index_cast %add3A_417 : i32 to index
        %get3A_463 = arith.constant 48 : index
        %get3A_464 = tpu.vector_load %arg10[%get3A_462, %get3A_463] {strides = array<i32>} : memref<64x128xi32, #tpu.memory_space<vmem>>, vector<16xi32>,
        %bitcast3A_465 = vector.bitcast %get3A_461 : vector<16xi32> to vector<32xbf16>
        %bitcast3A_466 = vector.bitcast %get3A_464 : vector<16xi32> to vector<32xbf16>
        %mul3A_467 = arith.mulf %bitcast3A_465, %bitcast3A_466 : vector<32xbf16>
        %unpack3A_468 = tpu.unpack_subelements %mul3A_467, 0 {pack_format = #tpu.pack_format<interleaved>} : vector<32xbf16> -> vector<16xf32>
        %unpack3A_469 = tpu.unpack_subelements %mul3A_467, 1 {pack_format = #tpu.pack_format<interleaved>} : vector<32xbf16> -> vector<16xf32>
        %add3A_470 = arith.addf %unpack3A_468, %unpack3A_469 : vector<16xf32>
        %add3A_471 = arith.addf %add3A_458, %add3A_470 : vector<16xf32>
        %swap3A_472 = arith.constant 4 : i32
        %swap3A_473 = arith.index_cast %swap3A_472 : i32 to index
        %swap3A_474 = arith.constant 0 : index
        %swap3A_475 = tpu.vector_load %arg13[%swap3A_473, %swap3A_474] {strides = array<i32>} : memref<16x16xf32, #tpu.memory_space<vmem>>, vector<16xf32>,
        tpu.vector_store %arg13[%swap3A_473, %swap3A_474], %add3A_471 {strides = array<i32>} : memref<16x16xf32, #tpu.memory_space<vmem>>, vector<16xf32>,
        %mul3A_476 = arith.constant 16 : i32
        %mul3A_477 = arith.muli %scan3A_169, %mul3A_476 : i32
        %add3A_478 = arith.constant 5 : i32
        %add3A_479 = arith.addi %mul3A_477, %add3A_478 : i32
        %broadcast_in_dim3A_480 = arith.constant 0.000000e+00 : f32
        %broadcast_in_dim3A_481 = vector.broadcast %broadcast_in_dim3A_480 : f32 to vector<16xf32>
        %get3A_482 = arith.index_cast %add3A_479 : i32 to index
        %get3A_483 = arith.constant 0 : index
        %get3A_484 = tpu.vector_load %arg8[%get3A_482, %get3A_483] {strides = array<i32>} : memref<64x128xi32, #tpu.memory_space<vmem>>, vector<16xi32>,
        %get3A_485 = arith.index_cast %add3A_479 : i32 to index
        %get3A_486 = arith.constant 0 : index
        %get3A_487 = tpu.vector_load %arg10[%get3A_485, %get3A_486] {strides = array<i32>} : memref<64x128xi32, #tpu.memory_space<vmem>>, vector<16xi32>,
        %bitcast3A_488 = vector.bitcast %get3A_484 : vector<16xi32> to vector<32xbf16>
        %bitcast3A_489 = vector.bitcast %get3A_487 : vector<16xi32> to vector<32xbf16>
        %mul3A_490 = arith.mulf %bitcast3A_488, %bitcast3A_489 : vector<32xbf16>
        %unpack3A_491 = tpu.unpack_subelements %mul3A_490, 0 {pack_format = #tpu.pack_format<interleaved>} : vector<32xbf16> -> vector<16xf32>
        %unpack3A_492 = tpu.unpack_subelements %mul3A_490, 1 {pack_format = #tpu.pack_format<interleaved>} : vector<32xbf16> -> vector<16xf32>
        %add3A_493 = arith.addf %unpack3A_491, %unpack3A_492 : vector<16xf32>
        %add3A_494 = arith.addf %broadcast_in_dim3A_481, %add3A_493 : vector<16xf32>
        %get3A_495 = arith.index_cast %add3A_479 : i32 to index
        %get3A_496 = arith.constant 16 : index
        %get3A_497 = tpu.vector_load %arg8[%get3A_495, %get3A_496] {strides = array<i32>} : memref<64x128xi32, #tpu.memory_space<vmem>>, vector<16xi32>,
        %get3A_498 = arith.index_cast %add3A_479 : i32 to index
        %get3A_499 = arith.constant 16 : index
        %get3A_500 = tpu.vector_load %arg10[%get3A_498, %get3A_499] {strides = array<i32>} : memref<64x128xi32, #tpu.memory_space<vmem>>, vector<16xi32>,
        %bitcast3A_501 = vector.bitcast %get3A_497 : vector<16xi32> to vector<32xbf16>
        %bitcast3A_502 = vector.bitcast %get3A_500 : vector<16xi32> to vector<32xbf16>
        %mul3A_503 = arith.mulf %bitcast3A_501, %bitcast3A_502 : vector<32xbf16>
        %unpack3A_504 = tpu.unpack_subelements %mul3A_503, 0 {pack_format = #tpu.pack_format<interleaved>} : vector<32xbf16> -> vector<16xf32>
        %unpack3A_505 = tpu.unpack_subelements %mul3A_503, 1 {pack_format = #tpu.pack_format<interleaved>} : vector<32xbf16> -> vector<16xf32>
        %add3A_506 = arith.addf %unpack3A_504, %unpack3A_505 : vector<16xf32>
        %add3A_507 = arith.addf %add3A_494, %add3A_506 : vector<16xf32>
        %get3A_508 = arith.index_cast %add3A_479 : i32 to index
        %get3A_509 = arith.constant 32 : index
        %get3A_510 = tpu.vector_load %arg8[%get3A_508, %get3A_509] {strides = array<i32>} : memref<64x128xi32, #tpu.memory_space<vmem>>, vector<16xi32>,
        %get3A_511 = arith.index_cast %add3A_479 : i32 to index
        %get3A_512 = arith.constant 32 : index
        %get3A_513 = tpu.vector_load %arg10[%get3A_511, %get3A_512] {strides = array<i32>} : memref<64x128xi32, #tpu.memory_space<vmem>>, vector<16xi32>,
        %bitcast3A_514 = vector.bitcast %get3A_510 : vector<16xi32> to vector<32xbf16>
        %bitcast3A_515 = vector.bitcast %get3A_513 : vector<16xi32> to vector<32xbf16>
        %mul3A_516 = arith.mulf %bitcast3A_514, %bitcast3A_515 : vector<32xbf16>
        %unpack3A_517 = tpu.unpack_subelements %mul3A_516, 0 {pack_format = #tpu.pack_format<interleaved>} : vector<32xbf16> -> vector<16xf32>
        %unpack3A_518 = tpu.unpack_subelements %mul3A_516, 1 {pack_format = #tpu.pack_format<interleaved>} : vector<32xbf16> -> vector<16xf32>
        %add3A_519 = arith.addf %unpack3A_517, %unpack3A_518 : vector<16xf32>
        %add3A_520 = arith.addf %add3A_507, %add3A_519 : vector<16xf32>
        %get3A_521 = arith.index_cast %add3A_479 : i32 to index
        %get3A_522 = arith.constant 48 : index
        %get3A_523 = tpu.vector_load %arg8[%get3A_521, %get3A_522] {strides = array<i32>} : memref<64x128xi32, #tpu.memory_space<vmem>>, vector<16xi32>,
        %get3A_524 = arith.index_cast %add3A_479 : i32 to index
        %get3A_525 = arith.constant 48 : index
        %get3A_526 = tpu.vector_load %arg10[%get3A_524, %get3A_525] {strides = array<i32>} : memref<64x128xi32, #tpu.memory_space<vmem>>, vector<16xi32>,
        %bitcast3A_527 = vector.bitcast %get3A_523 : vector<16xi32> to vector<32xbf16>
        %bitcast3A_528 = vector.bitcast %get3A_526 : vector<16xi32> to vector<32xbf16>
        %mul3A_529 = arith.mulf %bitcast3A_527, %bitcast3A_528 : vector<32xbf16>
        %unpack3A_530 = tpu.unpack_subelements %mul3A_529, 0 {pack_format = #tpu.pack_format<interleaved>} : vector<32xbf16> -> vector<16xf32>
        %unpack3A_531 = tpu.unpack_subelements %mul3A_529, 1 {pack_format = #tpu.pack_format<interleaved>} : vector<32xbf16> -> vector<16xf32>
        %add3A_532 = arith.addf %unpack3A_530, %unpack3A_531 : vector<16xf32>
        %add3A_533 = arith.addf %add3A_520, %add3A_532 : vector<16xf32>
        %swap3A_534 = arith.constant 5 : i32
        %swap3A_535 = arith.index_cast %swap3A_534 : i32 to index
        %swap3A_536 = arith.constant 0 : index
        %swap3A_537 = tpu.vector_load %arg13[%swap3A_535, %swap3A_536] {strides = array<i32>} : memref<16x16xf32, #tpu.memory_space<vmem>>, vector<16xf32>,
        tpu.vector_store %arg13[%swap3A_535, %swap3A_536], %add3A_533 {strides = array<i32>} : memref<16x16xf32, #tpu.memory_space<vmem>>, vector<16xf32>,
        %mul3A_538 = arith.constant 16 : i32
        %mul3A_539 = arith.muli %scan3A_169, %mul3A_538 : i32
        %add3A_540 = arith.constant 6 : i32
        %add3A_541 = arith.addi %mul3A_539, %add3A_540 : i32
        %broadcast_in_dim3A_542 = arith.constant 0.000000e+00 : f32
        %broadcast_in_dim3A_543 = vector.broadcast %broadcast_in_dim3A_542 : f32 to vector<16xf32>
        %get3A_544 = arith.index_cast %add3A_541 : i32 to index
        %get3A_545 = arith.constant 0 : index
        %get3A_546 = tpu.vector_load %arg8[%get3A_544, %get3A_545] {strides = array<i32>} : memref<64x128xi32, #tpu.memory_space<vmem>>, vector<16xi32>,
        %get3A_547 = arith.index_cast %add3A_541 : i32 to index
        %get3A_548 = arith.constant 0 : index
        %get3A_549 = tpu.vector_load %arg10[%get3A_547, %get3A_548] {strides = array<i32>} : memref<64x128xi32, #tpu.memory_space<vmem>>, vector<16xi32>,
        %bitcast3A_550 = vector.bitcast %get3A_546 : vector<16xi32> to vector<32xbf16>
        %bitcast3A_551 = vector.bitcast %get3A_549 : vector<16xi32> to vector<32xbf16>
        %mul3A_552 = arith.mulf %bitcast3A_550, %bitcast3A_551 : vector<32xbf16>
        %unpack3A_553 = tpu.unpack_subelements %mul3A_552, 0 {pack_format = #tpu.pack_format<interleaved>} : vector<32xbf16> -> vector<16xf32>
        %unpack3A_554 = tpu.unpack_subelements %mul3A_552, 1 {pack_format = #tpu.pack_format<interleaved>} : vector<32xbf16> -> vector<16xf32>
        %add3A_555 = arith.addf %unpack3A_553, %unpack3A_554 : vector<16xf32>
        %add3A_556 = arith.addf %broadcast_in_dim3A_543, %add3A_555 : vector<16xf32>
        %get3A_557 = arith.index_cast %add3A_541 : i32 to index
        %get3A_558 = arith.constant 16 : index
        %get3A_559 = tpu.vector_load %arg8[%get3A_557, %get3A_558] {strides = array<i32>} : memref<64x128xi32, #tpu.memory_space<vmem>>, vector<16xi32>,
        %get3A_560 = arith.index_cast %add3A_541 : i32 to index
        %get3A_561 = arith.constant 16 : index
        %get3A_562 = tpu.vector_load %arg10[%get3A_560, %get3A_561] {strides = array<i32>} : memref<64x128xi32, #tpu.memory_space<vmem>>, vector<16xi32>,
        %bitcast3A_563 = vector.bitcast %get3A_559 : vector<16xi32> to vector<32xbf16>
        %bitcast3A_564 = vector.bitcast %get3A_562 : vector<16xi32> to vector<32xbf16>
        %mul3A_565 = arith.mulf %bitcast3A_563, %bitcast3A_564 : vector<32xbf16>
        %unpack3A_566 = tpu.unpack_subelements %mul3A_565, 0 {pack_format = #tpu.pack_format<interleaved>} : vector<32xbf16> -> vector<16xf32>
        %unpack3A_567 = tpu.unpack_subelements %mul3A_565, 1 {pack_format = #tpu.pack_format<interleaved>} : vector<32xbf16> -> vector<16xf32>
        %add3A_568 = arith.addf %unpack3A_566, %unpack3A_567 : vector<16xf32>
        %add3A_569 = arith.addf %add3A_556, %add3A_568 : vector<16xf32>
        %get3A_570 = arith.index_cast %add3A_541 : i32 to index
        %get3A_571 = arith.constant 32 : index
        %get3A_572 = tpu.vector_load %arg8[%get3A_570, %get3A_571] {strides = array<i32>} : memref<64x128xi32, #tpu.memory_space<vmem>>, vector<16xi32>,
        %get3A_573 = arith.index_cast %add3A_541 : i32 to index
        %get3A_574 = arith.constant 32 : index
        %get3A_575 = tpu.vector_load %arg10[%get3A_573, %get3A_574] {strides = array<i32>} : memref<64x128xi32, #tpu.memory_space<vmem>>, vector<16xi32>,
        %bitcast3A_576 = vector.bitcast %get3A_572 : vector<16xi32> to vector<32xbf16>
        %bitcast3A_577 = vector.bitcast %get3A_575 : vector<16xi32> to vector<32xbf16>
        %mul3A_578 = arith.mulf %bitcast3A_576, %bitcast3A_577 : vector<32xbf16>
        %unpack3A_579 = tpu.unpack_subelements %mul3A_578, 0 {pack_format = #tpu.pack_format<interleaved>} : vector<32xbf16> -> vector<16xf32>
        %unpack3A_580 = tpu.unpack_subelements %mul3A_578, 1 {pack_format = #tpu.pack_format<interleaved>} : vector<32xbf16> -> vector<16xf32>
        %add3A_581 = arith.addf %unpack3A_579, %unpack3A_580 : vector<16xf32>
        %add3A_582 = arith.addf %add3A_569, %add3A_581 : vector<16xf32>
        %get3A_583 = arith.index_cast %add3A_541 : i32 to index
        %get3A_584 = arith.constant 48 : index
        %get3A_585 = tpu.vector_load %arg8[%get3A_583, %get3A_584] {strides = array<i32>} : memref<64x128xi32, #tpu.memory_space<vmem>>, vector<16xi32>,
        %get3A_586 = arith.index_cast %add3A_541 : i32 to index
        %get3A_587 = arith.constant 48 : index
        %get3A_588 = tpu.vector_load %arg10[%get3A_586, %get3A_587] {strides = array<i32>} : memref<64x128xi32, #tpu.memory_space<vmem>>, vector<16xi32>,
        %bitcast3A_589 = vector.bitcast %get3A_585 : vector<16xi32> to vector<32xbf16>
        %bitcast3A_590 = vector.bitcast %get3A_588 : vector<16xi32> to vector<32xbf16>
        %mul3A_591 = arith.mulf %bitcast3A_589, %bitcast3A_590 : vector<32xbf16>
        %unpack3A_592 = tpu.unpack_subelements %mul3A_591, 0 {pack_format = #tpu.pack_format<interleaved>} : vector<32xbf16> -> vector<16xf32>
        %unpack3A_593 = tpu.unpack_subelements %mul3A_591, 1 {pack_format = #tpu.pack_format<interleaved>} : vector<32xbf16> -> vector<16xf32>
        %add3A_594 = arith.addf %unpack3A_592, %unpack3A_593 : vector<16xf32>
        %add3A_595 = arith.addf %add3A_582, %add3A_594 : vector<16xf32>
        %swap3A_596 = arith.constant 6 : i32
        %swap3A_597 = arith.index_cast %swap3A_596 : i32 to index
        %swap3A_598 = arith.constant 0 : index
        %swap3A_599 = tpu.vector_load %arg13[%swap3A_597, %swap3A_598] {strides = array<i32>} : memref<16x16xf32, #tpu.memory_space<vmem>>, vector<16xf32>,
        tpu.vector_store %arg13[%swap3A_597, %swap3A_598], %add3A_595 {strides = array<i32>} : memref<16x16xf32, #tpu.memory_space<vmem>>, vector<16xf32>,
        %mul3A_600 = arith.constant 16 : i32
        %mul3A_601 = arith.muli %scan3A_169, %mul3A_600 : i32
        %add3A_602 = arith.constant 7 : i32
        %add3A_603 = arith.addi %mul3A_601, %add3A_602 : i32
        %broadcast_in_dim3A_604 = arith.constant 0.000000e+00 : f32
        %broadcast_in_dim3A_605 = vector.broadcast %broadcast_in_dim3A_604 : f32 to vector<16xf32>
        %get3A_606 = arith.index_cast %add3A_603 : i32 to index
        %get3A_607 = arith.constant 0 : index
        %get3A_608 = tpu.vector_load %arg8[%get3A_606, %get3A_607] {strides = array<i32>} : memref<64x128xi32, #tpu.memory_space<vmem>>, vector<16xi32>,
        %get3A_609 = arith.index_cast %add3A_603 : i32 to index
        %get3A_610 = arith.constant 0 : index
        %get3A_611 = tpu.vector_load %arg10[%get3A_609, %get3A_610] {strides = array<i32>} : memref<64x128xi32, #tpu.memory_space<vmem>>, vector<16xi32>,
        %bitcast3A_612 = vector.bitcast %get3A_608 : vector<16xi32> to vector<32xbf16>
        %bitcast3A_613 = vector.bitcast %get3A_611 : vector<16xi32> to vector<32xbf16>
        %mul3A_614 = arith.mulf %bitcast3A_612, %bitcast3A_613 : vector<32xbf16>
        %unpack3A_615 = tpu.unpack_subelements %mul3A_614, 0 {pack_format = #tpu.pack_format<interleaved>} : vector<32xbf16> -> vector<16xf32>
        %unpack3A_616 = tpu.unpack_subelements %mul3A_614, 1 {pack_format = #tpu.pack_format<interleaved>} : vector<32xbf16> -> vector<16xf32>
        %add3A_617 = arith.addf %unpack3A_615, %unpack3A_616 : vector<16xf32>
        %add3A_618 = arith.addf %broadcast_in_dim3A_605, %add3A_617 : vector<16xf32>
        %get3A_619 = arith.index_cast %add3A_603 : i32 to index
        %get3A_620 = arith.constant 16 : index
        %get3A_621 = tpu.vector_load %arg8[%get3A_619, %get3A_620] {strides = array<i32>} : memref<64x128xi32, #tpu.memory_space<vmem>>, vector<16xi32>,
        %get3A_622 = arith.index_cast %add3A_603 : i32 to index
        %get3A_623 = arith.constant 16 : index
        %get3A_624 = tpu.vector_load %arg10[%get3A_622, %get3A_623] {strides = array<i32>} : memref<64x128xi32, #tpu.memory_space<vmem>>, vector<16xi32>,
        %bitcast3A_625 = vector.bitcast %get3A_621 : vector<16xi32> to vector<32xbf16>
        %bitcast3A_626 = vector.bitcast %get3A_624 : vector<16xi32> to vector<32xbf16>
        %mul3A_627 = arith.mulf %bitcast3A_625, %bitcast3A_626 : vector<32xbf16>
        %unpack3A_628 = tpu.unpack_subelements %mul3A_627, 0 {pack_format = #tpu.pack_format<interleaved>} : vector<32xbf16> -> vector<16xf32>
        %unpack3A_629 = tpu.unpack_subelements %mul3A_627, 1 {pack_format = #tpu.pack_format<interleaved>} : vector<32xbf16> -> vector<16xf32>
        %add3A_630 = arith.addf %unpack3A_628, %unpack3A_629 : vector<16xf32>
        %add3A_631 = arith.addf %add3A_618, %add3A_630 : vector<16xf32>
        %get3A_632 = arith.index_cast %add3A_603 : i32 to index
        %get3A_633 = arith.constant 32 : index
        %get3A_634 = tpu.vector_load %arg8[%get3A_632, %get3A_633] {strides = array<i32>} : memref<64x128xi32, #tpu.memory_space<vmem>>, vector<16xi32>,
        %get3A_635 = arith.index_cast %add3A_603 : i32 to index
        %get3A_636 = arith.constant 32 : index
        %get3A_637 = tpu.vector_load %arg10[%get3A_635, %get3A_636] {strides = array<i32>} : memref<64x128xi32, #tpu.memory_space<vmem>>, vector<16xi32>,
        %bitcast3A_638 = vector.bitcast %get3A_634 : vector<16xi32> to vector<32xbf16>
        %bitcast3A_639 = vector.bitcast %get3A_637 : vector<16xi32> to vector<32xbf16>
        %mul3A_640 = arith.mulf %bitcast3A_638, %bitcast3A_639 : vector<32xbf16>
        %unpack3A_641 = tpu.unpack_subelements %mul3A_640, 0 {pack_format = #tpu.pack_format<interleaved>} : vector<32xbf16> -> vector<16xf32>
        %unpack3A_642 = tpu.unpack_subelements %mul3A_640, 1 {pack_format = #tpu.pack_format<interleaved>} : vector<32xbf16> -> vector<16xf32>
        %add3A_643 = arith.addf %unpack3A_641, %unpack3A_642 : vector<16xf32>
        %add3A_644 = arith.addf %add3A_631, %add3A_643 : vector<16xf32>
        %get3A_645 = arith.index_cast %add3A_603 : i32 to index
        %get3A_646 = arith.constant 48 : index
        %get3A_647 = tpu.vector_load %arg8[%get3A_645, %get3A_646] {strides = array<i32>} : memref<64x128xi32, #tpu.memory_space<vmem>>, vector<16xi32>,
        %get3A_648 = arith.index_cast %add3A_603 : i32 to index
        %get3A_649 = arith.constant 48 : index
        %get3A_650 = tpu.vector_load %arg10[%get3A_648, %get3A_649] {strides = array<i32>} : memref<64x128xi32, #tpu.memory_space<vmem>>, vector<16xi32>,
        %bitcast3A_651 = vector.bitcast %get3A_647 : vector<16xi32> to vector<32xbf16>
        %bitcast3A_652 = vector.bitcast %get3A_650 : vector<16xi32> to vector<32xbf16>
        %mul3A_653 = arith.mulf %bitcast3A_651, %bitcast3A_652 : vector<32xbf16>
        %unpack3A_654 = tpu.unpack_subelements %mul3A_653, 0 {pack_format = #tpu.pack_format<interleaved>} : vector<32xbf16> -> vector<16xf32>
        %unpack3A_655 = tpu.unpack_subelements %mul3A_653, 1 {pack_format = #tpu.pack_format<interleaved>} : vector<32xbf16> -> vector<16xf32>
        %add3A_656 = arith.addf %unpack3A_654, %unpack3A_655 : vector<16xf32>
        %add3A_657 = arith.addf %add3A_644, %add3A_656 : vector<16xf32>
        %swap3A_658 = arith.constant 7 : i32
        %swap3A_659 = arith.index_cast %swap3A_658 : i32 to index
        %swap3A_660 = arith.constant 0 : index
        %swap3A_661 = tpu.vector_load %arg13[%swap3A_659, %swap3A_660] {strides = array<i32>} : memref<16x16xf32, #tpu.memory_space<vmem>>, vector<16xf32>,
        tpu.vector_store %arg13[%swap3A_659, %swap3A_660], %add3A_657 {strides = array<i32>} : memref<16x16xf32, #tpu.memory_space<vmem>>, vector<16xf32>,
        %mul3A_662 = arith.constant 16 : i32
        %mul3A_663 = arith.muli %scan3A_169, %mul3A_662 : i32
        %add3A_664 = arith.constant 8 : i32
        %add3A_665 = arith.addi %mul3A_663, %add3A_664 : i32
        %broadcast_in_dim3A_666 = arith.constant 0.000000e+00 : f32
        %broadcast_in_dim3A_667 = vector.broadcast %broadcast_in_dim3A_666 : f32 to vector<16xf32>
        %get3A_668 = arith.index_cast %add3A_665 : i32 to index
        %get3A_669 = arith.constant 0 : index
        %get3A_670 = tpu.vector_load %arg8[%get3A_668, %get3A_669] {strides = array<i32>} : memref<64x128xi32, #tpu.memory_space<vmem>>, vector<16xi32>,
        %get3A_671 = arith.index_cast %add3A_665 : i32 to index
        %get3A_672 = arith.constant 0 : index
        %get3A_673 = tpu.vector_load %arg10[%get3A_671, %get3A_672] {strides = array<i32>} : memref<64x128xi32, #tpu.memory_space<vmem>>, vector<16xi32>,
        %bitcast3A_674 = vector.bitcast %get3A_670 : vector<16xi32> to vector<32xbf16>
        %bitcast3A_675 = vector.bitcast %get3A_673 : vector<16xi32> to vector<32xbf16>
        %mul3A_676 = arith.mulf %bitcast3A_674, %bitcast3A_675 : vector<32xbf16>
        %unpack3A_677 = tpu.unpack_subelements %mul3A_676, 0 {pack_format = #tpu.pack_format<interleaved>} : vector<32xbf16> -> vector<16xf32>
        %unpack3A_678 = tpu.unpack_subelements %mul3A_676, 1 {pack_format = #tpu.pack_format<interleaved>} : vector<32xbf16> -> vector<16xf32>
        %add3A_679 = arith.addf %unpack3A_677, %unpack3A_678 : vector<16xf32>
        %add3A_680 = arith.addf %broadcast_in_dim3A_667, %add3A_679 : vector<16xf32>
        %get3A_681 = arith.index_cast %add3A_665 : i32 to index
        %get3A_682 = arith.constant 16 : index
        %get3A_683 = tpu.vector_load %arg8[%get3A_681, %get3A_682] {strides = array<i32>} : memref<64x128xi32, #tpu.memory_space<vmem>>, vector<16xi32>,
        %get3A_684 = arith.index_cast %add3A_665 : i32 to index
        %get3A_685 = arith.constant 16 : index
        %get3A_686 = tpu.vector_load %arg10[%get3A_684, %get3A_685] {strides = array<i32>} : memref<64x128xi32, #tpu.memory_space<vmem>>, vector<16xi32>,
        %bitcast3A_687 = vector.bitcast %get3A_683 : vector<16xi32> to vector<32xbf16>
        %bitcast3A_688 = vector.bitcast %get3A_686 : vector<16xi32> to vector<32xbf16>
        %mul3A_689 = arith.mulf %bitcast3A_687, %bitcast3A_688 : vector<32xbf16>
        %unpack3A_690 = tpu.unpack_subelements %mul3A_689, 0 {pack_format = #tpu.pack_format<interleaved>} : vector<32xbf16> -> vector<16xf32>
        %unpack3A_691 = tpu.unpack_subelements %mul3A_689, 1 {pack_format = #tpu.pack_format<interleaved>} : vector<32xbf16> -> vector<16xf32>
        %add3A_692 = arith.addf %unpack3A_690, %unpack3A_691 : vector<16xf32>
        %add3A_693 = arith.addf %add3A_680, %add3A_692 : vector<16xf32>
        %get3A_694 = arith.index_cast %add3A_665 : i32 to index
        %get3A_695 = arith.constant 32 : index
        %get3A_696 = tpu.vector_load %arg8[%get3A_694, %get3A_695] {strides = array<i32>} : memref<64x128xi32, #tpu.memory_space<vmem>>, vector<16xi32>,
        %get3A_697 = arith.index_cast %add3A_665 : i32 to index
        %get3A_698 = arith.constant 32 : index
        %get3A_699 = tpu.vector_load %arg10[%get3A_697, %get3A_698] {strides = array<i32>} : memref<64x128xi32, #tpu.memory_space<vmem>>, vector<16xi32>,
        %bitcast3A_700 = vector.bitcast %get3A_696 : vector<16xi32> to vector<32xbf16>
        %bitcast3A_701 = vector.bitcast %get3A_699 : vector<16xi32> to vector<32xbf16>
        %mul3A_702 = arith.mulf %bitcast3A_700, %bitcast3A_701 : vector<32xbf16>
        %unpack3A_703 = tpu.unpack_subelements %mul3A_702, 0 {pack_format = #tpu.pack_format<interleaved>} : vector<32xbf16> -> vector<16xf32>
        %unpack3A_704 = tpu.unpack_subelements %mul3A_702, 1 {pack_format = #tpu.pack_format<interleaved>} : vector<32xbf16> -> vector<16xf32>
        %add3A_705 = arith.addf %unpack3A_703, %unpack3A_704 : vector<16xf32>
        %add3A_706 = arith.addf %add3A_693, %add3A_705 : vector<16xf32>
        %get3A_707 = arith.index_cast %add3A_665 : i32 to index
        %get3A_708 = arith.constant 48 : index
        %get3A_709 = tpu.vector_load %arg8[%get3A_707, %get3A_708] {strides = array<i32>} : memref<64x128xi32, #tpu.memory_space<vmem>>, vector<16xi32>,
        %get3A_710 = arith.index_cast %add3A_665 : i32 to index
        %get3A_711 = arith.constant 48 : index
        %get3A_712 = tpu.vector_load %arg10[%get3A_710, %get3A_711] {strides = array<i32>} : memref<64x128xi32, #tpu.memory_space<vmem>>, vector<16xi32>,
        %bitcast3A_713 = vector.bitcast %get3A_709 : vector<16xi32> to vector<32xbf16>
        %bitcast3A_714 = vector.bitcast %get3A_712 : vector<16xi32> to vector<32xbf16>
        %mul3A_715 = arith.mulf %bitcast3A_713, %bitcast3A_714 : vector<32xbf16>
        %unpack3A_716 = tpu.unpack_subelements %mul3A_715, 0 {pack_format = #tpu.pack_format<interleaved>} : vector<32xbf16> -> vector<16xf32>
        %unpack3A_717 = tpu.unpack_subelements %mul3A_715, 1 {pack_format = #tpu.pack_format<interleaved>} : vector<32xbf16> -> vector<16xf32>
        %add3A_718 = arith.addf %unpack3A_716, %unpack3A_717 : vector<16xf32>
        %add3A_719 = arith.addf %add3A_706, %add3A_718 : vector<16xf32>
        %swap3A_720 = arith.constant 8 : i32
        %swap3A_721 = arith.index_cast %swap3A_720 : i32 to index
        %swap3A_722 = arith.constant 0 : index
        %swap3A_723 = tpu.vector_load %arg13[%swap3A_721, %swap3A_722] {strides = array<i32>} : memref<16x16xf32, #tpu.memory_space<vmem>>, vector<16xf32>,
        tpu.vector_store %arg13[%swap3A_721, %swap3A_722], %add3A_719 {strides = array<i32>} : memref<16x16xf32, #tpu.memory_space<vmem>>, vector<16xf32>,
        %mul3A_724 = arith.constant 16 : i32
        %mul3A_725 = arith.muli %scan3A_169, %mul3A_724 : i32
        %add3A_726 = arith.constant 9 : i32
        %add3A_727 = arith.addi %mul3A_725, %add3A_726 : i32
        %broadcast_in_dim3A_728 = arith.constant 0.000000e+00 : f32
        %broadcast_in_dim3A_729 = vector.broadcast %broadcast_in_dim3A_728 : f32 to vector<16xf32>
        %get3A_730 = arith.index_cast %add3A_727 : i32 to index
        %get3A_731 = arith.constant 0 : index
        %get3A_732 = tpu.vector_load %arg8[%get3A_730, %get3A_731] {strides = array<i32>} : memref<64x128xi32, #tpu.memory_space<vmem>>, vector<16xi32>,
        %get3A_733 = arith.index_cast %add3A_727 : i32 to index
        %get3A_734 = arith.constant 0 : index
        %get3A_735 = tpu.vector_load %arg10[%get3A_733, %get3A_734] {strides = array<i32>} : memref<64x128xi32, #tpu.memory_space<vmem>>, vector<16xi32>,
        %bitcast3A_736 = vector.bitcast %get3A_732 : vector<16xi32> to vector<32xbf16>
        %bitcast3A_737 = vector.bitcast %get3A_735 : vector<16xi32> to vector<32xbf16>
        %mul3A_738 = arith.mulf %bitcast3A_736, %bitcast3A_737 : vector<32xbf16>
        %unpack3A_739 = tpu.unpack_subelements %mul3A_738, 0 {pack_format = #tpu.pack_format<interleaved>} : vector<32xbf16> -> vector<16xf32>
        %unpack3A_740 = tpu.unpack_subelements %mul3A_738, 1 {pack_format = #tpu.pack_format<interleaved>} : vector<32xbf16> -> vector<16xf32>
        %add3A_741 = arith.addf %unpack3A_739, %unpack3A_740 : vector<16xf32>
        %add3A_742 = arith.addf %broadcast_in_dim3A_729, %add3A_741 : vector<16xf32>
        %get3A_743 = arith.index_cast %add3A_727 : i32 to index
        %get3A_744 = arith.constant 16 : index
        %get3A_745 = tpu.vector_load %arg8[%get3A_743, %get3A_744] {strides = array<i32>} : memref<64x128xi32, #tpu.memory_space<vmem>>, vector<16xi32>,
        %get3A_746 = arith.index_cast %add3A_727 : i32 to index
        %get3A_747 = arith.constant 16 : index
        %get3A_748 = tpu.vector_load %arg10[%get3A_746, %get3A_747] {strides = array<i32>} : memref<64x128xi32, #tpu.memory_space<vmem>>, vector<16xi32>,
        %bitcast3A_749 = vector.bitcast %get3A_745 : vector<16xi32> to vector<32xbf16>
        %bitcast3A_750 = vector.bitcast %get3A_748 : vector<16xi32> to vector<32xbf16>
        %mul3A_751 = arith.mulf %bitcast3A_749, %bitcast3A_750 : vector<32xbf16>
        %unpack3A_752 = tpu.unpack_subelements %mul3A_751, 0 {pack_format = #tpu.pack_format<interleaved>} : vector<32xbf16> -> vector<16xf32>
        %unpack3A_753 = tpu.unpack_subelements %mul3A_751, 1 {pack_format = #tpu.pack_format<interleaved>} : vector<32xbf16> -> vector<16xf32>
        %add3A_754 = arith.addf %unpack3A_752, %unpack3A_753 : vector<16xf32>
        %add3A_755 = arith.addf %add3A_742, %add3A_754 : vector<16xf32>
        %get3A_756 = arith.index_cast %add3A_727 : i32 to index
        %get3A_757 = arith.constant 32 : index
        %get3A_758 = tpu.vector_load %arg8[%get3A_756, %get3A_757] {strides = array<i32>} : memref<64x128xi32, #tpu.memory_space<vmem>>, vector<16xi32>,
        %get3A_759 = arith.index_cast %add3A_727 : i32 to index
        %get3A_760 = arith.constant 32 : index
        %get3A_761 = tpu.vector_load %arg10[%get3A_759, %get3A_760] {strides = array<i32>} : memref<64x128xi32, #tpu.memory_space<vmem>>, vector<16xi32>,
        %bitcast3A_762 = vector.bitcast %get3A_758 : vector<16xi32> to vector<32xbf16>
        %bitcast3A_763 = vector.bitcast %get3A_761 : vector<16xi32> to vector<32xbf16>
        %mul3A_764 = arith.mulf %bitcast3A_762, %bitcast3A_763 : vector<32xbf16>
        %unpack3A_765 = tpu.unpack_subelements %mul3A_764, 0 {pack_format = #tpu.pack_format<interleaved>} : vector<32xbf16> -> vector<16xf32>
        %unpack3A_766 = tpu.unpack_subelements %mul3A_764, 1 {pack_format = #tpu.pack_format<interleaved>} : vector<32xbf16> -> vector<16xf32>
        %add3A_767 = arith.addf %unpack3A_765, %unpack3A_766 : vector<16xf32>
        %add3A_768 = arith.addf %add3A_755, %add3A_767 : vector<16xf32>
        %get3A_769 = arith.index_cast %add3A_727 : i32 to index
        %get3A_770 = arith.constant 48 : index
        %get3A_771 = tpu.vector_load %arg8[%get3A_769, %get3A_770] {strides = array<i32>} : memref<64x128xi32, #tpu.memory_space<vmem>>, vector<16xi32>,
        %get3A_772 = arith.index_cast %add3A_727 : i32 to index
        %get3A_773 = arith.constant 48 : index
        %get3A_774 = tpu.vector_load %arg10[%get3A_772, %get3A_773] {strides = array<i32>} : memref<64x128xi32, #tpu.memory_space<vmem>>, vector<16xi32>,
        %bitcast3A_775 = vector.bitcast %get3A_771 : vector<16xi32> to vector<32xbf16>
        %bitcast3A_776 = vector.bitcast %get3A_774 : vector<16xi32> to vector<32xbf16>
        %mul3A_777 = arith.mulf %bitcast3A_775, %bitcast3A_776 : vector<32xbf16>
        %unpack3A_778 = tpu.unpack_subelements %mul3A_777, 0 {pack_format = #tpu.pack_format<interleaved>} : vector<32xbf16> -> vector<16xf32>
        %unpack3A_779 = tpu.unpack_subelements %mul3A_777, 1 {pack_format = #tpu.pack_format<interleaved>} : vector<32xbf16> -> vector<16xf32>
        %add3A_780 = arith.addf %unpack3A_778, %unpack3A_779 : vector<16xf32>
        %add3A_781 = arith.addf %add3A_768, %add3A_780 : vector<16xf32>
        %swap3A_782 = arith.constant 9 : i32
        %swap3A_783 = arith.index_cast %swap3A_782 : i32 to index
        %swap3A_784 = arith.constant 0 : index
        %swap3A_785 = tpu.vector_load %arg13[%swap3A_783, %swap3A_784] {strides = array<i32>} : memref<16x16xf32, #tpu.memory_space<vmem>>, vector<16xf32>,
        tpu.vector_store %arg13[%swap3A_783, %swap3A_784], %add3A_781 {strides = array<i32>} : memref<16x16xf32, #tpu.memory_space<vmem>>, vector<16xf32>,
        %mul3A_786 = arith.constant 16 : i32
        %mul3A_787 = arith.muli %scan3A_169, %mul3A_786 : i32
        %add3A_788 = arith.constant 10 : i32
        %add3A_789 = arith.addi %mul3A_787, %add3A_788 : i32
        %broadcast_in_dim3A_790 = arith.constant 0.000000e+00 : f32
        %broadcast_in_dim3A_791 = vector.broadcast %broadcast_in_dim3A_790 : f32 to vector<16xf32>
        %get3A_792 = arith.index_cast %add3A_789 : i32 to index
        %get3A_793 = arith.constant 0 : index
        %get3A_794 = tpu.vector_load %arg8[%get3A_792, %get3A_793] {strides = array<i32>} : memref<64x128xi32, #tpu.memory_space<vmem>>, vector<16xi32>,
        %get3A_795 = arith.index_cast %add3A_789 : i32 to index
        %get3A_796 = arith.constant 0 : index
        %get3A_797 = tpu.vector_load %arg10[%get3A_795, %get3A_796] {strides = array<i32>} : memref<64x128xi32, #tpu.memory_space<vmem>>, vector<16xi32>,
        %bitcast3A_798 = vector.bitcast %get3A_794 : vector<16xi32> to vector<32xbf16>
        %bitcast3A_799 = vector.bitcast %get3A_797 : vector<16xi32> to vector<32xbf16>
        %mul3A_800 = arith.mulf %bitcast3A_798, %bitcast3A_799 : vector<32xbf16>
        %unpack3A_801 = tpu.unpack_subelements %mul3A_800, 0 {pack_format = #tpu.pack_format<interleaved>} : vector<32xbf16> -> vector<16xf32>
        %unpack3A_802 = tpu.unpack_subelements %mul3A_800, 1 {pack_format = #tpu.pack_format<interleaved>} : vector<32xbf16> -> vector<16xf32>
        %add3A_803 = arith.addf %unpack3A_801, %unpack3A_802 : vector<16xf32>
        %add3A_804 = arith.addf %broadcast_in_dim3A_791, %add3A_803 : vector<16xf32>
        %get3A_805 = arith.index_cast %add3A_789 : i32 to index
        %get3A_806 = arith.constant 16 : index
        %get3A_807 = tpu.vector_load %arg8[%get3A_805, %get3A_806] {strides = array<i32>} : memref<64x128xi32, #tpu.memory_space<vmem>>, vector<16xi32>,
        %get3A_808 = arith.index_cast %add3A_789 : i32 to index
        %get3A_809 = arith.constant 16 : index
        %get3A_810 = tpu.vector_load %arg10[%get3A_808, %get3A_809] {strides = array<i32>} : memref<64x128xi32, #tpu.memory_space<vmem>>, vector<16xi32>,
        %bitcast3A_811 = vector.bitcast %get3A_807 : vector<16xi32> to vector<32xbf16>
        %bitcast3A_812 = vector.bitcast %get3A_810 : vector<16xi32> to vector<32xbf16>
        %mul3A_813 = arith.mulf %bitcast3A_811, %bitcast3A_812 : vector<32xbf16>
        %unpack3A_814 = tpu.unpack_subelements %mul3A_813, 0 {pack_format = #tpu.pack_format<interleaved>} : vector<32xbf16> -> vector<16xf32>
        %unpack3A_815 = tpu.unpack_subelements %mul3A_813, 1 {pack_format = #tpu.pack_format<interleaved>} : vector<32xbf16> -> vector<16xf32>
        %add3A_816 = arith.addf %unpack3A_814, %unpack3A_815 : vector<16xf32>
        %add3A_817 = arith.addf %add3A_804, %add3A_816 : vector<16xf32>
        %get3A_818 = arith.index_cast %add3A_789 : i32 to index
        %get3A_819 = arith.constant 32 : index
        %get3A_820 = tpu.vector_load %arg8[%get3A_818, %get3A_819] {strides = array<i32>} : memref<64x128xi32, #tpu.memory_space<vmem>>, vector<16xi32>,
        %get3A_821 = arith.index_cast %add3A_789 : i32 to index
        %get3A_822 = arith.constant 32 : index
        %get3A_823 = tpu.vector_load %arg10[%get3A_821, %get3A_822] {strides = array<i32>} : memref<64x128xi32, #tpu.memory_space<vmem>>, vector<16xi32>,
        %bitcast3A_824 = vector.bitcast %get3A_820 : vector<16xi32> to vector<32xbf16>
        %bitcast3A_825 = vector.bitcast %get3A_823 : vector<16xi32> to vector<32xbf16>
        %mul3A_826 = arith.mulf %bitcast3A_824, %bitcast3A_825 : vector<32xbf16>
        %unpack3A_827 = tpu.unpack_subelements %mul3A_826, 0 {pack_format = #tpu.pack_format<interleaved>} : vector<32xbf16> -> vector<16xf32>
        %unpack3A_828 = tpu.unpack_subelements %mul3A_826, 1 {pack_format = #tpu.pack_format<interleaved>} : vector<32xbf16> -> vector<16xf32>
        %add3A_829 = arith.addf %unpack3A_827, %unpack3A_828 : vector<16xf32>
        %add3A_830 = arith.addf %add3A_817, %add3A_829 : vector<16xf32>
        %get3A_831 = arith.index_cast %add3A_789 : i32 to index
        %get3A_832 = arith.constant 48 : index
        %get3A_833 = tpu.vector_load %arg8[%get3A_831, %get3A_832] {strides = array<i32>} : memref<64x128xi32, #tpu.memory_space<vmem>>, vector<16xi32>,
        %get3A_834 = arith.index_cast %add3A_789 : i32 to index
        %get3A_835 = arith.constant 48 : index
        %get3A_836 = tpu.vector_load %arg10[%get3A_834, %get3A_835] {strides = array<i32>} : memref<64x128xi32, #tpu.memory_space<vmem>>, vector<16xi32>,
        %bitcast3A_837 = vector.bitcast %get3A_833 : vector<16xi32> to vector<32xbf16>
        %bitcast3A_838 = vector.bitcast %get3A_836 : vector<16xi32> to vector<32xbf16>
        %mul3A_839 = arith.mulf %bitcast3A_837, %bitcast3A_838 : vector<32xbf16>
        %unpack3A_840 = tpu.unpack_subelements %mul3A_839, 0 {pack_format = #tpu.pack_format<interleaved>} : vector<32xbf16> -> vector<16xf32>
        %unpack3A_841 = tpu.unpack_subelements %mul3A_839, 1 {pack_format = #tpu.pack_format<interleaved>} : vector<32xbf16> -> vector<16xf32>
        %add3A_842 = arith.addf %unpack3A_840, %unpack3A_841 : vector<16xf32>
        %add3A_843 = arith.addf %add3A_830, %add3A_842 : vector<16xf32>
        %swap3A_844 = arith.constant 10 : i32
        %swap3A_845 = arith.index_cast %swap3A_844 : i32 to index
        %swap3A_846 = arith.constant 0 : index
        %swap3A_847 = tpu.vector_load %arg13[%swap3A_845, %swap3A_846] {strides = array<i32>} : memref<16x16xf32, #tpu.memory_space<vmem>>, vector<16xf32>,
        tpu.vector_store %arg13[%swap3A_845, %swap3A_846], %add3A_843 {strides = array<i32>} : memref<16x16xf32, #tpu.memory_space<vmem>>, vector<16xf32>,
        %mul3A_848 = arith.constant 16 : i32
        %mul3A_849 = arith.muli %scan3A_169, %mul3A_848 : i32
        %add3A_850 = arith.constant 11 : i32
        %add3A_851 = arith.addi %mul3A_849, %add3A_850 : i32
        %broadcast_in_dim3A_852 = arith.constant 0.000000e+00 : f32
        %broadcast_in_dim3A_853 = vector.broadcast %broadcast_in_dim3A_852 : f32 to vector<16xf32>
        %get3A_854 = arith.index_cast %add3A_851 : i32 to index
        %get3A_855 = arith.constant 0 : index
        %get3A_856 = tpu.vector_load %arg8[%get3A_854, %get3A_855] {strides = array<i32>} : memref<64x128xi32, #tpu.memory_space<vmem>>, vector<16xi32>,
        %get3A_857 = arith.index_cast %add3A_851 : i32 to index
        %get3A_858 = arith.constant 0 : index
        %get3A_859 = tpu.vector_load %arg10[%get3A_857, %get3A_858] {strides = array<i32>} : memref<64x128xi32, #tpu.memory_space<vmem>>, vector<16xi32>,
        %bitcast3A_860 = vector.bitcast %get3A_856 : vector<16xi32> to vector<32xbf16>
        %bitcast3A_861 = vector.bitcast %get3A_859 : vector<16xi32> to vector<32xbf16>
        %mul3A_862 = arith.mulf %bitcast3A_860, %bitcast3A_861 : vector<32xbf16>
        %unpack3A_863 = tpu.unpack_subelements %mul3A_862, 0 {pack_format = #tpu.pack_format<interleaved>} : vector<32xbf16> -> vector<16xf32>
        %unpack3A_864 = tpu.unpack_subelements %mul3A_862, 1 {pack_format = #tpu.pack_format<interleaved>} : vector<32xbf16> -> vector<16xf32>
        %add3A_865 = arith.addf %unpack3A_863, %unpack3A_864 : vector<16xf32>
        %add3A_866 = arith.addf %broadcast_in_dim3A_853, %add3A_865 : vector<16xf32>
        %get3A_867 = arith.index_cast %add3A_851 : i32 to index
        %get3A_868 = arith.constant 16 : index
        %get3A_869 = tpu.vector_load %arg8[%get3A_867, %get3A_868] {strides = array<i32>} : memref<64x128xi32, #tpu.memory_space<vmem>>, vector<16xi32>,
        %get3A_870 = arith.index_cast %add3A_851 : i32 to index
        %get3A_871 = arith.constant 16 : index
        %get3A_872 = tpu.vector_load %arg10[%get3A_870, %get3A_871] {strides = array<i32>} : memref<64x128xi32, #tpu.memory_space<vmem>>, vector<16xi32>,
        %bitcast3A_873 = vector.bitcast %get3A_869 : vector<16xi32> to vector<32xbf16>
        %bitcast3A_874 = vector.bitcast %get3A_872 : vector<16xi32> to vector<32xbf16>
        %mul3A_875 = arith.mulf %bitcast3A_873, %bitcast3A_874 : vector<32xbf16>
        %unpack3A_876 = tpu.unpack_subelements %mul3A_875, 0 {pack_format = #tpu.pack_format<interleaved>} : vector<32xbf16> -> vector<16xf32>
        %unpack3A_877 = tpu.unpack_subelements %mul3A_875, 1 {pack_format = #tpu.pack_format<interleaved>} : vector<32xbf16> -> vector<16xf32>
        %add3A_878 = arith.addf %unpack3A_876, %unpack3A_877 : vector<16xf32>
        %add3A_879 = arith.addf %add3A_866, %add3A_878 : vector<16xf32>
        %get3A_880 = arith.index_cast %add3A_851 : i32 to index
        %get3A_881 = arith.constant 32 : index
        %get3A_882 = tpu.vector_load %arg8[%get3A_880, %get3A_881] {strides = array<i32>} : memref<64x128xi32, #tpu.memory_space<vmem>>, vector<16xi32>,
        %get3A_883 = arith.index_cast %add3A_851 : i32 to index
        %get3A_884 = arith.constant 32 : index
        %get3A_885 = tpu.vector_load %arg10[%get3A_883, %get3A_884] {strides = array<i32>} : memref<64x128xi32, #tpu.memory_space<vmem>>, vector<16xi32>,
        %bitcast3A_886 = vector.bitcast %get3A_882 : vector<16xi32> to vector<32xbf16>
        %bitcast3A_887 = vector.bitcast %get3A_885 : vector<16xi32> to vector<32xbf16>
        %mul3A_888 = arith.mulf %bitcast3A_886, %bitcast3A_887 : vector<32xbf16>
        %unpack3A_889 = tpu.unpack_subelements %mul3A_888, 0 {pack_format = #tpu.pack_format<interleaved>} : vector<32xbf16> -> vector<16xf32>
        %unpack3A_890 = tpu.unpack_subelements %mul3A_888, 1 {pack_format = #tpu.pack_format<interleaved>} : vector<32xbf16> -> vector<16xf32>
        %add3A_891 = arith.addf %unpack3A_889, %unpack3A_890 : vector<16xf32>
        %add3A_892 = arith.addf %add3A_879, %add3A_891 : vector<16xf32>
        %get3A_893 = arith.index_cast %add3A_851 : i32 to index
        %get3A_894 = arith.constant 48 : index
        %get3A_895 = tpu.vector_load %arg8[%get3A_893, %get3A_894] {strides = array<i32>} : memref<64x128xi32, #tpu.memory_space<vmem>>, vector<16xi32>,
        %get3A_896 = arith.index_cast %add3A_851 : i32 to index
        %get3A_897 = arith.constant 48 : index
        %get3A_898 = tpu.vector_load %arg10[%get3A_896, %get3A_897] {strides = array<i32>} : memref<64x128xi32, #tpu.memory_space<vmem>>, vector<16xi32>,
        %bitcast3A_899 = vector.bitcast %get3A_895 : vector<16xi32> to vector<32xbf16>
        %bitcast3A_900 = vector.bitcast %get3A_898 : vector<16xi32> to vector<32xbf16>
        %mul3A_901 = arith.mulf %bitcast3A_899, %bitcast3A_900 : vector<32xbf16>
        %unpack3A_902 = tpu.unpack_subelements %mul3A_901, 0 {pack_format = #tpu.pack_format<interleaved>} : vector<32xbf16> -> vector<16xf32>
        %unpack3A_903 = tpu.unpack_subelements %mul3A_901, 1 {pack_format = #tpu.pack_format<interleaved>} : vector<32xbf16> -> vector<16xf32>
        %add3A_904 = arith.addf %unpack3A_902, %unpack3A_903 : vector<16xf32>
        %add3A_905 = arith.addf %add3A_892, %add3A_904 : vector<16xf32>
        %swap3A_906 = arith.constant 11 : i32
        %swap3A_907 = arith.index_cast %swap3A_906 : i32 to index
        %swap3A_908 = arith.constant 0 : index
        %swap3A_909 = tpu.vector_load %arg13[%swap3A_907, %swap3A_908] {strides = array<i32>} : memref<16x16xf32, #tpu.memory_space<vmem>>, vector<16xf32>,
        tpu.vector_store %arg13[%swap3A_907, %swap3A_908], %add3A_905 {strides = array<i32>} : memref<16x16xf32, #tpu.memory_space<vmem>>, vector<16xf32>,
        %mul3A_910 = arith.constant 16 : i32
        %mul3A_911 = arith.muli %scan3A_169, %mul3A_910 : i32
        %add3A_912 = arith.constant 12 : i32
        %add3A_913 = arith.addi %mul3A_911, %add3A_912 : i32
        %broadcast_in_dim3A_914 = arith.constant 0.000000e+00 : f32
        %broadcast_in_dim3A_915 = vector.broadcast %broadcast_in_dim3A_914 : f32 to vector<16xf32>
        %get3A_916 = arith.index_cast %add3A_913 : i32 to index
        %get3A_917 = arith.constant 0 : index
        %get3A_918 = tpu.vector_load %arg8[%get3A_916, %get3A_917] {strides = array<i32>} : memref<64x128xi32, #tpu.memory_space<vmem>>, vector<16xi32>,
        %get3A_919 = arith.index_cast %add3A_913 : i32 to index
        %get3A_920 = arith.constant 0 : index
        %get3A_921 = tpu.vector_load %arg10[%get3A_919, %get3A_920] {strides = array<i32>} : memref<64x128xi32, #tpu.memory_space<vmem>>, vector<16xi32>,
        %bitcast3A_922 = vector.bitcast %get3A_918 : vector<16xi32> to vector<32xbf16>
        %bitcast3A_923 = vector.bitcast %get3A_921 : vector<16xi32> to vector<32xbf16>
        %mul3A_924 = arith.mulf %bitcast3A_922, %bitcast3A_923 : vector<32xbf16>
        %unpack3A_925 = tpu.unpack_subelements %mul3A_924, 0 {pack_format = #tpu.pack_format<interleaved>} : vector<32xbf16> -> vector<16xf32>
        %unpack3A_926 = tpu.unpack_subelements %mul3A_924, 1 {pack_format = #tpu.pack_format<interleaved>} : vector<32xbf16> -> vector<16xf32>
        %add3A_927 = arith.addf %unpack3A_925, %unpack3A_926 : vector<16xf32>
        %add3A_928 = arith.addf %broadcast_in_dim3A_915, %add3A_927 : vector<16xf32>
        %get3A_929 = arith.index_cast %add3A_913 : i32 to index
        %get3A_930 = arith.constant 16 : index
        %get3A_931 = tpu.vector_load %arg8[%get3A_929, %get3A_930] {strides = array<i32>} : memref<64x128xi32, #tpu.memory_space<vmem>>, vector<16xi32>,
        %get3A_932 = arith.index_cast %add3A_913 : i32 to index
        %get3A_933 = arith.constant 16 : index
        %get3A_934 = tpu.vector_load %arg10[%get3A_932, %get3A_933] {strides = array<i32>} : memref<64x128xi32, #tpu.memory_space<vmem>>, vector<16xi32>,
        %bitcast3A_935 = vector.bitcast %get3A_931 : vector<16xi32> to vector<32xbf16>
        %bitcast3A_936 = vector.bitcast %get3A_934 : vector<16xi32> to vector<32xbf16>
        %mul3A_937 = arith.mulf %bitcast3A_935, %bitcast3A_936 : vector<32xbf16>
        %unpack3A_938 = tpu.unpack_subelements %mul3A_937, 0 {pack_format = #tpu.pack_format<interleaved>} : vector<32xbf16> -> vector<16xf32>
        %unpack3A_939 = tpu.unpack_subelements %mul3A_937, 1 {pack_format = #tpu.pack_format<interleaved>} : vector<32xbf16> -> vector<16xf32>
        %add3A_940 = arith.addf %unpack3A_938, %unpack3A_939 : vector<16xf32>
        %add3A_941 = arith.addf %add3A_928, %add3A_940 : vector<16xf32>
        %get3A_942 = arith.index_cast %add3A_913 : i32 to index
        %get3A_943 = arith.constant 32 : index
        %get3A_944 = tpu.vector_load %arg8[%get3A_942, %get3A_943] {strides = array<i32>} : memref<64x128xi32, #tpu.memory_space<vmem>>, vector<16xi32>,
        %get3A_945 = arith.index_cast %add3A_913 : i32 to index
        %get3A_946 = arith.constant 32 : index
        %get3A_947 = tpu.vector_load %arg10[%get3A_945, %get3A_946] {strides = array<i32>} : memref<64x128xi32, #tpu.memory_space<vmem>>, vector<16xi32>,
        %bitcast3A_948 = vector.bitcast %get3A_944 : vector<16xi32> to vector<32xbf16>
        %bitcast3A_949 = vector.bitcast %get3A_947 : vector<16xi32> to vector<32xbf16>
        %mul3A_950 = arith.mulf %bitcast3A_948, %bitcast3A_949 : vector<32xbf16>
        %unpack3A_951 = tpu.unpack_subelements %mul3A_950, 0 {pack_format = #tpu.pack_format<interleaved>} : vector<32xbf16> -> vector<16xf32>
        %unpack3A_952 = tpu.unpack_subelements %mul3A_950, 1 {pack_format = #tpu.pack_format<interleaved>} : vector<32xbf16> -> vector<16xf32>
        %add3A_953 = arith.addf %unpack3A_951, %unpack3A_952 : vector<16xf32>
        %add3A_954 = arith.addf %add3A_941, %add3A_953 : vector<16xf32>
        %get3A_955 = arith.index_cast %add3A_913 : i32 to index
        %get3A_956 = arith.constant 48 : index
        %get3A_957 = tpu.vector_load %arg8[%get3A_955, %get3A_956] {strides = array<i32>} : memref<64x128xi32, #tpu.memory_space<vmem>>, vector<16xi32>,
        %get3A_958 = arith.index_cast %add3A_913 : i32 to index
        %get3A_959 = arith.constant 48 : index
        %get3A_960 = tpu.vector_load %arg10[%get3A_958, %get3A_959] {strides = array<i32>} : memref<64x128xi32, #tpu.memory_space<vmem>>, vector<16xi32>,
        %bitcast3A_961 = vector.bitcast %get3A_957 : vector<16xi32> to vector<32xbf16>
        %bitcast3A_962 = vector.bitcast %get3A_960 : vector<16xi32> to vector<32xbf16>
        %mul3A_963 = arith.mulf %bitcast3A_961, %bitcast3A_962 : vector<32xbf16>
        %unpack3A_964 = tpu.unpack_subelements %mul3A_963, 0 {pack_format = #tpu.pack_format<interleaved>} : vector<32xbf16> -> vector<16xf32>
        %unpack3A_965 = tpu.unpack_subelements %mul3A_963, 1 {pack_format = #tpu.pack_format<interleaved>} : vector<32xbf16> -> vector<16xf32>
        %add3A_966 = arith.addf %unpack3A_964, %unpack3A_965 : vector<16xf32>
        %add3A_967 = arith.addf %add3A_954, %add3A_966 : vector<16xf32>
        %swap3A_968 = arith.constant 12 : i32
        %swap3A_969 = arith.index_cast %swap3A_968 : i32 to index
        %swap3A_970 = arith.constant 0 : index
        %swap3A_971 = tpu.vector_load %arg13[%swap3A_969, %swap3A_970] {strides = array<i32>} : memref<16x16xf32, #tpu.memory_space<vmem>>, vector<16xf32>,
        tpu.vector_store %arg13[%swap3A_969, %swap3A_970], %add3A_967 {strides = array<i32>} : memref<16x16xf32, #tpu.memory_space<vmem>>, vector<16xf32>,
        %mul3A_972 = arith.constant 16 : i32
        %mul3A_973 = arith.muli %scan3A_169, %mul3A_972 : i32
        %add3A_974 = arith.constant 13 : i32
        %add3A_975 = arith.addi %mul3A_973, %add3A_974 : i32
        %broadcast_in_dim3A_976 = arith.constant 0.000000e+00 : f32
        %broadcast_in_dim3A_977 = vector.broadcast %broadcast_in_dim3A_976 : f32 to vector<16xf32>
        %get3A_978 = arith.index_cast %add3A_975 : i32 to index
        %get3A_979 = arith.constant 0 : index
        %get3A_980 = tpu.vector_load %arg8[%get3A_978, %get3A_979] {strides = array<i32>} : memref<64x128xi32, #tpu.memory_space<vmem>>, vector<16xi32>,
        %get3A_981 = arith.index_cast %add3A_975 : i32 to index
        %get3A_982 = arith.constant 0 : index
        %get3A_983 = tpu.vector_load %arg10[%get3A_981, %get3A_982] {strides = array<i32>} : memref<64x128xi32, #tpu.memory_space<vmem>>, vector<16xi32>,
        %bitcast3A_984 = vector.bitcast %get3A_980 : vector<16xi32> to vector<32xbf16>
        %bitcast3A_985 = vector.bitcast %get3A_983 : vector<16xi32> to vector<32xbf16>
        %mul3A_986 = arith.mulf %bitcast3A_984, %bitcast3A_985 : vector<32xbf16>
        %unpack3A_987 = tpu.unpack_subelements %mul3A_986, 0 {pack_format = #tpu.pack_format<interleaved>} : vector<32xbf16> -> vector<16xf32>
        %unpack3A_988 = tpu.unpack_subelements %mul3A_986, 1 {pack_format = #tpu.pack_format<interleaved>} : vector<32xbf16> -> vector<16xf32>
        %add3A_989 = arith.addf %unpack3A_987, %unpack3A_988 : vector<16xf32>
        %add3A_990 = arith.addf %broadcast_in_dim3A_977, %add3A_989 : vector<16xf32>
        %get3A_991 = arith.index_cast %add3A_975 : i32 to index
        %get3A_992 = arith.constant 16 : index
        %get3A_993 = tpu.vector_load %arg8[%get3A_991, %get3A_992] {strides = array<i32>} : memref<64x128xi32, #tpu.memory_space<vmem>>, vector<16xi32>,
        %get3A_994 = arith.index_cast %add3A_975 : i32 to index
        %get3A_995 = arith.constant 16 : index
        %get3A_996 = tpu.vector_load %arg10[%get3A_994, %get3A_995] {strides = array<i32>} : memref<64x128xi32, #tpu.memory_space<vmem>>, vector<16xi32>,
        %bitcast3A_997 = vector.bitcast %get3A_993 : vector<16xi32> to vector<32xbf16>
        %bitcast3A_998 = vector.bitcast %get3A_996 : vector<16xi32> to vector<32xbf16>
        %mul3A_999 = arith.mulf %bitcast3A_997, %bitcast3A_998 : vector<32xbf16>
        %unpack3A_1000 = tpu.unpack_subelements %mul3A_999, 0 {pack_format = #tpu.pack_format<interleaved>} : vector<32xbf16> -> vector<16xf32>
        %unpack3A_1001 = tpu.unpack_subelements %mul3A_999, 1 {pack_format = #tpu.pack_format<interleaved>} : vector<32xbf16> -> vector<16xf32>
        %add3A_1002 = arith.addf %unpack3A_1000, %unpack3A_1001 : vector<16xf32>
        %add3A_1003 = arith.addf %add3A_990, %add3A_1002 : vector<16xf32>
        %get3A_1004 = arith.index_cast %add3A_975 : i32 to index
        %get3A_1005 = arith.constant 32 : index
        %get3A_1006 = tpu.vector_load %arg8[%get3A_1004, %get3A_1005] {strides = array<i32>} : memref<64x128xi32, #tpu.memory_space<vmem>>, vector<16xi32>,
        %get3A_1007 = arith.index_cast %add3A_975 : i32 to index
        %get3A_1008 = arith.constant 32 : index
        %get3A_1009 = tpu.vector_load %arg10[%get3A_1007, %get3A_1008] {strides = array<i32>} : memref<64x128xi32, #tpu.memory_space<vmem>>, vector<16xi32>,
        %bitcast3A_1010 = vector.bitcast %get3A_1006 : vector<16xi32> to vector<32xbf16>
        %bitcast3A_1011 = vector.bitcast %get3A_1009 : vector<16xi32> to vector<32xbf16>
        %mul3A_1012 = arith.mulf %bitcast3A_1010, %bitcast3A_1011 : vector<32xbf16>
        %unpack3A_1013 = tpu.unpack_subelements %mul3A_1012, 0 {pack_format = #tpu.pack_format<interleaved>} : vector<32xbf16> -> vector<16xf32>
        %unpack3A_1014 = tpu.unpack_subelements %mul3A_1012, 1 {pack_format = #tpu.pack_format<interleaved>} : vector<32xbf16> -> vector<16xf32>
        %add3A_1015 = arith.addf %unpack3A_1013, %unpack3A_1014 : vector<16xf32>
        %add3A_1016 = arith.addf %add3A_1003, %add3A_1015 : vector<16xf32>
        %get3A_1017 = arith.index_cast %add3A_975 : i32 to index
        %get3A_1018 = arith.constant 48 : index
        %get3A_1019 = tpu.vector_load %arg8[%get3A_1017, %get3A_1018] {strides = array<i32>} : memref<64x128xi32, #tpu.memory_space<vmem>>, vector<16xi32>,
        %get3A_1020 = arith.index_cast %add3A_975 : i32 to index
        %get3A_1021 = arith.constant 48 : index
        %get3A_1022 = tpu.vector_load %arg10[%get3A_1020, %get3A_1021] {strides = array<i32>} : memref<64x128xi32, #tpu.memory_space<vmem>>, vector<16xi32>,
        %bitcast3A_1023 = vector.bitcast %get3A_1019 : vector<16xi32> to vector<32xbf16>
        %bitcast3A_1024 = vector.bitcast %get3A_1022 : vector<16xi32> to vector<32xbf16>
        %mul3A_1025 = arith.mulf %bitcast3A_1023, %bitcast3A_1024 : vector<32xbf16>
        %unpack3A_1026 = tpu.unpack_subelements %mul3A_1025, 0 {pack_format = #tpu.pack_format<interleaved>} : vector<32xbf16> -> vector<16xf32>
        %unpack3A_1027 = tpu.unpack_subelements %mul3A_1025, 1 {pack_format = #tpu.pack_format<interleaved>} : vector<32xbf16> -> vector<16xf32>
        %add3A_1028 = arith.addf %unpack3A_1026, %unpack3A_1027 : vector<16xf32>
        %add3A_1029 = arith.addf %add3A_1016, %add3A_1028 : vector<16xf32>
        %swap3A_1030 = arith.constant 13 : i32
        %swap3A_1031 = arith.index_cast %swap3A_1030 : i32 to index
        %swap3A_1032 = arith.constant 0 : index
        %swap3A_1033 = tpu.vector_load %arg13[%swap3A_1031, %swap3A_1032] {strides = array<i32>} : memref<16x16xf32, #tpu.memory_space<vmem>>, vector<16xf32>,
        tpu.vector_store %arg13[%swap3A_1031, %swap3A_1032], %add3A_1029 {strides = array<i32>} : memref<16x16xf32, #tpu.memory_space<vmem>>, vector<16xf32>,
        %mul3A_1034 = arith.constant 16 : i32
        %mul3A_1035 = arith.muli %scan3A_169, %mul3A_1034 : i32
        %add3A_1036 = arith.constant 14 : i32
        %add3A_1037 = arith.addi %mul3A_1035, %add3A_1036 : i32
        %broadcast_in_dim3A_1038 = arith.constant 0.000000e+00 : f32
        %broadcast_in_dim3A_1039 = vector.broadcast %broadcast_in_dim3A_1038 : f32 to vector<16xf32>
        %get3A_1040 = arith.index_cast %add3A_1037 : i32 to index
        %get3A_1041 = arith.constant 0 : index
        %get3A_1042 = tpu.vector_load %arg8[%get3A_1040, %get3A_1041] {strides = array<i32>} : memref<64x128xi32, #tpu.memory_space<vmem>>, vector<16xi32>,
        %get3A_1043 = arith.index_cast %add3A_1037 : i32 to index
        %get3A_1044 = arith.constant 0 : index
        %get3A_1045 = tpu.vector_load %arg10[%get3A_1043, %get3A_1044] {strides = array<i32>} : memref<64x128xi32, #tpu.memory_space<vmem>>, vector<16xi32>,
        %bitcast3A_1046 = vector.bitcast %get3A_1042 : vector<16xi32> to vector<32xbf16>
        %bitcast3A_1047 = vector.bitcast %get3A_1045 : vector<16xi32> to vector<32xbf16>
        %mul3A_1048 = arith.mulf %bitcast3A_1046, %bitcast3A_1047 : vector<32xbf16>
        %unpack3A_1049 = tpu.unpack_subelements %mul3A_1048, 0 {pack_format = #tpu.pack_format<interleaved>} : vector<32xbf16> -> vector<16xf32>
        %unpack3A_1050 = tpu.unpack_subelements %mul3A_1048, 1 {pack_format = #tpu.pack_format<interleaved>} : vector<32xbf16> -> vector<16xf32>
        %add3A_1051 = arith.addf %unpack3A_1049, %unpack3A_1050 : vector<16xf32>
        %add3A_1052 = arith.addf %broadcast_in_dim3A_1039, %add3A_1051 : vector<16xf32>
        %get3A_1053 = arith.index_cast %add3A_1037 : i32 to index
        %get3A_1054 = arith.constant 16 : index
        %get3A_1055 = tpu.vector_load %arg8[%get3A_1053, %get3A_1054] {strides = array<i32>} : memref<64x128xi32, #tpu.memory_space<vmem>>, vector<16xi32>,
        %get3A_1056 = arith.index_cast %add3A_1037 : i32 to index
        %get3A_1057 = arith.constant 16 : index
        %get3A_1058 = tpu.vector_load %arg10[%get3A_1056, %get3A_1057] {strides = array<i32>} : memref<64x128xi32, #tpu.memory_space<vmem>>, vector<16xi32>,
        %bitcast3A_1059 = vector.bitcast %get3A_1055 : vector<16xi32> to vector<32xbf16>
        %bitcast3A_1060 = vector.bitcast %get3A_1058 : vector<16xi32> to vector<32xbf16>
        %mul3A_1061 = arith.mulf %bitcast3A_1059, %bitcast3A_1060 : vector<32xbf16>
        %unpack3A_1062 = tpu.unpack_subelements %mul3A_1061, 0 {pack_format = #tpu.pack_format<interleaved>} : vector<32xbf16> -> vector<16xf32>
        %unpack3A_1063 = tpu.unpack_subelements %mul3A_1061, 1 {pack_format = #tpu.pack_format<interleaved>} : vector<32xbf16> -> vector<16xf32>
        %add3A_1064 = arith.addf %unpack3A_1062, %unpack3A_1063 : vector<16xf32>
        %add3A_1065 = arith.addf %add3A_1052, %add3A_1064 : vector<16xf32>
        %get3A_1066 = arith.index_cast %add3A_1037 : i32 to index
        %get3A_1067 = arith.constant 32 : index
        %get3A_1068 = tpu.vector_load %arg8[%get3A_1066, %get3A_1067] {strides = array<i32>} : memref<64x128xi32, #tpu.memory_space<vmem>>, vector<16xi32>,
        %get3A_1069 = arith.index_cast %add3A_1037 : i32 to index
        %get3A_1070 = arith.constant 32 : index
        %get3A_1071 = tpu.vector_load %arg10[%get3A_1069, %get3A_1070] {strides = array<i32>} : memref<64x128xi32, #tpu.memory_space<vmem>>, vector<16xi32>,
        %bitcast3A_1072 = vector.bitcast %get3A_1068 : vector<16xi32> to vector<32xbf16>
        %bitcast3A_1073 = vector.bitcast %get3A_1071 : vector<16xi32> to vector<32xbf16>
        %mul3A_1074 = arith.mulf %bitcast3A_1072, %bitcast3A_1073 : vector<32xbf16>
        %unpack3A_1075 = tpu.unpack_subelements %mul3A_1074, 0 {pack_format = #tpu.pack_format<interleaved>} : vector<32xbf16> -> vector<16xf32>
        %unpack3A_1076 = tpu.unpack_subelements %mul3A_1074, 1 {pack_format = #tpu.pack_format<interleaved>} : vector<32xbf16> -> vector<16xf32>
        %add3A_1077 = arith.addf %unpack3A_1075, %unpack3A_1076 : vector<16xf32>
        %add3A_1078 = arith.addf %add3A_1065, %add3A_1077 : vector<16xf32>
        %get3A_1079 = arith.index_cast %add3A_1037 : i32 to index
        %get3A_1080 = arith.constant 48 : index
        %get3A_1081 = tpu.vector_load %arg8[%get3A_1079, %get3A_1080] {strides = array<i32>} : memref<64x128xi32, #tpu.memory_space<vmem>>, vector<16xi32>,
        %get3A_1082 = arith.index_cast %add3A_1037 : i32 to index
        %get3A_1083 = arith.constant 48 : index
        %get3A_1084 = tpu.vector_load %arg10[%get3A_1082, %get3A_1083] {strides = array<i32>} : memref<64x128xi32, #tpu.memory_space<vmem>>, vector<16xi32>,
        %bitcast3A_1085 = vector.bitcast %get3A_1081 : vector<16xi32> to vector<32xbf16>
        %bitcast3A_1086 = vector.bitcast %get3A_1084 : vector<16xi32> to vector<32xbf16>
        %mul3A_1087 = arith.mulf %bitcast3A_1085, %bitcast3A_1086 : vector<32xbf16>
        %unpack3A_1088 = tpu.unpack_subelements %mul3A_1087, 0 {pack_format = #tpu.pack_format<interleaved>} : vector<32xbf16> -> vector<16xf32>
        %unpack3A_1089 = tpu.unpack_subelements %mul3A_1087, 1 {pack_format = #tpu.pack_format<interleaved>} : vector<32xbf16> -> vector<16xf32>
        %add3A_1090 = arith.addf %unpack3A_1088, %unpack3A_1089 : vector<16xf32>
        %add3A_1091 = arith.addf %add3A_1078, %add3A_1090 : vector<16xf32>
        %swap3A_1092 = arith.constant 14 : i32
        %swap3A_1093 = arith.index_cast %swap3A_1092 : i32 to index
        %swap3A_1094 = arith.constant 0 : index
        %swap3A_1095 = tpu.vector_load %arg13[%swap3A_1093, %swap3A_1094] {strides = array<i32>} : memref<16x16xf32, #tpu.memory_space<vmem>>, vector<16xf32>,
        tpu.vector_store %arg13[%swap3A_1093, %swap3A_1094], %add3A_1091 {strides = array<i32>} : memref<16x16xf32, #tpu.memory_space<vmem>>, vector<16xf32>,
        %mul3A_1096 = arith.constant 16 : i32
        %mul3A_1097 = arith.muli %scan3A_169, %mul3A_1096 : i32
        %add3A_1098 = arith.constant 15 : i32
        %add3A_1099 = arith.addi %mul3A_1097, %add3A_1098 : i32
        %broadcast_in_dim3A_1100 = arith.constant 0.000000e+00 : f32
        %broadcast_in_dim3A_1101 = vector.broadcast %broadcast_in_dim3A_1100 : f32 to vector<16xf32>
        %get3A_1102 = arith.index_cast %add3A_1099 : i32 to index
        %get3A_1103 = arith.constant 0 : index
        %get3A_1104 = tpu.vector_load %arg8[%get3A_1102, %get3A_1103] {strides = array<i32>} : memref<64x128xi32, #tpu.memory_space<vmem>>, vector<16xi32>,
        %get3A_1105 = arith.index_cast %add3A_1099 : i32 to index
        %get3A_1106 = arith.constant 0 : index
        %get3A_1107 = tpu.vector_load %arg10[%get3A_1105, %get3A_1106] {strides = array<i32>} : memref<64x128xi32, #tpu.memory_space<vmem>>, vector<16xi32>,
        %bitcast3A_1108 = vector.bitcast %get3A_1104 : vector<16xi32> to vector<32xbf16>
        %bitcast3A_1109 = vector.bitcast %get3A_1107 : vector<16xi32> to vector<32xbf16>
        %mul3A_1110 = arith.mulf %bitcast3A_1108, %bitcast3A_1109 : vector<32xbf16>
        %unpack3A_1111 = tpu.unpack_subelements %mul3A_1110, 0 {pack_format = #tpu.pack_format<interleaved>} : vector<32xbf16> -> vector<16xf32>
        %unpack3A_1112 = tpu.unpack_subelements %mul3A_1110, 1 {pack_format = #tpu.pack_format<interleaved>} : vector<32xbf16> -> vector<16xf32>
        %add3A_1113 = arith.addf %unpack3A_1111, %unpack3A_1112 : vector<16xf32>
        %add3A_1114 = arith.addf %broadcast_in_dim3A_1101, %add3A_1113 : vector<16xf32>
        %get3A_1115 = arith.index_cast %add3A_1099 : i32 to index
        %get3A_1116 = arith.constant 16 : index
        %get3A_1117 = tpu.vector_load %arg8[%get3A_1115, %get3A_1116] {strides = array<i32>} : memref<64x128xi32, #tpu.memory_space<vmem>>, vector<16xi32>,
        %get3A_1118 = arith.index_cast %add3A_1099 : i32 to index
        %get3A_1119 = arith.constant 16 : index
        %get3A_1120 = tpu.vector_load %arg10[%get3A_1118, %get3A_1119] {strides = array<i32>} : memref<64x128xi32, #tpu.memory_space<vmem>>, vector<16xi32>,
        %bitcast3A_1121 = vector.bitcast %get3A_1117 : vector<16xi32> to vector<32xbf16>
        %bitcast3A_1122 = vector.bitcast %get3A_1120 : vector<16xi32> to vector<32xbf16>
        %mul3A_1123 = arith.mulf %bitcast3A_1121, %bitcast3A_1122 : vector<32xbf16>
        %unpack3A_1124 = tpu.unpack_subelements %mul3A_1123, 0 {pack_format = #tpu.pack_format<interleaved>} : vector<32xbf16> -> vector<16xf32>
        %unpack3A_1125 = tpu.unpack_subelements %mul3A_1123, 1 {pack_format = #tpu.pack_format<interleaved>} : vector<32xbf16> -> vector<16xf32>
        %add3A_1126 = arith.addf %unpack3A_1124, %unpack3A_1125 : vector<16xf32>
        %add3A_1127 = arith.addf %add3A_1114, %add3A_1126 : vector<16xf32>
        %get3A_1128 = arith.index_cast %add3A_1099 : i32 to index
        %get3A_1129 = arith.constant 32 : index
        %get3A_1130 = tpu.vector_load %arg8[%get3A_1128, %get3A_1129] {strides = array<i32>} : memref<64x128xi32, #tpu.memory_space<vmem>>, vector<16xi32>,
        %get3A_1131 = arith.index_cast %add3A_1099 : i32 to index
        %get3A_1132 = arith.constant 32 : index
        %get3A_1133 = tpu.vector_load %arg10[%get3A_1131, %get3A_1132] {strides = array<i32>} : memref<64x128xi32, #tpu.memory_space<vmem>>, vector<16xi32>,
        %bitcast3A_1134 = vector.bitcast %get3A_1130 : vector<16xi32> to vector<32xbf16>
        %bitcast3A_1135 = vector.bitcast %get3A_1133 : vector<16xi32> to vector<32xbf16>
        %mul3A_1136 = arith.mulf %bitcast3A_1134, %bitcast3A_1135 : vector<32xbf16>
        %unpack3A_1137 = tpu.unpack_subelements %mul3A_1136, 0 {pack_format = #tpu.pack_format<interleaved>} : vector<32xbf16> -> vector<16xf32>
        %unpack3A_1138 = tpu.unpack_subelements %mul3A_1136, 1 {pack_format = #tpu.pack_format<interleaved>} : vector<32xbf16> -> vector<16xf32>
        %add3A_1139 = arith.addf %unpack3A_1137, %unpack3A_1138 : vector<16xf32>
        %add3A_1140 = arith.addf %add3A_1127, %add3A_1139 : vector<16xf32>
        %get3A_1141 = arith.index_cast %add3A_1099 : i32 to index
        %get3A_1142 = arith.constant 48 : index
        %get3A_1143 = tpu.vector_load %arg8[%get3A_1141, %get3A_1142] {strides = array<i32>} : memref<64x128xi32, #tpu.memory_space<vmem>>, vector<16xi32>,
        %get3A_1144 = arith.index_cast %add3A_1099 : i32 to index
        %get3A_1145 = arith.constant 48 : index
        %get3A_1146 = tpu.vector_load %arg10[%get3A_1144, %get3A_1145] {strides = array<i32>} : memref<64x128xi32, #tpu.memory_space<vmem>>, vector<16xi32>,
        %bitcast3A_1147 = vector.bitcast %get3A_1143 : vector<16xi32> to vector<32xbf16>
        %bitcast3A_1148 = vector.bitcast %get3A_1146 : vector<16xi32> to vector<32xbf16>
        %mul3A_1149 = arith.mulf %bitcast3A_1147, %bitcast3A_1148 : vector<32xbf16>
        %unpack3A_1150 = tpu.unpack_subelements %mul3A_1149, 0 {pack_format = #tpu.pack_format<interleaved>} : vector<32xbf16> -> vector<16xf32>
        %unpack3A_1151 = tpu.unpack_subelements %mul3A_1149, 1 {pack_format = #tpu.pack_format<interleaved>} : vector<32xbf16> -> vector<16xf32>
        %add3A_1152 = arith.addf %unpack3A_1150, %unpack3A_1151 : vector<16xf32>
        %add3A_1153 = arith.addf %add3A_1140, %add3A_1152 : vector<16xf32>
        %swap3A_1154 = arith.constant 15 : i32
        %swap3A_1155 = arith.index_cast %swap3A_1154 : i32 to index
        %swap3A_1156 = arith.constant 0 : index
        %swap3A_1157 = tpu.vector_load %arg13[%swap3A_1155, %swap3A_1156] {strides = array<i32>} : memref<16x16xf32, #tpu.memory_space<vmem>>, vector<16xf32>,
        tpu.vector_store %arg13[%swap3A_1155, %swap3A_1156], %add3A_1153 {strides = array<i32>} : memref<16x16xf32, #tpu.memory_space<vmem>>, vector<16xf32>,
        %broadcast_in_dim3A_1158 = arith.constant 0.000000e+00 : f32
        %broadcast_in_dim3A_1159 = vector.broadcast %broadcast_in_dim3A_1158 : f32 to vector<16xf32>
        %add3A_1160 = arith.constant 0 : i32
        %add3A_1161 = vector.broadcast %add3A_1160 : i32 to vector<16xi32>
        %add3A_1162 = arith.addi %iota3A, %add3A_1161 : vector<16xi32>
        %and3A = arith.constant 15 : i32
        %and3A_1163 = vector.broadcast %and3A : i32 to vector<16xi32>
        %and3A_1164 = arith.andi %add3A_1162, %and3A_1163 : vector<16xi32>
        %gather3A = tpu.vector_load_idx %arg13[%iota3A, %and3A_1164] : memref<16x16xf32, #tpu.memory_space<vmem>>[vector<16xi32>, vector<16xi32>], vector<16xf32>,
        %add3A_1165 = arith.addf %broadcast_in_dim3A_1159, %gather3A : vector<16xf32>
        %add3A_1166 = arith.constant 1 : i32
        %add3A_1167 = vector.broadcast %add3A_1166 : i32 to vector<16xi32>
        %add3A_1168 = arith.addi %iota3A, %add3A_1167 : vector<16xi32>
        %and3A_1169 = arith.constant 15 : i32
        %and3A_1170 = vector.broadcast %and3A_1169 : i32 to vector<16xi32>
        %and3A_1171 = arith.andi %add3A_1168, %and3A_1170 : vector<16xi32>
        %gather3A_1172 = tpu.vector_load_idx %arg13[%iota3A, %and3A_1171] : memref<16x16xf32, #tpu.memory_space<vmem>>[vector<16xi32>, vector<16xi32>], vector<16xf32>,
        %add3A_1173 = arith.addf %add3A_1165, %gather3A_1172 : vector<16xf32>
        %add3A_1174 = arith.constant 2 : i32
        %add3A_1175 = vector.broadcast %add3A_1174 : i32 to vector<16xi32>
        %add3A_1176 = arith.addi %iota3A, %add3A_1175 : vector<16xi32>
        %and3A_1177 = arith.constant 15 : i32
        %and3A_1178 = vector.broadcast %and3A_1177 : i32 to vector<16xi32>
        %and3A_1179 = arith.andi %add3A_1176, %and3A_1178 : vector<16xi32>
        %gather3A_1180 = tpu.vector_load_idx %arg13[%iota3A, %and3A_1179] : memref<16x16xf32, #tpu.memory_space<vmem>>[vector<16xi32>, vector<16xi32>], vector<16xf32>,
        %add3A_1181 = arith.addf %add3A_1173, %gather3A_1180 : vector<16xf32>
        %add3A_1182 = arith.constant 3 : i32
        %add3A_1183 = vector.broadcast %add3A_1182 : i32 to vector<16xi32>
        %add3A_1184 = arith.addi %iota3A, %add3A_1183 : vector<16xi32>
        %and3A_1185 = arith.constant 15 : i32
        %and3A_1186 = vector.broadcast %and3A_1185 : i32 to vector<16xi32>
        %and3A_1187 = arith.andi %add3A_1184, %and3A_1186 : vector<16xi32>
        %gather3A_1188 = tpu.vector_load_idx %arg13[%iota3A, %and3A_1187] : memref<16x16xf32, #tpu.memory_space<vmem>>[vector<16xi32>, vector<16xi32>], vector<16xf32>,
        %add3A_1189 = arith.addf %add3A_1181, %gather3A_1188 : vector<16xf32>
        %add3A_1190 = arith.constant 4 : i32
        %add3A_1191 = vector.broadcast %add3A_1190 : i32 to vector<16xi32>
        %add3A_1192 = arith.addi %iota3A, %add3A_1191 : vector<16xi32>
        %and3A_1193 = arith.constant 15 : i32
        %and3A_1194 = vector.broadcast %and3A_1193 : i32 to vector<16xi32>
        %and3A_1195 = arith.andi %add3A_1192, %and3A_1194 : vector<16xi32>
        %gather3A_1196 = tpu.vector_load_idx %arg13[%iota3A, %and3A_1195] : memref<16x16xf32, #tpu.memory_space<vmem>>[vector<16xi32>, vector<16xi32>], vector<16xf32>,
        %add3A_1197 = arith.addf %add3A_1189, %gather3A_1196 : vector<16xf32>
        %add3A_1198 = arith.constant 5 : i32
        %add3A_1199 = vector.broadcast %add3A_1198 : i32 to vector<16xi32>
        %add3A_1200 = arith.addi %iota3A, %add3A_1199 : vector<16xi32>
        %and3A_1201 = arith.constant 15 : i32
        %and3A_1202 = vector.broadcast %and3A_1201 : i32 to vector<16xi32>
        %and3A_1203 = arith.andi %add3A_1200, %and3A_1202 : vector<16xi32>
        %gather3A_1204 = tpu.vector_load_idx %arg13[%iota3A, %and3A_1203] : memref<16x16xf32, #tpu.memory_space<vmem>>[vector<16xi32>, vector<16xi32>], vector<16xf32>,
        %add3A_1205 = arith.addf %add3A_1197, %gather3A_1204 : vector<16xf32>
        %add3A_1206 = arith.constant 6 : i32
        %add3A_1207 = vector.broadcast %add3A_1206 : i32 to vector<16xi32>
        %add3A_1208 = arith.addi %iota3A, %add3A_1207 : vector<16xi32>
        %and3A_1209 = arith.constant 15 : i32
        %and3A_1210 = vector.broadcast %and3A_1209 : i32 to vector<16xi32>
        %and3A_1211 = arith.andi %add3A_1208, %and3A_1210 : vector<16xi32>
        %gather3A_1212 = tpu.vector_load_idx %arg13[%iota3A, %and3A_1211] : memref<16x16xf32, #tpu.memory_space<vmem>>[vector<16xi32>, vector<16xi32>], vector<16xf32>,
        %add3A_1213 = arith.addf %add3A_1205, %gather3A_1212 : vector<16xf32>
        %add3A_1214 = arith.constant 7 : i32
        %add3A_1215 = vector.broadcast %add3A_1214 : i32 to vector<16xi32>
        %add3A_1216 = arith.addi %iota3A, %add3A_1215 : vector<16xi32>
        %and3A_1217 = arith.constant 15 : i32
        %and3A_1218 = vector.broadcast %and3A_1217 : i32 to vector<16xi32>
        %and3A_1219 = arith.andi %add3A_1216, %and3A_1218 : vector<16xi32>
        %gather3A_1220 = tpu.vector_load_idx %arg13[%iota3A, %and3A_1219] : memref<16x16xf32, #tpu.memory_space<vmem>>[vector<16xi32>, vector<16xi32>], vector<16xf32>,
        %add3A_1221 = arith.addf %add3A_1213, %gather3A_1220 : vector<16xf32>
        %add3A_1222 = arith.constant 8 : i32
        %add3A_1223 = vector.broadcast %add3A_1222 : i32 to vector<16xi32>
        %add3A_1224 = arith.addi %iota3A, %add3A_1223 : vector<16xi32>
        %and3A_1225 = arith.constant 15 : i32
        %and3A_1226 = vector.broadcast %and3A_1225 : i32 to vector<16xi32>
        %and3A_1227 = arith.andi %add3A_1224, %and3A_1226 : vector<16xi32>
        %gather3A_1228 = tpu.vector_load_idx %arg13[%iota3A, %and3A_1227] : memref<16x16xf32, #tpu.memory_space<vmem>>[vector<16xi32>, vector<16xi32>], vector<16xf32>,
        %add3A_1229 = arith.addf %add3A_1221, %gather3A_1228 : vector<16xf32>
        %add3A_1230 = arith.constant 9 : i32
        %add3A_1231 = vector.broadcast %add3A_1230 : i32 to vector<16xi32>
        %add3A_1232 = arith.addi %iota3A, %add3A_1231 : vector<16xi32>
        %and3A_1233 = arith.constant 15 : i32
        %and3A_1234 = vector.broadcast %and3A_1233 : i32 to vector<16xi32>
        %and3A_1235 = arith.andi %add3A_1232, %and3A_1234 : vector<16xi32>
        %gather3A_1236 = tpu.vector_load_idx %arg13[%iota3A, %and3A_1235] : memref<16x16xf32, #tpu.memory_space<vmem>>[vector<16xi32>, vector<16xi32>], vector<16xf32>,
        %add3A_1237 = arith.addf %add3A_1229, %gather3A_1236 : vector<16xf32>
        %add3A_1238 = arith.constant 10 : i32
        %add3A_1239 = vector.broadcast %add3A_1238 : i32 to vector<16xi32>
        %add3A_1240 = arith.addi %iota3A, %add3A_1239 : vector<16xi32>
        %and3A_1241 = arith.constant 15 : i32
        %and3A_1242 = vector.broadcast %and3A_1241 : i32 to vector<16xi32>
        %and3A_1243 = arith.andi %add3A_1240, %and3A_1242 : vector<16xi32>
        %gather3A_1244 = tpu.vector_load_idx %arg13[%iota3A, %and3A_1243] : memref<16x16xf32, #tpu.memory_space<vmem>>[vector<16xi32>, vector<16xi32>], vector<16xf32>,
        %add3A_1245 = arith.addf %add3A_1237, %gather3A_1244 : vector<16xf32>
        %add3A_1246 = arith.constant 11 : i32
        %add3A_1247 = vector.broadcast %add3A_1246 : i32 to vector<16xi32>
        %add3A_1248 = arith.addi %iota3A, %add3A_1247 : vector<16xi32>
        %and3A_1249 = arith.constant 15 : i32
        %and3A_1250 = vector.broadcast %and3A_1249 : i32 to vector<16xi32>
        %and3A_1251 = arith.andi %add3A_1248, %and3A_1250 : vector<16xi32>
        %gather3A_1252 = tpu.vector_load_idx %arg13[%iota3A, %and3A_1251] : memref<16x16xf32, #tpu.memory_space<vmem>>[vector<16xi32>, vector<16xi32>], vector<16xf32>,
        %add3A_1253 = arith.addf %add3A_1245, %gather3A_1252 : vector<16xf32>
        %add3A_1254 = arith.constant 12 : i32
        %add3A_1255 = vector.broadcast %add3A_1254 : i32 to vector<16xi32>
        %add3A_1256 = arith.addi %iota3A, %add3A_1255 : vector<16xi32>
        %and3A_1257 = arith.constant 15 : i32
        %and3A_1258 = vector.broadcast %and3A_1257 : i32 to vector<16xi32>
        %and3A_1259 = arith.andi %add3A_1256, %and3A_1258 : vector<16xi32>
        %gather3A_1260 = tpu.vector_load_idx %arg13[%iota3A, %and3A_1259] : memref<16x16xf32, #tpu.memory_space<vmem>>[vector<16xi32>, vector<16xi32>], vector<16xf32>,
        %add3A_1261 = arith.addf %add3A_1253, %gather3A_1260 : vector<16xf32>
        %add3A_1262 = arith.constant 13 : i32
        %add3A_1263 = vector.broadcast %add3A_1262 : i32 to vector<16xi32>
        %add3A_1264 = arith.addi %iota3A, %add3A_1263 : vector<16xi32>
        %and3A_1265 = arith.constant 15 : i32
        %and3A_1266 = vector.broadcast %and3A_1265 : i32 to vector<16xi32>
        %and3A_1267 = arith.andi %add3A_1264, %and3A_1266 : vector<16xi32>
        %gather3A_1268 = tpu.vector_load_idx %arg13[%iota3A, %and3A_1267] : memref<16x16xf32, #tpu.memory_space<vmem>>[vector<16xi32>, vector<16xi32>], vector<16xf32>,
        %add3A_1269 = arith.addf %add3A_1261, %gather3A_1268 : vector<16xf32>
        %add3A_1270 = arith.constant 14 : i32
        %add3A_1271 = vector.broadcast %add3A_1270 : i32 to vector<16xi32>
        %add3A_1272 = arith.addi %iota3A, %add3A_1271 : vector<16xi32>
        %and3A_1273 = arith.constant 15 : i32
        %and3A_1274 = vector.broadcast %and3A_1273 : i32 to vector<16xi32>
        %and3A_1275 = arith.andi %add3A_1272, %and3A_1274 : vector<16xi32>
        %gather3A_1276 = tpu.vector_load_idx %arg13[%iota3A, %and3A_1275] : memref<16x16xf32, #tpu.memory_space<vmem>>[vector<16xi32>, vector<16xi32>], vector<16xf32>,
        %add3A_1277 = arith.addf %add3A_1269, %gather3A_1276 : vector<16xf32>
        %add3A_1278 = arith.constant 15 : i32
        %add3A_1279 = vector.broadcast %add3A_1278 : i32 to vector<16xi32>
        %add3A_1280 = arith.addi %iota3A, %add3A_1279 : vector<16xi32>
        %and3A_1281 = arith.constant 15 : i32
        %and3A_1282 = vector.broadcast %and3A_1281 : i32 to vector<16xi32>
        %and3A_1283 = arith.andi %add3A_1280, %and3A_1282 : vector<16xi32>
        %gather3A_1284 = tpu.vector_load_idx %arg13[%iota3A, %and3A_1283] : memref<16x16xf32, #tpu.memory_space<vmem>>[vector<16xi32>, vector<16xi32>], vector<16xf32>,
        %add3A_1285 = arith.addf %add3A_1277, %gather3A_1284 : vector<16xf32>
        %mul3A_1286 = arith.constant 64 : i32
        %mul3A_1287 = arith.muli %mul3A_97, %mul3A_1286 : i32
        %mul3A_1288 = arith.constant 16 : i32
        %mul3A_1289 = arith.muli %scan3A_169, %mul3A_1288 : i32
        %add3A_1290 = arith.addi %mul3A_1287, %mul3A_1289 : i32
        %swap3A_1291 = arith.index_cast %add3A_1290 : i32 to index
        %swap3A_1292 = tpu.vector_load %arg12[%swap3A_1291] {strides = array<i32>} : memref<10240xf32, #tpu.memory_space<vmem>>, vector<16xf32>,
        tpu.vector_store %arg12[%swap3A_1291], %add3A_1285 {strides = array<i32>} : memref<10240xf32, #tpu.memory_space<vmem>>, vector<16xf32>,
        %scan3A_1293 = arith.constant 0 : i32
        scf.yield %scan3A_1293 : i32
      }
      %scan3A_128 = arith.constant 4 : i32
      %eq3A_129 = arith.constant 0 : i32
      %eq3A_130 = arith.cmpi eq, %rem3A_95, %eq3A_129 : i32
      %convert_element_type3A_131 = arith.extui %eq3A_130 : i1 to i32
      %cond3A_132 = arith.constant 0 : i32
      %cond3A_133 = arith.cmpi ne, %convert_element_type3A_131, %cond3A_132 : i32
      scf.if %cond3A_133 {
        %dma_start3A_169 = arith.constant 0 : i32
        %dma_start3A_170 = arith.constant 0 : i32
        %dma_start3A_171 = tpu.memref_slice %arg7[%dma_start3A_169, %dma_start3A_170] : memref<2x128xi32, #tpu.memory_space<vmem>> -> memref<1x64xi32, #tpu.memory_space<vmem>>
        %dma_start3A_172 = tpu.memref_squeeze %dma_start3A_171 : memref<1x64xi32, #tpu.memory_space<vmem>> -> memref<64xi32, #tpu.memory_space<vmem>>
        %dma_start3A_173 = arith.constant 0 : i32
        %dma_start3A_174 = arith.constant 0 : i32
        %dma_start3A_175 = tpu.memref_slice %arg5[%dma_start3A_173, %dma_start3A_174] : memref<10000x128xi32, #tpu.memory_space<vmem_shared>> -> memref<10000x128xi32, #tpu.memory_space<vmem_shared>>
        tpu.enqueue_indirect_dma source(%dma_start3A_175 : memref<10000x128xi32, #tpu.memory_space<vmem_shared>>) target(%arg8 : memref<64x128xi32, #tpu.memory_space<vmem>>) offsets(%dma_start3A_172 : memref<64xi32, #tpu.memory_space<vmem>>) semaphore(%arg16 : memref<!tpu.dma_semaphore, #tpu.memory_space<semaphore_mem>>)
        %dma_start3A_176 = arith.constant 1 : i32
        %dma_start3A_177 = arith.constant 0 : i32
        %dma_start3A_178 = tpu.memref_slice %arg7[%dma_start3A_176, %dma_start3A_177] : memref<2x128xi32, #tpu.memory_space<vmem>> -> memref<1x64xi32, #tpu.memory_space<vmem>>
        %dma_start3A_179 = tpu.memref_squeeze %dma_start3A_178 : memref<1x64xi32, #tpu.memory_space<vmem>> -> memref<64xi32, #tpu.memory_space<vmem>>
        %dma_start3A_180 = arith.constant 0 : i32
        %dma_start3A_181 = arith.constant 0 : i32
        %dma_start3A_182 = tpu.memref_slice %arg5[%dma_start3A_180, %dma_start3A_181] : memref<10000x128xi32, #tpu.memory_space<vmem_shared>> -> memref<10000x128xi32, #tpu.memory_space<vmem_shared>>
        tpu.enqueue_indirect_dma source(%dma_start3A_182 : memref<10000x128xi32, #tpu.memory_space<vmem_shared>>) target(%arg10 : memref<64x128xi32, #tpu.memory_space<vmem>>) offsets(%dma_start3A_179 : memref<64xi32, #tpu.memory_space<vmem>>) semaphore(%arg18 : memref<!tpu.dma_semaphore, #tpu.memory_space<semaphore_mem>>)
      } else {
      }
      %eq3A_134 = arith.constant 1 : i32
      %eq3A_135 = arith.cmpi eq, %rem3A_95, %eq3A_134 : i32
      %convert_element_type3A_136 = arith.extui %eq3A_135 : i1 to i32
      %cond3A_137 = arith.constant 0 : i32
      %cond3A_138 = arith.cmpi ne, %convert_element_type3A_136, %cond3A_137 : i32
      scf.if %cond3A_138 {
        %dma_start3A_169 = arith.constant 0 : i32
        %dma_start3A_170 = arith.constant 0 : i32
        %dma_start3A_171 = tpu.memref_slice %arg6[%dma_start3A_169, %dma_start3A_170] : memref<2x128xi32, #tpu.memory_space<vmem>> -> memref<1x64xi32, #tpu.memory_space<vmem>>
        %dma_start3A_172 = tpu.memref_squeeze %dma_start3A_171 : memref<1x64xi32, #tpu.memory_space<vmem>> -> memref<64xi32, #tpu.memory_space<vmem>>
        %dma_start3A_173 = arith.constant 0 : i32
        %dma_start3A_174 = arith.constant 0 : i32
        %dma_start3A_175 = tpu.memref_slice %arg5[%dma_start3A_173, %dma_start3A_174] : memref<10000x128xi32, #tpu.memory_space<vmem_shared>> -> memref<10000x128xi32, #tpu.memory_space<vmem_shared>>
        tpu.enqueue_indirect_dma source(%dma_start3A_175 : memref<10000x128xi32, #tpu.memory_space<vmem_shared>>) target(%arg8 : memref<64x128xi32, #tpu.memory_space<vmem>>) offsets(%dma_start3A_172 : memref<64xi32, #tpu.memory_space<vmem>>) semaphore(%arg16 : memref<!tpu.dma_semaphore, #tpu.memory_space<semaphore_mem>>)
        %dma_start3A_176 = arith.constant 1 : i32
        %dma_start3A_177 = arith.constant 0 : i32
        %dma_start3A_178 = tpu.memref_slice %arg6[%dma_start3A_176, %dma_start3A_177] : memref<2x128xi32, #tpu.memory_space<vmem>> -> memref<1x64xi32, #tpu.memory_space<vmem>>
        %dma_start3A_179 = tpu.memref_squeeze %dma_start3A_178 : memref<1x64xi32, #tpu.memory_space<vmem>> -> memref<64xi32, #tpu.memory_space<vmem>>
        %dma_start3A_180 = arith.constant 0 : i32
        %dma_start3A_181 = arith.constant 0 : i32
        %dma_start3A_182 = tpu.memref_slice %arg5[%dma_start3A_180, %dma_start3A_181] : memref<10000x128xi32, #tpu.memory_space<vmem_shared>> -> memref<10000x128xi32, #tpu.memory_space<vmem_shared>>
        tpu.enqueue_indirect_dma source(%dma_start3A_182 : memref<10000x128xi32, #tpu.memory_space<vmem_shared>>) target(%arg10 : memref<64x128xi32, #tpu.memory_space<vmem>>) offsets(%dma_start3A_179 : memref<64xi32, #tpu.memory_space<vmem>>) semaphore(%arg18 : memref<!tpu.dma_semaphore, #tpu.memory_space<semaphore_mem>>)
      } else {
      }
      %eq3A_139 = arith.constant 0 : i32
      %eq3A_140 = arith.cmpi eq, %rem3A_95, %eq3A_139 : i32
      %convert_element_type3A_141 = arith.extui %eq3A_140 : i1 to i32
      %cond3A_142 = arith.constant 0 : i32
      %cond3A_143 = arith.cmpi ne, %convert_element_type3A_141, %cond3A_142 : i32
      scf.if %cond3A_143 {
        %dma_wait3A_169 = arith.constant 0 : i32
        %dma_wait3A_170 = arith.constant 64 : i32
        %dma_wait3A_171 = tpu.memref_slice %arg6[%dma_wait3A_169, %dma_wait3A_170] : memref<2x128xi32, #tpu.memory_space<vmem>> -> memref<1x64xi32, #tpu.memory_space<vmem>>
        %dma_wait3A_172 = tpu.memref_squeeze %dma_wait3A_171 : memref<1x64xi32, #tpu.memory_space<vmem>> -> memref<64xi32, #tpu.memory_space<vmem>>
        %dma_wait3A_173 = arith.constant 0 : i32
        %dma_wait3A_174 = arith.constant 0 : i32
        %dma_wait3A_175 = tpu.memref_slice %arg5[%dma_wait3A_173, %dma_wait3A_174] : memref<10000x128xi32, #tpu.memory_space<vmem_shared>> -> memref<10000x128xi32, #tpu.memory_space<vmem_shared>>
        tpu.wait_indirect_dma semaphore(%arg17 : memref<!tpu.dma_semaphore, #tpu.memory_space<semaphore_mem>>) src(%dma_wait3A_175 : memref<10000x128xi32, #tpu.memory_space<vmem_shared>>) dst(%arg9 : memref<64x128xi32, #tpu.memory_space<vmem>>)
        %dma_wait3A_176 = arith.constant 1 : i32
        %dma_wait3A_177 = arith.constant 64 : i32
        %dma_wait3A_178 = tpu.memref_slice %arg6[%dma_wait3A_176, %dma_wait3A_177] : memref<2x128xi32, #tpu.memory_space<vmem>> -> memref<1x64xi32, #tpu.memory_space<vmem>>
        %dma_wait3A_179 = tpu.memref_squeeze %dma_wait3A_178 : memref<1x64xi32, #tpu.memory_space<vmem>> -> memref<64xi32, #tpu.memory_space<vmem>>
        %dma_wait3A_180 = arith.constant 0 : i32
        %dma_wait3A_181 = arith.constant 0 : i32
        %dma_wait3A_182 = tpu.memref_slice %arg5[%dma_wait3A_180, %dma_wait3A_181] : memref<10000x128xi32, #tpu.memory_space<vmem_shared>> -> memref<10000x128xi32, #tpu.memory_space<vmem_shared>>
        tpu.wait_indirect_dma semaphore(%arg19 : memref<!tpu.dma_semaphore, #tpu.memory_space<semaphore_mem>>) src(%dma_wait3A_182 : memref<10000x128xi32, #tpu.memory_space<vmem_shared>>) dst(%arg11 : memref<64x128xi32, #tpu.memory_space<vmem>>)
      } else {
      }
      %eq3A_144 = arith.constant 1 : i32
      %eq3A_145 = arith.cmpi eq, %rem3A_95, %eq3A_144 : i32
      %convert_element_type3A_146 = arith.extui %eq3A_145 : i1 to i32
      %cond3A_147 = arith.constant 0 : i32
      %cond3A_148 = arith.cmpi ne, %convert_element_type3A_146, %cond3A_147 : i32
      scf.if %cond3A_148 {
        %dma_wait3A_169 = arith.constant 0 : i32
        %dma_wait3A_170 = arith.constant 64 : i32
        %dma_wait3A_171 = tpu.memref_slice %arg7[%dma_wait3A_169, %dma_wait3A_170] : memref<2x128xi32, #tpu.memory_space<vmem>> -> memref<1x64xi32, #tpu.memory_space<vmem>>
        %dma_wait3A_172 = tpu.memref_squeeze %dma_wait3A_171 : memref<1x64xi32, #tpu.memory_space<vmem>> -> memref<64xi32, #tpu.memory_space<vmem>>
        %dma_wait3A_173 = arith.constant 0 : i32
        %dma_wait3A_174 = arith.constant 0 : i32
        %dma_wait3A_175 = tpu.memref_slice %arg5[%dma_wait3A_173, %dma_wait3A_174] : memref<10000x128xi32, #tpu.memory_space<vmem_shared>> -> memref<10000x128xi32, #tpu.memory_space<vmem_shared>>
        tpu.wait_indirect_dma semaphore(%arg17 : memref<!tpu.dma_semaphore, #tpu.memory_space<semaphore_mem>>) src(%dma_wait3A_175 : memref<10000x128xi32, #tpu.memory_space<vmem_shared>>) dst(%arg9 : memref<64x128xi32, #tpu.memory_space<vmem>>)
        %dma_wait3A_176 = arith.constant 1 : i32
        %dma_wait3A_177 = arith.constant 64 : i32
        %dma_wait3A_178 = tpu.memref_slice %arg7[%dma_wait3A_176, %dma_wait3A_177] : memref<2x128xi32, #tpu.memory_space<vmem>> -> memref<1x64xi32, #tpu.memory_space<vmem>>
        %dma_wait3A_179 = tpu.memref_squeeze %dma_wait3A_178 : memref<1x64xi32, #tpu.memory_space<vmem>> -> memref<64xi32, #tpu.memory_space<vmem>>
        %dma_wait3A_180 = arith.constant 0 : i32
        %dma_wait3A_181 = arith.constant 0 : i32
        %dma_wait3A_182 = tpu.memref_slice %arg5[%dma_wait3A_180, %dma_wait3A_181] : memref<10000x128xi32, #tpu.memory_space<vmem_shared>> -> memref<10000x128xi32, #tpu.memory_space<vmem_shared>>
        tpu.wait_indirect_dma semaphore(%arg19 : memref<!tpu.dma_semaphore, #tpu.memory_space<semaphore_mem>>) src(%dma_wait3A_182 : memref<10000x128xi32, #tpu.memory_space<vmem_shared>>) dst(%arg11 : memref<64x128xi32, #tpu.memory_space<vmem>>)
      } else {
      }
      %add3A_149 = arith.constant 1 : i32
      %add3A_150 = arith.addi %mul3A_97, %add3A_149 : i32
      %scan3A_151 = arith.constant 0 : i32
      %scan3A_152 = arith.constant 0 : i32
      %scan3A_153 = arith.constant 4 : i32
      %scan3A_154 = arith.addi %scan3A_152, %scan3A_153 : i32
      %scan3A_155 = arith.constant 1 : i32
      %scan3A_156 = scf.for %scan3A_169 = %scan3A_152 to %scan3A_154 step %scan3A_155 iter_args(%scan3A_170 = %scan3A_151) -> (i32)  : i32 {
        %mul3A_171 = arith.constant 16 : i32
        %mul3A_172 = arith.muli %scan3A_169, %mul3A_171 : i32
        %add3A_173 = arith.constant 0 : i32
        %add3A_174 = arith.addi %mul3A_172, %add3A_173 : i32
        %broadcast_in_dim3A = arith.constant 0.000000e+00 : f32
        %broadcast_in_dim3A_175 = vector.broadcast %broadcast_in_dim3A : f32 to vector<16xf32>
        %get3A = arith.index_cast %add3A_174 : i32 to index
        %get3A_176 = arith.constant 0 : index
        %get3A_177 = tpu.vector_load %arg9[%get3A, %get3A_176] {strides = array<i32>} : memref<64x128xi32, #tpu.memory_space<vmem>>, vector<16xi32>,
        %get3A_178 = arith.index_cast %add3A_174 : i32 to index
        %get3A_179 = arith.constant 0 : index
        %get3A_180 = tpu.vector_load %arg11[%get3A_178, %get3A_179] {strides = array<i32>} : memref<64x128xi32, #tpu.memory_space<vmem>>, vector<16xi32>,
        %bitcast3A = vector.bitcast %get3A_177 : vector<16xi32> to vector<32xbf16>
        %bitcast3A_181 = vector.bitcast %get3A_180 : vector<16xi32> to vector<32xbf16>
        %mul3A_182 = arith.mulf %bitcast3A, %bitcast3A_181 : vector<32xbf16>
        %unpack3A = tpu.unpack_subelements %mul3A_182, 0 {pack_format = #tpu.pack_format<interleaved>} : vector<32xbf16> -> vector<16xf32>
        %unpack3A_183 = tpu.unpack_subelements %mul3A_182, 1 {pack_format = #tpu.pack_format<interleaved>} : vector<32xbf16> -> vector<16xf32>
        %add3A_184 = arith.addf %unpack3A, %unpack3A_183 : vector<16xf32>
        %add3A_185 = arith.addf %broadcast_in_dim3A_175, %add3A_184 : vector<16xf32>
        %get3A_186 = arith.index_cast %add3A_174 : i32 to index
        %get3A_187 = arith.constant 16 : index
        %get3A_188 = tpu.vector_load %arg9[%get3A_186, %get3A_187] {strides = array<i32>} : memref<64x128xi32, #tpu.memory_space<vmem>>, vector<16xi32>,
        %get3A_189 = arith.index_cast %add3A_174 : i32 to index
        %get3A_190 = arith.constant 16 : index
        %get3A_191 = tpu.vector_load %arg11[%get3A_189, %get3A_190] {strides = array<i32>} : memref<64x128xi32, #tpu.memory_space<vmem>>, vector<16xi32>,
        %bitcast3A_192 = vector.bitcast %get3A_188 : vector<16xi32> to vector<32xbf16>
        %bitcast3A_193 = vector.bitcast %get3A_191 : vector<16xi32> to vector<32xbf16>
        %mul3A_194 = arith.mulf %bitcast3A_192, %bitcast3A_193 : vector<32xbf16>
        %unpack3A_195 = tpu.unpack_subelements %mul3A_194, 0 {pack_format = #tpu.pack_format<interleaved>} : vector<32xbf16> -> vector<16xf32>
        %unpack3A_196 = tpu.unpack_subelements %mul3A_194, 1 {pack_format = #tpu.pack_format<interleaved>} : vector<32xbf16> -> vector<16xf32>
        %add3A_197 = arith.addf %unpack3A_195, %unpack3A_196 : vector<16xf32>
        %add3A_198 = arith.addf %add3A_185, %add3A_197 : vector<16xf32>
        %get3A_199 = arith.index_cast %add3A_174 : i32 to index
        %get3A_200 = arith.constant 32 : index
        %get3A_201 = tpu.vector_load %arg9[%get3A_199, %get3A_200] {strides = array<i32>} : memref<64x128xi32, #tpu.memory_space<vmem>>, vector<16xi32>,
        %get3A_202 = arith.index_cast %add3A_174 : i32 to index
        %get3A_203 = arith.constant 32 : index
        %get3A_204 = tpu.vector_load %arg11[%get3A_202, %get3A_203] {strides = array<i32>} : memref<64x128xi32, #tpu.memory_space<vmem>>, vector<16xi32>,
        %bitcast3A_205 = vector.bitcast %get3A_201 : vector<16xi32> to vector<32xbf16>
        %bitcast3A_206 = vector.bitcast %get3A_204 : vector<16xi32> to vector<32xbf16>
        %mul3A_207 = arith.mulf %bitcast3A_205, %bitcast3A_206 : vector<32xbf16>
        %unpack3A_208 = tpu.unpack_subelements %mul3A_207, 0 {pack_format = #tpu.pack_format<interleaved>} : vector<32xbf16> -> vector<16xf32>
        %unpack3A_209 = tpu.unpack_subelements %mul3A_207, 1 {pack_format = #tpu.pack_format<interleaved>} : vector<32xbf16> -> vector<16xf32>
        %add3A_210 = arith.addf %unpack3A_208, %unpack3A_209 : vector<16xf32>
        %add3A_211 = arith.addf %add3A_198, %add3A_210 : vector<16xf32>
        %get3A_212 = arith.index_cast %add3A_174 : i32 to index
        %get3A_213 = arith.constant 48 : index
        %get3A_214 = tpu.vector_load %arg9[%get3A_212, %get3A_213] {strides = array<i32>} : memref<64x128xi32, #tpu.memory_space<vmem>>, vector<16xi32>,
        %get3A_215 = arith.index_cast %add3A_174 : i32 to index
        %get3A_216 = arith.constant 48 : index
        %get3A_217 = tpu.vector_load %arg11[%get3A_215, %get3A_216] {strides = array<i32>} : memref<64x128xi32, #tpu.memory_space<vmem>>, vector<16xi32>,
        %bitcast3A_218 = vector.bitcast %get3A_214 : vector<16xi32> to vector<32xbf16>
        %bitcast3A_219 = vector.bitcast %get3A_217 : vector<16xi32> to vector<32xbf16>
        %mul3A_220 = arith.mulf %bitcast3A_218, %bitcast3A_219 : vector<32xbf16>
        %unpack3A_221 = tpu.unpack_subelements %mul3A_220, 0 {pack_format = #tpu.pack_format<interleaved>} : vector<32xbf16> -> vector<16xf32>
        %unpack3A_222 = tpu.unpack_subelements %mul3A_220, 1 {pack_format = #tpu.pack_format<interleaved>} : vector<32xbf16> -> vector<16xf32>
        %add3A_223 = arith.addf %unpack3A_221, %unpack3A_222 : vector<16xf32>
        %add3A_224 = arith.addf %add3A_211, %add3A_223 : vector<16xf32>
        %swap3A = arith.constant 0 : i32
        %swap3A_225 = arith.index_cast %swap3A : i32 to index
        %swap3A_226 = arith.constant 0 : index
        %swap3A_227 = tpu.vector_load %arg13[%swap3A_225, %swap3A_226] {strides = array<i32>} : memref<16x16xf32, #tpu.memory_space<vmem>>, vector<16xf32>,
        tpu.vector_store %arg13[%swap3A_225, %swap3A_226], %add3A_224 {strides = array<i32>} : memref<16x16xf32, #tpu.memory_space<vmem>>, vector<16xf32>,
        %mul3A_228 = arith.constant 16 : i32
        %mul3A_229 = arith.muli %scan3A_169, %mul3A_228 : i32
        %add3A_230 = arith.constant 1 : i32
        %add3A_231 = arith.addi %mul3A_229, %add3A_230 : i32
        %broadcast_in_dim3A_232 = arith.constant 0.000000e+00 : f32
        %broadcast_in_dim3A_233 = vector.broadcast %broadcast_in_dim3A_232 : f32 to vector<16xf32>
        %get3A_234 = arith.index_cast %add3A_231 : i32 to index
        %get3A_235 = arith.constant 0 : index
        %get3A_236 = tpu.vector_load %arg9[%get3A_234, %get3A_235] {strides = array<i32>} : memref<64x128xi32, #tpu.memory_space<vmem>>, vector<16xi32>,
        %get3A_237 = arith.index_cast %add3A_231 : i32 to index
        %get3A_238 = arith.constant 0 : index
        %get3A_239 = tpu.vector_load %arg11[%get3A_237, %get3A_238] {strides = array<i32>} : memref<64x128xi32, #tpu.memory_space<vmem>>, vector<16xi32>,
        %bitcast3A_240 = vector.bitcast %get3A_236 : vector<16xi32> to vector<32xbf16>
        %bitcast3A_241 = vector.bitcast %get3A_239 : vector<16xi32> to vector<32xbf16>
        %mul3A_242 = arith.mulf %bitcast3A_240, %bitcast3A_241 : vector<32xbf16>
        %unpack3A_243 = tpu.unpack_subelements %mul3A_242, 0 {pack_format = #tpu.pack_format<interleaved>} : vector<32xbf16> -> vector<16xf32>
        %unpack3A_244 = tpu.unpack_subelements %mul3A_242, 1 {pack_format = #tpu.pack_format<interleaved>} : vector<32xbf16> -> vector<16xf32>
        %add3A_245 = arith.addf %unpack3A_243, %unpack3A_244 : vector<16xf32>
        %add3A_246 = arith.addf %broadcast_in_dim3A_233, %add3A_245 : vector<16xf32>
        %get3A_247 = arith.index_cast %add3A_231 : i32 to index
        %get3A_248 = arith.constant 16 : index
        %get3A_249 = tpu.vector_load %arg9[%get3A_247, %get3A_248] {strides = array<i32>} : memref<64x128xi32, #tpu.memory_space<vmem>>, vector<16xi32>,
        %get3A_250 = arith.index_cast %add3A_231 : i32 to index
        %get3A_251 = arith.constant 16 : index
        %get3A_252 = tpu.vector_load %arg11[%get3A_250, %get3A_251] {strides = array<i32>} : memref<64x128xi32, #tpu.memory_space<vmem>>, vector<16xi32>,
        %bitcast3A_253 = vector.bitcast %get3A_249 : vector<16xi32> to vector<32xbf16>
        %bitcast3A_254 = vector.bitcast %get3A_252 : vector<16xi32> to vector<32xbf16>
        %mul3A_255 = arith.mulf %bitcast3A_253, %bitcast3A_254 : vector<32xbf16>
        %unpack3A_256 = tpu.unpack_subelements %mul3A_255, 0 {pack_format = #tpu.pack_format<interleaved>} : vector<32xbf16> -> vector<16xf32>
        %unpack3A_257 = tpu.unpack_subelements %mul3A_255, 1 {pack_format = #tpu.pack_format<interleaved>} : vector<32xbf16> -> vector<16xf32>
        %add3A_258 = arith.addf %unpack3A_256, %unpack3A_257 : vector<16xf32>
        %add3A_259 = arith.addf %add3A_246, %add3A_258 : vector<16xf32>
        %get3A_260 = arith.index_cast %add3A_231 : i32 to index
        %get3A_261 = arith.constant 32 : index
        %get3A_262 = tpu.vector_load %arg9[%get3A_260, %get3A_261] {strides = array<i32>} : memref<64x128xi32, #tpu.memory_space<vmem>>, vector<16xi32>,
        %get3A_263 = arith.index_cast %add3A_231 : i32 to index
        %get3A_264 = arith.constant 32 : index
        %get3A_265 = tpu.vector_load %arg11[%get3A_263, %get3A_264] {strides = array<i32>} : memref<64x128xi32, #tpu.memory_space<vmem>>, vector<16xi32>,
        %bitcast3A_266 = vector.bitcast %get3A_262 : vector<16xi32> to vector<32xbf16>
        %bitcast3A_267 = vector.bitcast %get3A_265 : vector<16xi32> to vector<32xbf16>
        %mul3A_268 = arith.mulf %bitcast3A_266, %bitcast3A_267 : vector<32xbf16>
        %unpack3A_269 = tpu.unpack_subelements %mul3A_268, 0 {pack_format = #tpu.pack_format<interleaved>} : vector<32xbf16> -> vector<16xf32>
        %unpack3A_270 = tpu.unpack_subelements %mul3A_268, 1 {pack_format = #tpu.pack_format<interleaved>} : vector<32xbf16> -> vector<16xf32>
        %add3A_271 = arith.addf %unpack3A_269, %unpack3A_270 : vector<16xf32>
        %add3A_272 = arith.addf %add3A_259, %add3A_271 : vector<16xf32>
        %get3A_273 = arith.index_cast %add3A_231 : i32 to index
        %get3A_274 = arith.constant 48 : index
        %get3A_275 = tpu.vector_load %arg9[%get3A_273, %get3A_274] {strides = array<i32>} : memref<64x128xi32, #tpu.memory_space<vmem>>, vector<16xi32>,
        %get3A_276 = arith.index_cast %add3A_231 : i32 to index
        %get3A_277 = arith.constant 48 : index
        %get3A_278 = tpu.vector_load %arg11[%get3A_276, %get3A_277] {strides = array<i32>} : memref<64x128xi32, #tpu.memory_space<vmem>>, vector<16xi32>,
        %bitcast3A_279 = vector.bitcast %get3A_275 : vector<16xi32> to vector<32xbf16>
        %bitcast3A_280 = vector.bitcast %get3A_278 : vector<16xi32> to vector<32xbf16>
        %mul3A_281 = arith.mulf %bitcast3A_279, %bitcast3A_280 : vector<32xbf16>
        %unpack3A_282 = tpu.unpack_subelements %mul3A_281, 0 {pack_format = #tpu.pack_format<interleaved>} : vector<32xbf16> -> vector<16xf32>
        %unpack3A_283 = tpu.unpack_subelements %mul3A_281, 1 {pack_format = #tpu.pack_format<interleaved>} : vector<32xbf16> -> vector<16xf32>
        %add3A_284 = arith.addf %unpack3A_282, %unpack3A_283 : vector<16xf32>
        %add3A_285 = arith.addf %add3A_272, %add3A_284 : vector<16xf32>
        %swap3A_286 = arith.constant 1 : i32
        %swap3A_287 = arith.index_cast %swap3A_286 : i32 to index
        %swap3A_288 = arith.constant 0 : index
        %swap3A_289 = tpu.vector_load %arg13[%swap3A_287, %swap3A_288] {strides = array<i32>} : memref<16x16xf32, #tpu.memory_space<vmem>>, vector<16xf32>,
        tpu.vector_store %arg13[%swap3A_287, %swap3A_288], %add3A_285 {strides = array<i32>} : memref<16x16xf32, #tpu.memory_space<vmem>>, vector<16xf32>,
        %mul3A_290 = arith.constant 16 : i32
        %mul3A_291 = arith.muli %scan3A_169, %mul3A_290 : i32
        %add3A_292 = arith.constant 2 : i32
        %add3A_293 = arith.addi %mul3A_291, %add3A_292 : i32
        %broadcast_in_dim3A_294 = arith.constant 0.000000e+00 : f32
        %broadcast_in_dim3A_295 = vector.broadcast %broadcast_in_dim3A_294 : f32 to vector<16xf32>
        %get3A_296 = arith.index_cast %add3A_293 : i32 to index
        %get3A_297 = arith.constant 0 : index
        %get3A_298 = tpu.vector_load %arg9[%get3A_296, %get3A_297] {strides = array<i32>} : memref<64x128xi32, #tpu.memory_space<vmem>>, vector<16xi32>,
        %get3A_299 = arith.index_cast %add3A_293 : i32 to index
        %get3A_300 = arith.constant 0 : index
        %get3A_301 = tpu.vector_load %arg11[%get3A_299, %get3A_300] {strides = array<i32>} : memref<64x128xi32, #tpu.memory_space<vmem>>, vector<16xi32>,
        %bitcast3A_302 = vector.bitcast %get3A_298 : vector<16xi32> to vector<32xbf16>
        %bitcast3A_303 = vector.bitcast %get3A_301 : vector<16xi32> to vector<32xbf16>
        %mul3A_304 = arith.mulf %bitcast3A_302, %bitcast3A_303 : vector<32xbf16>
        %unpack3A_305 = tpu.unpack_subelements %mul3A_304, 0 {pack_format = #tpu.pack_format<interleaved>} : vector<32xbf16> -> vector<16xf32>
        %unpack3A_306 = tpu.unpack_subelements %mul3A_304, 1 {pack_format = #tpu.pack_format<interleaved>} : vector<32xbf16> -> vector<16xf32>
        %add3A_307 = arith.addf %unpack3A_305, %unpack3A_306 : vector<16xf32>
        %add3A_308 = arith.addf %broadcast_in_dim3A_295, %add3A_307 : vector<16xf32>
        %get3A_309 = arith.index_cast %add3A_293 : i32 to index
        %get3A_310 = arith.constant 16 : index
        %get3A_311 = tpu.vector_load %arg9[%get3A_309, %get3A_310] {strides = array<i32>} : memref<64x128xi32, #tpu.memory_space<vmem>>, vector<16xi32>,
        %get3A_312 = arith.index_cast %add3A_293 : i32 to index
        %get3A_313 = arith.constant 16 : index
        %get3A_314 = tpu.vector_load %arg11[%get3A_312, %get3A_313] {strides = array<i32>} : memref<64x128xi32, #tpu.memory_space<vmem>>, vector<16xi32>,
        %bitcast3A_315 = vector.bitcast %get3A_311 : vector<16xi32> to vector<32xbf16>
        %bitcast3A_316 = vector.bitcast %get3A_314 : vector<16xi32> to vector<32xbf16>
        %mul3A_317 = arith.mulf %bitcast3A_315, %bitcast3A_316 : vector<32xbf16>
        %unpack3A_318 = tpu.unpack_subelements %mul3A_317, 0 {pack_format = #tpu.pack_format<interleaved>} : vector<32xbf16> -> vector<16xf32>
        %unpack3A_319 = tpu.unpack_subelements %mul3A_317, 1 {pack_format = #tpu.pack_format<interleaved>} : vector<32xbf16> -> vector<16xf32>
        %add3A_320 = arith.addf %unpack3A_318, %unpack3A_319 : vector<16xf32>
        %add3A_321 = arith.addf %add3A_308, %add3A_320 : vector<16xf32>
        %get3A_322 = arith.index_cast %add3A_293 : i32 to index
        %get3A_323 = arith.constant 32 : index
        %get3A_324 = tpu.vector_load %arg9[%get3A_322, %get3A_323] {strides = array<i32>} : memref<64x128xi32, #tpu.memory_space<vmem>>, vector<16xi32>,
        %get3A_325 = arith.index_cast %add3A_293 : i32 to index
        %get3A_326 = arith.constant 32 : index
        %get3A_327 = tpu.vector_load %arg11[%get3A_325, %get3A_326] {strides = array<i32>} : memref<64x128xi32, #tpu.memory_space<vmem>>, vector<16xi32>,
        %bitcast3A_328 = vector.bitcast %get3A_324 : vector<16xi32> to vector<32xbf16>
        %bitcast3A_329 = vector.bitcast %get3A_327 : vector<16xi32> to vector<32xbf16>
        %mul3A_330 = arith.mulf %bitcast3A_328, %bitcast3A_329 : vector<32xbf16>
        %unpack3A_331 = tpu.unpack_subelements %mul3A_330, 0 {pack_format = #tpu.pack_format<interleaved>} : vector<32xbf16> -> vector<16xf32>
        %unpack3A_332 = tpu.unpack_subelements %mul3A_330, 1 {pack_format = #tpu.pack_format<interleaved>} : vector<32xbf16> -> vector<16xf32>
        %add3A_333 = arith.addf %unpack3A_331, %unpack3A_332 : vector<16xf32>
        %add3A_334 = arith.addf %add3A_321, %add3A_333 : vector<16xf32>
        %get3A_335 = arith.index_cast %add3A_293 : i32 to index
        %get3A_336 = arith.constant 48 : index
        %get3A_337 = tpu.vector_load %arg9[%get3A_335, %get3A_336] {strides = array<i32>} : memref<64x128xi32, #tpu.memory_space<vmem>>, vector<16xi32>,
        %get3A_338 = arith.index_cast %add3A_293 : i32 to index
        %get3A_339 = arith.constant 48 : index
        %get3A_340 = tpu.vector_load %arg11[%get3A_338, %get3A_339] {strides = array<i32>} : memref<64x128xi32, #tpu.memory_space<vmem>>, vector<16xi32>,
        %bitcast3A_341 = vector.bitcast %get3A_337 : vector<16xi32> to vector<32xbf16>
        %bitcast3A_342 = vector.bitcast %get3A_340 : vector<16xi32> to vector<32xbf16>
        %mul3A_343 = arith.mulf %bitcast3A_341, %bitcast3A_342 : vector<32xbf16>
        %unpack3A_344 = tpu.unpack_subelements %mul3A_343, 0 {pack_format = #tpu.pack_format<interleaved>} : vector<32xbf16> -> vector<16xf32>
        %unpack3A_345 = tpu.unpack_subelements %mul3A_343, 1 {pack_format = #tpu.pack_format<interleaved>} : vector<32xbf16> -> vector<16xf32>
        %add3A_346 = arith.addf %unpack3A_344, %unpack3A_345 : vector<16xf32>
        %add3A_347 = arith.addf %add3A_334, %add3A_346 : vector<16xf32>
        %swap3A_348 = arith.constant 2 : i32
        %swap3A_349 = arith.index_cast %swap3A_348 : i32 to index
        %swap3A_350 = arith.constant 0 : index
        %swap3A_351 = tpu.vector_load %arg13[%swap3A_349, %swap3A_350] {strides = array<i32>} : memref<16x16xf32, #tpu.memory_space<vmem>>, vector<16xf32>,
        tpu.vector_store %arg13[%swap3A_349, %swap3A_350], %add3A_347 {strides = array<i32>} : memref<16x16xf32, #tpu.memory_space<vmem>>, vector<16xf32>,
        %mul3A_352 = arith.constant 16 : i32
        %mul3A_353 = arith.muli %scan3A_169, %mul3A_352 : i32
        %add3A_354 = arith.constant 3 : i32
        %add3A_355 = arith.addi %mul3A_353, %add3A_354 : i32
        %broadcast_in_dim3A_356 = arith.constant 0.000000e+00 : f32
        %broadcast_in_dim3A_357 = vector.broadcast %broadcast_in_dim3A_356 : f32 to vector<16xf32>
        %get3A_358 = arith.index_cast %add3A_355 : i32 to index
        %get3A_359 = arith.constant 0 : index
        %get3A_360 = tpu.vector_load %arg9[%get3A_358, %get3A_359] {strides = array<i32>} : memref<64x128xi32, #tpu.memory_space<vmem>>, vector<16xi32>,
        %get3A_361 = arith.index_cast %add3A_355 : i32 to index
        %get3A_362 = arith.constant 0 : index
        %get3A_363 = tpu.vector_load %arg11[%get3A_361, %get3A_362] {strides = array<i32>} : memref<64x128xi32, #tpu.memory_space<vmem>>, vector<16xi32>,
        %bitcast3A_364 = vector.bitcast %get3A_360 : vector<16xi32> to vector<32xbf16>
        %bitcast3A_365 = vector.bitcast %get3A_363 : vector<16xi32> to vector<32xbf16>
        %mul3A_366 = arith.mulf %bitcast3A_364, %bitcast3A_365 : vector<32xbf16>
        %unpack3A_367 = tpu.unpack_subelements %mul3A_366, 0 {pack_format = #tpu.pack_format<interleaved>} : vector<32xbf16> -> vector<16xf32>
        %unpack3A_368 = tpu.unpack_subelements %mul3A_366, 1 {pack_format = #tpu.pack_format<interleaved>} : vector<32xbf16> -> vector<16xf32>
        %add3A_369 = arith.addf %unpack3A_367, %unpack3A_368 : vector<16xf32>
        %add3A_370 = arith.addf %broadcast_in_dim3A_357, %add3A_369 : vector<16xf32>
        %get3A_371 = arith.index_cast %add3A_355 : i32 to index
        %get3A_372 = arith.constant 16 : index
        %get3A_373 = tpu.vector_load %arg9[%get3A_371, %get3A_372] {strides = array<i32>} : memref<64x128xi32, #tpu.memory_space<vmem>>, vector<16xi32>,
        %get3A_374 = arith.index_cast %add3A_355 : i32 to index
        %get3A_375 = arith.constant 16 : index
        %get3A_376 = tpu.vector_load %arg11[%get3A_374, %get3A_375] {strides = array<i32>} : memref<64x128xi32, #tpu.memory_space<vmem>>, vector<16xi32>,
        %bitcast3A_377 = vector.bitcast %get3A_373 : vector<16xi32> to vector<32xbf16>
        %bitcast3A_378 = vector.bitcast %get3A_376 : vector<16xi32> to vector<32xbf16>
        %mul3A_379 = arith.mulf %bitcast3A_377, %bitcast3A_378 : vector<32xbf16>
        %unpack3A_380 = tpu.unpack_subelements %mul3A_379, 0 {pack_format = #tpu.pack_format<interleaved>} : vector<32xbf16> -> vector<16xf32>
        %unpack3A_381 = tpu.unpack_subelements %mul3A_379, 1 {pack_format = #tpu.pack_format<interleaved>} : vector<32xbf16> -> vector<16xf32>
        %add3A_382 = arith.addf %unpack3A_380, %unpack3A_381 : vector<16xf32>
        %add3A_383 = arith.addf %add3A_370, %add3A_382 : vector<16xf32>
        %get3A_384 = arith.index_cast %add3A_355 : i32 to index
        %get3A_385 = arith.constant 32 : index
        %get3A_386 = tpu.vector_load %arg9[%get3A_384, %get3A_385] {strides = array<i32>} : memref<64x128xi32, #tpu.memory_space<vmem>>, vector<16xi32>,
        %get3A_387 = arith.index_cast %add3A_355 : i32 to index
        %get3A_388 = arith.constant 32 : index
        %get3A_389 = tpu.vector_load %arg11[%get3A_387, %get3A_388] {strides = array<i32>} : memref<64x128xi32, #tpu.memory_space<vmem>>, vector<16xi32>,
        %bitcast3A_390 = vector.bitcast %get3A_386 : vector<16xi32> to vector<32xbf16>
        %bitcast3A_391 = vector.bitcast %get3A_389 : vector<16xi32> to vector<32xbf16>
        %mul3A_392 = arith.mulf %bitcast3A_390, %bitcast3A_391 : vector<32xbf16>
        %unpack3A_393 = tpu.unpack_subelements %mul3A_392, 0 {pack_format = #tpu.pack_format<interleaved>} : vector<32xbf16> -> vector<16xf32>
        %unpack3A_394 = tpu.unpack_subelements %mul3A_392, 1 {pack_format = #tpu.pack_format<interleaved>} : vector<32xbf16> -> vector<16xf32>
        %add3A_395 = arith.addf %unpack3A_393, %unpack3A_394 : vector<16xf32>
        %add3A_396 = arith.addf %add3A_383, %add3A_395 : vector<16xf32>
        %get3A_397 = arith.index_cast %add3A_355 : i32 to index
        %get3A_398 = arith.constant 48 : index
        %get3A_399 = tpu.vector_load %arg9[%get3A_397, %get3A_398] {strides = array<i32>} : memref<64x128xi32, #tpu.memory_space<vmem>>, vector<16xi32>,
        %get3A_400 = arith.index_cast %add3A_355 : i32 to index
        %get3A_401 = arith.constant 48 : index
        %get3A_402 = tpu.vector_load %arg11[%get3A_400, %get3A_401] {strides = array<i32>} : memref<64x128xi32, #tpu.memory_space<vmem>>, vector<16xi32>,
        %bitcast3A_403 = vector.bitcast %get3A_399 : vector<16xi32> to vector<32xbf16>
        %bitcast3A_404 = vector.bitcast %get3A_402 : vector<16xi32> to vector<32xbf16>
        %mul3A_405 = arith.mulf %bitcast3A_403, %bitcast3A_404 : vector<32xbf16>
        %unpack3A_406 = tpu.unpack_subelements %mul3A_405, 0 {pack_format = #tpu.pack_format<interleaved>} : vector<32xbf16> -> vector<16xf32>
        %unpack3A_407 = tpu.unpack_subelements %mul3A_405, 1 {pack_format = #tpu.pack_format<interleaved>} : vector<32xbf16> -> vector<16xf32>
        %add3A_408 = arith.addf %unpack3A_406, %unpack3A_407 : vector<16xf32>
        %add3A_409 = arith.addf %add3A_396, %add3A_408 : vector<16xf32>
        %swap3A_410 = arith.constant 3 : i32
        %swap3A_411 = arith.index_cast %swap3A_410 : i32 to index
        %swap3A_412 = arith.constant 0 : index
        %swap3A_413 = tpu.vector_load %arg13[%swap3A_411, %swap3A_412] {strides = array<i32>} : memref<16x16xf32, #tpu.memory_space<vmem>>, vector<16xf32>,
        tpu.vector_store %arg13[%swap3A_411, %swap3A_412], %add3A_409 {strides = array<i32>} : memref<16x16xf32, #tpu.memory_space<vmem>>, vector<16xf32>,
        %mul3A_414 = arith.constant 16 : i32
        %mul3A_415 = arith.muli %scan3A_169, %mul3A_414 : i32
        %add3A_416 = arith.constant 4 : i32
        %add3A_417 = arith.addi %mul3A_415, %add3A_416 : i32
        %broadcast_in_dim3A_418 = arith.constant 0.000000e+00 : f32
        %broadcast_in_dim3A_419 = vector.broadcast %broadcast_in_dim3A_418 : f32 to vector<16xf32>
        %get3A_420 = arith.index_cast %add3A_417 : i32 to index
        %get3A_421 = arith.constant 0 : index
        %get3A_422 = tpu.vector_load %arg9[%get3A_420, %get3A_421] {strides = array<i32>} : memref<64x128xi32, #tpu.memory_space<vmem>>, vector<16xi32>,
        %get3A_423 = arith.index_cast %add3A_417 : i32 to index
        %get3A_424 = arith.constant 0 : index
        %get3A_425 = tpu.vector_load %arg11[%get3A_423, %get3A_424] {strides = array<i32>} : memref<64x128xi32, #tpu.memory_space<vmem>>, vector<16xi32>,
        %bitcast3A_426 = vector.bitcast %get3A_422 : vector<16xi32> to vector<32xbf16>
        %bitcast3A_427 = vector.bitcast %get3A_425 : vector<16xi32> to vector<32xbf16>
        %mul3A_428 = arith.mulf %bitcast3A_426, %bitcast3A_427 : vector<32xbf16>
        %unpack3A_429 = tpu.unpack_subelements %mul3A_428, 0 {pack_format = #tpu.pack_format<interleaved>} : vector<32xbf16> -> vector<16xf32>
        %unpack3A_430 = tpu.unpack_subelements %mul3A_428, 1 {pack_format = #tpu.pack_format<interleaved>} : vector<32xbf16> -> vector<16xf32>
        %add3A_431 = arith.addf %unpack3A_429, %unpack3A_430 : vector<16xf32>
        %add3A_432 = arith.addf %broadcast_in_dim3A_419, %add3A_431 : vector<16xf32>
        %get3A_433 = arith.index_cast %add3A_417 : i32 to index
        %get3A_434 = arith.constant 16 : index
        %get3A_435 = tpu.vector_load %arg9[%get3A_433, %get3A_434] {strides = array<i32>} : memref<64x128xi32, #tpu.memory_space<vmem>>, vector<16xi32>,
        %get3A_436 = arith.index_cast %add3A_417 : i32 to index
        %get3A_437 = arith.constant 16 : index
        %get3A_438 = tpu.vector_load %arg11[%get3A_436, %get3A_437] {strides = array<i32>} : memref<64x128xi32, #tpu.memory_space<vmem>>, vector<16xi32>,
        %bitcast3A_439 = vector.bitcast %get3A_435 : vector<16xi32> to vector<32xbf16>
        %bitcast3A_440 = vector.bitcast %get3A_438 : vector<16xi32> to vector<32xbf16>
        %mul3A_441 = arith.mulf %bitcast3A_439, %bitcast3A_440 : vector<32xbf16>
        %unpack3A_442 = tpu.unpack_subelements %mul3A_441, 0 {pack_format = #tpu.pack_format<interleaved>} : vector<32xbf16> -> vector<16xf32>
        %unpack3A_443 = tpu.unpack_subelements %mul3A_441, 1 {pack_format = #tpu.pack_format<interleaved>} : vector<32xbf16> -> vector<16xf32>
        %add3A_444 = arith.addf %unpack3A_442, %unpack3A_443 : vector<16xf32>
        %add3A_445 = arith.addf %add3A_432, %add3A_444 : vector<16xf32>
        %get3A_446 = arith.index_cast %add3A_417 : i32 to index
        %get3A_447 = arith.constant 32 : index
        %get3A_448 = tpu.vector_load %arg9[%get3A_446, %get3A_447] {strides = array<i32>} : memref<64x128xi32, #tpu.memory_space<vmem>>, vector<16xi32>,
        %get3A_449 = arith.index_cast %add3A_417 : i32 to index
        %get3A_450 = arith.constant 32 : index
        %get3A_451 = tpu.vector_load %arg11[%get3A_449, %get3A_450] {strides = array<i32>} : memref<64x128xi32, #tpu.memory_space<vmem>>, vector<16xi32>,
        %bitcast3A_452 = vector.bitcast %get3A_448 : vector<16xi32> to vector<32xbf16>
        %bitcast3A_453 = vector.bitcast %get3A_451 : vector<16xi32> to vector<32xbf16>
        %mul3A_454 = arith.mulf %bitcast3A_452, %bitcast3A_453 : vector<32xbf16>
        %unpack3A_455 = tpu.unpack_subelements %mul3A_454, 0 {pack_format = #tpu.pack_format<interleaved>} : vector<32xbf16> -> vector<16xf32>
        %unpack3A_456 = tpu.unpack_subelements %mul3A_454, 1 {pack_format = #tpu.pack_format<interleaved>} : vector<32xbf16> -> vector<16xf32>
        %add3A_457 = arith.addf %unpack3A_455, %unpack3A_456 : vector<16xf32>
        %add3A_458 = arith.addf %add3A_445, %add3A_457 : vector<16xf32>
        %get3A_459 = arith.index_cast %add3A_417 : i32 to index
        %get3A_460 = arith.constant 48 : index
        %get3A_461 = tpu.vector_load %arg9[%get3A_459, %get3A_460] {strides = array<i32>} : memref<64x128xi32, #tpu.memory_space<vmem>>, vector<16xi32>,
        %get3A_462 = arith.index_cast %add3A_417 : i32 to index
        %get3A_463 = arith.constant 48 : index
        %get3A_464 = tpu.vector_load %arg11[%get3A_462, %get3A_463] {strides = array<i32>} : memref<64x128xi32, #tpu.memory_space<vmem>>, vector<16xi32>,
        %bitcast3A_465 = vector.bitcast %get3A_461 : vector<16xi32> to vector<32xbf16>
        %bitcast3A_466 = vector.bitcast %get3A_464 : vector<16xi32> to vector<32xbf16>
        %mul3A_467 = arith.mulf %bitcast3A_465, %bitcast3A_466 : vector<32xbf16>
        %unpack3A_468 = tpu.unpack_subelements %mul3A_467, 0 {pack_format = #tpu.pack_format<interleaved>} : vector<32xbf16> -> vector<16xf32>
        %unpack3A_469 = tpu.unpack_subelements %mul3A_467, 1 {pack_format = #tpu.pack_format<interleaved>} : vector<32xbf16> -> vector<16xf32>
        %add3A_470 = arith.addf %unpack3A_468, %unpack3A_469 : vector<16xf32>
        %add3A_471 = arith.addf %add3A_458, %add3A_470 : vector<16xf32>
        %swap3A_472 = arith.constant 4 : i32
        %swap3A_473 = arith.index_cast %swap3A_472 : i32 to index
        %swap3A_474 = arith.constant 0 : index
        %swap3A_475 = tpu.vector_load %arg13[%swap3A_473, %swap3A_474] {strides = array<i32>} : memref<16x16xf32, #tpu.memory_space<vmem>>, vector<16xf32>,
        tpu.vector_store %arg13[%swap3A_473, %swap3A_474], %add3A_471 {strides = array<i32>} : memref<16x16xf32, #tpu.memory_space<vmem>>, vector<16xf32>,
        %mul3A_476 = arith.constant 16 : i32
        %mul3A_477 = arith.muli %scan3A_169, %mul3A_476 : i32
        %add3A_478 = arith.constant 5 : i32
        %add3A_479 = arith.addi %mul3A_477, %add3A_478 : i32
        %broadcast_in_dim3A_480 = arith.constant 0.000000e+00 : f32
        %broadcast_in_dim3A_481 = vector.broadcast %broadcast_in_dim3A_480 : f32 to vector<16xf32>
        %get3A_482 = arith.index_cast %add3A_479 : i32 to index
        %get3A_483 = arith.constant 0 : index
        %get3A_484 = tpu.vector_load %arg9[%get3A_482, %get3A_483] {strides = array<i32>} : memref<64x128xi32, #tpu.memory_space<vmem>>, vector<16xi32>,
        %get3A_485 = arith.index_cast %add3A_479 : i32 to index
        %get3A_486 = arith.constant 0 : index
        %get3A_487 = tpu.vector_load %arg11[%get3A_485, %get3A_486] {strides = array<i32>} : memref<64x128xi32, #tpu.memory_space<vmem>>, vector<16xi32>,
        %bitcast3A_488 = vector.bitcast %get3A_484 : vector<16xi32> to vector<32xbf16>
        %bitcast3A_489 = vector.bitcast %get3A_487 : vector<16xi32> to vector<32xbf16>
        %mul3A_490 = arith.mulf %bitcast3A_488, %bitcast3A_489 : vector<32xbf16>
        %unpack3A_491 = tpu.unpack_subelements %mul3A_490, 0 {pack_format = #tpu.pack_format<interleaved>} : vector<32xbf16> -> vector<16xf32>
        %unpack3A_492 = tpu.unpack_subelements %mul3A_490, 1 {pack_format = #tpu.pack_format<interleaved>} : vector<32xbf16> -> vector<16xf32>
        %add3A_493 = arith.addf %unpack3A_491, %unpack3A_492 : vector<16xf32>
        %add3A_494 = arith.addf %broadcast_in_dim3A_481, %add3A_493 : vector<16xf32>
        %get3A_495 = arith.index_cast %add3A_479 : i32 to index
        %get3A_496 = arith.constant 16 : index
        %get3A_497 = tpu.vector_load %arg9[%get3A_495, %get3A_496] {strides = array<i32>} : memref<64x128xi32, #tpu.memory_space<vmem>>, vector<16xi32>,
        %get3A_498 = arith.index_cast %add3A_479 : i32 to index
        %get3A_499 = arith.constant 16 : index
        %get3A_500 = tpu.vector_load %arg11[%get3A_498, %get3A_499] {strides = array<i32>} : memref<64x128xi32, #tpu.memory_space<vmem>>, vector<16xi32>,
        %bitcast3A_501 = vector.bitcast %get3A_497 : vector<16xi32> to vector<32xbf16>
        %bitcast3A_502 = vector.bitcast %get3A_500 : vector<16xi32> to vector<32xbf16>
        %mul3A_503 = arith.mulf %bitcast3A_501, %bitcast3A_502 : vector<32xbf16>
        %unpack3A_504 = tpu.unpack_subelements %mul3A_503, 0 {pack_format = #tpu.pack_format<interleaved>} : vector<32xbf16> -> vector<16xf32>
        %unpack3A_505 = tpu.unpack_subelements %mul3A_503, 1 {pack_format = #tpu.pack_format<interleaved>} : vector<32xbf16> -> vector<16xf32>
        %add3A_506 = arith.addf %unpack3A_504, %unpack3A_505 : vector<16xf32>
        %add3A_507 = arith.addf %add3A_494, %add3A_506 : vector<16xf32>
        %get3A_508 = arith.index_cast %add3A_479 : i32 to index
        %get3A_509 = arith.constant 32 : index
        %get3A_510 = tpu.vector_load %arg9[%get3A_508, %get3A_509] {strides = array<i32>} : memref<64x128xi32, #tpu.memory_space<vmem>>, vector<16xi32>,
        %get3A_511 = arith.index_cast %add3A_479 : i32 to index
        %get3A_512 = arith.constant 32 : index
        %get3A_513 = tpu.vector_load %arg11[%get3A_511, %get3A_512] {strides = array<i32>} : memref<64x128xi32, #tpu.memory_space<vmem>>, vector<16xi32>,
        %bitcast3A_514 = vector.bitcast %get3A_510 : vector<16xi32> to vector<32xbf16>
        %bitcast3A_515 = vector.bitcast %get3A_513 : vector<16xi32> to vector<32xbf16>
        %mul3A_516 = arith.mulf %bitcast3A_514, %bitcast3A_515 : vector<32xbf16>
        %unpack3A_517 = tpu.unpack_subelements %mul3A_516, 0 {pack_format = #tpu.pack_format<interleaved>} : vector<32xbf16> -> vector<16xf32>
        %unpack3A_518 = tpu.unpack_subelements %mul3A_516, 1 {pack_format = #tpu.pack_format<interleaved>} : vector<32xbf16> -> vector<16xf32>
        %add3A_519 = arith.addf %unpack3A_517, %unpack3A_518 : vector<16xf32>
        %add3A_520 = arith.addf %add3A_507, %add3A_519 : vector<16xf32>
        %get3A_521 = arith.index_cast %add3A_479 : i32 to index
        %get3A_522 = arith.constant 48 : index
        %get3A_523 = tpu.vector_load %arg9[%get3A_521, %get3A_522] {strides = array<i32>} : memref<64x128xi32, #tpu.memory_space<vmem>>, vector<16xi32>,
        %get3A_524 = arith.index_cast %add3A_479 : i32 to index
        %get3A_525 = arith.constant 48 : index
        %get3A_526 = tpu.vector_load %arg11[%get3A_524, %get3A_525] {strides = array<i32>} : memref<64x128xi32, #tpu.memory_space<vmem>>, vector<16xi32>,
        %bitcast3A_527 = vector.bitcast %get3A_523 : vector<16xi32> to vector<32xbf16>
        %bitcast3A_528 = vector.bitcast %get3A_526 : vector<16xi32> to vector<32xbf16>
        %mul3A_529 = arith.mulf %bitcast3A_527, %bitcast3A_528 : vector<32xbf16>
        %unpack3A_530 = tpu.unpack_subelements %mul3A_529, 0 {pack_format = #tpu.pack_format<interleaved>} : vector<32xbf16> -> vector<16xf32>
        %unpack3A_531 = tpu.unpack_subelements %mul3A_529, 1 {pack_format = #tpu.pack_format<interleaved>} : vector<32xbf16> -> vector<16xf32>
        %add3A_532 = arith.addf %unpack3A_530, %unpack3A_531 : vector<16xf32>
        %add3A_533 = arith.addf %add3A_520, %add3A_532 : vector<16xf32>
        %swap3A_534 = arith.constant 5 : i32
        %swap3A_535 = arith.index_cast %swap3A_534 : i32 to index
        %swap3A_536 = arith.constant 0 : index
        %swap3A_537 = tpu.vector_load %arg13[%swap3A_535, %swap3A_536] {strides = array<i32>} : memref<16x16xf32, #tpu.memory_space<vmem>>, vector<16xf32>,
        tpu.vector_store %arg13[%swap3A_535, %swap3A_536], %add3A_533 {strides = array<i32>} : memref<16x16xf32, #tpu.memory_space<vmem>>, vector<16xf32>,
        %mul3A_538 = arith.constant 16 : i32
        %mul3A_539 = arith.muli %scan3A_169, %mul3A_538 : i32
        %add3A_540 = arith.constant 6 : i32
        %add3A_541 = arith.addi %mul3A_539, %add3A_540 : i32
        %broadcast_in_dim3A_542 = arith.constant 0.000000e+00 : f32
        %broadcast_in_dim3A_543 = vector.broadcast %broadcast_in_dim3A_542 : f32 to vector<16xf32>
        %get3A_544 = arith.index_cast %add3A_541 : i32 to index
        %get3A_545 = arith.constant 0 : index
        %get3A_546 = tpu.vector_load %arg9[%get3A_544, %get3A_545] {strides = array<i32>} : memref<64x128xi32, #tpu.memory_space<vmem>>, vector<16xi32>,
        %get3A_547 = arith.index_cast %add3A_541 : i32 to index
        %get3A_548 = arith.constant 0 : index
        %get3A_549 = tpu.vector_load %arg11[%get3A_547, %get3A_548] {strides = array<i32>} : memref<64x128xi32, #tpu.memory_space<vmem>>, vector<16xi32>,
        %bitcast3A_550 = vector.bitcast %get3A_546 : vector<16xi32> to vector<32xbf16>
        %bitcast3A_551 = vector.bitcast %get3A_549 : vector<16xi32> to vector<32xbf16>
        %mul3A_552 = arith.mulf %bitcast3A_550, %bitcast3A_551 : vector<32xbf16>
        %unpack3A_553 = tpu.unpack_subelements %mul3A_552, 0 {pack_format = #tpu.pack_format<interleaved>} : vector<32xbf16> -> vector<16xf32>
        %unpack3A_554 = tpu.unpack_subelements %mul3A_552, 1 {pack_format = #tpu.pack_format<interleaved>} : vector<32xbf16> -> vector<16xf32>
        %add3A_555 = arith.addf %unpack3A_553, %unpack3A_554 : vector<16xf32>
        %add3A_556 = arith.addf %broadcast_in_dim3A_543, %add3A_555 : vector<16xf32>
        %get3A_557 = arith.index_cast %add3A_541 : i32 to index
        %get3A_558 = arith.constant 16 : index
        %get3A_559 = tpu.vector_load %arg9[%get3A_557, %get3A_558] {strides = array<i32>} : memref<64x128xi32, #tpu.memory_space<vmem>>, vector<16xi32>,
        %get3A_560 = arith.index_cast %add3A_541 : i32 to index
        %get3A_561 = arith.constant 16 : index
        %get3A_562 = tpu.vector_load %arg11[%get3A_560, %get3A_561] {strides = array<i32>} : memref<64x128xi32, #tpu.memory_space<vmem>>, vector<16xi32>,
        %bitcast3A_563 = vector.bitcast %get3A_559 : vector<16xi32> to vector<32xbf16>
        %bitcast3A_564 = vector.bitcast %get3A_562 : vector<16xi32> to vector<32xbf16>
        %mul3A_565 = arith.mulf %bitcast3A_563, %bitcast3A_564 : vector<32xbf16>
        %unpack3A_566 = tpu.unpack_subelements %mul3A_565, 0 {pack_format = #tpu.pack_format<interleaved>} : vector<32xbf16> -> vector<16xf32>
        %unpack3A_567 = tpu.unpack_subelements %mul3A_565, 1 {pack_format = #tpu.pack_format<interleaved>} : vector<32xbf16> -> vector<16xf32>
        %add3A_568 = arith.addf %unpack3A_566, %unpack3A_567 : vector<16xf32>
        %add3A_569 = arith.addf %add3A_556, %add3A_568 : vector<16xf32>
        %get3A_570 = arith.index_cast %add3A_541 : i32 to index
        %get3A_571 = arith.constant 32 : index
        %get3A_572 = tpu.vector_load %arg9[%get3A_570, %get3A_571] {strides = array<i32>} : memref<64x128xi32, #tpu.memory_space<vmem>>, vector<16xi32>,
        %get3A_573 = arith.index_cast %add3A_541 : i32 to index
        %get3A_574 = arith.constant 32 : index
        %get3A_575 = tpu.vector_load %arg11[%get3A_573, %get3A_574] {strides = array<i32>} : memref<64x128xi32, #tpu.memory_space<vmem>>, vector<16xi32>,
        %bitcast3A_576 = vector.bitcast %get3A_572 : vector<16xi32> to vector<32xbf16>
        %bitcast3A_577 = vector.bitcast %get3A_575 : vector<16xi32> to vector<32xbf16>
        %mul3A_578 = arith.mulf %bitcast3A_576, %bitcast3A_577 : vector<32xbf16>
        %unpack3A_579 = tpu.unpack_subelements %mul3A_578, 0 {pack_format = #tpu.pack_format<interleaved>} : vector<32xbf16> -> vector<16xf32>
        %unpack3A_580 = tpu.unpack_subelements %mul3A_578, 1 {pack_format = #tpu.pack_format<interleaved>} : vector<32xbf16> -> vector<16xf32>
        %add3A_581 = arith.addf %unpack3A_579, %unpack3A_580 : vector<16xf32>
        %add3A_582 = arith.addf %add3A_569, %add3A_581 : vector<16xf32>
        %get3A_583 = arith.index_cast %add3A_541 : i32 to index
        %get3A_584 = arith.constant 48 : index
        %get3A_585 = tpu.vector_load %arg9[%get3A_583, %get3A_584] {strides = array<i32>} : memref<64x128xi32, #tpu.memory_space<vmem>>, vector<16xi32>,
        %get3A_586 = arith.index_cast %add3A_541 : i32 to index
        %get3A_587 = arith.constant 48 : index
        %get3A_588 = tpu.vector_load %arg11[%get3A_586, %get3A_587] {strides = array<i32>} : memref<64x128xi32, #tpu.memory_space<vmem>>, vector<16xi32>,
        %bitcast3A_589 = vector.bitcast %get3A_585 : vector<16xi32> to vector<32xbf16>
        %bitcast3A_590 = vector.bitcast %get3A_588 : vector<16xi32> to vector<32xbf16>
        %mul3A_591 = arith.mulf %bitcast3A_589, %bitcast3A_590 : vector<32xbf16>
        %unpack3A_592 = tpu.unpack_subelements %mul3A_591, 0 {pack_format = #tpu.pack_format<interleaved>} : vector<32xbf16> -> vector<16xf32>
        %unpack3A_593 = tpu.unpack_subelements %mul3A_591, 1 {pack_format = #tpu.pack_format<interleaved>} : vector<32xbf16> -> vector<16xf32>
        %add3A_594 = arith.addf %unpack3A_592, %unpack3A_593 : vector<16xf32>
        %add3A_595 = arith.addf %add3A_582, %add3A_594 : vector<16xf32>
        %swap3A_596 = arith.constant 6 : i32
        %swap3A_597 = arith.index_cast %swap3A_596 : i32 to index
        %swap3A_598 = arith.constant 0 : index
        %swap3A_599 = tpu.vector_load %arg13[%swap3A_597, %swap3A_598] {strides = array<i32>} : memref<16x16xf32, #tpu.memory_space<vmem>>, vector<16xf32>,
        tpu.vector_store %arg13[%swap3A_597, %swap3A_598], %add3A_595 {strides = array<i32>} : memref<16x16xf32, #tpu.memory_space<vmem>>, vector<16xf32>,
        %mul3A_600 = arith.constant 16 : i32
        %mul3A_601 = arith.muli %scan3A_169, %mul3A_600 : i32
        %add3A_602 = arith.constant 7 : i32
        %add3A_603 = arith.addi %mul3A_601, %add3A_602 : i32
        %broadcast_in_dim3A_604 = arith.constant 0.000000e+00 : f32
        %broadcast_in_dim3A_605 = vector.broadcast %broadcast_in_dim3A_604 : f32 to vector<16xf32>
        %get3A_606 = arith.index_cast %add3A_603 : i32 to index
        %get3A_607 = arith.constant 0 : index
        %get3A_608 = tpu.vector_load %arg9[%get3A_606, %get3A_607] {strides = array<i32>} : memref<64x128xi32, #tpu.memory_space<vmem>>, vector<16xi32>,
        %get3A_609 = arith.index_cast %add3A_603 : i32 to index
        %get3A_610 = arith.constant 0 : index
        %get3A_611 = tpu.vector_load %arg11[%get3A_609, %get3A_610] {strides = array<i32>} : memref<64x128xi32, #tpu.memory_space<vmem>>, vector<16xi32>,
        %bitcast3A_612 = vector.bitcast %get3A_608 : vector<16xi32> to vector<32xbf16>
        %bitcast3A_613 = vector.bitcast %get3A_611 : vector<16xi32> to vector<32xbf16>
        %mul3A_614 = arith.mulf %bitcast3A_612, %bitcast3A_613 : vector<32xbf16>
        %unpack3A_615 = tpu.unpack_subelements %mul3A_614, 0 {pack_format = #tpu.pack_format<interleaved>} : vector<32xbf16> -> vector<16xf32>
        %unpack3A_616 = tpu.unpack_subelements %mul3A_614, 1 {pack_format = #tpu.pack_format<interleaved>} : vector<32xbf16> -> vector<16xf32>
        %add3A_617 = arith.addf %unpack3A_615, %unpack3A_616 : vector<16xf32>
        %add3A_618 = arith.addf %broadcast_in_dim3A_605, %add3A_617 : vector<16xf32>
        %get3A_619 = arith.index_cast %add3A_603 : i32 to index
        %get3A_620 = arith.constant 16 : index
        %get3A_621 = tpu.vector_load %arg9[%get3A_619, %get3A_620] {strides = array<i32>} : memref<64x128xi32, #tpu.memory_space<vmem>>, vector<16xi32>,
        %get3A_622 = arith.index_cast %add3A_603 : i32 to index
        %get3A_623 = arith.constant 16 : index
        %get3A_624 = tpu.vector_load %arg11[%get3A_622, %get3A_623] {strides = array<i32>} : memref<64x128xi32, #tpu.memory_space<vmem>>, vector<16xi32>,
        %bitcast3A_625 = vector.bitcast %get3A_621 : vector<16xi32> to vector<32xbf16>
        %bitcast3A_626 = vector.bitcast %get3A_624 : vector<16xi32> to vector<32xbf16>
        %mul3A_627 = arith.mulf %bitcast3A_625, %bitcast3A_626 : vector<32xbf16>
        %unpack3A_628 = tpu.unpack_subelements %mul3A_627, 0 {pack_format = #tpu.pack_format<interleaved>} : vector<32xbf16> -> vector<16xf32>
        %unpack3A_629 = tpu.unpack_subelements %mul3A_627, 1 {pack_format = #tpu.pack_format<interleaved>} : vector<32xbf16> -> vector<16xf32>
        %add3A_630 = arith.addf %unpack3A_628, %unpack3A_629 : vector<16xf32>
        %add3A_631 = arith.addf %add3A_618, %add3A_630 : vector<16xf32>
        %get3A_632 = arith.index_cast %add3A_603 : i32 to index
        %get3A_633 = arith.constant 32 : index
        %get3A_634 = tpu.vector_load %arg9[%get3A_632, %get3A_633] {strides = array<i32>} : memref<64x128xi32, #tpu.memory_space<vmem>>, vector<16xi32>,
        %get3A_635 = arith.index_cast %add3A_603 : i32 to index
        %get3A_636 = arith.constant 32 : index
        %get3A_637 = tpu.vector_load %arg11[%get3A_635, %get3A_636] {strides = array<i32>} : memref<64x128xi32, #tpu.memory_space<vmem>>, vector<16xi32>,
        %bitcast3A_638 = vector.bitcast %get3A_634 : vector<16xi32> to vector<32xbf16>
        %bitcast3A_639 = vector.bitcast %get3A_637 : vector<16xi32> to vector<32xbf16>
        %mul3A_640 = arith.mulf %bitcast3A_638, %bitcast3A_639 : vector<32xbf16>
        %unpack3A_641 = tpu.unpack_subelements %mul3A_640, 0 {pack_format = #tpu.pack_format<interleaved>} : vector<32xbf16> -> vector<16xf32>
        %unpack3A_642 = tpu.unpack_subelements %mul3A_640, 1 {pack_format = #tpu.pack_format<interleaved>} : vector<32xbf16> -> vector<16xf32>
        %add3A_643 = arith.addf %unpack3A_641, %unpack3A_642 : vector<16xf32>
        %add3A_644 = arith.addf %add3A_631, %add3A_643 : vector<16xf32>
        %get3A_645 = arith.index_cast %add3A_603 : i32 to index
        %get3A_646 = arith.constant 48 : index
        %get3A_647 = tpu.vector_load %arg9[%get3A_645, %get3A_646] {strides = array<i32>} : memref<64x128xi32, #tpu.memory_space<vmem>>, vector<16xi32>,
        %get3A_648 = arith.index_cast %add3A_603 : i32 to index
        %get3A_649 = arith.constant 48 : index
        %get3A_650 = tpu.vector_load %arg11[%get3A_648, %get3A_649] {strides = array<i32>} : memref<64x128xi32, #tpu.memory_space<vmem>>, vector<16xi32>,
        %bitcast3A_651 = vector.bitcast %get3A_647 : vector<16xi32> to vector<32xbf16>
        %bitcast3A_652 = vector.bitcast %get3A_650 : vector<16xi32> to vector<32xbf16>
        %mul3A_653 = arith.mulf %bitcast3A_651, %bitcast3A_652 : vector<32xbf16>
        %unpack3A_654 = tpu.unpack_subelements %mul3A_653, 0 {pack_format = #tpu.pack_format<interleaved>} : vector<32xbf16> -> vector<16xf32>
        %unpack3A_655 = tpu.unpack_subelements %mul3A_653, 1 {pack_format = #tpu.pack_format<interleaved>} : vector<32xbf16> -> vector<16xf32>
        %add3A_656 = arith.addf %unpack3A_654, %unpack3A_655 : vector<16xf32>
        %add3A_657 = arith.addf %add3A_644, %add3A_656 : vector<16xf32>
        %swap3A_658 = arith.constant 7 : i32
        %swap3A_659 = arith.index_cast %swap3A_658 : i32 to index
        %swap3A_660 = arith.constant 0 : index
        %swap3A_661 = tpu.vector_load %arg13[%swap3A_659, %swap3A_660] {strides = array<i32>} : memref<16x16xf32, #tpu.memory_space<vmem>>, vector<16xf32>,
        tpu.vector_store %arg13[%swap3A_659, %swap3A_660], %add3A_657 {strides = array<i32>} : memref<16x16xf32, #tpu.memory_space<vmem>>, vector<16xf32>,
        %mul3A_662 = arith.constant 16 : i32
        %mul3A_663 = arith.muli %scan3A_169, %mul3A_662 : i32
        %add3A_664 = arith.constant 8 : i32
        %add3A_665 = arith.addi %mul3A_663, %add3A_664 : i32
        %broadcast_in_dim3A_666 = arith.constant 0.000000e+00 : f32
        %broadcast_in_dim3A_667 = vector.broadcast %broadcast_in_dim3A_666 : f32 to vector<16xf32>
        %get3A_668 = arith.index_cast %add3A_665 : i32 to index
        %get3A_669 = arith.constant 0 : index
        %get3A_670 = tpu.vector_load %arg9[%get3A_668, %get3A_669] {strides = array<i32>} : memref<64x128xi32, #tpu.memory_space<vmem>>, vector<16xi32>,
        %get3A_671 = arith.index_cast %add3A_665 : i32 to index
        %get3A_672 = arith.constant 0 : index
        %get3A_673 = tpu.vector_load %arg11[%get3A_671, %get3A_672] {strides = array<i32>} : memref<64x128xi32, #tpu.memory_space<vmem>>, vector<16xi32>,
        %bitcast3A_674 = vector.bitcast %get3A_670 : vector<16xi32> to vector<32xbf16>
        %bitcast3A_675 = vector.bitcast %get3A_673 : vector<16xi32> to vector<32xbf16>
        %mul3A_676 = arith.mulf %bitcast3A_674, %bitcast3A_675 : vector<32xbf16>
        %unpack3A_677 = tpu.unpack_subelements %mul3A_676, 0 {pack_format = #tpu.pack_format<interleaved>} : vector<32xbf16> -> vector<16xf32>
        %unpack3A_678 = tpu.unpack_subelements %mul3A_676, 1 {pack_format = #tpu.pack_format<interleaved>} : vector<32xbf16> -> vector<16xf32>
        %add3A_679 = arith.addf %unpack3A_677, %unpack3A_678 : vector<16xf32>
        %add3A_680 = arith.addf %broadcast_in_dim3A_667, %add3A_679 : vector<16xf32>
        %get3A_681 = arith.index_cast %add3A_665 : i32 to index
        %get3A_682 = arith.constant 16 : index
        %get3A_683 = tpu.vector_load %arg9[%get3A_681, %get3A_682] {strides = array<i32>} : memref<64x128xi32, #tpu.memory_space<vmem>>, vector<16xi32>,
        %get3A_684 = arith.index_cast %add3A_665 : i32 to index
        %get3A_685 = arith.constant 16 : index
        %get3A_686 = tpu.vector_load %arg11[%get3A_684, %get3A_685] {strides = array<i32>} : memref<64x128xi32, #tpu.memory_space<vmem>>, vector<16xi32>,
        %bitcast3A_687 = vector.bitcast %get3A_683 : vector<16xi32> to vector<32xbf16>
        %bitcast3A_688 = vector.bitcast %get3A_686 : vector<16xi32> to vector<32xbf16>
        %mul3A_689 = arith.mulf %bitcast3A_687, %bitcast3A_688 : vector<32xbf16>
        %unpack3A_690 = tpu.unpack_subelements %mul3A_689, 0 {pack_format = #tpu.pack_format<interleaved>} : vector<32xbf16> -> vector<16xf32>
        %unpack3A_691 = tpu.unpack_subelements %mul3A_689, 1 {pack_format = #tpu.pack_format<interleaved>} : vector<32xbf16> -> vector<16xf32>
        %add3A_692 = arith.addf %unpack3A_690, %unpack3A_691 : vector<16xf32>
        %add3A_693 = arith.addf %add3A_680, %add3A_692 : vector<16xf32>
        %get3A_694 = arith.index_cast %add3A_665 : i32 to index
        %get3A_695 = arith.constant 32 : index
        %get3A_696 = tpu.vector_load %arg9[%get3A_694, %get3A_695] {strides = array<i32>} : memref<64x128xi32, #tpu.memory_space<vmem>>, vector<16xi32>,
        %get3A_697 = arith.index_cast %add3A_665 : i32 to index
        %get3A_698 = arith.constant 32 : index
        %get3A_699 = tpu.vector_load %arg11[%get3A_697, %get3A_698] {strides = array<i32>} : memref<64x128xi32, #tpu.memory_space<vmem>>, vector<16xi32>,
        %bitcast3A_700 = vector.bitcast %get3A_696 : vector<16xi32> to vector<32xbf16>
        %bitcast3A_701 = vector.bitcast %get3A_699 : vector<16xi32> to vector<32xbf16>
        %mul3A_702 = arith.mulf %bitcast3A_700, %bitcast3A_701 : vector<32xbf16>
        %unpack3A_703 = tpu.unpack_subelements %mul3A_702, 0 {pack_format = #tpu.pack_format<interleaved>} : vector<32xbf16> -> vector<16xf32>
        %unpack3A_704 = tpu.unpack_subelements %mul3A_702, 1 {pack_format = #tpu.pack_format<interleaved>} : vector<32xbf16> -> vector<16xf32>
        %add3A_705 = arith.addf %unpack3A_703, %unpack3A_704 : vector<16xf32>
        %add3A_706 = arith.addf %add3A_693, %add3A_705 : vector<16xf32>
        %get3A_707 = arith.index_cast %add3A_665 : i32 to index
        %get3A_708 = arith.constant 48 : index
        %get3A_709 = tpu.vector_load %arg9[%get3A_707, %get3A_708] {strides = array<i32>} : memref<64x128xi32, #tpu.memory_space<vmem>>, vector<16xi32>,
        %get3A_710 = arith.index_cast %add3A_665 : i32 to index
        %get3A_711 = arith.constant 48 : index
        %get3A_712 = tpu.vector_load %arg11[%get3A_710, %get3A_711] {strides = array<i32>} : memref<64x128xi32, #tpu.memory_space<vmem>>, vector<16xi32>,
        %bitcast3A_713 = vector.bitcast %get3A_709 : vector<16xi32> to vector<32xbf16>
        %bitcast3A_714 = vector.bitcast %get3A_712 : vector<16xi32> to vector<32xbf16>
        %mul3A_715 = arith.mulf %bitcast3A_713, %bitcast3A_714 : vector<32xbf16>
        %unpack3A_716 = tpu.unpack_subelements %mul3A_715, 0 {pack_format = #tpu.pack_format<interleaved>} : vector<32xbf16> -> vector<16xf32>
        %unpack3A_717 = tpu.unpack_subelements %mul3A_715, 1 {pack_format = #tpu.pack_format<interleaved>} : vector<32xbf16> -> vector<16xf32>
        %add3A_718 = arith.addf %unpack3A_716, %unpack3A_717 : vector<16xf32>
        %add3A_719 = arith.addf %add3A_706, %add3A_718 : vector<16xf32>
        %swap3A_720 = arith.constant 8 : i32
        %swap3A_721 = arith.index_cast %swap3A_720 : i32 to index
        %swap3A_722 = arith.constant 0 : index
        %swap3A_723 = tpu.vector_load %arg13[%swap3A_721, %swap3A_722] {strides = array<i32>} : memref<16x16xf32, #tpu.memory_space<vmem>>, vector<16xf32>,
        tpu.vector_store %arg13[%swap3A_721, %swap3A_722], %add3A_719 {strides = array<i32>} : memref<16x16xf32, #tpu.memory_space<vmem>>, vector<16xf32>,
        %mul3A_724 = arith.constant 16 : i32
        %mul3A_725 = arith.muli %scan3A_169, %mul3A_724 : i32
        %add3A_726 = arith.constant 9 : i32
        %add3A_727 = arith.addi %mul3A_725, %add3A_726 : i32
        %broadcast_in_dim3A_728 = arith.constant 0.000000e+00 : f32
        %broadcast_in_dim3A_729 = vector.broadcast %broadcast_in_dim3A_728 : f32 to vector<16xf32>
        %get3A_730 = arith.index_cast %add3A_727 : i32 to index
        %get3A_731 = arith.constant 0 : index
        %get3A_732 = tpu.vector_load %arg9[%get3A_730, %get3A_731] {strides = array<i32>} : memref<64x128xi32, #tpu.memory_space<vmem>>, vector<16xi32>,
        %get3A_733 = arith.index_cast %add3A_727 : i32 to index
        %get3A_734 = arith.constant 0 : index
        %get3A_735 = tpu.vector_load %arg11[%get3A_733, %get3A_734] {strides = array<i32>} : memref<64x128xi32, #tpu.memory_space<vmem>>, vector<16xi32>,
        %bitcast3A_736 = vector.bitcast %get3A_732 : vector<16xi32> to vector<32xbf16>
        %bitcast3A_737 = vector.bitcast %get3A_735 : vector<16xi32> to vector<32xbf16>
        %mul3A_738 = arith.mulf %bitcast3A_736, %bitcast3A_737 : vector<32xbf16>
        %unpack3A_739 = tpu.unpack_subelements %mul3A_738, 0 {pack_format = #tpu.pack_format<interleaved>} : vector<32xbf16> -> vector<16xf32>
        %unpack3A_740 = tpu.unpack_subelements %mul3A_738, 1 {pack_format = #tpu.pack_format<interleaved>} : vector<32xbf16> -> vector<16xf32>
        %add3A_741 = arith.addf %unpack3A_739, %unpack3A_740 : vector<16xf32>
        %add3A_742 = arith.addf %broadcast_in_dim3A_729, %add3A_741 : vector<16xf32>
        %get3A_743 = arith.index_cast %add3A_727 : i32 to index
        %get3A_744 = arith.constant 16 : index
        %get3A_745 = tpu.vector_load %arg9[%get3A_743, %get3A_744] {strides = array<i32>} : memref<64x128xi32, #tpu.memory_space<vmem>>, vector<16xi32>,
        %get3A_746 = arith.index_cast %add3A_727 : i32 to index
        %get3A_747 = arith.constant 16 : index
        %get3A_748 = tpu.vector_load %arg11[%get3A_746, %get3A_747] {strides = array<i32>} : memref<64x128xi32, #tpu.memory_space<vmem>>, vector<16xi32>,
        %bitcast3A_749 = vector.bitcast %get3A_745 : vector<16xi32> to vector<32xbf16>
        %bitcast3A_750 = vector.bitcast %get3A_748 : vector<16xi32> to vector<32xbf16>
        %mul3A_751 = arith.mulf %bitcast3A_749, %bitcast3A_750 : vector<32xbf16>
        %unpack3A_752 = tpu.unpack_subelements %mul3A_751, 0 {pack_format = #tpu.pack_format<interleaved>} : vector<32xbf16> -> vector<16xf32>
        %unpack3A_753 = tpu.unpack_subelements %mul3A_751, 1 {pack_format = #tpu.pack_format<interleaved>} : vector<32xbf16> -> vector<16xf32>
        %add3A_754 = arith.addf %unpack3A_752, %unpack3A_753 : vector<16xf32>
        %add3A_755 = arith.addf %add3A_742, %add3A_754 : vector<16xf32>
        %get3A_756 = arith.index_cast %add3A_727 : i32 to index
        %get3A_757 = arith.constant 32 : index
        %get3A_758 = tpu.vector_load %arg9[%get3A_756, %get3A_757] {strides = array<i32>} : memref<64x128xi32, #tpu.memory_space<vmem>>, vector<16xi32>,
        %get3A_759 = arith.index_cast %add3A_727 : i32 to index
        %get3A_760 = arith.constant 32 : index
        %get3A_761 = tpu.vector_load %arg11[%get3A_759, %get3A_760] {strides = array<i32>} : memref<64x128xi32, #tpu.memory_space<vmem>>, vector<16xi32>,
        %bitcast3A_762 = vector.bitcast %get3A_758 : vector<16xi32> to vector<32xbf16>
        %bitcast3A_763 = vector.bitcast %get3A_761 : vector<16xi32> to vector<32xbf16>
        %mul3A_764 = arith.mulf %bitcast3A_762, %bitcast3A_763 : vector<32xbf16>
        %unpack3A_765 = tpu.unpack_subelements %mul3A_764, 0 {pack_format = #tpu.pack_format<interleaved>} : vector<32xbf16> -> vector<16xf32>
        %unpack3A_766 = tpu.unpack_subelements %mul3A_764, 1 {pack_format = #tpu.pack_format<interleaved>} : vector<32xbf16> -> vector<16xf32>
        %add3A_767 = arith.addf %unpack3A_765, %unpack3A_766 : vector<16xf32>
        %add3A_768 = arith.addf %add3A_755, %add3A_767 : vector<16xf32>
        %get3A_769 = arith.index_cast %add3A_727 : i32 to index
        %get3A_770 = arith.constant 48 : index
        %get3A_771 = tpu.vector_load %arg9[%get3A_769, %get3A_770] {strides = array<i32>} : memref<64x128xi32, #tpu.memory_space<vmem>>, vector<16xi32>,
        %get3A_772 = arith.index_cast %add3A_727 : i32 to index
        %get3A_773 = arith.constant 48 : index
        %get3A_774 = tpu.vector_load %arg11[%get3A_772, %get3A_773] {strides = array<i32>} : memref<64x128xi32, #tpu.memory_space<vmem>>, vector<16xi32>,
        %bitcast3A_775 = vector.bitcast %get3A_771 : vector<16xi32> to vector<32xbf16>
        %bitcast3A_776 = vector.bitcast %get3A_774 : vector<16xi32> to vector<32xbf16>
        %mul3A_777 = arith.mulf %bitcast3A_775, %bitcast3A_776 : vector<32xbf16>
        %unpack3A_778 = tpu.unpack_subelements %mul3A_777, 0 {pack_format = #tpu.pack_format<interleaved>} : vector<32xbf16> -> vector<16xf32>
        %unpack3A_779 = tpu.unpack_subelements %mul3A_777, 1 {pack_format = #tpu.pack_format<interleaved>} : vector<32xbf16> -> vector<16xf32>
        %add3A_780 = arith.addf %unpack3A_778, %unpack3A_779 : vector<16xf32>
        %add3A_781 = arith.addf %add3A_768, %add3A_780 : vector<16xf32>
        %swap3A_782 = arith.constant 9 : i32
        %swap3A_783 = arith.index_cast %swap3A_782 : i32 to index
        %swap3A_784 = arith.constant 0 : index
        %swap3A_785 = tpu.vector_load %arg13[%swap3A_783, %swap3A_784] {strides = array<i32>} : memref<16x16xf32, #tpu.memory_space<vmem>>, vector<16xf32>,
        tpu.vector_store %arg13[%swap3A_783, %swap3A_784], %add3A_781 {strides = array<i32>} : memref<16x16xf32, #tpu.memory_space<vmem>>, vector<16xf32>,
        %mul3A_786 = arith.constant 16 : i32
        %mul3A_787 = arith.muli %scan3A_169, %mul3A_786 : i32
        %add3A_788 = arith.constant 10 : i32
        %add3A_789 = arith.addi %mul3A_787, %add3A_788 : i32
        %broadcast_in_dim3A_790 = arith.constant 0.000000e+00 : f32
        %broadcast_in_dim3A_791 = vector.broadcast %broadcast_in_dim3A_790 : f32 to vector<16xf32>
        %get3A_792 = arith.index_cast %add3A_789 : i32 to index
        %get3A_793 = arith.constant 0 : index
        %get3A_794 = tpu.vector_load %arg9[%get3A_792, %get3A_793] {strides = array<i32>} : memref<64x128xi32, #tpu.memory_space<vmem>>, vector<16xi32>,
        %get3A_795 = arith.index_cast %add3A_789 : i32 to index
        %get3A_796 = arith.constant 0 : index
        %get3A_797 = tpu.vector_load %arg11[%get3A_795, %get3A_796] {strides = array<i32>} : memref<64x128xi32, #tpu.memory_space<vmem>>, vector<16xi32>,
        %bitcast3A_798 = vector.bitcast %get3A_794 : vector<16xi32> to vector<32xbf16>
        %bitcast3A_799 = vector.bitcast %get3A_797 : vector<16xi32> to vector<32xbf16>
        %mul3A_800 = arith.mulf %bitcast3A_798, %bitcast3A_799 : vector<32xbf16>
        %unpack3A_801 = tpu.unpack_subelements %mul3A_800, 0 {pack_format = #tpu.pack_format<interleaved>} : vector<32xbf16> -> vector<16xf32>
        %unpack3A_802 = tpu.unpack_subelements %mul3A_800, 1 {pack_format = #tpu.pack_format<interleaved>} : vector<32xbf16> -> vector<16xf32>
        %add3A_803 = arith.addf %unpack3A_801, %unpack3A_802 : vector<16xf32>
        %add3A_804 = arith.addf %broadcast_in_dim3A_791, %add3A_803 : vector<16xf32>
        %get3A_805 = arith.index_cast %add3A_789 : i32 to index
        %get3A_806 = arith.constant 16 : index
        %get3A_807 = tpu.vector_load %arg9[%get3A_805, %get3A_806] {strides = array<i32>} : memref<64x128xi32, #tpu.memory_space<vmem>>, vector<16xi32>,
        %get3A_808 = arith.index_cast %add3A_789 : i32 to index
        %get3A_809 = arith.constant 16 : index
        %get3A_810 = tpu.vector_load %arg11[%get3A_808, %get3A_809] {strides = array<i32>} : memref<64x128xi32, #tpu.memory_space<vmem>>, vector<16xi32>,
        %bitcast3A_811 = vector.bitcast %get3A_807 : vector<16xi32> to vector<32xbf16>
        %bitcast3A_812 = vector.bitcast %get3A_810 : vector<16xi32> to vector<32xbf16>
        %mul3A_813 = arith.mulf %bitcast3A_811, %bitcast3A_812 : vector<32xbf16>
        %unpack3A_814 = tpu.unpack_subelements %mul3A_813, 0 {pack_format = #tpu.pack_format<interleaved>} : vector<32xbf16> -> vector<16xf32>
        %unpack3A_815 = tpu.unpack_subelements %mul3A_813, 1 {pack_format = #tpu.pack_format<interleaved>} : vector<32xbf16> -> vector<16xf32>
        %add3A_816 = arith.addf %unpack3A_814, %unpack3A_815 : vector<16xf32>
        %add3A_817 = arith.addf %add3A_804, %add3A_816 : vector<16xf32>
        %get3A_818 = arith.index_cast %add3A_789 : i32 to index
        %get3A_819 = arith.constant 32 : index
        %get3A_820 = tpu.vector_load %arg9[%get3A_818, %get3A_819] {strides = array<i32>} : memref<64x128xi32, #tpu.memory_space<vmem>>, vector<16xi32>,
        %get3A_821 = arith.index_cast %add3A_789 : i32 to index
        %get3A_822 = arith.constant 32 : index
        %get3A_823 = tpu.vector_load %arg11[%get3A_821, %get3A_822] {strides = array<i32>} : memref<64x128xi32, #tpu.memory_space<vmem>>, vector<16xi32>,
        %bitcast3A_824 = vector.bitcast %get3A_820 : vector<16xi32> to vector<32xbf16>
        %bitcast3A_825 = vector.bitcast %get3A_823 : vector<16xi32> to vector<32xbf16>
        %mul3A_826 = arith.mulf %bitcast3A_824, %bitcast3A_825 : vector<32xbf16>
        %unpack3A_827 = tpu.unpack_subelements %mul3A_826, 0 {pack_format = #tpu.pack_format<interleaved>} : vector<32xbf16> -> vector<16xf32>
        %unpack3A_828 = tpu.unpack_subelements %mul3A_826, 1 {pack_format = #tpu.pack_format<interleaved>} : vector<32xbf16> -> vector<16xf32>
        %add3A_829 = arith.addf %unpack3A_827, %unpack3A_828 : vector<16xf32>
        %add3A_830 = arith.addf %add3A_817, %add3A_829 : vector<16xf32>
        %get3A_831 = arith.index_cast %add3A_789 : i32 to index
        %get3A_832 = arith.constant 48 : index
        %get3A_833 = tpu.vector_load %arg9[%get3A_831, %get3A_832] {strides = array<i32>} : memref<64x128xi32, #tpu.memory_space<vmem>>, vector<16xi32>,
        %get3A_834 = arith.index_cast %add3A_789 : i32 to index
        %get3A_835 = arith.constant 48 : index
        %get3A_836 = tpu.vector_load %arg11[%get3A_834, %get3A_835] {strides = array<i32>} : memref<64x128xi32, #tpu.memory_space<vmem>>, vector<16xi32>,
        %bitcast3A_837 = vector.bitcast %get3A_833 : vector<16xi32> to vector<32xbf16>
        %bitcast3A_838 = vector.bitcast %get3A_836 : vector<16xi32> to vector<32xbf16>
        %mul3A_839 = arith.mulf %bitcast3A_837, %bitcast3A_838 : vector<32xbf16>
        %unpack3A_840 = tpu.unpack_subelements %mul3A_839, 0 {pack_format = #tpu.pack_format<interleaved>} : vector<32xbf16> -> vector<16xf32>
        %unpack3A_841 = tpu.unpack_subelements %mul3A_839, 1 {pack_format = #tpu.pack_format<interleaved>} : vector<32xbf16> -> vector<16xf32>
        %add3A_842 = arith.addf %unpack3A_840, %unpack3A_841 : vector<16xf32>
        %add3A_843 = arith.addf %add3A_830, %add3A_842 : vector<16xf32>
        %swap3A_844 = arith.constant 10 : i32
        %swap3A_845 = arith.index_cast %swap3A_844 : i32 to index
        %swap3A_846 = arith.constant 0 : index
        %swap3A_847 = tpu.vector_load %arg13[%swap3A_845, %swap3A_846] {strides = array<i32>} : memref<16x16xf32, #tpu.memory_space<vmem>>, vector<16xf32>,
        tpu.vector_store %arg13[%swap3A_845, %swap3A_846], %add3A_843 {strides = array<i32>} : memref<16x16xf32, #tpu.memory_space<vmem>>, vector<16xf32>,
        %mul3A_848 = arith.constant 16 : i32
        %mul3A_849 = arith.muli %scan3A_169, %mul3A_848 : i32
        %add3A_850 = arith.constant 11 : i32
        %add3A_851 = arith.addi %mul3A_849, %add3A_850 : i32
        %broadcast_in_dim3A_852 = arith.constant 0.000000e+00 : f32
        %broadcast_in_dim3A_853 = vector.broadcast %broadcast_in_dim3A_852 : f32 to vector<16xf32>
        %get3A_854 = arith.index_cast %add3A_851 : i32 to index
        %get3A_855 = arith.constant 0 : index
        %get3A_856 = tpu.vector_load %arg9[%get3A_854, %get3A_855] {strides = array<i32>} : memref<64x128xi32, #tpu.memory_space<vmem>>, vector<16xi32>,
        %get3A_857 = arith.index_cast %add3A_851 : i32 to index
        %get3A_858 = arith.constant 0 : index
        %get3A_859 = tpu.vector_load %arg11[%get3A_857, %get3A_858] {strides = array<i32>} : memref<64x128xi32, #tpu.memory_space<vmem>>, vector<16xi32>,
        %bitcast3A_860 = vector.bitcast %get3A_856 : vector<16xi32> to vector<32xbf16>
        %bitcast3A_861 = vector.bitcast %get3A_859 : vector<16xi32> to vector<32xbf16>
        %mul3A_862 = arith.mulf %bitcast3A_860, %bitcast3A_861 : vector<32xbf16>
        %unpack3A_863 = tpu.unpack_subelements %mul3A_862, 0 {pack_format = #tpu.pack_format<interleaved>} : vector<32xbf16> -> vector<16xf32>
        %unpack3A_864 = tpu.unpack_subelements %mul3A_862, 1 {pack_format = #tpu.pack_format<interleaved>} : vector<32xbf16> -> vector<16xf32>
        %add3A_865 = arith.addf %unpack3A_863, %unpack3A_864 : vector<16xf32>
        %add3A_866 = arith.addf %broadcast_in_dim3A_853, %add3A_865 : vector<16xf32>
        %get3A_867 = arith.index_cast %add3A_851 : i32 to index
        %get3A_868 = arith.constant 16 : index
        %get3A_869 = tpu.vector_load %arg9[%get3A_867, %get3A_868] {strides = array<i32>} : memref<64x128xi32, #tpu.memory_space<vmem>>, vector<16xi32>,
        %get3A_870 = arith.index_cast %add3A_851 : i32 to index
        %get3A_871 = arith.constant 16 : index
        %get3A_872 = tpu.vector_load %arg11[%get3A_870, %get3A_871] {strides = array<i32>} : memref<64x128xi32, #tpu.memory_space<vmem>>, vector<16xi32>,
        %bitcast3A_873 = vector.bitcast %get3A_869 : vector<16xi32> to vector<32xbf16>
        %bitcast3A_874 = vector.bitcast %get3A_872 : vector<16xi32> to vector<32xbf16>
        %mul3A_875 = arith.mulf %bitcast3A_873, %bitcast3A_874 : vector<32xbf16>
        %unpack3A_876 = tpu.unpack_subelements %mul3A_875, 0 {pack_format = #tpu.pack_format<interleaved>} : vector<32xbf16> -> vector<16xf32>
        %unpack3A_877 = tpu.unpack_subelements %mul3A_875, 1 {pack_format = #tpu.pack_format<interleaved>} : vector<32xbf16> -> vector<16xf32>
        %add3A_878 = arith.addf %unpack3A_876, %unpack3A_877 : vector<16xf32>
        %add3A_879 = arith.addf %add3A_866, %add3A_878 : vector<16xf32>
        %get3A_880 = arith.index_cast %add3A_851 : i32 to index
        %get3A_881 = arith.constant 32 : index
        %get3A_882 = tpu.vector_load %arg9[%get3A_880, %get3A_881] {strides = array<i32>} : memref<64x128xi32, #tpu.memory_space<vmem>>, vector<16xi32>,
        %get3A_883 = arith.index_cast %add3A_851 : i32 to index
        %get3A_884 = arith.constant 32 : index
        %get3A_885 = tpu.vector_load %arg11[%get3A_883, %get3A_884] {strides = array<i32>} : memref<64x128xi32, #tpu.memory_space<vmem>>, vector<16xi32>,
        %bitcast3A_886 = vector.bitcast %get3A_882 : vector<16xi32> to vector<32xbf16>
        %bitcast3A_887 = vector.bitcast %get3A_885 : vector<16xi32> to vector<32xbf16>
        %mul3A_888 = arith.mulf %bitcast3A_886, %bitcast3A_887 : vector<32xbf16>
        %unpack3A_889 = tpu.unpack_subelements %mul3A_888, 0 {pack_format = #tpu.pack_format<interleaved>} : vector<32xbf16> -> vector<16xf32>
        %unpack3A_890 = tpu.unpack_subelements %mul3A_888, 1 {pack_format = #tpu.pack_format<interleaved>} : vector<32xbf16> -> vector<16xf32>
        %add3A_891 = arith.addf %unpack3A_889, %unpack3A_890 : vector<16xf32>
        %add3A_892 = arith.addf %add3A_879, %add3A_891 : vector<16xf32>
        %get3A_893 = arith.index_cast %add3A_851 : i32 to index
        %get3A_894 = arith.constant 48 : index
        %get3A_895 = tpu.vector_load %arg9[%get3A_893, %get3A_894] {strides = array<i32>} : memref<64x128xi32, #tpu.memory_space<vmem>>, vector<16xi32>,
        %get3A_896 = arith.index_cast %add3A_851 : i32 to index
        %get3A_897 = arith.constant 48 : index
        %get3A_898 = tpu.vector_load %arg11[%get3A_896, %get3A_897] {strides = array<i32>} : memref<64x128xi32, #tpu.memory_space<vmem>>, vector<16xi32>,
        %bitcast3A_899 = vector.bitcast %get3A_895 : vector<16xi32> to vector<32xbf16>
        %bitcast3A_900 = vector.bitcast %get3A_898 : vector<16xi32> to vector<32xbf16>
        %mul3A_901 = arith.mulf %bitcast3A_899, %bitcast3A_900 : vector<32xbf16>
        %unpack3A_902 = tpu.unpack_subelements %mul3A_901, 0 {pack_format = #tpu.pack_format<interleaved>} : vector<32xbf16> -> vector<16xf32>
        %unpack3A_903 = tpu.unpack_subelements %mul3A_901, 1 {pack_format = #tpu.pack_format<interleaved>} : vector<32xbf16> -> vector<16xf32>
        %add3A_904 = arith.addf %unpack3A_902, %unpack3A_903 : vector<16xf32>
        %add3A_905 = arith.addf %add3A_892, %add3A_904 : vector<16xf32>
        %swap3A_906 = arith.constant 11 : i32
        %swap3A_907 = arith.index_cast %swap3A_906 : i32 to index
        %swap3A_908 = arith.constant 0 : index
        %swap3A_909 = tpu.vector_load %arg13[%swap3A_907, %swap3A_908] {strides = array<i32>} : memref<16x16xf32, #tpu.memory_space<vmem>>, vector<16xf32>,
        tpu.vector_store %arg13[%swap3A_907, %swap3A_908], %add3A_905 {strides = array<i32>} : memref<16x16xf32, #tpu.memory_space<vmem>>, vector<16xf32>,
        %mul3A_910 = arith.constant 16 : i32
        %mul3A_911 = arith.muli %scan3A_169, %mul3A_910 : i32
        %add3A_912 = arith.constant 12 : i32
        %add3A_913 = arith.addi %mul3A_911, %add3A_912 : i32
        %broadcast_in_dim3A_914 = arith.constant 0.000000e+00 : f32
        %broadcast_in_dim3A_915 = vector.broadcast %broadcast_in_dim3A_914 : f32 to vector<16xf32>
        %get3A_916 = arith.index_cast %add3A_913 : i32 to index
        %get3A_917 = arith.constant 0 : index
        %get3A_918 = tpu.vector_load %arg9[%get3A_916, %get3A_917] {strides = array<i32>} : memref<64x128xi32, #tpu.memory_space<vmem>>, vector<16xi32>,
        %get3A_919 = arith.index_cast %add3A_913 : i32 to index
        %get3A_920 = arith.constant 0 : index
        %get3A_921 = tpu.vector_load %arg11[%get3A_919, %get3A_920] {strides = array<i32>} : memref<64x128xi32, #tpu.memory_space<vmem>>, vector<16xi32>,
        %bitcast3A_922 = vector.bitcast %get3A_918 : vector<16xi32> to vector<32xbf16>
        %bitcast3A_923 = vector.bitcast %get3A_921 : vector<16xi32> to vector<32xbf16>
        %mul3A_924 = arith.mulf %bitcast3A_922, %bitcast3A_923 : vector<32xbf16>
        %unpack3A_925 = tpu.unpack_subelements %mul3A_924, 0 {pack_format = #tpu.pack_format<interleaved>} : vector<32xbf16> -> vector<16xf32>
        %unpack3A_926 = tpu.unpack_subelements %mul3A_924, 1 {pack_format = #tpu.pack_format<interleaved>} : vector<32xbf16> -> vector<16xf32>
        %add3A_927 = arith.addf %unpack3A_925, %unpack3A_926 : vector<16xf32>
        %add3A_928 = arith.addf %broadcast_in_dim3A_915, %add3A_927 : vector<16xf32>
        %get3A_929 = arith.index_cast %add3A_913 : i32 to index
        %get3A_930 = arith.constant 16 : index
        %get3A_931 = tpu.vector_load %arg9[%get3A_929, %get3A_930] {strides = array<i32>} : memref<64x128xi32, #tpu.memory_space<vmem>>, vector<16xi32>,
        %get3A_932 = arith.index_cast %add3A_913 : i32 to index
        %get3A_933 = arith.constant 16 : index
        %get3A_934 = tpu.vector_load %arg11[%get3A_932, %get3A_933] {strides = array<i32>} : memref<64x128xi32, #tpu.memory_space<vmem>>, vector<16xi32>,
        %bitcast3A_935 = vector.bitcast %get3A_931 : vector<16xi32> to vector<32xbf16>
        %bitcast3A_936 = vector.bitcast %get3A_934 : vector<16xi32> to vector<32xbf16>
        %mul3A_937 = arith.mulf %bitcast3A_935, %bitcast3A_936 : vector<32xbf16>
        %unpack3A_938 = tpu.unpack_subelements %mul3A_937, 0 {pack_format = #tpu.pack_format<interleaved>} : vector<32xbf16> -> vector<16xf32>
        %unpack3A_939 = tpu.unpack_subelements %mul3A_937, 1 {pack_format = #tpu.pack_format<interleaved>} : vector<32xbf16> -> vector<16xf32>
        %add3A_940 = arith.addf %unpack3A_938, %unpack3A_939 : vector<16xf32>
        %add3A_941 = arith.addf %add3A_928, %add3A_940 : vector<16xf32>
        %get3A_942 = arith.index_cast %add3A_913 : i32 to index
        %get3A_943 = arith.constant 32 : index
        %get3A_944 = tpu.vector_load %arg9[%get3A_942, %get3A_943] {strides = array<i32>} : memref<64x128xi32, #tpu.memory_space<vmem>>, vector<16xi32>,
        %get3A_945 = arith.index_cast %add3A_913 : i32 to index
        %get3A_946 = arith.constant 32 : index
        %get3A_947 = tpu.vector_load %arg11[%get3A_945, %get3A_946] {strides = array<i32>} : memref<64x128xi32, #tpu.memory_space<vmem>>, vector<16xi32>,
        %bitcast3A_948 = vector.bitcast %get3A_944 : vector<16xi32> to vector<32xbf16>
        %bitcast3A_949 = vector.bitcast %get3A_947 : vector<16xi32> to vector<32xbf16>
        %mul3A_950 = arith.mulf %bitcast3A_948, %bitcast3A_949 : vector<32xbf16>
        %unpack3A_951 = tpu.unpack_subelements %mul3A_950, 0 {pack_format = #tpu.pack_format<interleaved>} : vector<32xbf16> -> vector<16xf32>
        %unpack3A_952 = tpu.unpack_subelements %mul3A_950, 1 {pack_format = #tpu.pack_format<interleaved>} : vector<32xbf16> -> vector<16xf32>
        %add3A_953 = arith.addf %unpack3A_951, %unpack3A_952 : vector<16xf32>
        %add3A_954 = arith.addf %add3A_941, %add3A_953 : vector<16xf32>
        %get3A_955 = arith.index_cast %add3A_913 : i32 to index
        %get3A_956 = arith.constant 48 : index
        %get3A_957 = tpu.vector_load %arg9[%get3A_955, %get3A_956] {strides = array<i32>} : memref<64x128xi32, #tpu.memory_space<vmem>>, vector<16xi32>,
        %get3A_958 = arith.index_cast %add3A_913 : i32 to index
        %get3A_959 = arith.constant 48 : index
        %get3A_960 = tpu.vector_load %arg11[%get3A_958, %get3A_959] {strides = array<i32>} : memref<64x128xi32, #tpu.memory_space<vmem>>, vector<16xi32>,
        %bitcast3A_961 = vector.bitcast %get3A_957 : vector<16xi32> to vector<32xbf16>
        %bitcast3A_962 = vector.bitcast %get3A_960 : vector<16xi32> to vector<32xbf16>
        %mul3A_963 = arith.mulf %bitcast3A_961, %bitcast3A_962 : vector<32xbf16>
        %unpack3A_964 = tpu.unpack_subelements %mul3A_963, 0 {pack_format = #tpu.pack_format<interleaved>} : vector<32xbf16> -> vector<16xf32>
        %unpack3A_965 = tpu.unpack_subelements %mul3A_963, 1 {pack_format = #tpu.pack_format<interleaved>} : vector<32xbf16> -> vector<16xf32>
        %add3A_966 = arith.addf %unpack3A_964, %unpack3A_965 : vector<16xf32>
        %add3A_967 = arith.addf %add3A_954, %add3A_966 : vector<16xf32>
        %swap3A_968 = arith.constant 12 : i32
        %swap3A_969 = arith.index_cast %swap3A_968 : i32 to index
        %swap3A_970 = arith.constant 0 : index
        %swap3A_971 = tpu.vector_load %arg13[%swap3A_969, %swap3A_970] {strides = array<i32>} : memref<16x16xf32, #tpu.memory_space<vmem>>, vector<16xf32>,
        tpu.vector_store %arg13[%swap3A_969, %swap3A_970], %add3A_967 {strides = array<i32>} : memref<16x16xf32, #tpu.memory_space<vmem>>, vector<16xf32>,
        %mul3A_972 = arith.constant 16 : i32
        %mul3A_973 = arith.muli %scan3A_169, %mul3A_972 : i32
        %add3A_974 = arith.constant 13 : i32
        %add3A_975 = arith.addi %mul3A_973, %add3A_974 : i32
        %broadcast_in_dim3A_976 = arith.constant 0.000000e+00 : f32
        %broadcast_in_dim3A_977 = vector.broadcast %broadcast_in_dim3A_976 : f32 to vector<16xf32>
        %get3A_978 = arith.index_cast %add3A_975 : i32 to index
        %get3A_979 = arith.constant 0 : index
        %get3A_980 = tpu.vector_load %arg9[%get3A_978, %get3A_979] {strides = array<i32>} : memref<64x128xi32, #tpu.memory_space<vmem>>, vector<16xi32>,
        %get3A_981 = arith.index_cast %add3A_975 : i32 to index
        %get3A_982 = arith.constant 0 : index
        %get3A_983 = tpu.vector_load %arg11[%get3A_981, %get3A_982] {strides = array<i32>} : memref<64x128xi32, #tpu.memory_space<vmem>>, vector<16xi32>,
        %bitcast3A_984 = vector.bitcast %get3A_980 : vector<16xi32> to vector<32xbf16>
        %bitcast3A_985 = vector.bitcast %get3A_983 : vector<16xi32> to vector<32xbf16>
        %mul3A_986 = arith.mulf %bitcast3A_984, %bitcast3A_985 : vector<32xbf16>
        %unpack3A_987 = tpu.unpack_subelements %mul3A_986, 0 {pack_format = #tpu.pack_format<interleaved>} : vector<32xbf16> -> vector<16xf32>
        %unpack3A_988 = tpu.unpack_subelements %mul3A_986, 1 {pack_format = #tpu.pack_format<interleaved>} : vector<32xbf16> -> vector<16xf32>
        %add3A_989 = arith.addf %unpack3A_987, %unpack3A_988 : vector<16xf32>
        %add3A_990 = arith.addf %broadcast_in_dim3A_977, %add3A_989 : vector<16xf32>
        %get3A_991 = arith.index_cast %add3A_975 : i32 to index
        %get3A_992 = arith.constant 16 : index
        %get3A_993 = tpu.vector_load %arg9[%get3A_991, %get3A_992] {strides = array<i32>} : memref<64x128xi32, #tpu.memory_space<vmem>>, vector<16xi32>,
        %get3A_994 = arith.index_cast %add3A_975 : i32 to index
        %get3A_995 = arith.constant 16 : index
        %get3A_996 = tpu.vector_load %arg11[%get3A_994, %get3A_995] {strides = array<i32>} : memref<64x128xi32, #tpu.memory_space<vmem>>, vector<16xi32>,
        %bitcast3A_997 = vector.bitcast %get3A_993 : vector<16xi32> to vector<32xbf16>
        %bitcast3A_998 = vector.bitcast %get3A_996 : vector<16xi32> to vector<32xbf16>
        %mul3A_999 = arith.mulf %bitcast3A_997, %bitcast3A_998 : vector<32xbf16>
        %unpack3A_1000 = tpu.unpack_subelements %mul3A_999, 0 {pack_format = #tpu.pack_format<interleaved>} : vector<32xbf16> -> vector<16xf32>
        %unpack3A_1001 = tpu.unpack_subelements %mul3A_999, 1 {pack_format = #tpu.pack_format<interleaved>} : vector<32xbf16> -> vector<16xf32>
        %add3A_1002 = arith.addf %unpack3A_1000, %unpack3A_1001 : vector<16xf32>
        %add3A_1003 = arith.addf %add3A_990, %add3A_1002 : vector<16xf32>
        %get3A_1004 = arith.index_cast %add3A_975 : i32 to index
        %get3A_1005 = arith.constant 32 : index
        %get3A_1006 = tpu.vector_load %arg9[%get3A_1004, %get3A_1005] {strides = array<i32>} : memref<64x128xi32, #tpu.memory_space<vmem>>, vector<16xi32>,
        %get3A_1007 = arith.index_cast %add3A_975 : i32 to index
        %get3A_1008 = arith.constant 32 : index
        %get3A_1009 = tpu.vector_load %arg11[%get3A_1007, %get3A_1008] {strides = array<i32>} : memref<64x128xi32, #tpu.memory_space<vmem>>, vector<16xi32>,
        %bitcast3A_1010 = vector.bitcast %get3A_1006 : vector<16xi32> to vector<32xbf16>
        %bitcast3A_1011 = vector.bitcast %get3A_1009 : vector<16xi32> to vector<32xbf16>
        %mul3A_1012 = arith.mulf %bitcast3A_1010, %bitcast3A_1011 : vector<32xbf16>
        %unpack3A_1013 = tpu.unpack_subelements %mul3A_1012, 0 {pack_format = #tpu.pack_format<interleaved>} : vector<32xbf16> -> vector<16xf32>
        %unpack3A_1014 = tpu.unpack_subelements %mul3A_1012, 1 {pack_format = #tpu.pack_format<interleaved>} : vector<32xbf16> -> vector<16xf32>
        %add3A_1015 = arith.addf %unpack3A_1013, %unpack3A_1014 : vector<16xf32>
        %add3A_1016 = arith.addf %add3A_1003, %add3A_1015 : vector<16xf32>
        %get3A_1017 = arith.index_cast %add3A_975 : i32 to index
        %get3A_1018 = arith.constant 48 : index
        %get3A_1019 = tpu.vector_load %arg9[%get3A_1017, %get3A_1018] {strides = array<i32>} : memref<64x128xi32, #tpu.memory_space<vmem>>, vector<16xi32>,
        %get3A_1020 = arith.index_cast %add3A_975 : i32 to index
        %get3A_1021 = arith.constant 48 : index
        %get3A_1022 = tpu.vector_load %arg11[%get3A_1020, %get3A_1021] {strides = array<i32>} : memref<64x128xi32, #tpu.memory_space<vmem>>, vector<16xi32>,
        %bitcast3A_1023 = vector.bitcast %get3A_1019 : vector<16xi32> to vector<32xbf16>
        %bitcast3A_1024 = vector.bitcast %get3A_1022 : vector<16xi32> to vector<32xbf16>
        %mul3A_1025 = arith.mulf %bitcast3A_1023, %bitcast3A_1024 : vector<32xbf16>
        %unpack3A_1026 = tpu.unpack_subelements %mul3A_1025, 0 {pack_format = #tpu.pack_format<interleaved>} : vector<32xbf16> -> vector<16xf32>
        %unpack3A_1027 = tpu.unpack_subelements %mul3A_1025, 1 {pack_format = #tpu.pack_format<interleaved>} : vector<32xbf16> -> vector<16xf32>
        %add3A_1028 = arith.addf %unpack3A_1026, %unpack3A_1027 : vector<16xf32>
        %add3A_1029 = arith.addf %add3A_1016, %add3A_1028 : vector<16xf32>
        %swap3A_1030 = arith.constant 13 : i32
        %swap3A_1031 = arith.index_cast %swap3A_1030 : i32 to index
        %swap3A_1032 = arith.constant 0 : index
        %swap3A_1033 = tpu.vector_load %arg13[%swap3A_1031, %swap3A_1032] {strides = array<i32>} : memref<16x16xf32, #tpu.memory_space<vmem>>, vector<16xf32>,
        tpu.vector_store %arg13[%swap3A_1031, %swap3A_1032], %add3A_1029 {strides = array<i32>} : memref<16x16xf32, #tpu.memory_space<vmem>>, vector<16xf32>,
        %mul3A_1034 = arith.constant 16 : i32
        %mul3A_1035 = arith.muli %scan3A_169, %mul3A_1034 : i32
        %add3A_1036 = arith.constant 14 : i32
        %add3A_1037 = arith.addi %mul3A_1035, %add3A_1036 : i32
        %broadcast_in_dim3A_1038 = arith.constant 0.000000e+00 : f32
        %broadcast_in_dim3A_1039 = vector.broadcast %broadcast_in_dim3A_1038 : f32 to vector<16xf32>
        %get3A_1040 = arith.index_cast %add3A_1037 : i32 to index
        %get3A_1041 = arith.constant 0 : index
        %get3A_1042 = tpu.vector_load %arg9[%get3A_1040, %get3A_1041] {strides = array<i32>} : memref<64x128xi32, #tpu.memory_space<vmem>>, vector<16xi32>,
        %get3A_1043 = arith.index_cast %add3A_1037 : i32 to index
        %get3A_1044 = arith.constant 0 : index
        %get3A_1045 = tpu.vector_load %arg11[%get3A_1043, %get3A_1044] {strides = array<i32>} : memref<64x128xi32, #tpu.memory_space<vmem>>, vector<16xi32>,
        %bitcast3A_1046 = vector.bitcast %get3A_1042 : vector<16xi32> to vector<32xbf16>
        %bitcast3A_1047 = vector.bitcast %get3A_1045 : vector<16xi32> to vector<32xbf16>
        %mul3A_1048 = arith.mulf %bitcast3A_1046, %bitcast3A_1047 : vector<32xbf16>
        %unpack3A_1049 = tpu.unpack_subelements %mul3A_1048, 0 {pack_format = #tpu.pack_format<interleaved>} : vector<32xbf16> -> vector<16xf32>
        %unpack3A_1050 = tpu.unpack_subelements %mul3A_1048, 1 {pack_format = #tpu.pack_format<interleaved>} : vector<32xbf16> -> vector<16xf32>
        %add3A_1051 = arith.addf %unpack3A_1049, %unpack3A_1050 : vector<16xf32>
        %add3A_1052 = arith.addf %broadcast_in_dim3A_1039, %add3A_1051 : vector<16xf32>
        %get3A_1053 = arith.index_cast %add3A_1037 : i32 to index
        %get3A_1054 = arith.constant 16 : index
        %get3A_1055 = tpu.vector_load %arg9[%get3A_1053, %get3A_1054] {strides = array<i32>} : memref<64x128xi32, #tpu.memory_space<vmem>>, vector<16xi32>,
        %get3A_1056 = arith.index_cast %add3A_1037 : i32 to index
        %get3A_1057 = arith.constant 16 : index
        %get3A_1058 = tpu.vector_load %arg11[%get3A_1056, %get3A_1057] {strides = array<i32>} : memref<64x128xi32, #tpu.memory_space<vmem>>, vector<16xi32>,
        %bitcast3A_1059 = vector.bitcast %get3A_1055 : vector<16xi32> to vector<32xbf16>
        %bitcast3A_1060 = vector.bitcast %get3A_1058 : vector<16xi32> to vector<32xbf16>
        %mul3A_1061 = arith.mulf %bitcast3A_1059, %bitcast3A_1060 : vector<32xbf16>
        %unpack3A_1062 = tpu.unpack_subelements %mul3A_1061, 0 {pack_format = #tpu.pack_format<interleaved>} : vector<32xbf16> -> vector<16xf32>
        %unpack3A_1063 = tpu.unpack_subelements %mul3A_1061, 1 {pack_format = #tpu.pack_format<interleaved>} : vector<32xbf16> -> vector<16xf32>
        %add3A_1064 = arith.addf %unpack3A_1062, %unpack3A_1063 : vector<16xf32>
        %add3A_1065 = arith.addf %add3A_1052, %add3A_1064 : vector<16xf32>
        %get3A_1066 = arith.index_cast %add3A_1037 : i32 to index
        %get3A_1067 = arith.constant 32 : index
        %get3A_1068 = tpu.vector_load %arg9[%get3A_1066, %get3A_1067] {strides = array<i32>} : memref<64x128xi32, #tpu.memory_space<vmem>>, vector<16xi32>,
        %get3A_1069 = arith.index_cast %add3A_1037 : i32 to index
        %get3A_1070 = arith.constant 32 : index
        %get3A_1071 = tpu.vector_load %arg11[%get3A_1069, %get3A_1070] {strides = array<i32>} : memref<64x128xi32, #tpu.memory_space<vmem>>, vector<16xi32>,
        %bitcast3A_1072 = vector.bitcast %get3A_1068 : vector<16xi32> to vector<32xbf16>
        %bitcast3A_1073 = vector.bitcast %get3A_1071 : vector<16xi32> to vector<32xbf16>
        %mul3A_1074 = arith.mulf %bitcast3A_1072, %bitcast3A_1073 : vector<32xbf16>
        %unpack3A_1075 = tpu.unpack_subelements %mul3A_1074, 0 {pack_format = #tpu.pack_format<interleaved>} : vector<32xbf16> -> vector<16xf32>
        %unpack3A_1076 = tpu.unpack_subelements %mul3A_1074, 1 {pack_format = #tpu.pack_format<interleaved>} : vector<32xbf16> -> vector<16xf32>
        %add3A_1077 = arith.addf %unpack3A_1075, %unpack3A_1076 : vector<16xf32>
        %add3A_1078 = arith.addf %add3A_1065, %add3A_1077 : vector<16xf32>
        %get3A_1079 = arith.index_cast %add3A_1037 : i32 to index
        %get3A_1080 = arith.constant 48 : index
        %get3A_1081 = tpu.vector_load %arg9[%get3A_1079, %get3A_1080] {strides = array<i32>} : memref<64x128xi32, #tpu.memory_space<vmem>>, vector<16xi32>,
        %get3A_1082 = arith.index_cast %add3A_1037 : i32 to index
        %get3A_1083 = arith.constant 48 : index
        %get3A_1084 = tpu.vector_load %arg11[%get3A_1082, %get3A_1083] {strides = array<i32>} : memref<64x128xi32, #tpu.memory_space<vmem>>, vector<16xi32>,
        %bitcast3A_1085 = vector.bitcast %get3A_1081 : vector<16xi32> to vector<32xbf16>
        %bitcast3A_1086 = vector.bitcast %get3A_1084 : vector<16xi32> to vector<32xbf16>
        %mul3A_1087 = arith.mulf %bitcast3A_1085, %bitcast3A_1086 : vector<32xbf16>
        %unpack3A_1088 = tpu.unpack_subelements %mul3A_1087, 0 {pack_format = #tpu.pack_format<interleaved>} : vector<32xbf16> -> vector<16xf32>
        %unpack3A_1089 = tpu.unpack_subelements %mul3A_1087, 1 {pack_format = #tpu.pack_format<interleaved>} : vector<32xbf16> -> vector<16xf32>
        %add3A_1090 = arith.addf %unpack3A_1088, %unpack3A_1089 : vector<16xf32>
        %add3A_1091 = arith.addf %add3A_1078, %add3A_1090 : vector<16xf32>
        %swap3A_1092 = arith.constant 14 : i32
        %swap3A_1093 = arith.index_cast %swap3A_1092 : i32 to index
        %swap3A_1094 = arith.constant 0 : index
        %swap3A_1095 = tpu.vector_load %arg13[%swap3A_1093, %swap3A_1094] {strides = array<i32>} : memref<16x16xf32, #tpu.memory_space<vmem>>, vector<16xf32>,
        tpu.vector_store %arg13[%swap3A_1093, %swap3A_1094], %add3A_1091 {strides = array<i32>} : memref<16x16xf32, #tpu.memory_space<vmem>>, vector<16xf32>,
        %mul3A_1096 = arith.constant 16 : i32
        %mul3A_1097 = arith.muli %scan3A_169, %mul3A_1096 : i32
        %add3A_1098 = arith.constant 15 : i32
        %add3A_1099 = arith.addi %mul3A_1097, %add3A_1098 : i32
        %broadcast_in_dim3A_1100 = arith.constant 0.000000e+00 : f32
        %broadcast_in_dim3A_1101 = vector.broadcast %broadcast_in_dim3A_1100 : f32 to vector<16xf32>
        %get3A_1102 = arith.index_cast %add3A_1099 : i32 to index
        %get3A_1103 = arith.constant 0 : index
        %get3A_1104 = tpu.vector_load %arg9[%get3A_1102, %get3A_1103] {strides = array<i32>} : memref<64x128xi32, #tpu.memory_space<vmem>>, vector<16xi32>,
        %get3A_1105 = arith.index_cast %add3A_1099 : i32 to index
        %get3A_1106 = arith.constant 0 : index
        %get3A_1107 = tpu.vector_load %arg11[%get3A_1105, %get3A_1106] {strides = array<i32>} : memref<64x128xi32, #tpu.memory_space<vmem>>, vector<16xi32>,
        %bitcast3A_1108 = vector.bitcast %get3A_1104 : vector<16xi32> to vector<32xbf16>
        %bitcast3A_1109 = vector.bitcast %get3A_1107 : vector<16xi32> to vector<32xbf16>
        %mul3A_1110 = arith.mulf %bitcast3A_1108, %bitcast3A_1109 : vector<32xbf16>
        %unpack3A_1111 = tpu.unpack_subelements %mul3A_1110, 0 {pack_format = #tpu.pack_format<interleaved>} : vector<32xbf16> -> vector<16xf32>
        %unpack3A_1112 = tpu.unpack_subelements %mul3A_1110, 1 {pack_format = #tpu.pack_format<interleaved>} : vector<32xbf16> -> vector<16xf32>
        %add3A_1113 = arith.addf %unpack3A_1111, %unpack3A_1112 : vector<16xf32>
        %add3A_1114 = arith.addf %broadcast_in_dim3A_1101, %add3A_1113 : vector<16xf32>
        %get3A_1115 = arith.index_cast %add3A_1099 : i32 to index
        %get3A_1116 = arith.constant 16 : index
        %get3A_1117 = tpu.vector_load %arg9[%get3A_1115, %get3A_1116] {strides = array<i32>} : memref<64x128xi32, #tpu.memory_space<vmem>>, vector<16xi32>,
        %get3A_1118 = arith.index_cast %add3A_1099 : i32 to index
        %get3A_1119 = arith.constant 16 : index
        %get3A_1120 = tpu.vector_load %arg11[%get3A_1118, %get3A_1119] {strides = array<i32>} : memref<64x128xi32, #tpu.memory_space<vmem>>, vector<16xi32>,
        %bitcast3A_1121 = vector.bitcast %get3A_1117 : vector<16xi32> to vector<32xbf16>
        %bitcast3A_1122 = vector.bitcast %get3A_1120 : vector<16xi32> to vector<32xbf16>
        %mul3A_1123 = arith.mulf %bitcast3A_1121, %bitcast3A_1122 : vector<32xbf16>
        %unpack3A_1124 = tpu.unpack_subelements %mul3A_1123, 0 {pack_format = #tpu.pack_format<interleaved>} : vector<32xbf16> -> vector<16xf32>
        %unpack3A_1125 = tpu.unpack_subelements %mul3A_1123, 1 {pack_format = #tpu.pack_format<interleaved>} : vector<32xbf16> -> vector<16xf32>
        %add3A_1126 = arith.addf %unpack3A_1124, %unpack3A_1125 : vector<16xf32>
        %add3A_1127 = arith.addf %add3A_1114, %add3A_1126 : vector<16xf32>
        %get3A_1128 = arith.index_cast %add3A_1099 : i32 to index
        %get3A_1129 = arith.constant 32 : index
        %get3A_1130 = tpu.vector_load %arg9[%get3A_1128, %get3A_1129] {strides = array<i32>} : memref<64x128xi32, #tpu.memory_space<vmem>>, vector<16xi32>,
        %get3A_1131 = arith.index_cast %add3A_1099 : i32 to index
        %get3A_1132 = arith.constant 32 : index
        %get3A_1133 = tpu.vector_load %arg11[%get3A_1131, %get3A_1132] {strides = array<i32>} : memref<64x128xi32, #tpu.memory_space<vmem>>, vector<16xi32>,
        %bitcast3A_1134 = vector.bitcast %get3A_1130 : vector<16xi32> to vector<32xbf16>
        %bitcast3A_1135 = vector.bitcast %get3A_1133 : vector<16xi32> to vector<32xbf16>
        %mul3A_1136 = arith.mulf %bitcast3A_1134, %bitcast3A_1135 : vector<32xbf16>
        %unpack3A_1137 = tpu.unpack_subelements %mul3A_1136, 0 {pack_format = #tpu.pack_format<interleaved>} : vector<32xbf16> -> vector<16xf32>
        %unpack3A_1138 = tpu.unpack_subelements %mul3A_1136, 1 {pack_format = #tpu.pack_format<interleaved>} : vector<32xbf16> -> vector<16xf32>
        %add3A_1139 = arith.addf %unpack3A_1137, %unpack3A_1138 : vector<16xf32>
        %add3A_1140 = arith.addf %add3A_1127, %add3A_1139 : vector<16xf32>
        %get3A_1141 = arith.index_cast %add3A_1099 : i32 to index
        %get3A_1142 = arith.constant 48 : index
        %get3A_1143 = tpu.vector_load %arg9[%get3A_1141, %get3A_1142] {strides = array<i32>} : memref<64x128xi32, #tpu.memory_space<vmem>>, vector<16xi32>,
        %get3A_1144 = arith.index_cast %add3A_1099 : i32 to index
        %get3A_1145 = arith.constant 48 : index
        %get3A_1146 = tpu.vector_load %arg11[%get3A_1144, %get3A_1145] {strides = array<i32>} : memref<64x128xi32, #tpu.memory_space<vmem>>, vector<16xi32>,
        %bitcast3A_1147 = vector.bitcast %get3A_1143 : vector<16xi32> to vector<32xbf16>
        %bitcast3A_1148 = vector.bitcast %get3A_1146 : vector<16xi32> to vector<32xbf16>
        %mul3A_1149 = arith.mulf %bitcast3A_1147, %bitcast3A_1148 : vector<32xbf16>
        %unpack3A_1150 = tpu.unpack_subelements %mul3A_1149, 0 {pack_format = #tpu.pack_format<interleaved>} : vector<32xbf16> -> vector<16xf32>
        %unpack3A_1151 = tpu.unpack_subelements %mul3A_1149, 1 {pack_format = #tpu.pack_format<interleaved>} : vector<32xbf16> -> vector<16xf32>
        %add3A_1152 = arith.addf %unpack3A_1150, %unpack3A_1151 : vector<16xf32>
        %add3A_1153 = arith.addf %add3A_1140, %add3A_1152 : vector<16xf32>
        %swap3A_1154 = arith.constant 15 : i32
        %swap3A_1155 = arith.index_cast %swap3A_1154 : i32 to index
        %swap3A_1156 = arith.constant 0 : index
        %swap3A_1157 = tpu.vector_load %arg13[%swap3A_1155, %swap3A_1156] {strides = array<i32>} : memref<16x16xf32, #tpu.memory_space<vmem>>, vector<16xf32>,
        tpu.vector_store %arg13[%swap3A_1155, %swap3A_1156], %add3A_1153 {strides = array<i32>} : memref<16x16xf32, #tpu.memory_space<vmem>>, vector<16xf32>,
        %broadcast_in_dim3A_1158 = arith.constant 0.000000e+00 : f32
        %broadcast_in_dim3A_1159 = vector.broadcast %broadcast_in_dim3A_1158 : f32 to vector<16xf32>
        %add3A_1160 = arith.constant 0 : i32
        %add3A_1161 = vector.broadcast %add3A_1160 : i32 to vector<16xi32>
        %add3A_1162 = arith.addi %iota3A, %add3A_1161 : vector<16xi32>
        %and3A = arith.constant 15 : i32
        %and3A_1163 = vector.broadcast %and3A : i32 to vector<16xi32>
        %and3A_1164 = arith.andi %add3A_1162, %and3A_1163 : vector<16xi32>
        %gather3A = tpu.vector_load_idx %arg13[%iota3A, %and3A_1164] : memref<16x16xf32, #tpu.memory_space<vmem>>[vector<16xi32>, vector<16xi32>], vector<16xf32>,
        %add3A_1165 = arith.addf %broadcast_in_dim3A_1159, %gather3A : vector<16xf32>
        %add3A_1166 = arith.constant 1 : i32
        %add3A_1167 = vector.broadcast %add3A_1166 : i32 to vector<16xi32>
        %add3A_1168 = arith.addi %iota3A, %add3A_1167 : vector<16xi32>
        %and3A_1169 = arith.constant 15 : i32
        %and3A_1170 = vector.broadcast %and3A_1169 : i32 to vector<16xi32>
        %and3A_1171 = arith.andi %add3A_1168, %and3A_1170 : vector<16xi32>
        %gather3A_1172 = tpu.vector_load_idx %arg13[%iota3A, %and3A_1171] : memref<16x16xf32, #tpu.memory_space<vmem>>[vector<16xi32>, vector<16xi32>], vector<16xf32>,
        %add3A_1173 = arith.addf %add3A_1165, %gather3A_1172 : vector<16xf32>
        %add3A_1174 = arith.constant 2 : i32
        %add3A_1175 = vector.broadcast %add3A_1174 : i32 to vector<16xi32>
        %add3A_1176 = arith.addi %iota3A, %add3A_1175 : vector<16xi32>
        %and3A_1177 = arith.constant 15 : i32
        %and3A_1178 = vector.broadcast %and3A_1177 : i32 to vector<16xi32>
        %and3A_1179 = arith.andi %add3A_1176, %and3A_1178 : vector<16xi32>
        %gather3A_1180 = tpu.vector_load_idx %arg13[%iota3A, %and3A_1179] : memref<16x16xf32, #tpu.memory_space<vmem>>[vector<16xi32>, vector<16xi32>], vector<16xf32>,
        %add3A_1181 = arith.addf %add3A_1173, %gather3A_1180 : vector<16xf32>
        %add3A_1182 = arith.constant 3 : i32
        %add3A_1183 = vector.broadcast %add3A_1182 : i32 to vector<16xi32>
        %add3A_1184 = arith.addi %iota3A, %add3A_1183 : vector<16xi32>
        %and3A_1185 = arith.constant 15 : i32
        %and3A_1186 = vector.broadcast %and3A_1185 : i32 to vector<16xi32>
        %and3A_1187 = arith.andi %add3A_1184, %and3A_1186 : vector<16xi32>
        %gather3A_1188 = tpu.vector_load_idx %arg13[%iota3A, %and3A_1187] : memref<16x16xf32, #tpu.memory_space<vmem>>[vector<16xi32>, vector<16xi32>], vector<16xf32>,
        %add3A_1189 = arith.addf %add3A_1181, %gather3A_1188 : vector<16xf32>
        %add3A_1190 = arith.constant 4 : i32
        %add3A_1191 = vector.broadcast %add3A_1190 : i32 to vector<16xi32>
        %add3A_1192 = arith.addi %iota3A, %add3A_1191 : vector<16xi32>
        %and3A_1193 = arith.constant 15 : i32
        %and3A_1194 = vector.broadcast %and3A_1193 : i32 to vector<16xi32>
        %and3A_1195 = arith.andi %add3A_1192, %and3A_1194 : vector<16xi32>
        %gather3A_1196 = tpu.vector_load_idx %arg13[%iota3A, %and3A_1195] : memref<16x16xf32, #tpu.memory_space<vmem>>[vector<16xi32>, vector<16xi32>], vector<16xf32>,
        %add3A_1197 = arith.addf %add3A_1189, %gather3A_1196 : vector<16xf32>
        %add3A_1198 = arith.constant 5 : i32
        %add3A_1199 = vector.broadcast %add3A_1198 : i32 to vector<16xi32>
        %add3A_1200 = arith.addi %iota3A, %add3A_1199 : vector<16xi32>
        %and3A_1201 = arith.constant 15 : i32
        %and3A_1202 = vector.broadcast %and3A_1201 : i32 to vector<16xi32>
        %and3A_1203 = arith.andi %add3A_1200, %and3A_1202 : vector<16xi32>
        %gather3A_1204 = tpu.vector_load_idx %arg13[%iota3A, %and3A_1203] : memref<16x16xf32, #tpu.memory_space<vmem>>[vector<16xi32>, vector<16xi32>], vector<16xf32>,
        %add3A_1205 = arith.addf %add3A_1197, %gather3A_1204 : vector<16xf32>
        %add3A_1206 = arith.constant 6 : i32
        %add3A_1207 = vector.broadcast %add3A_1206 : i32 to vector<16xi32>
        %add3A_1208 = arith.addi %iota3A, %add3A_1207 : vector<16xi32>
        %and3A_1209 = arith.constant 15 : i32
        %and3A_1210 = vector.broadcast %and3A_1209 : i32 to vector<16xi32>
        %and3A_1211 = arith.andi %add3A_1208, %and3A_1210 : vector<16xi32>
        %gather3A_1212 = tpu.vector_load_idx %arg13[%iota3A, %and3A_1211] : memref<16x16xf32, #tpu.memory_space<vmem>>[vector<16xi32>, vector<16xi32>], vector<16xf32>,
        %add3A_1213 = arith.addf %add3A_1205, %gather3A_1212 : vector<16xf32>
        %add3A_1214 = arith.constant 7 : i32
        %add3A_1215 = vector.broadcast %add3A_1214 : i32 to vector<16xi32>
        %add3A_1216 = arith.addi %iota3A, %add3A_1215 : vector<16xi32>
        %and3A_1217 = arith.constant 15 : i32
        %and3A_1218 = vector.broadcast %and3A_1217 : i32 to vector<16xi32>
        %and3A_1219 = arith.andi %add3A_1216, %and3A_1218 : vector<16xi32>
        %gather3A_1220 = tpu.vector_load_idx %arg13[%iota3A, %and3A_1219] : memref<16x16xf32, #tpu.memory_space<vmem>>[vector<16xi32>, vector<16xi32>], vector<16xf32>,
        %add3A_1221 = arith.addf %add3A_1213, %gather3A_1220 : vector<16xf32>
        %add3A_1222 = arith.constant 8 : i32
        %add3A_1223 = vector.broadcast %add3A_1222 : i32 to vector<16xi32>
        %add3A_1224 = arith.addi %iota3A, %add3A_1223 : vector<16xi32>
        %and3A_1225 = arith.constant 15 : i32
        %and3A_1226 = vector.broadcast %and3A_1225 : i32 to vector<16xi32>
        %and3A_1227 = arith.andi %add3A_1224, %and3A_1226 : vector<16xi32>
        %gather3A_1228 = tpu.vector_load_idx %arg13[%iota3A, %and3A_1227] : memref<16x16xf32, #tpu.memory_space<vmem>>[vector<16xi32>, vector<16xi32>], vector<16xf32>,
        %add3A_1229 = arith.addf %add3A_1221, %gather3A_1228 : vector<16xf32>
        %add3A_1230 = arith.constant 9 : i32
        %add3A_1231 = vector.broadcast %add3A_1230 : i32 to vector<16xi32>
        %add3A_1232 = arith.addi %iota3A, %add3A_1231 : vector<16xi32>
        %and3A_1233 = arith.constant 15 : i32
        %and3A_1234 = vector.broadcast %and3A_1233 : i32 to vector<16xi32>
        %and3A_1235 = arith.andi %add3A_1232, %and3A_1234 : vector<16xi32>
        %gather3A_1236 = tpu.vector_load_idx %arg13[%iota3A, %and3A_1235] : memref<16x16xf32, #tpu.memory_space<vmem>>[vector<16xi32>, vector<16xi32>], vector<16xf32>,
        %add3A_1237 = arith.addf %add3A_1229, %gather3A_1236 : vector<16xf32>
        %add3A_1238 = arith.constant 10 : i32
        %add3A_1239 = vector.broadcast %add3A_1238 : i32 to vector<16xi32>
        %add3A_1240 = arith.addi %iota3A, %add3A_1239 : vector<16xi32>
        %and3A_1241 = arith.constant 15 : i32
        %and3A_1242 = vector.broadcast %and3A_1241 : i32 to vector<16xi32>
        %and3A_1243 = arith.andi %add3A_1240, %and3A_1242 : vector<16xi32>
        %gather3A_1244 = tpu.vector_load_idx %arg13[%iota3A, %and3A_1243] : memref<16x16xf32, #tpu.memory_space<vmem>>[vector<16xi32>, vector<16xi32>], vector<16xf32>,
        %add3A_1245 = arith.addf %add3A_1237, %gather3A_1244 : vector<16xf32>
        %add3A_1246 = arith.constant 11 : i32
        %add3A_1247 = vector.broadcast %add3A_1246 : i32 to vector<16xi32>
        %add3A_1248 = arith.addi %iota3A, %add3A_1247 : vector<16xi32>
        %and3A_1249 = arith.constant 15 : i32
        %and3A_1250 = vector.broadcast %and3A_1249 : i32 to vector<16xi32>
        %and3A_1251 = arith.andi %add3A_1248, %and3A_1250 : vector<16xi32>
        %gather3A_1252 = tpu.vector_load_idx %arg13[%iota3A, %and3A_1251] : memref<16x16xf32, #tpu.memory_space<vmem>>[vector<16xi32>, vector<16xi32>], vector<16xf32>,
        %add3A_1253 = arith.addf %add3A_1245, %gather3A_1252 : vector<16xf32>
        %add3A_1254 = arith.constant 12 : i32
        %add3A_1255 = vector.broadcast %add3A_1254 : i32 to vector<16xi32>
        %add3A_1256 = arith.addi %iota3A, %add3A_1255 : vector<16xi32>
        %and3A_1257 = arith.constant 15 : i32
        %and3A_1258 = vector.broadcast %and3A_1257 : i32 to vector<16xi32>
        %and3A_1259 = arith.andi %add3A_1256, %and3A_1258 : vector<16xi32>
        %gather3A_1260 = tpu.vector_load_idx %arg13[%iota3A, %and3A_1259] : memref<16x16xf32, #tpu.memory_space<vmem>>[vector<16xi32>, vector<16xi32>], vector<16xf32>,
        %add3A_1261 = arith.addf %add3A_1253, %gather3A_1260 : vector<16xf32>
        %add3A_1262 = arith.constant 13 : i32
        %add3A_1263 = vector.broadcast %add3A_1262 : i32 to vector<16xi32>
        %add3A_1264 = arith.addi %iota3A, %add3A_1263 : vector<16xi32>
        %and3A_1265 = arith.constant 15 : i32
        %and3A_1266 = vector.broadcast %and3A_1265 : i32 to vector<16xi32>
        %and3A_1267 = arith.andi %add3A_1264, %and3A_1266 : vector<16xi32>
        %gather3A_1268 = tpu.vector_load_idx %arg13[%iota3A, %and3A_1267] : memref<16x16xf32, #tpu.memory_space<vmem>>[vector<16xi32>, vector<16xi32>], vector<16xf32>,
        %add3A_1269 = arith.addf %add3A_1261, %gather3A_1268 : vector<16xf32>
        %add3A_1270 = arith.constant 14 : i32
        %add3A_1271 = vector.broadcast %add3A_1270 : i32 to vector<16xi32>
        %add3A_1272 = arith.addi %iota3A, %add3A_1271 : vector<16xi32>
        %and3A_1273 = arith.constant 15 : i32
        %and3A_1274 = vector.broadcast %and3A_1273 : i32 to vector<16xi32>
        %and3A_1275 = arith.andi %add3A_1272, %and3A_1274 : vector<16xi32>
        %gather3A_1276 = tpu.vector_load_idx %arg13[%iota3A, %and3A_1275] : memref<16x16xf32, #tpu.memory_space<vmem>>[vector<16xi32>, vector<16xi32>], vector<16xf32>,
        %add3A_1277 = arith.addf %add3A_1269, %gather3A_1276 : vector<16xf32>
        %add3A_1278 = arith.constant 15 : i32
        %add3A_1279 = vector.broadcast %add3A_1278 : i32 to vector<16xi32>
        %add3A_1280 = arith.addi %iota3A, %add3A_1279 : vector<16xi32>
        %and3A_1281 = arith.constant 15 : i32
        %and3A_1282 = vector.broadcast %and3A_1281 : i32 to vector<16xi32>
        %and3A_1283 = arith.andi %add3A_1280, %and3A_1282 : vector<16xi32>
        %gather3A_1284 = tpu.vector_load_idx %arg13[%iota3A, %and3A_1283] : memref<16x16xf32, #tpu.memory_space<vmem>>[vector<16xi32>, vector<16xi32>], vector<16xf32>,
        %add3A_1285 = arith.addf %add3A_1277, %gather3A_1284 : vector<16xf32>
        %mul3A_1286 = arith.constant 64 : i32
        %mul3A_1287 = arith.muli %add3A_150, %mul3A_1286 : i32
        %mul3A_1288 = arith.constant 16 : i32
        %mul3A_1289 = arith.muli %scan3A_169, %mul3A_1288 : i32
        %add3A_1290 = arith.addi %mul3A_1287, %mul3A_1289 : i32
        %swap3A_1291 = arith.index_cast %add3A_1290 : i32 to index
        %swap3A_1292 = tpu.vector_load %arg12[%swap3A_1291] {strides = array<i32>} : memref<10240xf32, #tpu.memory_space<vmem>>, vector<16xf32>,
        tpu.vector_store %arg12[%swap3A_1291], %add3A_1285 {strides = array<i32>} : memref<10240xf32, #tpu.memory_space<vmem>>, vector<16xf32>,
        %scan3A_1293 = arith.constant 0 : i32
        scf.yield %scan3A_1293 : i32
      }
      %scan3A_157 = arith.constant 4 : i32
      %eq3A_158 = arith.constant 0 : i32
      %eq3A_159 = arith.cmpi eq, %rem3A_95, %eq3A_158 : i32
      %convert_element_type3A_160 = arith.extui %eq3A_159 : i1 to i32
      %cond3A_161 = arith.constant 0 : i32
      %cond3A_162 = arith.cmpi ne, %convert_element_type3A_160, %cond3A_161 : i32
      scf.if %cond3A_162 {
        %add3A_169 = arith.constant 2 : i32
        %add3A_170 = arith.addi %scan3A_93, %add3A_169 : i32
        %rem3A_171 = arith.constant 80 : i32
        %rem3A_172 = arith.remsi %add3A_170, %rem3A_171 : i32
        %mul3A_173 = arith.constant 2 : i32
        %mul3A_174 = arith.muli %rem3A_172, %mul3A_173 : i32
        %mul3A_175 = arith.constant 64 : i32
        %mul3A_176 = arith.muli %mul3A_174, %mul3A_175 : i32
        %add3A_177 = arith.addi %mul3A_2, %mul3A_176 : i32
        %dma_start3A_178 = arith.constant 0 : i32
        %dma_start3A_179 = tpu.memref_slice %arg3[%dma_start3A_178, %add3A_177] : memref<2x327680xi32, #tpu.memory_space<hbm>> -> memref<2x128xi32, #tpu.memory_space<hbm>>
        %dma_start3A_180 = arith.constant 0 : i32
        %dma_start3A_181 = tpu.memref_slice %arg3[%dma_start3A_180, %add3A_177] : memref<2x327680xi32, #tpu.memory_space<hbm>> -> memref<2x128xi32, #tpu.memory_space<hbm>>
        tpu.enqueue_dma source(%dma_start3A_181 : memref<2x128xi32, #tpu.memory_space<hbm>>) target(%arg6 : memref<2x128xi32, #tpu.memory_space<vmem>>) target_semaphore(%arg14 : memref<!tpu.dma_semaphore, #tpu.memory_space<semaphore_mem>>)
        %dma_start3A_182 = arith.constant 0 : i32
        %dma_start3A_183 = arith.constant 64 : i32
        %dma_start3A_184 = tpu.memref_slice %arg7[%dma_start3A_182, %dma_start3A_183] : memref<2x128xi32, #tpu.memory_space<vmem>> -> memref<1x64xi32, #tpu.memory_space<vmem>>
        %dma_start3A_185 = tpu.memref_squeeze %dma_start3A_184 : memref<1x64xi32, #tpu.memory_space<vmem>> -> memref<64xi32, #tpu.memory_space<vmem>>
        %dma_start3A_186 = arith.constant 0 : i32
        %dma_start3A_187 = arith.constant 0 : i32
        %dma_start3A_188 = tpu.memref_slice %arg5[%dma_start3A_186, %dma_start3A_187] : memref<10000x128xi32, #tpu.memory_space<vmem_shared>> -> memref<10000x128xi32, #tpu.memory_space<vmem_shared>>
        tpu.enqueue_indirect_dma source(%dma_start3A_188 : memref<10000x128xi32, #tpu.memory_space<vmem_shared>>) target(%arg9 : memref<64x128xi32, #tpu.memory_space<vmem>>) offsets(%dma_start3A_185 : memref<64xi32, #tpu.memory_space<vmem>>) semaphore(%arg17 : memref<!tpu.dma_semaphore, #tpu.memory_space<semaphore_mem>>)
        %dma_start3A_189 = arith.constant 1 : i32
        %dma_start3A_190 = arith.constant 64 : i32
        %dma_start3A_191 = tpu.memref_slice %arg7[%dma_start3A_189, %dma_start3A_190] : memref<2x128xi32, #tpu.memory_space<vmem>> -> memref<1x64xi32, #tpu.memory_space<vmem>>
        %dma_start3A_192 = tpu.memref_squeeze %dma_start3A_191 : memref<1x64xi32, #tpu.memory_space<vmem>> -> memref<64xi32, #tpu.memory_space<vmem>>
        %dma_start3A_193 = arith.constant 0 : i32
        %dma_start3A_194 = arith.constant 0 : i32
        %dma_start3A_195 = tpu.memref_slice %arg5[%dma_start3A_193, %dma_start3A_194] : memref<10000x128xi32, #tpu.memory_space<vmem_shared>> -> memref<10000x128xi32, #tpu.memory_space<vmem_shared>>
        tpu.enqueue_indirect_dma source(%dma_start3A_195 : memref<10000x128xi32, #tpu.memory_space<vmem_shared>>) target(%arg11 : memref<64x128xi32, #tpu.memory_space<vmem>>) offsets(%dma_start3A_192 : memref<64xi32, #tpu.memory_space<vmem>>) semaphore(%arg19 : memref<!tpu.dma_semaphore, #tpu.memory_space<semaphore_mem>>)
      } else {
      }
      %eq3A_163 = arith.constant 1 : i32
      %eq3A_164 = arith.cmpi eq, %rem3A_95, %eq3A_163 : i32
      %convert_element_type3A_165 = arith.extui %eq3A_164 : i1 to i32
      %cond3A_166 = arith.constant 0 : i32
      %cond3A_167 = arith.cmpi ne, %convert_element_type3A_165, %cond3A_166 : i32
      scf.if %cond3A_167 {
        %add3A_169 = arith.constant 2 : i32
        %add3A_170 = arith.addi %scan3A_93, %add3A_169 : i32
        %rem3A_171 = arith.constant 80 : i32
        %rem3A_172 = arith.remsi %add3A_170, %rem3A_171 : i32
        %mul3A_173 = arith.constant 2 : i32
        %mul3A_174 = arith.muli %rem3A_172, %mul3A_173 : i32
        %mul3A_175 = arith.constant 64 : i32
        %mul3A_176 = arith.muli %mul3A_174, %mul3A_175 : i32
        %add3A_177 = arith.addi %mul3A_2, %mul3A_176 : i32
        %dma_start3A_178 = arith.constant 0 : i32
        %dma_start3A_179 = tpu.memref_slice %arg3[%dma_start3A_178, %add3A_177] : memref<2x327680xi32, #tpu.memory_space<hbm>> -> memref<2x128xi32, #tpu.memory_space<hbm>>
        %dma_start3A_180 = arith.constant 0 : i32
        %dma_start3A_181 = tpu.memref_slice %arg3[%dma_start3A_180, %add3A_177] : memref<2x327680xi32, #tpu.memory_space<hbm>> -> memref<2x128xi32, #tpu.memory_space<hbm>>
        tpu.enqueue_dma source(%dma_start3A_181 : memref<2x128xi32, #tpu.memory_space<hbm>>) target(%arg7 : memref<2x128xi32, #tpu.memory_space<vmem>>) target_semaphore(%arg15 : memref<!tpu.dma_semaphore, #tpu.memory_space<semaphore_mem>>)
        %dma_start3A_182 = arith.constant 0 : i32
        %dma_start3A_183 = arith.constant 64 : i32
        %dma_start3A_184 = tpu.memref_slice %arg6[%dma_start3A_182, %dma_start3A_183] : memref<2x128xi32, #tpu.memory_space<vmem>> -> memref<1x64xi32, #tpu.memory_space<vmem>>
        %dma_start3A_185 = tpu.memref_squeeze %dma_start3A_184 : memref<1x64xi32, #tpu.memory_space<vmem>> -> memref<64xi32, #tpu.memory_space<vmem>>
        %dma_start3A_186 = arith.constant 0 : i32
        %dma_start3A_187 = arith.constant 0 : i32
        %dma_start3A_188 = tpu.memref_slice %arg5[%dma_start3A_186, %dma_start3A_187] : memref<10000x128xi32, #tpu.memory_space<vmem_shared>> -> memref<10000x128xi32, #tpu.memory_space<vmem_shared>>
        tpu.enqueue_indirect_dma source(%dma_start3A_188 : memref<10000x128xi32, #tpu.memory_space<vmem_shared>>) target(%arg9 : memref<64x128xi32, #tpu.memory_space<vmem>>) offsets(%dma_start3A_185 : memref<64xi32, #tpu.memory_space<vmem>>) semaphore(%arg17 : memref<!tpu.dma_semaphore, #tpu.memory_space<semaphore_mem>>)
        %dma_start3A_189 = arith.constant 1 : i32
        %dma_start3A_190 = arith.constant 64 : i32
        %dma_start3A_191 = tpu.memref_slice %arg6[%dma_start3A_189, %dma_start3A_190] : memref<2x128xi32, #tpu.memory_space<vmem>> -> memref<1x64xi32, #tpu.memory_space<vmem>>
        %dma_start3A_192 = tpu.memref_squeeze %dma_start3A_191 : memref<1x64xi32, #tpu.memory_space<vmem>> -> memref<64xi32, #tpu.memory_space<vmem>>
        %dma_start3A_193 = arith.constant 0 : i32
        %dma_start3A_194 = arith.constant 0 : i32
        %dma_start3A_195 = tpu.memref_slice %arg5[%dma_start3A_193, %dma_start3A_194] : memref<10000x128xi32, #tpu.memory_space<vmem_shared>> -> memref<10000x128xi32, #tpu.memory_space<vmem_shared>>
        tpu.enqueue_indirect_dma source(%dma_start3A_195 : memref<10000x128xi32, #tpu.memory_space<vmem_shared>>) target(%arg11 : memref<64x128xi32, #tpu.memory_space<vmem>>) offsets(%dma_start3A_192 : memref<64xi32, #tpu.memory_space<vmem>>) semaphore(%arg19 : memref<!tpu.dma_semaphore, #tpu.memory_space<semaphore_mem>>)
      } else {
      }
      %scan3A_168 = arith.constant 0 : i32
      scf.yield %scan3A_168 : i32
    }
    %scan3A_58 = arith.constant 80 : i32
    %dma_wait3A_59 = arith.constant 0 : i32
    %dma_wait3A_60 = arith.constant 0 : i32
    %dma_wait3A_61 = tpu.memref_slice %arg6[%dma_wait3A_59, %dma_wait3A_60] : memref<2x128xi32, #tpu.memory_space<vmem>> -> memref<1x64xi32, #tpu.memory_space<vmem>>
    %dma_wait3A_62 = tpu.memref_squeeze %dma_wait3A_61 : memref<1x64xi32, #tpu.memory_space<vmem>> -> memref<64xi32, #tpu.memory_space<vmem>>
    %dma_wait3A_63 = arith.constant 0 : i32
    %dma_wait3A_64 = arith.constant 0 : i32
    %dma_wait3A_65 = tpu.memref_slice %arg5[%dma_wait3A_63, %dma_wait3A_64] : memref<10000x128xi32, #tpu.memory_space<vmem_shared>> -> memref<10000x128xi32, #tpu.memory_space<vmem_shared>>
    tpu.wait_indirect_dma semaphore(%arg16 : memref<!tpu.dma_semaphore, #tpu.memory_space<semaphore_mem>>) src(%dma_wait3A_65 : memref<10000x128xi32, #tpu.memory_space<vmem_shared>>) dst(%arg8 : memref<64x128xi32, #tpu.memory_space<vmem>>)
    %dma_wait3A_66 = arith.constant 1 : i32
    %dma_wait3A_67 = arith.constant 0 : i32
    %dma_wait3A_68 = tpu.memref_slice %arg6[%dma_wait3A_66, %dma_wait3A_67] : memref<2x128xi32, #tpu.memory_space<vmem>> -> memref<1x64xi32, #tpu.memory_space<vmem>>
    %dma_wait3A_69 = tpu.memref_squeeze %dma_wait3A_68 : memref<1x64xi32, #tpu.memory_space<vmem>> -> memref<64xi32, #tpu.memory_space<vmem>>
    %dma_wait3A_70 = arith.constant 0 : i32
    %dma_wait3A_71 = arith.constant 0 : i32
    %dma_wait3A_72 = tpu.memref_slice %arg5[%dma_wait3A_70, %dma_wait3A_71] : memref<10000x128xi32, #tpu.memory_space<vmem_shared>> -> memref<10000x128xi32, #tpu.memory_space<vmem_shared>>
    tpu.wait_indirect_dma semaphore(%arg18 : memref<!tpu.dma_semaphore, #tpu.memory_space<semaphore_mem>>) src(%dma_wait3A_72 : memref<10000x128xi32, #tpu.memory_space<vmem_shared>>) dst(%arg10 : memref<64x128xi32, #tpu.memory_space<vmem>>)
    %dma_wait3A_73 = arith.constant 0 : i32
    %dma_wait3A_74 = arith.constant 64 : i32
    %dma_wait3A_75 = tpu.memref_slice %arg6[%dma_wait3A_73, %dma_wait3A_74] : memref<2x128xi32, #tpu.memory_space<vmem>> -> memref<1x64xi32, #tpu.memory_space<vmem>>
    %dma_wait3A_76 = tpu.memref_squeeze %dma_wait3A_75 : memref<1x64xi32, #tpu.memory_space<vmem>> -> memref<64xi32, #tpu.memory_space<vmem>>
    %dma_wait3A_77 = arith.constant 0 : i32
    %dma_wait3A_78 = arith.constant 0 : i32
    %dma_wait3A_79 = tpu.memref_slice %arg5[%dma_wait3A_77, %dma_wait3A_78] : memref<10000x128xi32, #tpu.memory_space<vmem_shared>> -> memref<10000x128xi32, #tpu.memory_space<vmem_shared>>
    tpu.wait_indirect_dma semaphore(%arg17 : memref<!tpu.dma_semaphore, #tpu.memory_space<semaphore_mem>>) src(%dma_wait3A_79 : memref<10000x128xi32, #tpu.memory_space<vmem_shared>>) dst(%arg9 : memref<64x128xi32, #tpu.memory_space<vmem>>)
    %dma_wait3A_80 = arith.constant 1 : i32
    %dma_wait3A_81 = arith.constant 64 : i32
    %dma_wait3A_82 = tpu.memref_slice %arg6[%dma_wait3A_80, %dma_wait3A_81] : memref<2x128xi32, #tpu.memory_space<vmem>> -> memref<1x64xi32, #tpu.memory_space<vmem>>
    %dma_wait3A_83 = tpu.memref_squeeze %dma_wait3A_82 : memref<1x64xi32, #tpu.memory_space<vmem>> -> memref<64xi32, #tpu.memory_space<vmem>>
    %dma_wait3A_84 = arith.constant 0 : i32
    %dma_wait3A_85 = arith.constant 0 : i32
    %dma_wait3A_86 = tpu.memref_slice %arg5[%dma_wait3A_84, %dma_wait3A_85] : memref<10000x128xi32, #tpu.memory_space<vmem_shared>> -> memref<10000x128xi32, #tpu.memory_space<vmem_shared>>
    tpu.wait_indirect_dma semaphore(%arg19 : memref<!tpu.dma_semaphore, #tpu.memory_space<semaphore_mem>>) src(%dma_wait3A_86 : memref<10000x128xi32, #tpu.memory_space<vmem_shared>>) dst(%arg11 : memref<64x128xi32, #tpu.memory_space<vmem>>)
    %add3A_87 = arith.constant 128 : i32
    %add3A_88 = arith.addi %mul3A_2, %add3A_87 : i32
    %dma_wait3A_89 = arith.constant 0 : i32
    %dma_wait3A_90 = tpu.memref_slice %arg3[%dma_wait3A_89, %add3A_88] : memref<2x327680xi32, #tpu.memory_space<hbm>> -> memref<2x128xi32, #tpu.memory_space<hbm>>
    %dma_wait3A_91 = arith.constant 0 : i32
    %dma_wait3A_92 = tpu.memref_slice %arg3[%dma_wait3A_91, %add3A_88] : memref<2x327680xi32, #tpu.memory_space<hbm>> -> memref<2x128xi32, #tpu.memory_space<hbm>>
    tpu.wait_dma2 semaphore(%arg15 : memref<!tpu.dma_semaphore, #tpu.memory_space<semaphore_mem>>) src(%dma_wait3A_92 : memref<2x128xi32, #tpu.memory_space<hbm>>) dst(%arg7 : memref<2x128xi32, #tpu.memory_space<vmem>>)
    "tpu.region"() ({
      %run_scoped3A = tpu.sem_alloc : memref<!tpu.dma_semaphore, #tpu.memory_space<semaphore_mem>>
      %dma_start3A_93 = tpu.memref_slice %arg4[%mul3A_2] : memref<327680xf32, #tpu.memory_space<hbm>> -> memref<10240xf32, #tpu.memory_space<hbm>>
      %dma_start3A_94 = tpu.memref_slice %arg4[%mul3A_2] : memref<327680xf32, #tpu.memory_space<hbm>> -> memref<10240xf32, #tpu.memory_space<hbm>>
      tpu.enqueue_dma source(%arg12 : memref<10240xf32, #tpu.memory_space<vmem>>) target(%dma_start3A_94 : memref<10240xf32, #tpu.memory_space<hbm>>) target_semaphore(%run_scoped3A : memref<!tpu.dma_semaphore, #tpu.memory_space<semaphore_mem>>)
      %dma_wait3A_95 = tpu.memref_slice %arg4[%mul3A_2] : memref<327680xf32, #tpu.memory_space<hbm>> -> memref<10240xf32, #tpu.memory_space<hbm>>
      %dma_wait3A_96 = tpu.memref_slice %arg4[%mul3A_2] : memref<327680xf32, #tpu.memory_space<hbm>> -> memref<10240xf32, #tpu.memory_space<hbm>>
      tpu.wait_dma2 semaphore(%run_scoped3A : memref<!tpu.dma_semaphore, #tpu.memory_space<semaphore_mem>>) src(%arg12 : memref<10240xf32, #tpu.memory_space<vmem>>) dst(%dma_wait3A_96 : memref<10240xf32, #tpu.memory_space<hbm>>)
      tpu.yield
    }) : () -> ()
    return
  }
}

</mosaic_0001>

<sc_bundles>
// kernel: _dot_decoder.3.cloned.1.call-start
scs
__scs_entry_jumppad:
0x0: {  	(pc) =	sbr.rel $0x88, $3  }
0x1: {  	(tag) =	ssettag $0x0;
	lr =	simm.s32 $0x1  }
0x2: {  	[smem:$0x3F9F] =	sst lr;
	_ =	strace $0xD0000000  }
0x3: {  	_ = 	snop  }
0x4: {  	_ = 	snop  }
0x5: {  	_ = 	snop  }
0x6: {  	_ = 	snop  }
0x7: {  	_ = 	snop  }
__scs_overlays_trampoline_lowered:
0x8: {  	[smem:$0x3FAE] =	sst s0  }
0x9: {  	[smem:$0x3FAF] =	sst s1  }
0xa: {  	[smem:$0x3FB0] =	sst s2  }
0xb: {  	[smem:$0x3FB1] =	sst s3  }
0xc: {  	[smem:$0x3FB2] =	sst s4  }
0xd: {  	[smem:$0x3FB3] =	sst s5  }
0xe: {  	[smem:$0x3FB4] =	sst s6  }
0xf: {  	[smem:$0x3FB5] =	sst s7  }
0x10: {  	[smem:$0x3FB6] =	sst s8  }
0x11: {  	[smem:$0x3FB7] =	sst s9;
	s0 =	simm.s32 @!p0 $0x0  }
0x12: {  	s1 =	sld [smem:$0x3F9D];
	s0 =	simm.s32 @p0 $0x1  }
0x13: {  	[smem:$0x3FB8] =	sst s0;
	s0 =	simm.s32 @!p1 $0x0  }
0x14: {  	s2 =	sld [smem:$0x3F9C];
	s0 =	simm.s32 @p1 $0x1  }
0x15: {  	[smem:$0x3FB9] =	sst s0;
	s0 =	simm.s32 @!p2 $0x0  }
0x16: {  	s3 =	sld [smem:$0x3FDB];
	s0 =	simm.s32 @p2 $0x1  }
0x17: {  	s4 =	simm.s32 $0x1BF5;
	[smem:$0x3FBB] =	sst s0  }
0x18: {  	s0 =	sld [smem:$0x3F9E];
	_ =	swait.ge [sflag:s4], $0x0  }
0x19: {  	s7 =	sld [smem:$0x3F9F]  }
0x1a: {  	s8 =	sadd.s32 $0xFFFFE003, lr  }
0x1b: {  	s9 =	sadd.s32 $0xFFFFFEF7, lr;
	s5 =	simm.s32 $0xFFFFFFFF;
	p2 =	slt.u32 s8, $0xFFFFF086  }
0x1c: {  	p1 =	slt.u32 s9, $0xF7A;
	s5 =	simm.s32 @!p2 $0x0  }
0x1d: {  	s5 =	simm.s32 @p1 $0x1;
	p0 =	seq.s32 s7, s2  }
0x1e: {  	s7 =	smul.u32 @!p0 $0xF7A, s2;
	p2 =	seq.s32 @!p0 s5, $0x0  }
0x1f: {  	s9 =	smul.u32 $0xF7A, s1;
	s8 =	simm.s32 @!p0 $0x1BF5;
	p2 =	por !p2, p0  }
0x20: {  	[sflag:s8] =	ssyncset.s32 @!p0 $0xFFFFF086;
	s6 =	sadd.s32 @!p0 s3, s7;
	s7 =	simm.s32 @!p0 $0x108  }
0x21: {  	s3 =	sadd.s32 s3, s9;
	s6 =	sadd.s32 @!p0 $0x88, s6;
	s7 =	simm.s32 @p2 $0x1082  }
0x22: {  	[simem:s7], [sflag:s8] =	dma.local @!p0 [hbm:s6], $0xF7A  }
0x23: {  	s9 =	sor.u32 $0xD0000000, s2;
	s6 =	simm.s32 $0x108;
	_ =	swait.ge @!p0 [sflag:s8], $0x0  }
0x24: {  	s3 =	sadd.s32 $0x88, s3;
	s6 =	simm.s32 @!p1 $0x1082;
	[sflag:s4] =	ssyncset.s32 $0xFFFFF086  }
0x25: {  	[simem:s6], [sflag:s4] =	dma.local [hbm:s3], $0xF7A  }
0x26: {  	[smem:$0x3F9F] =	sst s1;
	(tag) =	ssettag s2;
	_ =	strace s9  }
0x27: {  	s1 =	sld [smem:$0x3FAF]  }
0x28: {  	s2 =	sld [smem:$0x3FB0]  }
0x29: {  	s4 =	sld [smem:$0x3FB2]  }
0x2a: {  	p0 =	seq.s32 s5, $0x0;
	s5 =	sld [smem:$0x3FB3]  }
0x2b: {  	s6 =	sld [smem:$0x3FB4]  }
0x2c: {  	s7 =	sld [smem:$0x3FB5]  }
0x2d: {  	s3 =	simm.s32 $0x108;
	s8 =	sld [smem:$0x3FB6]  }
0x2e: {  	s3 =	simm.s32 @!p0 $0x1082;
	s9 =	sld [smem:$0x3FB7]  }
0x2f: {  	lr =	sadd.s32 s0, s3;
	s0 =	sld [smem:$0x3FAE]  }
0x30: {  	s3 =	sld [smem:$0x3FB1]  }
0x31: {  	[smem:$0x3FBA] =	sst s10  }
0x32: {  	s10 =	sld [smem:$0x3FB8];
	_ =	sdelay $0x3  }
0x33: {  	p0 =	seq.s32 s10, $0x1;
	s10 =	sld [smem:$0x3FBA];
	_ =	sdelay $0x3  }
0x34: {  	[smem:$0x3FBA] =	sst s10  }
0x35: {  	s10 =	sld [smem:$0x3FB9];
	_ =	sdelay $0x3  }
0x36: {  	p1 =	seq.s32 s10, $0x1;
	s10 =	sld [smem:$0x3FBA];
	_ =	sdelay $0x3  }
0x37: {  	[smem:$0x3FBA] =	sst s10  }
0x38: {  	s10 =	sld [smem:$0x3FBB]  }
0x39: {  	_ = 	snop;
	(pc) =	sbr.ind lr, $3  }
0x3a: {  	_ = 	snop  }
0x3b: {  	_ = 	snop  }
0x3c: {  	p2 =	seq.s32 s10, $0x1;
	s10 =	sld [smem:$0x3FBA]  }
0x3d: {  	_ =	shalt  }
0x3e: {  	_ =	shalt  }
0x3f: {  	_ =	shalt  }
0x40: {  	_ =	shalt  }
0x41: {  	_ =	shalt  }
0x42: {  	_ =	shalt  }
0x43: {  	_ =	shalt  }
0x44: {  	_ =	shalt  }
0x45: {  	_ =	shalt  }
0x46: {  	_ =	shalt  }
0x47: {  	_ =	shalt  }
0x48: {  	_ =	shalt  }
0x49: {  	_ =	shalt  }
0x4a: {  	_ =	shalt  }
0x4b: {  	_ =	shalt  }
0x4c: {  	_ =	shalt  }
0x4d: {  	_ =	shalt  }
0x4e: {  	_ =	shalt  }
0x4f: {  	_ =	shalt  }
0x50: {  	_ =	shalt  }
0x51: {  	_ =	shalt  }
0x52: {  	_ =	shalt  }
0x53: {  	_ =	shalt  }
0x54: {  	_ =	shalt  }
0x55: {  	_ =	shalt  }
0x56: {  	_ =	shalt  }
0x57: {  	_ =	shalt  }
0x58: {  	_ =	shalt  }
0x59: {  	_ =	shalt  }
0x5a: {  	_ =	shalt  }
0x5b: {  	_ =	shalt  }
0x5c: {  	_ =	shalt  }
0x5d: {  	_ =	shalt  }
0x5e: {  	_ =	shalt  }
0x5f: {  	_ =	shalt  }
0x60: {  	_ =	shalt  }
0x61: {  	_ =	shalt  }
0x62: {  	_ =	shalt  }
0x63: {  	_ =	shalt  }
0x64: {  	_ =	shalt  }
0x65: {  	_ =	shalt  }
0x66: {  	_ =	shalt  }
0x67: {  	_ =	shalt  }
0x68: {  	_ =	shalt  }
0x69: {  	_ =	shalt  }
0x6a: {  	_ =	shalt  }
0x6b: {  	_ =	shalt  }
0x6c: {  	_ =	shalt  }
0x6d: {  	_ =	shalt  }
0x6e: {  	_ =	shalt  }
0x6f: {  	_ =	shalt  }
0x70: {  	_ =	shalt  }
0x71: {  	_ =	shalt  }
0x72: {  	_ =	shalt  }
0x73: {  	_ =	shalt  }
0x74: {  	_ =	shalt  }
0x75: {  	_ =	shalt  }
0x76: {  	_ =	shalt  }
0x77: {  	_ =	shalt  }
0x78: {  	_ =	shalt  }
0x79: {  	_ =	shalt  }
0x7a: {  	_ =	shalt  }
0x7b: {  	_ =	shalt  }
0x7c: {  	_ =	shalt  }
0x7d: {  	_ =	shalt  }
0x7e: {  	_ =	shalt  }
0x7f: {  	_ =	shalt  }
0x80: {  	_ =	shalt  }
0x81: {  	_ =	shalt  }
0x82: {  	_ =	shalt  }
0x83: {  	_ =	shalt  }
0x84: {  	_ =	shalt  }
0x85: {  	_ =	shalt  }
0x86: {  	_ =	shalt  }
0x87: {  	_ =	shalt  }
.Lfunc_end0:
.L_simem_size_0:
called_computation_lowered:
.L_overlay_start_0:
0x88: {  	s2 =	sld [smem:$0x3FD9]  }
0x89: {  	s3 =	sld [smem:$0x3FFE];
	_ =	sdelay $0x1  }
0x8a: {  	s1 =	srdreg.scid  }
0x8b: {  	s0 =	sand.u32 $0x1, s1  }
0x8c: {  	s18 =	sshll.u32 s0, $0xA;
	s2 =	sadd.s32 s3, s2  }
0x8d: {  	s2 =	sadd.s32 s2, s18  }
0x8e: {  	[smem:$0x3FC6] =	sst s2  }
0x8f: {  	_ = 	snop  }
0x90: {  	s2 =	sld [smem:$0x3FC9]  }
0x91: {  	s19 =	sld [smem:$0x3FC8]  }
0x92: {  	s4 =	sld [smem:$0x3FD0];
	(tm) =	ssettm $0x1  }
0x93: {  	s5 =	sld [smem:$0x3FFB];
	_ =	sdelay $0x3  }
0x94: {  	_ =	strace s5  }
0x95: {  	s5 =	sld [smem:$0x3FFC];
	_ =	sdelay $0x3  }
0x96: {  	_ =	strace s5  }
0x97: {  	s5 =	sld [smem:$0x3FFD];
	_ =	sdelay $0x3  }
0x98: {  	_ =	strace s5  }
0x99: {  	_ =	strace $0x8FFFFFFF  }
0x9a: {  	s20 =	sld [smem:$0x3FDB];
	_ =	sdelay $0x1  }
0x9b: {  	s6 =	simm.s32 $_scs_section_size  }
0x9c: {  	s7 =	simm.s32 $_size__tile_overlayer_lowered;
	s8 =	simm.s32 $_tile_overlayer_lowered  }
0x9d: {  	s23 =	simm.s32 $0x1BFF;
	s22 =	sshll.u32 s8, $0x1;
	s5 =	sadd.s32 s6, s20  }
0x9e: {  	s9 =	simm.s32 $0x0;
	s21 =	sshll.u32 s7, $0x1;
	s7 =	sadd.s32 s22, s5  }
0x9f: {  	[timem:s9], [sflag:s23] =	dma.local [hbm:s7], s21  }
0xa0: {  	_ =	swait.ge [sflag:s23], s21  }
0xa1: {  	s6 =	ssub.s32 $0x0, s21;
	[sflag:s23] =	ssyncset.done $0x0  }
0xa2: {  	[sflag:s23] =	ssyncadd.s32 s6;
	_ =	sdelay $0x1  }
0xa3: {  	s24 =	simm.s32 $0x1B8B  }
0xa4: {  	_ =	swait.ge [sflag:s24], $0x1  }
0xa5: {  	[sflag:s24] =	ssyncset.done $0x0  }
0xa6: {  	s25 =	simm.s32 $0x1B8E;
	[sflag:s24] =	ssyncadd.s32 $0xFFFFFFFF  }
0xa7: {  	s26 =	simm.s32 $execute0_lowered;
	[smem:$0x3FD2] =	sst s25  }
0xa8: {  	s6 =	sshll.u32 s26, $0x1;
	_ =	strace $0x80000046;
	[dreg:$0x1] =	wrdreg $0xFFFFFFFF  }
0xa9: {  	s28 =	simm.s32 $_size_execute0_lowered;
	s5 =	sadd.s32 s5, s6;
	[dreg:$0x0] =	wrdreg $0x0  }
0xaa: {  	s6 =	sshll.u32 s28, $0x1;
	[dreg:$0x2] =	wrdreg s5  }
0xab: {  	[dreg:$0x3] =	wrdreg s6  }
0xac: {  	[dreg:$0x4] =	wrdreg $0xC0  }
0xad: {  	_ =	task [dreg:s9], $0x5FFFF  }
0xae: {  	[dreg:$0x1] =	wrdreg $0xFFFFFFFF  }
0xaf: {  	[dreg:$0x0] =	wrdreg $0x60  }
0xb0: {  	[dreg:$0x2] =	wrdreg s2  }
0xb1: {  	[dreg:$0x3] =	wrdreg s19  }
0xb2: {  	[dreg:$0x4] =	wrdreg s4  }
0xb3: {  	[dreg:$0x5] =	wrdreg $0x0  }
0xb4: {  	[dreg:$0x6] =	wrdreg $0x9  }
0xb5: {  	_ =	task.clear_ibuf [dreg:s9], $0x7FFFF;
	_ =	strace $0x90000046  }
0xb6: {  	s29 =	simm.s32 $0x9;
	_ =	strace $0x80000048  }
0xb7: {  	_ =	swait.ge [sflag:s29], $0x1  }
0xb8: {  	[sflag:s29] =	ssyncadd.s32 $0xFFFFFFFF  }
0xb9: {  	_ =	strace $0x90000048  }
0xba: {  	_ =	sfence  }
0xbb: {  	s30 =	sld [smem:$0x0];
	_ =	sdelay $0x2  }
0xbc: {  	s31 =	sshll.u32 s1, $0xD;
	s1 =	sshrl.u32 s1, $0x2  }
0xbd: {  	s3 =	sand.u32 $0x4000, s31;
	s1 =	sadd.s32 s1, s30  }
0xbe: {  	s0 =	sor.u32 s3, s0;
	s1 =	sshll.u32 s1, $0x11  }
0xbf: {  	s0 =	sor.u32 s1, s0  }
0xc0: {  	s0 =	sadd.s32 $0x8F2B, s0  }
0xc1: {  	[sflag:s0] =	ssyncadd.remote.s32 $0x1  }
0xc2: {  	_ =	sfence.sel $0xFFFF  }
0xc3: {  	[dreg:$0x0] =	wrdreg $0xFFFFFFFF;
	(pc) =	sbr.abs _section_cstart, $3  }
0xc4: {  	[dreg:$0x1] =	wrdreg $0xFFFFFFFF  }
0xc5: {  	_ =	task.clear_ibuf [dreg:s9], $0x2FFFF;
	_ =	strace $0x9FFFFFFF  }
0xc6: {  	(tm) =	ssettm $0x7FFFFFFF  }
0xc7: {  	_ =	shalt  }
tec
execute0_lowered:
.L_overlay_start_1:
0x0: {  	(tag) =	ssettag $0x1  }
0x1: {  	v0 =	vimm.s32 $0x780;
	vm14 =	vcmask $0x300  }
0x2: {  	vm13 =	vcmask $0x704;
	vm12 =	vcmask $0xB08;
	vm11 =	vcmask $0xF0C  }
0x3: {  	vm10 =	vcmask $0x1310;
	vm9 =	vcmask $0x1714;
	v1 =	vlaneseq.u32  }
0x4: {  	vm5 =	vcmask $0x1B18;
	vm0 =	vcmask $0x1F1C;
	v3 =	vimm.s32 $0x782  }
0x5: {  	vm1 =	vcmask $0x2320;
	vm2 =	vcmask $0x2724;
	vm3 =	vcmask $0x2B28  }
0x6: {  	vm4 =	vcmask $0x2F2C;
	vm6 =	vcmask $0x3330;
	vm7 =	vcmask $0x3734  }
0x7: {  	vm8 =	vcmask $0x3B38;
	v4 =	vimm.s32 $0x783;
	v5 =	vimm.s32 $0x784  }
0x8: {  	v6 =	vimm.s32 $0x785;
	v7 =	vimm.s32 $0x786;
	v8 =	vimm.s32 $0x787  }
0x9: {  	v9 =	vimm.s32 $0x788;
	v10 =	vimm.s32 $0x789;
	v11 =	vimm.s32 $0x78A  }
0xa: {  	v12 =	vimm.s32 $0x78B;
	v13 =	vimm.s32 $0x78C;
	v14 =	vimm.s32 $0x78D  }
0xb: {  	v15 =	vimm.s32 $0x78E;
	v0 =	vsel vm14, $0x1, v0;
	v3 =	vsel vm14, $0x3, v3  }
0xc: {  	v4 =	vsel vm14, $0x4, v4;
	v5 =	vsel vm14, $0x5, v5;
	v6 =	vsel vm14, $0x6, v6  }
0xd: {  	v7 =	vsel vm14, $0x7, v7;
	v8 =	vsel vm14, $0x8, v8;
	v9 =	vsel vm14, $0x9, v9  }
0xe: {  	v10 =	vsel vm14, $0xA, v10;
	v11 =	vsel vm14, $0xB, v11;
	v12 =	vsel vm14, $0xC, v12  }
0xf: {  	v13 =	vsel vm14, $0xD, v13;
	v14 =	vsel vm14, $0xE, v14;
	v15 =	vsel vm14, $0xF, v15  }
0x10: {  	v0 =	vsel vm13, $0x82, v0;
	v3 =	vsel vm13, $0x84, v3;
	v4 =	vsel vm13, $0x85, v4  }
0x11: {  	v5 =	vsel vm13, $0x86, v5;
	v6 =	vsel vm13, $0x87, v6;
	v7 =	vsel vm13, $0x88, v7  }
0x12: {  	v8 =	vsel vm13, $0x89, v8;
	v9 =	vsel vm13, $0x8A, v9;
	v10 =	vsel vm13, $0x8B, v10  }
0x13: {  	v11 =	vsel vm13, $0x8C, v11;
	v12 =	vsel vm13, $0x8D, v12;
	v13 =	vsel vm13, $0x8E, v13  }
0x14: {  	v14 =	vsel vm13, $0x8F, v14;
	v15 =	vsel vm13, $0x80, v15;
	v0 =	vsel vm12, $0x103, v0  }
0x15: {  	v3 =	vsel vm12, $0x105, v3;
	v4 =	vsel vm12, $0x106, v4;
	v5 =	vsel vm12, $0x107, v5  }
0x16: {  	v6 =	vsel vm12, $0x108, v6;
	v7 =	vsel vm12, $0x109, v7;
	v8 =	vsel vm12, $0x10A, v8  }
0x17: {  	v9 =	vsel vm12, $0x10B, v9;
	v10 =	vsel vm12, $0x10C, v10;
	v11 =	vsel vm12, $0x10D, v11  }
0x18: {  	v12 =	vsel vm12, $0x10E, v12;
	v13 =	vsel vm12, $0x10F, v13;
	v14 =	vsel vm12, $0x100, v14  }
0x19: {  	v15 =	vsel vm12, $0x101, v15;
	v0 =	vsel vm11, $0x184, v0;
	v3 =	vsel vm11, $0x186, v3  }
0x1a: {  	v4 =	vsel vm11, $0x187, v4;
	v5 =	vsel vm11, $0x188, v5;
	v6 =	vsel vm11, $0x189, v6  }
0x1b: {  	v7 =	vsel vm11, $0x18A, v7;
	v8 =	vsel vm11, $0x18B, v8;
	v9 =	vsel vm11, $0x18C, v9  }
0x1c: {  	v10 =	vsel vm11, $0x18D, v10;
	v11 =	vsel vm11, $0x18E, v11;
	v12 =	vsel vm11, $0x18F, v12  }
0x1d: {  	v13 =	vsel vm11, $0x180, v13;
	v14 =	vsel vm11, $0x181, v14;
	v15 =	vsel vm11, $0x182, v15  }
0x1e: {  	v0 =	vsel vm10, $0x205, v0;
	v3 =	vsel vm10, $0x207, v3;
	v4 =	vsel vm10, $0x208, v4  }
0x1f: {  	v5 =	vsel vm10, $0x209, v5;
	v6 =	vsel vm10, $0x20A, v6;
	v7 =	vsel vm10, $0x20B, v7  }
0x20: {  	v8 =	vsel vm10, $0x20C, v8;
	v9 =	vsel vm10, $0x20D, v9;
	v10 =	vsel vm10, $0x20E, v10  }
0x21: {  	v11 =	vsel vm10, $0x20F, v11;
	v12 =	vsel vm10, $0x200, v12;
	v13 =	vsel vm10, $0x201, v13  }
0x22: {  	v14 =	vsel vm10, $0x202, v14;
	v15 =	vsel vm10, $0x203, v15;
	v2 =	vsel vm9, $0x286, v0  }
0x23: {  	v0 =	vmul.u32 $0x81, v1;
	v3 =	vsel vm9, $0x288, v3;
	v4 =	vsel vm9, $0x289, v4  }
0x24: {  	v5 =	vsel vm9, $0x28A, v5;
	v6 =	vsel vm9, $0x28B, v6;
	v7 =	vsel vm9, $0x28C, v7  }
0x25: {  	v8 =	vsel vm9, $0x28D, v8;
	v9 =	vsel vm9, $0x28E, v9;
	v10 =	vsel vm9, $0x28F, v10  }
0x26: {  	v11 =	vsel vm9, $0x280, v11;
	v12 =	vsel vm9, $0x281, v12;
	v13 =	vsel vm9, $0x282, v13  }
0x27: {  	v14 =	vsel vm9, $0x283, v14;
	v15 =	vsel vm9, $0x284, v15;
	v1 =	vsel vm5, $0x307, v2  }
0x28: {  	v2 =	vimm.s32 $0x781;
	v3 =	vsel vm5, $0x309, v3;
	v4 =	vsel vm5, $0x30A, v4  }
0x29: {  	v5 =	vsel vm5, $0x30B, v5;
	v6 =	vsel vm5, $0x30C, v6;
	v7 =	vsel vm5, $0x30D, v7  }
0x2a: {  	v8 =	vsel vm5, $0x30E, v8;
	v9 =	vsel vm5, $0x30F, v9;
	v10 =	vsel vm5, $0x300, v10  }
0x2b: {  	v11 =	vsel vm5, $0x301, v11;
	v12 =	vsel vm5, $0x302, v12;
	v13 =	vsel vm5, $0x303, v13  }
0x2c: {  	v14 =	vsel vm5, $0x304, v14;
	v15 =	vsel vm5, $0x305, v15;
	v1 =	vsel vm0, $0x388, v1  }
0x2d: {  	v2 =	vsel vm14, $0x2, v2;
	v3 =	vsel vm0, $0x38A, v3;
	v4 =	vsel vm0, $0x38B, v4  }
0x2e: {  	v5 =	vsel vm0, $0x38C, v5;
	v6 =	vsel vm0, $0x38D, v6;
	v7 =	vsel vm0, $0x38E, v7  }
0x2f: {  	v8 =	vsel vm0, $0x38F, v8;
	v9 =	vsel vm0, $0x380, v9;
	v10 =	vsel vm0, $0x381, v10  }
0x30: {  	v11 =	vsel vm0, $0x382, v11;
	v12 =	vsel vm0, $0x383, v12;
	v13 =	vsel vm0, $0x384, v13  }
0x31: {  	v14 =	vsel vm0, $0x385, v14;
	v15 =	vsel vm0, $0x386, v15;
	v2 =	vsel vm13, $0x83, v2  }
0x32: {  	v1 =	vsel vm1, $0x409, v1;
	v3 =	vsel vm1, $0x40B, v3;
	v4 =	vsel vm1, $0x40C, v4  }
0x33: {  	v5 =	vsel vm1, $0x40D, v5;
	v6 =	vsel vm1, $0x40E, v6;
	v7 =	vsel vm1, $0x40F, v7  }
0x34: {  	v8 =	vsel vm1, $0x400, v8;
	v9 =	vsel vm1, $0x401, v9;
	v10 =	vsel vm1, $0x402, v10  }
0x35: {  	v11 =	vsel vm1, $0x403, v11;
	v12 =	vsel vm1, $0x404, v12;
	v13 =	vsel vm1, $0x405, v13  }
0x36: {  	v14 =	vsel vm1, $0x406, v14;
	v15 =	vsel vm1, $0x407, v15;
	v2 =	vsel vm12, $0x104, v2  }
0x37: {  	v1 =	vsel vm2, $0x48A, v1;
	v3 =	vsel vm2, $0x48C, v3;
	v4 =	vsel vm2, $0x48D, v4  }
0x38: {  	v5 =	vsel vm2, $0x48E, v5;
	v6 =	vsel vm2, $0x48F, v6;
	v7 =	vsel vm2, $0x480, v7  }
0x39: {  	v8 =	vsel vm2, $0x481, v8;
	v9 =	vsel vm2, $0x482, v9;
	v10 =	vsel vm2, $0x483, v10  }
0x3a: {  	v11 =	vsel vm2, $0x484, v11;
	v12 =	vsel vm2, $0x485, v12;
	v13 =	vsel vm2, $0x486, v13  }
0x3b: {  	v14 =	vsel vm2, $0x487, v14;
	v15 =	vsel vm2, $0x488, v15;
	v2 =	vsel vm11, $0x185, v2  }
0x3c: {  	v1 =	vsel vm3, $0x50B, v1;
	v3 =	vsel vm3, $0x50D, v3;
	v4 =	vsel vm3, $0x50E, v4  }
0x3d: {  	v5 =	vsel vm3, $0x50F, v5;
	v6 =	vsel vm3, $0x500, v6;
	v7 =	vsel vm3, $0x501, v7  }
0x3e: {  	v8 =	vsel vm3, $0x502, v8;
	v9 =	vsel vm3, $0x503, v9;
	v10 =	vsel vm3, $0x504, v10  }
0x3f: {  	v11 =	vsel vm3, $0x505, v11;
	v12 =	vsel vm3, $0x506, v12;
	v13 =	vsel vm3, $0x507, v13  }
0x40: {  	v14 =	vsel vm3, $0x508, v14;
	v15 =	vsel vm3, $0x509, v15;
	v2 =	vsel vm10, $0x206, v2  }
0x41: {  	v1 =	vsel vm4, $0x58C, v1;
	v3 =	vsel vm4, $0x58E, v3;
	v4 =	vsel vm4, $0x58F, v4  }
0x42: {  	v5 =	vsel vm4, $0x580, v5;
	v6 =	vsel vm4, $0x581, v6;
	v7 =	vsel vm4, $0x582, v7  }
0x43: {  	s1 =	rddreg [dreg:$0x0];
	v8 =	vsel vm4, $0x583, v8;
	v9 =	vsel vm4, $0x584, v9;
	v10 =	vsel vm4, $0x585, v10  }
0x44: {  	s0 =	rddreg [dreg:$0x1];
	v11 =	vsel vm4, $0x586, v11;
	v12 =	vsel vm4, $0x587, v12;
	v13 =	vsel vm4, $0x588, v13  }
0x45: {  	s4 =	rddreg [dreg:$0x2];
	v14 =	vsel vm4, $0x589, v14;
	v15 =	vsel vm4, $0x58A, v15;
	v2 =	vsel vm9, $0x287, v2  }
0x46: {  	s2 =	rddreg [dreg:$0x3];
	v1 =	vsel vm6, $0x60D, v1;
	v3 =	vsel vm6, $0x60F, v3;
	v4 =	vsel vm6, $0x600, v4  }
0x47: {  	s3 =	simm.s32 $0x0;
	s5 =	srdreg.scid;
	s11 =	stileid.u32;
	v5 =	vsel vm6, $0x601, v5;
	v6 =	vsel vm6, $0x602, v6;
	v7 =	vsel vm6, $0x603, v7  }
0x48: {  	s16 =	simm.s32 $0x1;
	s17 =	simm.s32 $0x40;
	s18 =	simm.s32 $0x13A80;
	v8 =	vsel vm6, $0x604, v8;
	v9 =	vsel vm6, $0x605, v9;
	v10 =	vsel vm6, $0x606, v10  }
0x49: {  	s20 =	simm.s32 $0x17A80;
	s22 =	simm.s32 $0x15A80;
	s28 =	simm.s32 $0x3;
	v11 =	vsel vm6, $0x607, v11;
	v12 =	vsel vm6, $0x608, v12;
	v13 =	vsel vm6, $0x609, v13  }
0x4a: {  	s29 =	simm.s32 $0x5;
	s30 =	simm.s32 $0x1E280;
	s31 =	simm.s32 $0x4;
	v14 =	vsel vm6, $0x60A, v14;
	v15 =	vsel vm6, $0x60B, v15;
	v2 =	vsel vm5, $0x308, v2  }
0x4b: {  	s19 =	simm.s32 $0x7;
	s21 =	simm.s32 $0x0;
	[smem:$0x7FF] =	sst s3;
	v1 =	vsel vm7, $0x68E, v1;
	v3 =	vsel vm7, $0x680, v3;
	v4 =	vsel vm7, $0x681, v4  }
0x4c: {  	s5 =	sand.u32 $0x1, s5;
	s7 =	sshll.u32 s11, $0x1;
	s8 =	smul.u32 $0x50000, s11;
	v5 =	vsel vm7, $0x682, v5;
	v6 =	vsel vm7, $0x683, v6;
	v7 =	vsel vm7, $0x684, v7  }
0x4d: {  	s23 =	smul.u32 $0x2800, s11;
	s12 =	sadd.s32 $0x12C000, s2;
	p0 =	seq.s32 s11, $0xF;
	v8 =	vsel vm7, $0x685, v8;
	v9 =	vsel vm7, $0x686, v9;
	v10 =	vsel vm7, $0x687, v10  }
0x4e: {  	_ =	strace $0x80000047;
	s6 =	ssub.s32 $0x2, s5;
	s5 =	sor.u32 s5, s7;
	v11 =	vsel vm7, $0x688, v11;
	v12 =	vsel vm7, $0x689, v12;
	v13 =	vsel vm7, $0x68A, v13  }
0x4f: {  	s12 =	sshrl.u32 @p0 s12, $0x3;
	s9 =	sshrl.u32 s6, $0x1;
	s24 =	smul.u32 $0xA00, s5;
	v14 =	vsel vm7, $0x68B, v14;
	v15 =	vsel vm7, $0x68C, v15;
	v2 =	vsel vm0, $0x389, v2  }
0x50: {  	s8 =	sshrl.u32 s8, $0x2;
	s5 =	smul.u32 $0x2800, s5;
	s7 =	sadd.s32 s1, s23;
	v1 =	vsel vm8, $0x70F, v1;
	v3 =	vsel vm8, $0x701, v3;
	v2 =	vsel vm1, $0x40A, v2  }
0x51: {  	s1 =	sadd.s32 $0x25800, s1;
	s6 =	ssub.s32 s6, s9;
	[dreg:$0x5] =	wrdreg s7;
	v4 =	vsel vm8, $0x702, v4;
	v5 =	vsel vm8, $0x703, v5;
	v2 =	vsel vm2, $0x48B, v2  }
0x52: {  	s8 =	sadd.s32 s8, s2;
	[dreg:$0x6] =	wrdreg s1;
	s1 =	sshll.u32 @!p0 s11, $0x6;
	v6 =	vsel vm8, $0x704, v6;
	v7 =	vsel vm8, $0x705, v7;
	v2 =	vsel vm3, $0x50C, v2  }
0x53: {  	s7 =	sadd.s32 s0, s24;
	s26 =	sshrl.u32 s5, $0x3;
	s9 =	sshrl.u32 s5, $0x7;
	v8 =	vsel vm8, $0x706, v8;
	v9 =	vsel vm8, $0x707, v9;
	v2 =	vsel vm4, $0x58D, v2  }
0x54: {  	s11 =	smax.u32 s6, $0x1;
	s13 =	sor.u32 @!p0 $0x1C07, s1;
	s14 =	sshrl.u32 @!p0 s8, $0x3;
	v10 =	vsel vm8, $0x708, v10;
	v11 =	vsel vm8, $0x709, v11;
	v2 =	vsel vm6, $0x60E, v2  }
0x55: {  	s24 =	simm.s32 $0x19A80;
	s1 =	simm.s32 $0x6;
	s25 =	sadd.s32 $0x20, s7;
	v12 =	vsel vm8, $0x70A, v12;
	v13 =	vsel vm8, $0x70B, v13;
	v2 =	vsel vm7, $0x68F, v2  }
0x56: {  	s10 =	sadd.s32 s4, s26;
	s26 =	simm.s32 $0x2;
	[dreg:$0x7] =	wrdreg s25;
	v14 =	vsel vm8, $0x70C, v14;
	v15 =	vsel vm8, $0x70D, v15;
	v2 =	vsel vm8, $0x700, v2  }
.LBB2_1:
0x57: {  	s4 =	simm.s32 @p0 $0x1FC7;
	s5 =	rddreg [dreg:$0x6]  }
0x58: {  	[spmem:s12], [sflag:s4] =	dma.local @p0 [hbm:s5], $0x1900  }
0x59: {  	s4 =	simm.s32 @p0 $0x7  }
0x5a: {  	_ =	swait.ge @p0 [sflag:s4], $0x1900  }
0x5b: {  	[sflag:s4] =	ssyncset.done @p0 $0x0  }
0x5c: {  	[sflag:s4] =	ssyncadd.s32 @p0 $0xFFFFE700;
	s4 =	rddreg [dreg:$0x5]  }
0x5d: {  	[spmem:s14], [sflag:s13] =	dma.local @!p0 [hbm:s4], $0x2800  }
0x5e: {  	s4 =	simm.s32 @!p0 $0x7  }
0x5f: {  	_ =	swait.ge @!p0 [sflag:s4], $0x2800  }
0x60: {  	[sflag:s4] =	ssyncset.done @!p0 $0x0  }
0x61: {  	[sflag:s4] =	ssyncadd.s32 @!p0 $0xFFFFD800  }
0x62: {  	s5 =	simm.s32 $0x13880;
	[bflag:$0x0] =	sbarrier.arrive $0xFFFF  }
0x63: {  	[tilespmem:s5], [sflag:$0x1] =	stream.linear.gather [hbm4b:s7+s3], $0x100, $0x38;
	[tilespmem:$0x1EA80] =	vst v63  }
0x64: {  	_ =	swait.ge [sflag:s16], $0x100  }
0x65: {  	[sflag:s16] =	ssyncset.done $0x0  }
0x66: {  	[sflag:s16] =	ssyncadd.s32 $0xFFFFFF00  }
0x67: {  	[tilespmem:s18], [sflag:$0x3] =	stream.indirect.gather [spmem:s2], $0x80, s5, s17, $0xb8;
	[tilespmem:$0x1EA80] =	vst v63  }
0x68: {  	s6 =	simm.s32 $0x13900  }
0x69: {  	[tilespmem:s20], [sflag:$0x5] =	stream.indirect.gather [spmem:s2], $0x80, s6, s17, $0xb8;
	[tilespmem:$0x1EA80] =	vst v63  }
0x6a: {  	s8 =	simm.s32 $0x138C0  }
0x6b: {  	[tilespmem:s22], [sflag:$0x4] =	stream.indirect.gather [spmem:s2], $0x80, s8, s17, $0xb8;
	[tilespmem:$0x1EA80] =	vst v63  }
0x6c: {  	s15 =	simm.s32 $0x13940  }
0x6d: {  	[tilespmem:s24], [sflag:$0x6] =	stream.indirect.gather [spmem:s2], $0x80, s15, s17, $0xb8;
	[tilespmem:$0x1EA80] =	vst v63  }
0x6e: {  	s25 =	simm.s32 $0x13980;
	s23 =	rddreg [dreg:$0x7]  }
0x6f: {  	[tilespmem:s25], [sflag:$0x2] =	stream.linear.gather [hbm4b:s23+s3], $0x100, $0x38;
	[tilespmem:$0x1EA80] =	vst v63  }
0x70: {  	s4 =	simm.s32 $0x0;
	s8 =	simm.s32 $0x1BA80;
	s23 =	simm.s32 $0x1BAC0  }
.LBB2_2:
0x71: {  	s5 =	sand.u32 $0x1, s4  }
0x72: {  	s6 =	simm.s32 $0x2;
	p1 =	seq.s32 s5, $0x0  }
0x73: {  	s6 =	simm.s32 @!p1 $0x1  }
0x74: {  	_ =	swait.ge [sflag:s6], $0x100  }
0x75: {  	[sflag:s6] =	ssyncset.done $0x0  }
0x76: {  	[sflag:s6] =	ssyncadd.s32 $0xFFFFFF00  }
0x77: {  	_ =	swait.ge [sflag:s28], $0x2000  }
0x78: {  	[sflag:s28] =	ssyncset.done $0x0  }
0x79: {  	[sflag:s28] =	ssyncadd.s32 $0xFFFFE000  }
0x7a: {  	_ =	swait.ge [sflag:s29], $0x2000  }
0x7b: {  	[sflag:s29] =	ssyncset.done $0x0  }
0x7c: {  	s25 =	smov.u32 s8;
	s6 =	simm.s32 $0x0;
	[sflag:s29] =	ssyncadd.s32 $0xFFFFE000  }
.LBB2_3:
0x7d: {  	s15 =	sshra.s32 s6, $0x2  }
0x7e: {  	v16 =	vld [tilespmem:s15+$0x13A80]  }
0x7f: {  	v17 =	vld [tilespmem:s15+$0x17A80]  }
0x80: {  	v18 =	vld [tilespmem:s15+$0x13A90]  }
0x81: {  	v19 =	vld [tilespmem:s15+$0x17A90]  }
0x82: {  	v20 =	vld [tilespmem:s15+$0x13AA0]  }
0x83: {  	v21 =	vld [tilespmem:s15+$0x17AA0]  }
0x84: {  	v22 =	vld [tilespmem:s15+$0x17AB0];
	v16 =	vmul.bf16 v17, v16  }
0x85: {  	v17 =	vld [tilespmem:s15+$0x13AB0]  }
0x86: {  	v18 =	vmul.bf16 v19, v18;
	v58 =	vunpack.i.u.bf16.f32 v16;
	v16 =	vunpack.i.l.bf16.f32 v16  }
0x87: {  	v16 =	vadd.f32 v16, v58  }
0x88: {  	v20 =	vmul.bf16 v21, v20;
	v59 =	vunpack.i.u.bf16.f32 v18;
	v18 =	vunpack.i.l.bf16.f32 v18  }
0x89: {  	v18 =	vadd.f32 v18, v59;
	v16 =	vadd.f32 $0.0e+00, v16  }
0x8a: {  	v60 =	vunpack.i.u.bf16.f32 v20;
	v20 =	vunpack.i.l.bf16.f32 v20;
	v17 =	vmul.bf16 v22, v17  }
0x8b: {  	v61 =	vadd.f32 v20, v60;
	v16 =	vadd.f32 v18, v16  }
0x8c: {  	v62 =	vunpack.i.u.bf16.f32 v17;
	v17 =	vunpack.i.l.bf16.f32 v17  }
0x8d: {  	v17 =	vadd.f32 v17, v62;
	v16 =	vadd.f32 v61, v16;
	_ =	sdelay $0x1  }
0x8e: {  	v16 =	vadd.f32 v17, v16;
	_ =	sdelay $0x1  }
0x8f: {  	[tilespmem:$0x1E280] =	vst v16  }
0x90: {  	v16 =	vld [tilespmem:s15+$0x13B00]  }
0x91: {  	v17 =	vld [tilespmem:s15+$0x17B00]  }
0x92: {  	v63 =	vld [tilespmem:s15+$0x13B10]  }
0x93: {  	v24 =	vld [tilespmem:s15+$0x17B10]  }
0x94: {  	v25 =	vld [tilespmem:s15+$0x13B20]  }
0x95: {  	v26 =	vld [tilespmem:s15+$0x17B20]  }
0x96: {  	v27 =	vld [tilespmem:s15+$0x17B30];
	v16 =	vmul.bf16 v17, v16  }
0x97: {  	v17 =	vld [tilespmem:s15+$0x13B30]  }
0x98: {  	v18 =	vmul.bf16 v24, v63;
	v28 =	vunpack.i.u.bf16.f32 v16;
	v16 =	vunpack.i.l.bf16.f32 v16  }
0x99: {  	v16 =	vadd.f32 v16, v28  }
0x9a: {  	v20 =	vmul.bf16 v26, v25;
	v29 =	vunpack.i.u.bf16.f32 v18;
	v18 =	vunpack.i.l.bf16.f32 v18  }
0x9b: {  	v18 =	vadd.f32 v18, v29;
	v16 =	vadd.f32 $0.0e+00, v16  }
0x9c: {  	v30 =	vunpack.i.u.bf16.f32 v20;
	v20 =	vunpack.i.l.bf16.f32 v20;
	v17 =	vmul.bf16 v27, v17  }
0x9d: {  	v31 =	vadd.f32 v20, v30;
	v16 =	vadd.f32 v18, v16  }
0x9e: {  	v32 =	vunpack.i.u.bf16.f32 v17;
	v17 =	vunpack.i.l.bf16.f32 v17  }
0x9f: {  	v17 =	vadd.f32 v17, v32;
	v16 =	vadd.f32 v31, v16;
	_ =	sdelay $0x1  }
0xa0: {  	v16 =	vadd.f32 v17, v16;
	_ =	sdelay $0x1  }
0xa1: {  	[tilespmem:$0x1E300] =	vst v16  }
0xa2: {  	v16 =	vld [tilespmem:s15+$0x13B80]  }
0xa3: {  	v17 =	vld [tilespmem:s15+$0x17B80]  }
0xa4: {  	v33 =	vld [tilespmem:s15+$0x13B90]  }
0xa5: {  	v34 =	vld [tilespmem:s15+$0x17B90]  }
0xa6: {  	v35 =	vld [tilespmem:s15+$0x13BA0]  }
0xa7: {  	v36 =	vld [tilespmem:s15+$0x17BA0]  }
0xa8: {  	v37 =	vld [tilespmem:s15+$0x17BB0];
	v16 =	vmul.bf16 v17, v16  }
0xa9: {  	v17 =	vld [tilespmem:s15+$0x13BB0]  }
0xaa: {  	v18 =	vmul.bf16 v34, v33;
	v38 =	vunpack.i.u.bf16.f32 v16;
	v16 =	vunpack.i.l.bf16.f32 v16  }
0xab: {  	v16 =	vadd.f32 v16, v38  }
0xac: {  	v20 =	vmul.bf16 v36, v35;
	v39 =	vunpack.i.u.bf16.f32 v18;
	v18 =	vunpack.i.l.bf16.f32 v18  }
0xad: {  	v18 =	vadd.f32 v18, v39;
	v16 =	vadd.f32 $0.0e+00, v16  }
0xae: {  	v40 =	vunpack.i.u.bf16.f32 v20;
	v20 =	vunpack.i.l.bf16.f32 v20;
	v17 =	vmul.bf16 v37, v17  }
0xaf: {  	v41 =	vadd.f32 v20, v40;
	v16 =	vadd.f32 v18, v16  }
0xb0: {  	v42 =	vunpack.i.u.bf16.f32 v17;
	v17 =	vunpack.i.l.bf16.f32 v17  }
0xb1: {  	v17 =	vadd.f32 v17, v42;
	v16 =	vadd.f32 v41, v16;
	_ =	sdelay $0x1  }
0xb2: {  	v16 =	vadd.f32 v17, v16;
	_ =	sdelay $0x1  }
0xb3: {  	[tilespmem:$0x1E380] =	vst v16  }
0xb4: {  	v16 =	vld [tilespmem:s15+$0x13C00]  }
0xb5: {  	v17 =	vld [tilespmem:s15+$0x17C00]  }
0xb6: {  	v43 =	vld [tilespmem:s15+$0x13C10]  }
0xb7: {  	v44 =	vld [tilespmem:s15+$0x17C10]  }
0xb8: {  	v45 =	vld [tilespmem:s15+$0x13C20]  }
0xb9: {  	v46 =	vld [tilespmem:s15+$0x17C20]  }
0xba: {  	v47 =	vld [tilespmem:s15+$0x17C30];
	v16 =	vmul.bf16 v17, v16  }
0xbb: {  	v17 =	vld [tilespmem:s15+$0x13C30]  }
0xbc: {  	v18 =	vmul.bf16 v44, v43;
	v48 =	vunpack.i.u.bf16.f32 v16;
	v16 =	vunpack.i.l.bf16.f32 v16  }
0xbd: {  	v16 =	vadd.f32 v16, v48  }
0xbe: {  	v20 =	vmul.bf16 v46, v45;
	v49 =	vunpack.i.u.bf16.f32 v18;
	v18 =	vunpack.i.l.bf16.f32 v18  }
0xbf: {  	v18 =	vadd.f32 v18, v49;
	v16 =	vadd.f32 $0.0e+00, v16  }
0xc0: {  	v50 =	vunpack.i.u.bf16.f32 v20;
	v20 =	vunpack.i.l.bf16.f32 v20;
	v17 =	vmul.bf16 v47, v17  }
0xc1: {  	v51 =	vadd.f32 v20, v50;
	v16 =	vadd.f32 v18, v16  }
0xc2: {  	v52 =	vunpack.i.u.bf16.f32 v17;
	v17 =	vunpack.i.l.bf16.f32 v17  }
0xc3: {  	v17 =	vadd.f32 v17, v52;
	v16 =	vadd.f32 v51, v16;
	_ =	sdelay $0x1  }
0xc4: {  	v16 =	vadd.f32 v17, v16;
	_ =	sdelay $0x1  }
0xc5: {  	[tilespmem:$0x1E400] =	vst v16  }
0xc6: {  	v16 =	vld [tilespmem:s15+$0x13C80]  }
0xc7: {  	v17 =	vld [tilespmem:s15+$0x17C80]  }
0xc8: {  	v53 =	vld [tilespmem:s15+$0x13C90]  }
0xc9: {  	v54 =	vld [tilespmem:s15+$0x17C90]  }
0xca: {  	v55 =	vld [tilespmem:s15+$0x13CA0]  }
0xcb: {  	v56 =	vld [tilespmem:s15+$0x17CA0]  }
0xcc: {  	v57 =	vld [tilespmem:s15+$0x17CB0];
	v16 =	vmul.bf16 v17, v16  }
0xcd: {  	v17 =	vld [tilespmem:s15+$0x13CB0]  }
0xce: {  	v18 =	vmul.bf16 v54, v53;
	v58 =	vunpack.i.u.bf16.f32 v16;
	v16 =	vunpack.i.l.bf16.f32 v16  }
0xcf: {  	v16 =	vadd.f32 v16, v58  }
0xd0: {  	v20 =	vmul.bf16 v56, v55;
	v59 =	vunpack.i.u.bf16.f32 v18;
	v18 =	vunpack.i.l.bf16.f32 v18  }
0xd1: {  	v18 =	vadd.f32 v18, v59;
	v16 =	vadd.f32 $0.0e+00, v16  }
0xd2: {  	v60 =	vunpack.i.u.bf16.f32 v20;
	v20 =	vunpack.i.l.bf16.f32 v20;
	v17 =	vmul.bf16 v57, v17  }
0xd3: {  	v61 =	vadd.f32 v20, v60;
	v16 =	vadd.f32 v18, v16  }
0xd4: {  	v62 =	vunpack.i.u.bf16.f32 v17;
	v17 =	vunpack.i.l.bf16.f32 v17  }
0xd5: {  	v17 =	vadd.f32 v17, v62;
	v16 =	vadd.f32 v61, v16;
	_ =	sdelay $0x1  }
0xd6: {  	v16 =	vadd.f32 v17, v16;
	_ =	sdelay $0x1  }
0xd7: {  	[tilespmem:$0x1E480] =	vst v16  }
0xd8: {  	v16 =	vld [tilespmem:s15+$0x13D00]  }
0xd9: {  	v17 =	vld [tilespmem:s15+$0x17D00]  }
0xda: {  	v63 =	vld [tilespmem:s15+$0x13D10]  }
0xdb: {  	v24 =	vld [tilespmem:s15+$0x17D10]  }
0xdc: {  	v25 =	vld [tilespmem:s15+$0x13D20]  }
0xdd: {  	v26 =	vld [tilespmem:s15+$0x17D20]  }
0xde: {  	v27 =	vld [tilespmem:s15+$0x17D30];
	v16 =	vmul.bf16 v17, v16  }
0xdf: {  	v17 =	vld [tilespmem:s15+$0x13D30]  }
0xe0: {  	v18 =	vmul.bf16 v24, v63;
	v28 =	vunpack.i.u.bf16.f32 v16;
	v16 =	vunpack.i.l.bf16.f32 v16  }
0xe1: {  	v16 =	vadd.f32 v16, v28  }
0xe2: {  	v20 =	vmul.bf16 v26, v25;
	v29 =	vunpack.i.u.bf16.f32 v18;
	v18 =	vunpack.i.l.bf16.f32 v18  }
0xe3: {  	v18 =	vadd.f32 v18, v29;
	v16 =	vadd.f32 $0.0e+00, v16  }
0xe4: {  	v30 =	vunpack.i.u.bf16.f32 v20;
	v20 =	vunpack.i.l.bf16.f32 v20;
	v17 =	vmul.bf16 v27, v17  }
0xe5: {  	v31 =	vadd.f32 v20, v30;
	v16 =	vadd.f32 v18, v16  }
0xe6: {  	v32 =	vunpack.i.u.bf16.f32 v17;
	v17 =	vunpack.i.l.bf16.f32 v17  }
0xe7: {  	v17 =	vadd.f32 v17, v32;
	v16 =	vadd.f32 v31, v16;
	_ =	sdelay $0x1  }
0xe8: {  	v16 =	vadd.f32 v17, v16;
	_ =	sdelay $0x1  }
0xe9: {  	[tilespmem:$0x1E500] =	vst v16  }
0xea: {  	v16 =	vld [tilespmem:s15+$0x13D80]  }
0xeb: {  	v17 =	vld [tilespmem:s15+$0x17D80]  }
0xec: {  	v33 =	vld [tilespmem:s15+$0x13D90]  }
0xed: {  	v34 =	vld [tilespmem:s15+$0x17D90]  }
0xee: {  	v35 =	vld [tilespmem:s15+$0x13DA0]  }
0xef: {  	v36 =	vld [tilespmem:s15+$0x17DA0]  }
0xf0: {  	v37 =	vld [tilespmem:s15+$0x17DB0];
	v16 =	vmul.bf16 v17, v16  }
0xf1: {  	v17 =	vld [tilespmem:s15+$0x13DB0]  }
0xf2: {  	v18 =	vmul.bf16 v34, v33;
	v38 =	vunpack.i.u.bf16.f32 v16;
	v16 =	vunpack.i.l.bf16.f32 v16  }
0xf3: {  	v16 =	vadd.f32 v16, v38  }
0xf4: {  	v20 =	vmul.bf16 v36, v35;
	v39 =	vunpack.i.u.bf16.f32 v18;
	v18 =	vunpack.i.l.bf16.f32 v18  }
0xf5: {  	v18 =	vadd.f32 v18, v39;
	v16 =	vadd.f32 $0.0e+00, v16  }
0xf6: {  	v40 =	vunpack.i.u.bf16.f32 v20;
	v20 =	vunpack.i.l.bf16.f32 v20;
	v17 =	vmul.bf16 v37, v17  }
0xf7: {  	v41 =	vadd.f32 v20, v40;
	v16 =	vadd.f32 v18, v16  }
0xf8: {  	v42 =	vunpack.i.u.bf16.f32 v17;
	v17 =	vunpack.i.l.bf16.f32 v17  }
0xf9: {  	v17 =	vadd.f32 v17, v42;
	v16 =	vadd.f32 v41, v16;
	_ =	sdelay $0x1  }
0xfa: {  	v16 =	vadd.f32 v17, v16;
	_ =	sdelay $0x1  }
0xfb: {  	[tilespmem:$0x1E580] =	vst v16  }
0xfc: {  	v16 =	vld [tilespmem:s15+$0x13E00]  }
0xfd: {  	v17 =	vld [tilespmem:s15+$0x17E00]  }
0xfe: {  	v43 =	vld [tilespmem:s15+$0x13E10]  }
0xff: {  	v44 =	vld [tilespmem:s15+$0x17E10]  }
0x100: {  	v45 =	vld [tilespmem:s15+$0x13E20]  }
0x101: {  	v46 =	vld [tilespmem:s15+$0x17E20]  }
0x102: {  	v47 =	vld [tilespmem:s15+$0x17E30];
	v16 =	vmul.bf16 v17, v16  }
0x103: {  	v17 =	vld [tilespmem:s15+$0x13E30]  }
0x104: {  	v18 =	vmul.bf16 v44, v43;
	v48 =	vunpack.i.u.bf16.f32 v16;
	v16 =	vunpack.i.l.bf16.f32 v16  }
0x105: {  	v16 =	vadd.f32 v16, v48  }
0x106: {  	v20 =	vmul.bf16 v46, v45;
	v49 =	vunpack.i.u.bf16.f32 v18;
	v18 =	vunpack.i.l.bf16.f32 v18  }
0x107: {  	v18 =	vadd.f32 v18, v49;
	v16 =	vadd.f32 $0.0e+00, v16  }
0x108: {  	v50 =	vunpack.i.u.bf16.f32 v20;
	v20 =	vunpack.i.l.bf16.f32 v20;
	v17 =	vmul.bf16 v47, v17  }
0x109: {  	v51 =	vadd.f32 v20, v50;
	v16 =	vadd.f32 v18, v16  }
0x10a: {  	v52 =	vunpack.i.u.bf16.f32 v17;
	v17 =	vunpack.i.l.bf16.f32 v17  }
0x10b: {  	v17 =	vadd.f32 v17, v52;
	v16 =	vadd.f32 v51, v16;
	_ =	sdelay $0x1  }
0x10c: {  	v16 =	vadd.f32 v17, v16;
	_ =	sdelay $0x1  }
0x10d: {  	[tilespmem:$0x1E600] =	vst v16  }
0x10e: {  	v16 =	vld [tilespmem:s15+$0x13E80]  }
0x10f: {  	v17 =	vld [tilespmem:s15+$0x17E80]  }
0x110: {  	v53 =	vld [tilespmem:s15+$0x13E90]  }
0x111: {  	v54 =	vld [tilespmem:s15+$0x17E90]  }
0x112: {  	v55 =	vld [tilespmem:s15+$0x13EA0]  }
0x113: {  	v56 =	vld [tilespmem:s15+$0x17EA0]  }
0x114: {  	v57 =	vld [tilespmem:s15+$0x17EB0];
	v16 =	vmul.bf16 v17, v16  }
0x115: {  	v17 =	vld [tilespmem:s15+$0x13EB0]  }
0x116: {  	v18 =	vmul.bf16 v54, v53;
	v58 =	vunpack.i.u.bf16.f32 v16;
	v16 =	vunpack.i.l.bf16.f32 v16  }
0x117: {  	v16 =	vadd.f32 v16, v58  }
0x118: {  	v20 =	vmul.bf16 v56, v55;
	v59 =	vunpack.i.u.bf16.f32 v18;
	v18 =	vunpack.i.l.bf16.f32 v18  }
0x119: {  	v18 =	vadd.f32 v18, v59;
	v16 =	vadd.f32 $0.0e+00, v16  }
0x11a: {  	v60 =	vunpack.i.u.bf16.f32 v20;
	v20 =	vunpack.i.l.bf16.f32 v20;
	v17 =	vmul.bf16 v57, v17  }
0x11b: {  	v61 =	vadd.f32 v20, v60;
	v16 =	vadd.f32 v18, v16  }
0x11c: {  	v62 =	vunpack.i.u.bf16.f32 v17;
	v17 =	vunpack.i.l.bf16.f32 v17  }
0x11d: {  	v17 =	vadd.f32 v17, v62;
	v16 =	vadd.f32 v61, v16;
	_ =	sdelay $0x1  }
0x11e: {  	v16 =	vadd.f32 v17, v16;
	_ =	sdelay $0x1  }
0x11f: {  	[tilespmem:$0x1E680] =	vst v16  }
0x120: {  	v16 =	vld [tilespmem:s15+$0x13F00]  }
0x121: {  	v17 =	vld [tilespmem:s15+$0x17F00]  }
0x122: {  	v63 =	vld [tilespmem:s15+$0x13F10]  }
0x123: {  	v24 =	vld [tilespmem:s15+$0x17F10]  }
0x124: {  	v25 =	vld [tilespmem:s15+$0x13F20]  }
0x125: {  	v26 =	vld [tilespmem:s15+$0x17F20]  }
0x126: {  	v27 =	vld [tilespmem:s15+$0x17F30];
	v16 =	vmul.bf16 v17, v16  }
0x127: {  	v17 =	vld [tilespmem:s15+$0x13F30]  }
0x128: {  	v18 =	vmul.bf16 v24, v63;
	v28 =	vunpack.i.u.bf16.f32 v16;
	v16 =	vunpack.i.l.bf16.f32 v16  }
0x129: {  	v16 =	vadd.f32 v16, v28  }
0x12a: {  	v20 =	vmul.bf16 v26, v25;
	v29 =	vunpack.i.u.bf16.f32 v18;
	v18 =	vunpack.i.l.bf16.f32 v18  }
0x12b: {  	v18 =	vadd.f32 v18, v29;
	v16 =	vadd.f32 $0.0e+00, v16  }
0x12c: {  	v30 =	vunpack.i.u.bf16.f32 v20;
	v20 =	vunpack.i.l.bf16.f32 v20;
	v17 =	vmul.bf16 v27, v17  }
0x12d: {  	v31 =	vadd.f32 v20, v30;
	v16 =	vadd.f32 v18, v16  }
0x12e: {  	v32 =	vunpack.i.u.bf16.f32 v17;
	v17 =	vunpack.i.l.bf16.f32 v17  }
0x12f: {  	v17 =	vadd.f32 v17, v32;
	v16 =	vadd.f32 v31, v16;
	_ =	sdelay $0x1  }
0x130: {  	v16 =	vadd.f32 v17, v16;
	_ =	sdelay $0x1  }
0x131: {  	[tilespmem:$0x1E700] =	vst v16  }
0x132: {  	v16 =	vld [tilespmem:s15+$0x13F80]  }
0x133: {  	v17 =	vld [tilespmem:s15+$0x17F80]  }
0x134: {  	v33 =	vld [tilespmem:s15+$0x13F90]  }
0x135: {  	v34 =	vld [tilespmem:s15+$0x17F90]  }
0x136: {  	v35 =	vld [tilespmem:s15+$0x13FA0]  }
0x137: {  	v36 =	vld [tilespmem:s15+$0x17FA0]  }
0x138: {  	v37 =	vld [tilespmem:s15+$0x17FB0];
	v16 =	vmul.bf16 v17, v16  }
0x139: {  	v17 =	vld [tilespmem:s15+$0x13FB0]  }
0x13a: {  	v18 =	vmul.bf16 v34, v33;
	v38 =	vunpack.i.u.bf16.f32 v16;
	v16 =	vunpack.i.l.bf16.f32 v16  }
0x13b: {  	v16 =	vadd.f32 v16, v38  }
0x13c: {  	v20 =	vmul.bf16 v36, v35;
	v39 =	vunpack.i.u.bf16.f32 v18;
	v18 =	vunpack.i.l.bf16.f32 v18  }
0x13d: {  	v18 =	vadd.f32 v18, v39;
	v16 =	vadd.f32 $0.0e+00, v16  }
0x13e: {  	v40 =	vunpack.i.u.bf16.f32 v20;
	v20 =	vunpack.i.l.bf16.f32 v20;
	v17 =	vmul.bf16 v37, v17  }
0x13f: {  	v41 =	vadd.f32 v20, v40;
	v16 =	vadd.f32 v18, v16  }
0x140: {  	v42 =	vunpack.i.u.bf16.f32 v17;
	v17 =	vunpack.i.l.bf16.f32 v17  }
0x141: {  	v17 =	vadd.f32 v17, v42;
	v16 =	vadd.f32 v41, v16;
	_ =	sdelay $0x1  }
0x142: {  	v16 =	vadd.f32 v17, v16;
	_ =	sdelay $0x1  }
0x143: {  	[tilespmem:$0x1E780] =	vst v16  }
0x144: {  	v16 =	vld [tilespmem:s15+$0x14000]  }
0x145: {  	v17 =	vld [tilespmem:s15+$0x18000]  }
0x146: {  	v43 =	vld [tilespmem:s15+$0x14010]  }
0x147: {  	v44 =	vld [tilespmem:s15+$0x18010]  }
0x148: {  	v45 =	vld [tilespmem:s15+$0x14020]  }
0x149: {  	v46 =	vld [tilespmem:s15+$0x18020]  }
0x14a: {  	v47 =	vld [tilespmem:s15+$0x18030];
	v16 =	vmul.bf16 v17, v16  }
0x14b: {  	v17 =	vld [tilespmem:s15+$0x14030]  }
0x14c: {  	v18 =	vmul.bf16 v44, v43;
	v48 =	vunpack.i.u.bf16.f32 v16;
	v16 =	vunpack.i.l.bf16.f32 v16  }
0x14d: {  	v16 =	vadd.f32 v16, v48  }
0x14e: {  	v20 =	vmul.bf16 v46, v45;
	v49 =	vunpack.i.u.bf16.f32 v18;
	v18 =	vunpack.i.l.bf16.f32 v18  }
0x14f: {  	v18 =	vadd.f32 v18, v49;
	v16 =	vadd.f32 $0.0e+00, v16  }
0x150: {  	v50 =	vunpack.i.u.bf16.f32 v20;
	v20 =	vunpack.i.l.bf16.f32 v20;
	v17 =	vmul.bf16 v47, v17  }
0x151: {  	v51 =	vadd.f32 v20, v50;
	v16 =	vadd.f32 v18, v16  }
0x152: {  	v52 =	vunpack.i.u.bf16.f32 v17;
	v17 =	vunpack.i.l.bf16.f32 v17  }
0x153: {  	v17 =	vadd.f32 v17, v52;
	v16 =	vadd.f32 v51, v16;
	_ =	sdelay $0x1  }
0x154: {  	v16 =	vadd.f32 v17, v16;
	_ =	sdelay $0x1  }
0x155: {  	[tilespmem:$0x1E800] =	vst v16  }
0x156: {  	v16 =	vld [tilespmem:s15+$0x14080]  }
0x157: {  	v17 =	vld [tilespmem:s15+$0x18080]  }
0x158: {  	v53 =	vld [tilespmem:s15+$0x14090]  }
0x159: {  	v54 =	vld [tilespmem:s15+$0x18090]  }
0x15a: {  	v55 =	vld [tilespmem:s15+$0x140A0]  }
0x15b: {  	v56 =	vld [tilespmem:s15+$0x180A0]  }
0x15c: {  	v57 =	vld [tilespmem:s15+$0x180B0];
	v16 =	vmul.bf16 v17, v16  }
0x15d: {  	v17 =	vld [tilespmem:s15+$0x140B0]  }
0x15e: {  	v18 =	vmul.bf16 v54, v53;
	v58 =	vunpack.i.u.bf16.f32 v16;
	v16 =	vunpack.i.l.bf16.f32 v16  }
0x15f: {  	v16 =	vadd.f32 v16, v58  }
0x160: {  	v20 =	vmul.bf16 v56, v55;
	v59 =	vunpack.i.u.bf16.f32 v18;
	v18 =	vunpack.i.l.bf16.f32 v18  }
0x161: {  	v18 =	vadd.f32 v18, v59;
	v16 =	vadd.f32 $0.0e+00, v16  }
0x162: {  	v60 =	vunpack.i.u.bf16.f32 v20;
	v20 =	vunpack.i.l.bf16.f32 v20;
	v17 =	vmul.bf16 v57, v17  }
0x163: {  	v61 =	vadd.f32 v20, v60;
	v16 =	vadd.f32 v18, v16  }
0x164: {  	v62 =	vunpack.i.u.bf16.f32 v17;
	v17 =	vunpack.i.l.bf16.f32 v17  }
0x165: {  	v17 =	vadd.f32 v17, v62;
	v16 =	vadd.f32 v61, v16;
	_ =	sdelay $0x1  }
0x166: {  	v16 =	vadd.f32 v17, v16;
	_ =	sdelay $0x1  }
0x167: {  	[tilespmem:$0x1E880] =	vst v16  }
0x168: {  	v16 =	vld [tilespmem:s15+$0x14100]  }
0x169: {  	v17 =	vld [tilespmem:s15+$0x18100]  }
0x16a: {  	v63 =	vld [tilespmem:s15+$0x14110]  }
0x16b: {  	v24 =	vld [tilespmem:s15+$0x18110]  }
0x16c: {  	v25 =	vld [tilespmem:s15+$0x14120]  }
0x16d: {  	v26 =	vld [tilespmem:s15+$0x18120]  }
0x16e: {  	v27 =	vld [tilespmem:s15+$0x18130];
	v16 =	vmul.bf16 v17, v16  }
0x16f: {  	v17 =	vld [tilespmem:s15+$0x14130]  }
0x170: {  	v18 =	vmul.bf16 v24, v63;
	v28 =	vunpack.i.u.bf16.f32 v16;
	v16 =	vunpack.i.l.bf16.f32 v16  }
0x171: {  	v16 =	vadd.f32 v16, v28  }
0x172: {  	v20 =	vmul.bf16 v26, v25;
	v29 =	vunpack.i.u.bf16.f32 v18;
	v18 =	vunpack.i.l.bf16.f32 v18  }
0x173: {  	v18 =	vadd.f32 v18, v29;
	v16 =	vadd.f32 $0.0e+00, v16  }
0x174: {  	v30 =	vunpack.i.u.bf16.f32 v20;
	v20 =	vunpack.i.l.bf16.f32 v20;
	v17 =	vmul.bf16 v27, v17  }
0x175: {  	v31 =	vadd.f32 v20, v30;
	v16 =	vadd.f32 v18, v16  }
0x176: {  	v32 =	vunpack.i.u.bf16.f32 v17;
	v17 =	vunpack.i.l.bf16.f32 v17  }
0x177: {  	v17 =	vadd.f32 v17, v32;
	v16 =	vadd.f32 v31, v16;
	_ =	sdelay $0x1  }
0x178: {  	v16 =	vadd.f32 v17, v16;
	_ =	sdelay $0x1  }
0x179: {  	[tilespmem:$0x1E900] =	vst v16  }
0x17a: {  	v16 =	vld [tilespmem:s15+$0x14180]  }
0x17b: {  	v17 =	vld [tilespmem:s15+$0x18180]  }
0x17c: {  	v33 =	vld [tilespmem:s15+$0x14190]  }
0x17d: {  	v34 =	vld [tilespmem:s15+$0x18190]  }
0x17e: {  	v35 =	vld [tilespmem:s15+$0x141A0]  }
0x17f: {  	v36 =	vld [tilespmem:s15+$0x181A0]  }
0x180: {  	v37 =	vld [tilespmem:s15+$0x181B0];
	v16 =	vmul.bf16 v17, v16  }
0x181: {  	v17 =	vld [tilespmem:s15+$0x141B0]  }
0x182: {  	v18 =	vmul.bf16 v34, v33;
	v38 =	vunpack.i.u.bf16.f32 v16;
	v16 =	vunpack.i.l.bf16.f32 v16  }
0x183: {  	v16 =	vadd.f32 v16, v38  }
0x184: {  	v20 =	vmul.bf16 v36, v35;
	v39 =	vunpack.i.u.bf16.f32 v18;
	v18 =	vunpack.i.l.bf16.f32 v18  }
0x185: {  	v18 =	vadd.f32 v18, v39;
	v16 =	vadd.f32 $0.0e+00, v16  }
0x186: {  	v40 =	vunpack.i.u.bf16.f32 v20;
	v20 =	vunpack.i.l.bf16.f32 v20;
	v17 =	vmul.bf16 v37, v17  }
0x187: {  	v41 =	vadd.f32 v20, v40;
	v16 =	vadd.f32 v18, v16  }
0x188: {  	v42 =	vunpack.i.u.bf16.f32 v17;
	v17 =	vunpack.i.l.bf16.f32 v17  }
0x189: {  	v17 =	vadd.f32 v17, v42;
	v16 =	vadd.f32 v41, v16;
	_ =	sdelay $0x1  }
0x18a: {  	v16 =	vadd.f32 v17, v16;
	_ =	sdelay $0x1  }
0x18b: {  	[tilespmem:$0x1E980] =	vst v16  }
0x18c: {  	v16 =	vld [tilespmem:s15+$0x14200]  }
0x18d: {  	v17 =	vld [tilespmem:s15+$0x18200]  }
0x18e: {  	v43 =	vld [tilespmem:s15+$0x14210]  }
0x18f: {  	v44 =	vld [tilespmem:s15+$0x18210]  }
0x190: {  	v45 =	vld [tilespmem:s15+$0x14220]  }
0x191: {  	v46 =	vld [tilespmem:s15+$0x18220]  }
0x192: {  	v47 =	vld [tilespmem:s15+$0x18230];
	v16 =	vmul.bf16 v17, v16  }
0x193: {  	v17 =	vld [tilespmem:s15+$0x14230]  }
0x194: {  	v18 =	vmul.bf16 v44, v43;
	v48 =	vunpack.i.u.bf16.f32 v16;
	v16 =	vunpack.i.l.bf16.f32 v16  }
0x195: {  	v16 =	vadd.f32 v16, v48  }
0x196: {  	v49 =	vmul.bf16 v46, v45;
	v50 =	vunpack.i.u.bf16.f32 v18;
	v18 =	vunpack.i.l.bf16.f32 v18  }
0x197: {  	v18 =	vadd.f32 v18, v50;
	v16 =	vadd.f32 $0.0e+00, v16  }
0x198: {  	v51 =	vunpack.i.u.bf16.f32 v49;
	v19 =	vunpack.i.l.bf16.f32 v49;
	v17 =	vmul.bf16 v47, v17  }
0x199: {  	v52 =	vadd.f32 v19, v51;
	v16 =	vadd.f32 v18, v16  }
0x19a: {  	v53 =	vunpack.i.u.bf16.f32 v17;
	v17 =	vunpack.i.l.bf16.f32 v17  }
0x19b: {  	v17 =	vadd.f32 v17, v53;
	v16 =	vadd.f32 v52, v16;
	_ =	sdelay $0x1  }
0x19c: {  	v16 =	vadd.f32 v17, v16;
	_ =	sdelay $0x1  }
0x19d: {  	[tilespmem:$0x1EA00] =	vst v16  }
0x19e: {  	v16 =	vld.idx.msk [tilespmem:v0+s30+$0x0], $0xffff;
	_ =	sdelay $0x1  }
0x19f: {  	v17 =	vld.idx.msk [tilespmem:v1+s30+$0x0], $0xffff;
	_ =	sdelay $0x1  }
0x1a0: {  	v54 =	vld.idx.msk [tilespmem:v2+s30+$0x0], $0xffff  }
0x1a1: {  	v16 =	vadd.f32 $0.0e+00, v16  }
0x1a2: {  	v55 =	vld.idx.msk [tilespmem:v3+s30+$0x0], $0xffff  }
0x1a3: {  	v16 =	vadd.f32 v17, v16  }
0x1a4: {  	v17 =	vld.idx.msk [tilespmem:v4+s30+$0x0], $0xffff  }
0x1a5: {  	v16 =	vadd.f32 v54, v16  }
0x1a6: {  	v56 =	vld.idx.msk [tilespmem:v5+s30+$0x0], $0xffff  }
0x1a7: {  	v16 =	vadd.f32 v55, v16  }
0x1a8: {  	v57 =	vld.idx.msk [tilespmem:v6+s30+$0x0], $0xffff  }
0x1a9: {  	v16 =	vadd.f32 v17, v16  }
0x1aa: {  	v17 =	vld.idx.msk [tilespmem:v7+s30+$0x0], $0xffff  }
0x1ab: {  	v16 =	vadd.f32 v56, v16  }
0x1ac: {  	v58 =	vld.idx.msk [tilespmem:v8+s30+$0x0], $0xffff  }
0x1ad: {  	v16 =	vadd.f32 v57, v16  }
0x1ae: {  	v59 =	vld.idx.msk [tilespmem:v9+s30+$0x0], $0xffff  }
0x1af: {  	v16 =	vadd.f32 v17, v16  }
0x1b0: {  	v17 =	vld.idx.msk [tilespmem:v10+s30+$0x0], $0xffff  }
0x1b1: {  	v16 =	vadd.f32 v58, v16  }
0x1b2: {  	v60 =	vld.idx.msk [tilespmem:v11+s30+$0x0], $0xffff  }
0x1b3: {  	v16 =	vadd.f32 v59, v16  }
0x1b4: {  	v61 =	vld.idx.msk [tilespmem:v12+s30+$0x0], $0xffff  }
0x1b5: {  	v16 =	vadd.f32 v17, v16  }
0x1b6: {  	v17 =	vld.idx.msk [tilespmem:v13+s30+$0x0], $0xffff  }
0x1b7: {  	v16 =	vadd.f32 v60, v16  }
0x1b8: {  	v62 =	vld.idx.msk [tilespmem:v14+s30+$0x0], $0xffff  }
0x1b9: {  	v16 =	vadd.f32 v61, v16  }
0x1ba: {  	v63 =	vld.idx.msk [tilespmem:v15+s30+$0x0], $0xffff  }
0x1bb: {  	v16 =	vadd.f32 v17, v16  }
0x1bc: {  	p2 =	sne.s32 s6, $0x6000  }
.Ltmp0:
0x1bd: {  	v16 =	vadd.f32 v62, v16;
	(pc) =	sbr.rel @p2 .LBB2_3-.Ltmp0, $3  }
0x1be: {  	_ = 	snop  }
0x1bf: {  	v16 =	vadd.f32 v63, v16;
	_ =	sdelay $0x1  }
0x1c0: {  	s6 =	sadd.s32 $0x2000, s6;
	[tilespmem:s25+$0x0] =	vst v16;
	s25 =	sadd.s32 $0x10, s25  }
0x1c1: {  	s6 =	simm.s32 $0x13980  }
0x1c2: {  	s15 =	simm.s32 $0x13A00;
	s6 =	simm.s32 @!p1 $0x13880  }
0x1c3: {  	[tilespmem:s18], [sflag:$0x3] =	stream.indirect.gather [spmem:s2], $0x80, s6, s17, $0xb8;
	[tilespmem:$0x1EA80] =	vst v63  }
0x1c4: {  	s15 =	simm.s32 @!p1 $0x13900  }
0x1c5: {  	[tilespmem:s20], [sflag:$0x5] =	stream.indirect.gather [spmem:s2], $0x80, s15, s17, $0xb8;
	[tilespmem:$0x1EA80] =	vst v63  }
0x1c6: {  	_ =	swait.ge [sflag:s31], $0x2000  }
0x1c7: {  	[sflag:s31] =	ssyncset.done $0x0  }
0x1c8: {  	[sflag:s31] =	ssyncadd.s32 $0xFFFFE000  }
0x1c9: {  	_ =	swait.ge [sflag:s1], $0x2000  }
0x1ca: {  	[sflag:s1] =	ssyncset.done $0x0  }
0x1cb: {  	s25 =	smov.u32 s23;
	s6 =	simm.s32 $0x0;
	[sflag:s1] =	ssyncadd.s32 $0xFFFFE000  }
.LBB2_5:
0x1cc: {  	s15 =	sshra.s32 s6, $0x2  }
0x1cd: {  	v16 =	vld [tilespmem:s15+$0x15A80]  }
0x1ce: {  	v17 =	vld [tilespmem:s15+$0x19A80]  }
0x1cf: {  	v18 =	vld [tilespmem:s15+$0x15A90]  }
0x1d0: {  	v19 =	vld [tilespmem:s15+$0x19A90]  }
0x1d1: {  	v20 =	vld [tilespmem:s15+$0x15AA0]  }
0x1d2: {  	v21 =	vld [tilespmem:s15+$0x19AA0]  }
0x1d3: {  	v22 =	vld [tilespmem:s15+$0x19AB0];
	v16 =	vmul.bf16 v17, v16  }
0x1d4: {  	v17 =	vld [tilespmem:s15+$0x15AB0]  }
0x1d5: {  	v18 =	vmul.bf16 v19, v18;
	v58 =	vunpack.i.u.bf16.f32 v16;
	v16 =	vunpack.i.l.bf16.f32 v16  }
0x1d6: {  	v16 =	vadd.f32 v16, v58  }
0x1d7: {  	v20 =	vmul.bf16 v21, v20;
	v59 =	vunpack.i.u.bf16.f32 v18;
	v18 =	vunpack.i.l.bf16.f32 v18  }
0x1d8: {  	v18 =	vadd.f32 v18, v59;
	v16 =	vadd.f32 $0.0e+00, v16  }
0x1d9: {  	v60 =	vunpack.i.u.bf16.f32 v20;
	v20 =	vunpack.i.l.bf16.f32 v20;
	v17 =	vmul.bf16 v22, v17  }
0x1da: {  	v61 =	vadd.f32 v20, v60;
	v16 =	vadd.f32 v18, v16  }
0x1db: {  	v62 =	vunpack.i.u.bf16.f32 v17;
	v17 =	vunpack.i.l.bf16.f32 v17  }
0x1dc: {  	v17 =	vadd.f32 v17, v62;
	v16 =	vadd.f32 v61, v16;
	_ =	sdelay $0x1  }
0x1dd: {  	v16 =	vadd.f32 v17, v16;
	_ =	sdelay $0x1  }
0x1de: {  	[tilespmem:$0x1E280] =	vst v16  }
0x1df: {  	v16 =	vld [tilespmem:s15+$0x15B00]  }
0x1e0: {  	v17 =	vld [tilespmem:s15+$0x19B00]  }
0x1e1: {  	v63 =	vld [tilespmem:s15+$0x15B10]  }
0x1e2: {  	v24 =	vld [tilespmem:s15+$0x19B10]  }
0x1e3: {  	v25 =	vld [tilespmem:s15+$0x15B20]  }
0x1e4: {  	v26 =	vld [tilespmem:s15+$0x19B20]  }
0x1e5: {  	v27 =	vld [tilespmem:s15+$0x19B30];
	v16 =	vmul.bf16 v17, v16  }
0x1e6: {  	v17 =	vld [tilespmem:s15+$0x15B30]  }
0x1e7: {  	v18 =	vmul.bf16 v24, v63;
	v28 =	vunpack.i.u.bf16.f32 v16;
	v16 =	vunpack.i.l.bf16.f32 v16  }
0x1e8: {  	v16 =	vadd.f32 v16, v28  }
0x1e9: {  	v20 =	vmul.bf16 v26, v25;
	v29 =	vunpack.i.u.bf16.f32 v18;
	v18 =	vunpack.i.l.bf16.f32 v18  }
0x1ea: {  	v18 =	vadd.f32 v18, v29;
	v16 =	vadd.f32 $0.0e+00, v16  }
0x1eb: {  	v30 =	vunpack.i.u.bf16.f32 v20;
	v20 =	vunpack.i.l.bf16.f32 v20;
	v17 =	vmul.bf16 v27, v17  }
0x1ec: {  	v31 =	vadd.f32 v20, v30;
	v16 =	vadd.f32 v18, v16  }
0x1ed: {  	v32 =	vunpack.i.u.bf16.f32 v17;
	v17 =	vunpack.i.l.bf16.f32 v17  }
0x1ee: {  	v17 =	vadd.f32 v17, v32;
	v16 =	vadd.f32 v31, v16;
	_ =	sdelay $0x1  }
0x1ef: {  	v16 =	vadd.f32 v17, v16;
	_ =	sdelay $0x1  }
0x1f0: {  	[tilespmem:$0x1E300] =	vst v16  }
0x1f1: {  	v16 =	vld [tilespmem:s15+$0x15B80]  }
0x1f2: {  	v17 =	vld [tilespmem:s15+$0x19B80]  }
0x1f3: {  	v33 =	vld [tilespmem:s15+$0x15B90]  }
0x1f4: {  	v34 =	vld [tilespmem:s15+$0x19B90]  }
0x1f5: {  	v35 =	vld [tilespmem:s15+$0x15BA0]  }
0x1f6: {  	v36 =	vld [tilespmem:s15+$0x19BA0]  }
0x1f7: {  	v37 =	vld [tilespmem:s15+$0x19BB0];
	v16 =	vmul.bf16 v17, v16  }
0x1f8: {  	v17 =	vld [tilespmem:s15+$0x15BB0]  }
0x1f9: {  	v18 =	vmul.bf16 v34, v33;
	v38 =	vunpack.i.u.bf16.f32 v16;
	v16 =	vunpack.i.l.bf16.f32 v16  }
0x1fa: {  	v16 =	vadd.f32 v16, v38  }
0x1fb: {  	v20 =	vmul.bf16 v36, v35;
	v39 =	vunpack.i.u.bf16.f32 v18;
	v18 =	vunpack.i.l.bf16.f32 v18  }
0x1fc: {  	v18 =	vadd.f32 v18, v39;
	v16 =	vadd.f32 $0.0e+00, v16  }
0x1fd: {  	v40 =	vunpack.i.u.bf16.f32 v20;
	v20 =	vunpack.i.l.bf16.f32 v20;
	v17 =	vmul.bf16 v37, v17  }
0x1fe: {  	v41 =	vadd.f32 v20, v40;
	v16 =	vadd.f32 v18, v16  }
0x1ff: {  	v42 =	vunpack.i.u.bf16.f32 v17;
	v17 =	vunpack.i.l.bf16.f32 v17  }
0x200: {  	v17 =	vadd.f32 v17, v42;
	v16 =	vadd.f32 v41, v16;
	_ =	sdelay $0x1  }
0x201: {  	v16 =	vadd.f32 v17, v16;
	_ =	sdelay $0x1  }
0x202: {  	[tilespmem:$0x1E380] =	vst v16  }
0x203: {  	v16 =	vld [tilespmem:s15+$0x15C00]  }
0x204: {  	v17 =	vld [tilespmem:s15+$0x19C00]  }
0x205: {  	v43 =	vld [tilespmem:s15+$0x15C10]  }
0x206: {  	v44 =	vld [tilespmem:s15+$0x19C10]  }
0x207: {  	v45 =	vld [tilespmem:s15+$0x15C20]  }
0x208: {  	v46 =	vld [tilespmem:s15+$0x19C20]  }
0x209: {  	v47 =	vld [tilespmem:s15+$0x19C30];
	v16 =	vmul.bf16 v17, v16  }
0x20a: {  	v17 =	vld [tilespmem:s15+$0x15C30]  }
0x20b: {  	v18 =	vmul.bf16 v44, v43;
	v48 =	vunpack.i.u.bf16.f32 v16;
	v16 =	vunpack.i.l.bf16.f32 v16  }
0x20c: {  	v16 =	vadd.f32 v16, v48  }
0x20d: {  	v20 =	vmul.bf16 v46, v45;
	v49 =	vunpack.i.u.bf16.f32 v18;
	v18 =	vunpack.i.l.bf16.f32 v18  }
0x20e: {  	v18 =	vadd.f32 v18, v49;
	v16 =	vadd.f32 $0.0e+00, v16  }
0x20f: {  	v50 =	vunpack.i.u.bf16.f32 v20;
	v20 =	vunpack.i.l.bf16.f32 v20;
	v17 =	vmul.bf16 v47, v17  }
0x210: {  	v51 =	vadd.f32 v20, v50;
	v16 =	vadd.f32 v18, v16  }
0x211: {  	v52 =	vunpack.i.u.bf16.f32 v17;
	v17 =	vunpack.i.l.bf16.f32 v17  }
0x212: {  	v17 =	vadd.f32 v17, v52;
	v16 =	vadd.f32 v51, v16;
	_ =	sdelay $0x1  }
0x213: {  	v16 =	vadd.f32 v17, v16;
	_ =	sdelay $0x1  }
0x214: {  	[tilespmem:$0x1E400] =	vst v16  }
0x215: {  	v16 =	vld [tilespmem:s15+$0x15C80]  }
0x216: {  	v17 =	vld [tilespmem:s15+$0x19C80]  }
0x217: {  	v53 =	vld [tilespmem:s15+$0x15C90]  }
0x218: {  	v54 =	vld [tilespmem:s15+$0x19C90]  }
0x219: {  	v55 =	vld [tilespmem:s15+$0x15CA0]  }
0x21a: {  	v56 =	vld [tilespmem:s15+$0x19CA0]  }
0x21b: {  	v57 =	vld [tilespmem:s15+$0x19CB0];
	v16 =	vmul.bf16 v17, v16  }
0x21c: {  	v17 =	vld [tilespmem:s15+$0x15CB0]  }
0x21d: {  	v18 =	vmul.bf16 v54, v53;
	v58 =	vunpack.i.u.bf16.f32 v16;
	v16 =	vunpack.i.l.bf16.f32 v16  }
0x21e: {  	v16 =	vadd.f32 v16, v58  }
0x21f: {  	v20 =	vmul.bf16 v56, v55;
	v59 =	vunpack.i.u.bf16.f32 v18;
	v18 =	vunpack.i.l.bf16.f32 v18  }
0x220: {  	v18 =	vadd.f32 v18, v59;
	v16 =	vadd.f32 $0.0e+00, v16  }
0x221: {  	v60 =	vunpack.i.u.bf16.f32 v20;
	v20 =	vunpack.i.l.bf16.f32 v20;
	v17 =	vmul.bf16 v57, v17  }
0x222: {  	v61 =	vadd.f32 v20, v60;
	v16 =	vadd.f32 v18, v16  }
0x223: {  	v62 =	vunpack.i.u.bf16.f32 v17;
	v17 =	vunpack.i.l.bf16.f32 v17  }
0x224: {  	v17 =	vadd.f32 v17, v62;
	v16 =	vadd.f32 v61, v16;
	_ =	sdelay $0x1  }
0x225: {  	v16 =	vadd.f32 v17, v16;
	_ =	sdelay $0x1  }
0x226: {  	[tilespmem:$0x1E480] =	vst v16  }
0x227: {  	v16 =	vld [tilespmem:s15+$0x15D00]  }
0x228: {  	v17 =	vld [tilespmem:s15+$0x19D00]  }
0x229: {  	v63 =	vld [tilespmem:s15+$0x15D10]  }
0x22a: {  	v24 =	vld [tilespmem:s15+$0x19D10]  }
0x22b: {  	v25 =	vld [tilespmem:s15+$0x15D20]  }
0x22c: {  	v26 =	vld [tilespmem:s15+$0x19D20]  }
0x22d: {  	v27 =	vld [tilespmem:s15+$0x19D30];
	v16 =	vmul.bf16 v17, v16  }
0x22e: {  	v17 =	vld [tilespmem:s15+$0x15D30]  }
0x22f: {  	v18 =	vmul.bf16 v24, v63;
	v28 =	vunpack.i.u.bf16.f32 v16;
	v16 =	vunpack.i.l.bf16.f32 v16  }
0x230: {  	v16 =	vadd.f32 v16, v28  }
0x231: {  	v20 =	vmul.bf16 v26, v25;
	v29 =	vunpack.i.u.bf16.f32 v18;
	v18 =	vunpack.i.l.bf16.f32 v18  }
0x232: {  	v18 =	vadd.f32 v18, v29;
	v16 =	vadd.f32 $0.0e+00, v16  }
0x233: {  	v30 =	vunpack.i.u.bf16.f32 v20;
	v20 =	vunpack.i.l.bf16.f32 v20;
	v17 =	vmul.bf16 v27, v17  }
0x234: {  	v31 =	vadd.f32 v20, v30;
	v16 =	vadd.f32 v18, v16  }
0x235: {  	v32 =	vunpack.i.u.bf16.f32 v17;
	v17 =	vunpack.i.l.bf16.f32 v17  }
0x236: {  	v17 =	vadd.f32 v17, v32;
	v16 =	vadd.f32 v31, v16;
	_ =	sdelay $0x1  }
0x237: {  	v16 =	vadd.f32 v17, v16;
	_ =	sdelay $0x1  }
0x238: {  	[tilespmem:$0x1E500] =	vst v16  }
0x239: {  	v16 =	vld [tilespmem:s15+$0x15D80]  }
0x23a: {  	v17 =	vld [tilespmem:s15+$0x19D80]  }
0x23b: {  	v33 =	vld [tilespmem:s15+$0x15D90]  }
0x23c: {  	v34 =	vld [tilespmem:s15+$0x19D90]  }
0x23d: {  	v35 =	vld [tilespmem:s15+$0x15DA0]  }
0x23e: {  	v36 =	vld [tilespmem:s15+$0x19DA0]  }
0x23f: {  	v37 =	vld [tilespmem:s15+$0x19DB0];
	v16 =	vmul.bf16 v17, v16  }
0x240: {  	v17 =	vld [tilespmem:s15+$0x15DB0]  }
0x241: {  	v18 =	vmul.bf16 v34, v33;
	v38 =	vunpack.i.u.bf16.f32 v16;
	v16 =	vunpack.i.l.bf16.f32 v16  }
0x242: {  	v16 =	vadd.f32 v16, v38  }
0x243: {  	v20 =	vmul.bf16 v36, v35;
	v39 =	vunpack.i.u.bf16.f32 v18;
	v18 =	vunpack.i.l.bf16.f32 v18  }
0x244: {  	v18 =	vadd.f32 v18, v39;
	v16 =	vadd.f32 $0.0e+00, v16  }
0x245: {  	v40 =	vunpack.i.u.bf16.f32 v20;
	v20 =	vunpack.i.l.bf16.f32 v20;
	v17 =	vmul.bf16 v37, v17  }
0x246: {  	v41 =	vadd.f32 v20, v40;
	v16 =	vadd.f32 v18, v16  }
0x247: {  	v42 =	vunpack.i.u.bf16.f32 v17;
	v17 =	vunpack.i.l.bf16.f32 v17  }
0x248: {  	v17 =	vadd.f32 v17, v42;
	v16 =	vadd.f32 v41, v16;
	_ =	sdelay $0x1  }
0x249: {  	v16 =	vadd.f32 v17, v16;
	_ =	sdelay $0x1  }
0x24a: {  	[tilespmem:$0x1E580] =	vst v16  }
0x24b: {  	v16 =	vld [tilespmem:s15+$0x15E00]  }
0x24c: {  	v17 =	vld [tilespmem:s15+$0x19E00]  }
0x24d: {  	v43 =	vld [tilespmem:s15+$0x15E10]  }
0x24e: {  	v44 =	vld [tilespmem:s15+$0x19E10]  }
0x24f: {  	v45 =	vld [tilespmem:s15+$0x15E20]  }
0x250: {  	v46 =	vld [tilespmem:s15+$0x19E20]  }
0x251: {  	v47 =	vld [tilespmem:s15+$0x19E30];
	v16 =	vmul.bf16 v17, v16  }
0x252: {  	v17 =	vld [tilespmem:s15+$0x15E30]  }
0x253: {  	v18 =	vmul.bf16 v44, v43;
	v48 =	vunpack.i.u.bf16.f32 v16;
	v16 =	vunpack.i.l.bf16.f32 v16  }
0x254: {  	v16 =	vadd.f32 v16, v48  }
0x255: {  	v20 =	vmul.bf16 v46, v45;
	v49 =	vunpack.i.u.bf16.f32 v18;
	v18 =	vunpack.i.l.bf16.f32 v18  }
0x256: {  	v18 =	vadd.f32 v18, v49;
	v16 =	vadd.f32 $0.0e+00, v16  }
0x257: {  	v50 =	vunpack.i.u.bf16.f32 v20;
	v20 =	vunpack.i.l.bf16.f32 v20;
	v17 =	vmul.bf16 v47, v17  }
0x258: {  	v51 =	vadd.f32 v20, v50;
	v16 =	vadd.f32 v18, v16  }
0x259: {  	v52 =	vunpack.i.u.bf16.f32 v17;
	v17 =	vunpack.i.l.bf16.f32 v17  }
0x25a: {  	v17 =	vadd.f32 v17, v52;
	v16 =	vadd.f32 v51, v16;
	_ =	sdelay $0x1  }
0x25b: {  	v16 =	vadd.f32 v17, v16;
	_ =	sdelay $0x1  }
0x25c: {  	[tilespmem:$0x1E600] =	vst v16  }
0x25d: {  	v16 =	vld [tilespmem:s15+$0x15E80]  }
0x25e: {  	v17 =	vld [tilespmem:s15+$0x19E80]  }
0x25f: {  	v53 =	vld [tilespmem:s15+$0x15E90]  }
0x260: {  	v54 =	vld [tilespmem:s15+$0x19E90]  }
0x261: {  	v55 =	vld [tilespmem:s15+$0x15EA0]  }
0x262: {  	v56 =	vld [tilespmem:s15+$0x19EA0]  }
0x263: {  	v57 =	vld [tilespmem:s15+$0x19EB0];
	v16 =	vmul.bf16 v17, v16  }
0x264: {  	v17 =	vld [tilespmem:s15+$0x15EB0]  }
0x265: {  	v18 =	vmul.bf16 v54, v53;
	v58 =	vunpack.i.u.bf16.f32 v16;
	v16 =	vunpack.i.l.bf16.f32 v16  }
0x266: {  	v16 =	vadd.f32 v16, v58  }
0x267: {  	v20 =	vmul.bf16 v56, v55;
	v59 =	vunpack.i.u.bf16.f32 v18;
	v18 =	vunpack.i.l.bf16.f32 v18  }
0x268: {  	v18 =	vadd.f32 v18, v59;
	v16 =	vadd.f32 $0.0e+00, v16  }
0x269: {  	v60 =	vunpack.i.u.bf16.f32 v20;
	v20 =	vunpack.i.l.bf16.f32 v20;
	v17 =	vmul.bf16 v57, v17  }
0x26a: {  	v61 =	vadd.f32 v20, v60;
	v16 =	vadd.f32 v18, v16  }
0x26b: {  	v62 =	vunpack.i.u.bf16.f32 v17;
	v17 =	vunpack.i.l.bf16.f32 v17  }
0x26c: {  	v17 =	vadd.f32 v17, v62;
	v16 =	vadd.f32 v61, v16;
	_ =	sdelay $0x1  }
0x26d: {  	v16 =	vadd.f32 v17, v16;
	_ =	sdelay $0x1  }
0x26e: {  	[tilespmem:$0x1E680] =	vst v16  }
0x26f: {  	v16 =	vld [tilespmem:s15+$0x15F00]  }
0x270: {  	v17 =	vld [tilespmem:s15+$0x19F00]  }
0x271: {  	v63 =	vld [tilespmem:s15+$0x15F10]  }
0x272: {  	v24 =	vld [tilespmem:s15+$0x19F10]  }
0x273: {  	v25 =	vld [tilespmem:s15+$0x15F20]  }
0x274: {  	v26 =	vld [tilespmem:s15+$0x19F20]  }
0x275: {  	v27 =	vld [tilespmem:s15+$0x19F30];
	v16 =	vmul.bf16 v17, v16  }
0x276: {  	v17 =	vld [tilespmem:s15+$0x15F30]  }
0x277: {  	v18 =	vmul.bf16 v24, v63;
	v28 =	vunpack.i.u.bf16.f32 v16;
	v16 =	vunpack.i.l.bf16.f32 v16  }
0x278: {  	v16 =	vadd.f32 v16, v28  }
0x279: {  	v20 =	vmul.bf16 v26, v25;
	v29 =	vunpack.i.u.bf16.f32 v18;
	v18 =	vunpack.i.l.bf16.f32 v18  }
0x27a: {  	v18 =	vadd.f32 v18, v29;
	v16 =	vadd.f32 $0.0e+00, v16  }
0x27b: {  	v30 =	vunpack.i.u.bf16.f32 v20;
	v20 =	vunpack.i.l.bf16.f32 v20;
	v17 =	vmul.bf16 v27, v17  }
0x27c: {  	v31 =	vadd.f32 v20, v30;
	v16 =	vadd.f32 v18, v16  }
0x27d: {  	v32 =	vunpack.i.u.bf16.f32 v17;
	v17 =	vunpack.i.l.bf16.f32 v17  }
0x27e: {  	v17 =	vadd.f32 v17, v32;
	v16 =	vadd.f32 v31, v16;
	_ =	sdelay $0x1  }
0x27f: {  	v16 =	vadd.f32 v17, v16;
	_ =	sdelay $0x1  }
0x280: {  	[tilespmem:$0x1E700] =	vst v16  }
0x281: {  	v16 =	vld [tilespmem:s15+$0x15F80]  }
0x282: {  	v17 =	vld [tilespmem:s15+$0x19F80]  }
0x283: {  	v33 =	vld [tilespmem:s15+$0x15F90]  }
0x284: {  	v34 =	vld [tilespmem:s15+$0x19F90]  }
0x285: {  	v35 =	vld [tilespmem:s15+$0x15FA0]  }
0x286: {  	v36 =	vld [tilespmem:s15+$0x19FA0]  }
0x287: {  	v37 =	vld [tilespmem:s15+$0x19FB0];
	v16 =	vmul.bf16 v17, v16  }
0x288: {  	v17 =	vld [tilespmem:s15+$0x15FB0]  }
0x289: {  	v18 =	vmul.bf16 v34, v33;
	v38 =	vunpack.i.u.bf16.f32 v16;
	v16 =	vunpack.i.l.bf16.f32 v16  }
0x28a: {  	v16 =	vadd.f32 v16, v38  }
0x28b: {  	v20 =	vmul.bf16 v36, v35;
	v39 =	vunpack.i.u.bf16.f32 v18;
	v18 =	vunpack.i.l.bf16.f32 v18  }
0x28c: {  	v18 =	vadd.f32 v18, v39;
	v16 =	vadd.f32 $0.0e+00, v16  }
0x28d: {  	v40 =	vunpack.i.u.bf16.f32 v20;
	v20 =	vunpack.i.l.bf16.f32 v20;
	v17 =	vmul.bf16 v37, v17  }
0x28e: {  	v41 =	vadd.f32 v20, v40;
	v16 =	vadd.f32 v18, v16  }
0x28f: {  	v42 =	vunpack.i.u.bf16.f32 v17;
	v17 =	vunpack.i.l.bf16.f32 v17  }
0x290: {  	v17 =	vadd.f32 v17, v42;
	v16 =	vadd.f32 v41, v16;
	_ =	sdelay $0x1  }
0x291: {  	v16 =	vadd.f32 v17, v16;
	_ =	sdelay $0x1  }
0x292: {  	[tilespmem:$0x1E780] =	vst v16  }
0x293: {  	v16 =	vld [tilespmem:s15+$0x16000]  }
0x294: {  	v17 =	vld [tilespmem:s15+$0x1A000]  }
0x295: {  	v43 =	vld [tilespmem:s15+$0x16010]  }
0x296: {  	v44 =	vld [tilespmem:s15+$0x1A010]  }
0x297: {  	v45 =	vld [tilespmem:s15+$0x16020]  }
0x298: {  	v46 =	vld [tilespmem:s15+$0x1A020]  }
0x299: {  	v47 =	vld [tilespmem:s15+$0x1A030];
	v16 =	vmul.bf16 v17, v16  }
0x29a: {  	v17 =	vld [tilespmem:s15+$0x16030]  }
0x29b: {  	v18 =	vmul.bf16 v44, v43;
	v48 =	vunpack.i.u.bf16.f32 v16;
	v16 =	vunpack.i.l.bf16.f32 v16  }
0x29c: {  	v16 =	vadd.f32 v16, v48  }
0x29d: {  	v20 =	vmul.bf16 v46, v45;
	v49 =	vunpack.i.u.bf16.f32 v18;
	v18 =	vunpack.i.l.bf16.f32 v18  }
0x29e: {  	v18 =	vadd.f32 v18, v49;
	v16 =	vadd.f32 $0.0e+00, v16  }
0x29f: {  	v50 =	vunpack.i.u.bf16.f32 v20;
	v20 =	vunpack.i.l.bf16.f32 v20;
	v17 =	vmul.bf16 v47, v17  }
0x2a0: {  	v51 =	vadd.f32 v20, v50;
	v16 =	vadd.f32 v18, v16  }
0x2a1: {  	v52 =	vunpack.i.u.bf16.f32 v17;
	v17 =	vunpack.i.l.bf16.f32 v17  }
0x2a2: {  	v17 =	vadd.f32 v17, v52;
	v16 =	vadd.f32 v51, v16;
	_ =	sdelay $0x1  }
0x2a3: {  	v16 =	vadd.f32 v17, v16;
	_ =	sdelay $0x1  }
0x2a4: {  	[tilespmem:$0x1E800] =	vst v16  }
0x2a5: {  	v16 =	vld [tilespmem:s15+$0x16080]  }
0x2a6: {  	v17 =	vld [tilespmem:s15+$0x1A080]  }
0x2a7: {  	v53 =	vld [tilespmem:s15+$0x16090]  }
0x2a8: {  	v54 =	vld [tilespmem:s15+$0x1A090]  }
0x2a9: {  	v55 =	vld [tilespmem:s15+$0x160A0]  }
0x2aa: {  	v56 =	vld [tilespmem:s15+$0x1A0A0]  }
0x2ab: {  	v57 =	vld [tilespmem:s15+$0x1A0B0];
	v16 =	vmul.bf16 v17, v16  }
0x2ac: {  	v17 =	vld [tilespmem:s15+$0x160B0]  }
0x2ad: {  	v18 =	vmul.bf16 v54, v53;
	v58 =	vunpack.i.u.bf16.f32 v16;
	v16 =	vunpack.i.l.bf16.f32 v16  }
0x2ae: {  	v16 =	vadd.f32 v16, v58  }
0x2af: {  	v20 =	vmul.bf16 v56, v55;
	v59 =	vunpack.i.u.bf16.f32 v18;
	v18 =	vunpack.i.l.bf16.f32 v18  }
0x2b0: {  	v18 =	vadd.f32 v18, v59;
	v16 =	vadd.f32 $0.0e+00, v16  }
0x2b1: {  	v60 =	vunpack.i.u.bf16.f32 v20;
	v20 =	vunpack.i.l.bf16.f32 v20;
	v17 =	vmul.bf16 v57, v17  }
0x2b2: {  	v61 =	vadd.f32 v20, v60;
	v16 =	vadd.f32 v18, v16  }
0x2b3: {  	v62 =	vunpack.i.u.bf16.f32 v17;
	v17 =	vunpack.i.l.bf16.f32 v17  }
0x2b4: {  	v17 =	vadd.f32 v17, v62;
	v16 =	vadd.f32 v61, v16;
	_ =	sdelay $0x1  }
0x2b5: {  	v16 =	vadd.f32 v17, v16;
	_ =	sdelay $0x1  }
0x2b6: {  	[tilespmem:$0x1E880] =	vst v16  }
0x2b7: {  	v16 =	vld [tilespmem:s15+$0x16100]  }
0x2b8: {  	v17 =	vld [tilespmem:s15+$0x1A100]  }
0x2b9: {  	v63 =	vld [tilespmem:s15+$0x16110]  }
0x2ba: {  	v24 =	vld [tilespmem:s15+$0x1A110]  }
0x2bb: {  	v25 =	vld [tilespmem:s15+$0x16120]  }
0x2bc: {  	v26 =	vld [tilespmem:s15+$0x1A120]  }
0x2bd: {  	v27 =	vld [tilespmem:s15+$0x1A130];
	v16 =	vmul.bf16 v17, v16  }
0x2be: {  	v17 =	vld [tilespmem:s15+$0x16130]  }
0x2bf: {  	v18 =	vmul.bf16 v24, v63;
	v28 =	vunpack.i.u.bf16.f32 v16;
	v16 =	vunpack.i.l.bf16.f32 v16  }
0x2c0: {  	v16 =	vadd.f32 v16, v28  }
0x2c1: {  	v20 =	vmul.bf16 v26, v25;
	v29 =	vunpack.i.u.bf16.f32 v18;
	v18 =	vunpack.i.l.bf16.f32 v18  }
0x2c2: {  	v18 =	vadd.f32 v18, v29;
	v16 =	vadd.f32 $0.0e+00, v16  }
0x2c3: {  	v30 =	vunpack.i.u.bf16.f32 v20;
	v20 =	vunpack.i.l.bf16.f32 v20;
	v17 =	vmul.bf16 v27, v17  }
0x2c4: {  	v31 =	vadd.f32 v20, v30;
	v16 =	vadd.f32 v18, v16  }
0x2c5: {  	v32 =	vunpack.i.u.bf16.f32 v17;
	v17 =	vunpack.i.l.bf16.f32 v17  }
0x2c6: {  	v17 =	vadd.f32 v17, v32;
	v16 =	vadd.f32 v31, v16;
	_ =	sdelay $0x1  }
0x2c7: {  	v16 =	vadd.f32 v17, v16;
	_ =	sdelay $0x1  }
0x2c8: {  	[tilespmem:$0x1E900] =	vst v16  }
0x2c9: {  	v16 =	vld [tilespmem:s15+$0x16180]  }
0x2ca: {  	v17 =	vld [tilespmem:s15+$0x1A180]  }
0x2cb: {  	v33 =	vld [tilespmem:s15+$0x16190]  }
0x2cc: {  	v34 =	vld [tilespmem:s15+$0x1A190]  }
0x2cd: {  	v35 =	vld [tilespmem:s15+$0x161A0]  }
0x2ce: {  	v36 =	vld [tilespmem:s15+$0x1A1A0]  }
0x2cf: {  	v37 =	vld [tilespmem:s15+$0x1A1B0];
	v16 =	vmul.bf16 v17, v16  }
0x2d0: {  	v17 =	vld [tilespmem:s15+$0x161B0]  }
0x2d1: {  	v18 =	vmul.bf16 v34, v33;
	v38 =	vunpack.i.u.bf16.f32 v16;
	v16 =	vunpack.i.l.bf16.f32 v16  }
0x2d2: {  	v16 =	vadd.f32 v16, v38  }
0x2d3: {  	v20 =	vmul.bf16 v36, v35;
	v39 =	vunpack.i.u.bf16.f32 v18;
	v18 =	vunpack.i.l.bf16.f32 v18  }
0x2d4: {  	v18 =	vadd.f32 v18, v39;
	v16 =	vadd.f32 $0.0e+00, v16  }
0x2d5: {  	v40 =	vunpack.i.u.bf16.f32 v20;
	v20 =	vunpack.i.l.bf16.f32 v20;
	v17 =	vmul.bf16 v37, v17  }
0x2d6: {  	v41 =	vadd.f32 v20, v40;
	v16 =	vadd.f32 v18, v16  }
0x2d7: {  	v42 =	vunpack.i.u.bf16.f32 v17;
	v17 =	vunpack.i.l.bf16.f32 v17  }
0x2d8: {  	v17 =	vadd.f32 v17, v42;
	v16 =	vadd.f32 v41, v16;
	_ =	sdelay $0x1  }
0x2d9: {  	v16 =	vadd.f32 v17, v16;
	_ =	sdelay $0x1  }
0x2da: {  	[tilespmem:$0x1E980] =	vst v16  }
0x2db: {  	v16 =	vld [tilespmem:s15+$0x16200]  }
0x2dc: {  	v17 =	vld [tilespmem:s15+$0x1A200]  }
0x2dd: {  	v43 =	vld [tilespmem:s15+$0x16210]  }
0x2de: {  	v44 =	vld [tilespmem:s15+$0x1A210]  }
0x2df: {  	v45 =	vld [tilespmem:s15+$0x16220]  }
0x2e0: {  	v46 =	vld [tilespmem:s15+$0x1A220]  }
0x2e1: {  	v47 =	vld [tilespmem:s15+$0x1A230];
	v16 =	vmul.bf16 v17, v16  }
0x2e2: {  	v17 =	vld [tilespmem:s15+$0x16230]  }
0x2e3: {  	v18 =	vmul.bf16 v44, v43;
	v48 =	vunpack.i.u.bf16.f32 v16;
	v16 =	vunpack.i.l.bf16.f32 v16  }
0x2e4: {  	v16 =	vadd.f32 v16, v48  }
0x2e5: {  	v49 =	vmul.bf16 v46, v45;
	v50 =	vunpack.i.u.bf16.f32 v18;
	v18 =	vunpack.i.l.bf16.f32 v18  }
0x2e6: {  	v18 =	vadd.f32 v18, v50;
	v16 =	vadd.f32 $0.0e+00, v16  }
0x2e7: {  	v51 =	vunpack.i.u.bf16.f32 v49;
	v19 =	vunpack.i.l.bf16.f32 v49;
	v17 =	vmul.bf16 v47, v17  }
0x2e8: {  	v52 =	vadd.f32 v19, v51;
	v16 =	vadd.f32 v18, v16  }
0x2e9: {  	v53 =	vunpack.i.u.bf16.f32 v17;
	v17 =	vunpack.i.l.bf16.f32 v17  }
0x2ea: {  	v17 =	vadd.f32 v17, v53;
	v16 =	vadd.f32 v52, v16;
	_ =	sdelay $0x1  }
0x2eb: {  	v16 =	vadd.f32 v17, v16;
	_ =	sdelay $0x1  }
0x2ec: {  	[tilespmem:$0x1EA00] =	vst v16  }
0x2ed: {  	v16 =	vld.idx.msk [tilespmem:v0+s30+$0x0], $0xffff;
	_ =	sdelay $0x1  }
0x2ee: {  	v17 =	vld.idx.msk [tilespmem:v1+s30+$0x0], $0xffff;
	_ =	sdelay $0x1  }
0x2ef: {  	v54 =	vld.idx.msk [tilespmem:v2+s30+$0x0], $0xffff  }
0x2f0: {  	v16 =	vadd.f32 $0.0e+00, v16  }
0x2f1: {  	v55 =	vld.idx.msk [tilespmem:v3+s30+$0x0], $0xffff  }
0x2f2: {  	v16 =	vadd.f32 v17, v16  }
0x2f3: {  	v17 =	vld.idx.msk [tilespmem:v4+s30+$0x0], $0xffff  }
0x2f4: {  	v16 =	vadd.f32 v54, v16  }
0x2f5: {  	v56 =	vld.idx.msk [tilespmem:v5+s30+$0x0], $0xffff  }
0x2f6: {  	v16 =	vadd.f32 v55, v16  }
0x2f7: {  	v57 =	vld.idx.msk [tilespmem:v6+s30+$0x0], $0xffff  }
0x2f8: {  	v16 =	vadd.f32 v17, v16  }
0x2f9: {  	v17 =	vld.idx.msk [tilespmem:v7+s30+$0x0], $0xffff  }
0x2fa: {  	v16 =	vadd.f32 v56, v16  }
0x2fb: {  	v58 =	vld.idx.msk [tilespmem:v8+s30+$0x0], $0xffff  }
0x2fc: {  	v16 =	vadd.f32 v57, v16  }
0x2fd: {  	v59 =	vld.idx.msk [tilespmem:v9+s30+$0x0], $0xffff  }
0x2fe: {  	v16 =	vadd.f32 v17, v16  }
0x2ff: {  	v17 =	vld.idx.msk [tilespmem:v10+s30+$0x0], $0xffff  }
0x300: {  	v16 =	vadd.f32 v58, v16  }
0x301: {  	v60 =	vld.idx.msk [tilespmem:v11+s30+$0x0], $0xffff  }
0x302: {  	v16 =	vadd.f32 v59, v16  }
0x303: {  	v61 =	vld.idx.msk [tilespmem:v12+s30+$0x0], $0xffff  }
0x304: {  	v16 =	vadd.f32 v17, v16  }
0x305: {  	v17 =	vld.idx.msk [tilespmem:v13+s30+$0x0], $0xffff  }
0x306: {  	v16 =	vadd.f32 v60, v16  }
0x307: {  	v62 =	vld.idx.msk [tilespmem:v14+s30+$0x0], $0xffff  }
0x308: {  	v16 =	vadd.f32 v61, v16  }
0x309: {  	v63 =	vld.idx.msk [tilespmem:v15+s30+$0x0], $0xffff  }
0x30a: {  	v16 =	vadd.f32 v17, v16  }
0x30b: {  	p1 =	sne.s32 s6, $0x6000  }
.Ltmp1:
0x30c: {  	v16 =	vadd.f32 v62, v16;
	(pc) =	sbr.rel @p1 .LBB2_5-.Ltmp1, $3  }
0x30d: {  	_ = 	snop  }
0x30e: {  	v16 =	vadd.f32 v63, v16;
	_ =	sdelay $0x1  }
0x30f: {  	s6 =	sadd.s32 $0x2000, s6;
	[tilespmem:s25+$0x0] =	vst v16;
	s25 =	sadd.s32 $0x10, s25  }
0x310: {  	s6 =	sadd.s32 $0x2, s4  }
0x311: {  	s15 =	smulhi.u32 $0xCCCCCCCD, s6;
	_ =	sdelay $0x1  }
0x312: {  	s15 =	sshrl.u32 s15, $0x6  }
0x313: {  	s15 =	smul.u32 $0x50, s15;
	_ =	sdelay $0x1  }
0x314: {  	s6 =	ssub.s32 s6, s15  }
0x315: {  	s6 =	sadd.s32 s9, s6  }
0x316: {  	p1 =	sne.s32 s5, $0x0;
	s5 =	sshll.u32 s6, $0x5  }
0x317: {  	s25 =	simm.s32 @p1 $0x13980;
	s6 =	sand.u32 @p1 $0x1FFFFFE0, s5  }
0x318: {  	s15 =	simm.s32 @p1 $0x0;
	s5 =	sand.u32 @!p1 $0x1FFFFFC0, s5;
	s6 =	sadd.s32 @p1 s0, s6  }
0x319: {  	[tilespmem:s25], [sflag:$0x2] =	stream.linear.gather @p1 [hbm4b:s6+s15], $0x100, $0x38;
	[tilespmem:$0x1EA80] =	vst v63  }
0x31a: {  	s5 =	sadd.s32 @!p1 s0, s5;
	s6 =	simm.s32 @!p1 $0x0;
	s15 =	simm.s32 @!p1 $0x13880  }
0x31b: {  	[tilespmem:s15], [sflag:$0x1] =	stream.linear.gather @!p1 [hbm4b:s5+s6], $0x100, $0x38;
	[tilespmem:$0x1EA80] =	vst v63  }
0x31c: {  	s4 =	sadd.s32 $0x1, s4;
	s5 =	simm.s32 @!p1 $0x139C0;
	s6 =	simm.s32 @!p1 $0x13A40  }
0x31d: {  	s5 =	simm.s32 @p1 $0x138C0;
	s6 =	simm.s32 @p1 $0x13940;
	p1 =	sne.s32 s4, $0x50  }
.Ltmp2:
0x31e: {  	_ = 	snop;
	(pc) =	sbr.rel @p1 .LBB2_2-.Ltmp2, $4  }
0x31f: {  	_ = 	snop  }
0x320: {  	[tilespmem:s22], [sflag:$0x4] =	stream.indirect.gather [spmem:s2], $0x80, s5, s17, $0xb8;
	[tilespmem:$0x1EA80] =	vst v63  }
0x321: {  	s8 =	sadd.s32 $0x80, s8;
	s23 =	sadd.s32 $0x80, s23  }
0x322: {  	[tilespmem:s24], [sflag:$0x6] =	stream.indirect.gather [spmem:s2], $0x80, s6, s17, $0xb8;
	[tilespmem:$0x1EA80] =	vst v63  }
0x323: {  	_ =	swait.ge [sflag:s28], $0x2000  }
0x324: {  	[sflag:s28] =	ssyncset.done $0x0  }
0x325: {  	[sflag:s28] =	ssyncadd.s32 $0xFFFFE000  }
0x326: {  	_ =	swait.ge [sflag:s29], $0x2000  }
0x327: {  	[sflag:s29] =	ssyncset.done $0x0  }
0x328: {  	[sflag:s29] =	ssyncadd.s32 $0xFFFFE000  }
0x329: {  	_ =	swait.ge [sflag:s31], $0x2000  }
0x32a: {  	[sflag:s31] =	ssyncset.done $0x0  }
0x32b: {  	[sflag:s31] =	ssyncadd.s32 $0xFFFFE000  }
0x32c: {  	_ =	swait.ge [sflag:s1], $0x2000  }
0x32d: {  	[sflag:s1] =	ssyncset.done $0x0  }
0x32e: {  	[sflag:s1] =	ssyncadd.s32 $0xFFFFE000  }
0x32f: {  	s21 =	sadd.s32 $0x1, s21;
	_ =	swait.ge [sflag:s26], $0x100  }
0x330: {  	p1 =	sne.s32 s21, s11;
	[sflag:s26] =	ssyncset.done $0x0  }
.Ltmp3:
0x331: {  	s4 =	simm.s32 $0x1BA80;
	[sflag:s26] =	ssyncadd.s32 $0xFFFFFF00;
	(pc) =	sbr.rel @p1 .LBB2_1-.Ltmp3, $4  }
0x332: {  	[hbm4b:s10+s3] =	stream.linear.scatter [tilespmem:s4], [sflag:$0x7], $0x2800, $0x38;
	[tilespmem:$0x1EA80] =	vst v63  }
0x333: {  	_ =	swait.ge [sflag:s19], $0x2800  }
0x334: {  	[sflag:s19] =	ssyncset.done $0x0  }
0x335: {  	[sflag:s19] =	ssyncadd.s32 $0xFFFFD800  }
0x336: {  	_ =	sfence.sel $0x180000  }
0x337: {  	[bflag:$0x0] =	sbarrier.arrive $0xFFFF  }
0x338: {  	_ =	strace $0x90000047  }
0x339: {  	s0 =	stileid.u32;
	[bflag:$0x2] =	sbarrier.arrive $0xFFFF  }
0x33a: {  	p0 =	sne.s32 s0, $0x0;
	s0 =	rddreg [dreg:$0x4]  }
0x33b: {  	s0 =	sadd.s32 @!p0 $0x100000, s0  }
0x33c: {  	[sflag:s0] =	ssyncadd.tile.s32 @!p0 $0x1;
	_ =	shalt  }
.Lfunc_end2:
_tile_overlayer_lowered:
.L_overlay_start_2:
0x33d: {  	(tag) =	ssettag $0x2  }
0x33e: {  	s0 =	rddreg [dreg:$0x0];
	s2 =	stileid.u32  }
0x33f: {  	s1 =	rddreg [dreg:$0x1];
	p0 =	sne.s32 s2, $0x0  }
0x340: {  	s3 =	rddreg [dreg:$0x2];
	[bflag:$0x3] =	sbarrier.arrive $0xFFFF;
	s2 =	simm.s32 @!p0 $0x1C07  }
0x341: {  	[timem:s3], [sflag:s2] =	dma.local @!p0 [hbm:s0], s1  }
0x342: {  	s0 =	simm.s32 @!p0 $0x7  }
0x343: {  	_ =	swait.ge @!p0 [sflag:s0], s1  }
0x344: {  	s1 =	ssub.s32 @!p0 $0x0, s1;
	[sflag:s0] =	ssyncset.done @!p0 $0x0  }
0x345: {  	[sflag:s0] =	ssyncadd.s32 @!p0 s1  }
0x346: {  	[bflag:$0x3] =	sbarrier.arrive $0xFFFF  }
0x347: {  	_ =	shalt  }

</sc_bundles>
